<compile_context>
chip_gen: v7x
topology: tpu7x:2x2x1
jax: 0.10.2.dev20260603
libtpu: 0.0.44.dev20260713+nightly
codegen_flags: <defaults>
</compile_context>

<pallas_src>
import functools

import jax
import jax.numpy as jnp
from jax import lax
from jax.experimental import pallas as pl
from jax.experimental.pallas import tpu as pltpu
from jax.experimental.pallas import tpu_sc as plsc

NC = 2
NS = 16
NW = NC * NS
L = 16

N = 2_000_000
K = 1024

C0 = (N // NW) // L * L
TAIL = N - NW * C0
CT = C0 + TAIL

CH = 8192
_starts = list(range(0, CT, CH))
CHUNKS = [(o, min(CH, CT - o)) for o in _starts]
NCH = len(CHUNKS)
CHG = 16384
_gstarts = list(range(0, CT, CHG))
GCHUNKS = [(o, min(CHG, CT - o)) for o in _gstarts]
NCHG = len(GCHUNKS)
GWCHUNKS = [(o, min(CHG, C0 - o)) for o in _gstarts if o < C0]

UNROLL = 8

_mesh = plsc.VectorSubcoreMesh(core_axis_name="c", subcore_axis_name="s")
_sc_params = pltpu.CompilerParams(needs_layout_passes=False)


def _flags_call(labels):
    @functools.partial(
        pl.kernel,
        mesh=_mesh,
        out_type=jax.ShapeDtypeStruct((NW, K), jnp.int32),
        compiler_params=_sc_params,
        scratch_types=[
            pltpu.VMEM((CT,), jnp.int32),
            pltpu.VMEM((K,), jnp.int32),
            pltpu.VMEM((K,), jnp.int32),
            pltpu.VMEM((K,), jnp.int32),
            pltpu.VMEM((K,), jnp.int32),
        ]
        + [pltpu.SemaphoreType.DMA] * NCH,
    )
    def k(labels_hbm, flags_hbm, lab_v, flg_v, flg_w, flg_x, flg_y, *sems):
        c = lax.axis_index("c")
        s = lax.axis_index("s")
        wid = s * NC + c
        base = wid * C0

        def in_copy(j):
            off, sz = CHUNKS[j]
            return pltpu.make_async_copy(
                labels_hbm.at[pl.ds(base + off, sz)],
                lab_v.at[pl.ds(off, sz)],
                sems[j],
            )

        for j in range(NCH):
            in_copy(j).start()

        zeros = jnp.zeros((L,), jnp.int32)
        for i in range(K // L):
            flg_v[pl.ds(i * L, L)] = zeros
            flg_w[pl.ds(i * L, L)] = zeros
            flg_x[pl.ds(i * L, L)] = zeros
            flg_y[pl.ds(i * L, L)] = zeros

        ones = jnp.ones((L,), jnp.int32)
        for j in range(NCH):
            off, sz = CHUNKS[j]
            in_copy(j).wait()

            def quad(i, carry, off=off):
                lv0 = lab_v[pl.ds(off + i * 4 * L, L)]
                lv1 = lab_v[pl.ds(off + i * 4 * L + L, L)]
                lv2 = lab_v[pl.ds(off + i * 4 * L + 2 * L, L)]
                lv3 = lab_v[pl.ds(off + i * 4 * L + 3 * L, L)]
                plsc.store_scatter(flg_v, [lv0 - 1], ones)
                plsc.store_scatter(flg_w, [lv1 - 1], ones)
                plsc.store_scatter(flg_x, [lv2 - 1], ones)
                plsc.store_scatter(flg_y, [lv3 - 1], ones)
                return carry

            nq = sz // (4 * L)
            lax.fori_loop(0, nq, quad, 0, unroll=2)
            for r in range(nq * 4 * L, sz, 2 * L):
                lv0 = lab_v[pl.ds(off + r, L)]
                lv1 = lab_v[pl.ds(off + r + L, L)]
                plsc.store_scatter(flg_v, [lv0 - 1], ones)
                plsc.store_scatter(flg_w, [lv1 - 1], ones)

        for i in range(K // L):
            flg_v[pl.ds(i * L, L)] = (
                flg_v[pl.ds(i * L, L)] + flg_w[pl.ds(i * L, L)]
            ) + (flg_x[pl.ds(i * L, L)] + flg_y[pl.ds(i * L, L)])

        pltpu.sync_copy(flg_v, flags_hbm.at[wid])

    return k(labels)


def _rank_body(flags_ref, peak_row_ref, peak_col_ref, out_ref):
    occ_row = (jnp.sum(flags_ref[...], axis=0, keepdims=True) > 0).astype(
        jnp.float32
    )
    kidx_row = lax.broadcasted_iota(jnp.int32, (1, K), 1)
    kmax = jnp.max(jnp.where(occ_row > 0, kidx_row + 1, 0))

    ii = lax.broadcasted_iota(jnp.int32, (K, K), 0)
    jj = lax.broadcasted_iota(jnp.int32, (K, K), 1)
    iden = (ii == jj).astype(jnp.float32)
    occ_col = lax.dot_general(
        iden,
        occ_row,
        (((1,), (1,)), ((), ())),
        preferred_element_type=jnp.float32,
    )

    inf = jnp.float32(jnp.inf)
    aa_row = jnp.where(
        jnp.logical_and(occ_row == 0.0, kidx_row < kmax), inf, peak_row_ref[...]
    )
    kidx_col = lax.broadcasted_iota(jnp.int32, (K, 1), 0)
    aa_col = jnp.where(
        jnp.logical_and(occ_col == 0.0, kidx_col < kmax), inf, peak_col_ref[...]
    )

    before = jnp.logical_or(
        aa_row < aa_col, jnp.logical_and(aa_row == aa_col, jj < ii)
    )
    rank = jnp.sum(before.astype(jnp.int32), axis=1, keepdims=True)
    out_ref[...] = jnp.broadcast_to(rank + 1, (K, L))


def _rank_call(flags, peak):
    return pl.pallas_call(
        _rank_body,
        out_shape=jax.ShapeDtypeStruct((K, L), jnp.int32),
    )(flags, peak.reshape(1, K), peak.reshape(K, 1))


def _gather_call(labels, mapping):
    @functools.partial(
        pl.kernel,
        mesh=_mesh,
        out_type=jax.ShapeDtypeStruct((N,), jnp.int32),
        compiler_params=_sc_params,
        scratch_types=[
            pltpu.VMEM((CT,), jnp.int32),
            pltpu.VMEM((K * L,), jnp.int32),
        ]
        + [pltpu.SemaphoreType.DMA] * (2 * NCHG + 1),
    )
    def k(labels_hbm, map_hbm, out_hbm, lab_v, tabr_v, *sems):
        c = lax.axis_index("c")
        s = lax.axis_index("s")
        wid = s * NC + c
        base = wid * C0
        sems_in = sems[:NCHG]
        sems_out = sems[NCHG : 2 * NCHG]
        sem_tail = sems[2 * NCHG]

        def in_copy(j):
            off, sz = GCHUNKS[j]
            return pltpu.make_async_copy(
                labels_hbm.at[pl.ds(base + off, sz)],
                lab_v.at[pl.ds(off, sz)],
                sems_in[j],
            )

        def out_copy(j):
            off, sz = GWCHUNKS[j]
            return pltpu.make_async_copy(
                lab_v.at[pl.ds(off, sz)],
                out_hbm.at[pl.ds(base + off, sz)],
                sems_out[j],
            )

        def tail_copy():
            return pltpu.make_async_copy(
                lab_v.at[pl.ds(C0, TAIL)],
                out_hbm.at[pl.ds(base + C0, TAIL)],
                sem_tail,
            )

        for j in range(NCHG):
            in_copy(j).start()
        pltpu.sync_copy(map_hbm, tabr_v)

        lane_off = lax.broadcasted_iota(jnp.int32, (L,), 0) - L

        for j in range(NCHG):
            off, sz = GCHUNKS[j]
            in_copy(j).wait()

            def body(i, carry, off=off):
                lv = lab_v[pl.ds(off + i * L, L)]
                idx = jnp.left_shift(lv, 4) + lane_off
                lab_v[pl.ds(off + i * L, L)] = plsc.load_gather(
                    tabr_v, [idx]
                )
                return carry

            lax.fori_loop(0, sz // L, body, 0, unroll=UNROLL)
            out_copy(j).start()

        @pl.when(wid == NW - 1)
        def _():
            tail_copy().start()
            tail_copy().wait()

        for j in range(NCHG):
            out_copy(j).wait()

    return k(labels, mapping)


def kernel(labels, peak_channel_indices):
    flags = _flags_call(labels)
    mapping = _rank_call(flags, peak_channel_indices)
    return _gather_call(labels, mapping.reshape(K * L))

# --- scband reference (transcript-rebuilt; emitter-appended) ---
"""Pipeline reference for scband-reorder-units-48198122996097 (READ-ONLY COPY).

The authoritative reference and input builder live on the scoring server;
editing this copy changes nothing except your own understanding.
"""

import jax, jax.numpy as jnp
import numpy as np

N = 2_000_000
K = 1024

def setup_inputs(seed: int = 0) -> dict:
    key = jax.random.key(seed)
    k1, k2 = jax.random.split(key)
    # labels in [1, K] (module semantics assume 1-indexed cluster labels)
    labels = jax.random.randint(k1, (N,), 1, K + 1, dtype=jnp.int32)
    # peak channel index per unit (float surrogate in [0, 384))
    peak_channel_indices = jax.random.uniform(k2, (K,), minval=0.0, maxval=384.0, dtype=jnp.float32)
    return {"labels": labels, "peak_channel_indices": peak_channel_indices}

def reference(labels, peak_channel_indices):
    # K = max label (0 -> passthrough)
    if labels.shape[0] == 0:
        return labels
    Kmax = jnp.max(labels)
    aa = peak_channel_indices.astype(jnp.float32)
    Kstat = peak_channel_indices.shape[0]
    # vectorized version of the per-k empty-cluster check:
    # aa[k-1] = inf if no spikes carry label k
    counts = jnp.bincount(labels, length=Kstat + 1)[1:Kstat + 1]
    in_range = jnp.arange(Kstat) < Kmax
    aa = jnp.where(in_range, jnp.where(counts == 0, jnp.inf, aa), aa)
    # rank of each unit by peak channel (stable double-argsort), 1-indexed
    new_labels_mapping = jnp.argsort(jnp.argsort(aa, stable=True), stable=True) + 1
    new_labels = new_labels_mapping[labels - 1]
    return jnp.where(Kmax == 0, labels, new_labels)

if __name__ == "__main__":
    import jax
    _d = setup_inputs()
    print(jax.jit(kernel)(*tuple(_d.values())))

</pallas_src>

<mosaic_0001>
#map = affine_map<(d0, d1) -> (0)>
#map1 = affine_map<(d0, d1) -> (0, 0)>
module attributes {stable_mosaic.version = 14 : i64} {
  func.func @k(%arg0: i32, %arg1: i32, %arg2: memref<2000000xi32, #tpu.memory_space<hbm>>, %arg3: memref<32x1024xi32, #tpu.memory_space<hbm>>, %arg4: memref<62624xi32, #tpu.memory_space<vmem>>, %arg5: memref<1024xi32, #tpu.memory_space<vmem>>, %arg6: memref<1024xi32, #tpu.memory_space<vmem>>, %arg7: memref<1024xi32, #tpu.memory_space<vmem>>, %arg8: memref<1024xi32, #tpu.memory_space<vmem>>, %arg9: memref<!tpu.dma_semaphore, #tpu.memory_space<semaphore_mem>>, %arg10: memref<!tpu.dma_semaphore, #tpu.memory_space<semaphore_mem>>, %arg11: memref<!tpu.dma_semaphore, #tpu.memory_space<semaphore_mem>>, %arg12: memref<!tpu.dma_semaphore, #tpu.memory_space<semaphore_mem>>, %arg13: memref<!tpu.dma_semaphore, #tpu.memory_space<semaphore_mem>>, %arg14: memref<!tpu.dma_semaphore, #tpu.memory_space<semaphore_mem>>, %arg15: memref<!tpu.dma_semaphore, #tpu.memory_space<semaphore_mem>>, %arg16: memref<!tpu.dma_semaphore, #tpu.memory_space<semaphore_mem>>) attributes {dimension_semantics = [#tpu.dimension_semantics<core_parallel>, #tpu.dimension_semantics<subcore_parallel>], iteration_bounds = array<i64: 2, 16>, scalar_prefetch = 0 : i64, scratch_operands = 13 : i64, tpu.core_type = #tpu.core_type<sc_vector_subcore>, window_params = [{transform_indices = #map}, {transform_indices = #map1}]} {
    %mul3A = arith.constant 2 : i32
    %mul3A_0 = arith.muli %arg1, %mul3A : i32
    %add3A = arith.addi %mul3A_0, %arg0 : i32
    %mul3A_1 = arith.constant 62496 : i32
    %mul3A_2 = arith.muli %add3A, %mul3A_1 : i32
    %add3A_3 = arith.constant 0 : i32
    %add3A_4 = arith.addi %mul3A_2, %add3A_3 : i32
    %dma_start3A = arith.constant 0 : i32
    %dma_start3A_5 = tpu.memref_slice %arg4[%dma_start3A] : memref<62624xi32, #tpu.memory_space<vmem>> -> memref<8192xi32, #tpu.memory_space<vmem>>
    %dma_start3A_6 = tpu.memref_slice %arg2[%add3A_4] : memref<2000000xi32, #tpu.memory_space<hbm>> -> memref<8192xi32, #tpu.memory_space<hbm>>
    %dma_start3A_7 = arith.constant 0 : i32
    %dma_start3A_8 = tpu.memref_slice %arg4[%dma_start3A_7] : memref<62624xi32, #tpu.memory_space<vmem>> -> memref<8192xi32, #tpu.memory_space<vmem>>
    %dma_start3A_9 = tpu.memref_slice %arg2[%add3A_4] : memref<2000000xi32, #tpu.memory_space<hbm>> -> memref<8192xi32, #tpu.memory_space<hbm>>
    tpu.enqueue_dma source(%dma_start3A_9 : memref<8192xi32, #tpu.memory_space<hbm>>) target(%dma_start3A_8 : memref<8192xi32, #tpu.memory_space<vmem>>) target_semaphore(%arg9 : memref<!tpu.dma_semaphore, #tpu.memory_space<semaphore_mem>>)
    %add3A_10 = arith.constant 8192 : i32
    %add3A_11 = arith.addi %mul3A_2, %add3A_10 : i32
    %dma_start3A_12 = arith.constant 8192 : i32
    %dma_start3A_13 = tpu.memref_slice %arg4[%dma_start3A_12] : memref<62624xi32, #tpu.memory_space<vmem>> -> memref<8192xi32, #tpu.memory_space<vmem>>
    %dma_start3A_14 = tpu.memref_slice %arg2[%add3A_11] : memref<2000000xi32, #tpu.memory_space<hbm>> -> memref<8192xi32, #tpu.memory_space<hbm>>
    %dma_start3A_15 = arith.constant 8192 : i32
    %dma_start3A_16 = tpu.memref_slice %arg4[%dma_start3A_15] : memref<62624xi32, #tpu.memory_space<vmem>> -> memref<8192xi32, #tpu.memory_space<vmem>>
    %dma_start3A_17 = tpu.memref_slice %arg2[%add3A_11] : memref<2000000xi32, #tpu.memory_space<hbm>> -> memref<8192xi32, #tpu.memory_space<hbm>>
    tpu.enqueue_dma source(%dma_start3A_17 : memref<8192xi32, #tpu.memory_space<hbm>>) target(%dma_start3A_16 : memref<8192xi32, #tpu.memory_space<vmem>>) target_semaphore(%arg10 : memref<!tpu.dma_semaphore, #tpu.memory_space<semaphore_mem>>)
    %add3A_18 = arith.constant 16384 : i32
    %add3A_19 = arith.addi %mul3A_2, %add3A_18 : i32
    %dma_start3A_20 = arith.constant 16384 : i32
    %dma_start3A_21 = tpu.memref_slice %arg4[%dma_start3A_20] : memref<62624xi32, #tpu.memory_space<vmem>> -> memref<8192xi32, #tpu.memory_space<vmem>>
    %dma_start3A_22 = tpu.memref_slice %arg2[%add3A_19] : memref<2000000xi32, #tpu.memory_space<hbm>> -> memref<8192xi32, #tpu.memory_space<hbm>>
    %dma_start3A_23 = arith.constant 16384 : i32
    %dma_start3A_24 = tpu.memref_slice %arg4[%dma_start3A_23] : memref<62624xi32, #tpu.memory_space<vmem>> -> memref<8192xi32, #tpu.memory_space<vmem>>
    %dma_start3A_25 = tpu.memref_slice %arg2[%add3A_19] : memref<2000000xi32, #tpu.memory_space<hbm>> -> memref<8192xi32, #tpu.memory_space<hbm>>
    tpu.enqueue_dma source(%dma_start3A_25 : memref<8192xi32, #tpu.memory_space<hbm>>) target(%dma_start3A_24 : memref<8192xi32, #tpu.memory_space<vmem>>) target_semaphore(%arg11 : memref<!tpu.dma_semaphore, #tpu.memory_space<semaphore_mem>>)
    %add3A_26 = arith.constant 24576 : i32
    %add3A_27 = arith.addi %mul3A_2, %add3A_26 : i32
    %dma_start3A_28 = arith.constant 24576 : i32
    %dma_start3A_29 = tpu.memref_slice %arg4[%dma_start3A_28] : memref<62624xi32, #tpu.memory_space<vmem>> -> memref<8192xi32, #tpu.memory_space<vmem>>
    %dma_start3A_30 = tpu.memref_slice %arg2[%add3A_27] : memref<2000000xi32, #tpu.memory_space<hbm>> -> memref<8192xi32, #tpu.memory_space<hbm>>
    %dma_start3A_31 = arith.constant 24576 : i32
    %dma_start3A_32 = tpu.memref_slice %arg4[%dma_start3A_31] : memref<62624xi32, #tpu.memory_space<vmem>> -> memref<8192xi32, #tpu.memory_space<vmem>>
    %dma_start3A_33 = tpu.memref_slice %arg2[%add3A_27] : memref<2000000xi32, #tpu.memory_space<hbm>> -> memref<8192xi32, #tpu.memory_space<hbm>>
    tpu.enqueue_dma source(%dma_start3A_33 : memref<8192xi32, #tpu.memory_space<hbm>>) target(%dma_start3A_32 : memref<8192xi32, #tpu.memory_space<vmem>>) target_semaphore(%arg12 : memref<!tpu.dma_semaphore, #tpu.memory_space<semaphore_mem>>)
    %add3A_34 = arith.constant 32768 : i32
    %add3A_35 = arith.addi %mul3A_2, %add3A_34 : i32
    %dma_start3A_36 = arith.constant 32768 : i32
    %dma_start3A_37 = tpu.memref_slice %arg4[%dma_start3A_36] : memref<62624xi32, #tpu.memory_space<vmem>> -> memref<8192xi32, #tpu.memory_space<vmem>>
    %dma_start3A_38 = tpu.memref_slice %arg2[%add3A_35] : memref<2000000xi32, #tpu.memory_space<hbm>> -> memref<8192xi32, #tpu.memory_space<hbm>>
    %dma_start3A_39 = arith.constant 32768 : i32
    %dma_start3A_40 = tpu.memref_slice %arg4[%dma_start3A_39] : memref<62624xi32, #tpu.memory_space<vmem>> -> memref<8192xi32, #tpu.memory_space<vmem>>
    %dma_start3A_41 = tpu.memref_slice %arg2[%add3A_35] : memref<2000000xi32, #tpu.memory_space<hbm>> -> memref<8192xi32, #tpu.memory_space<hbm>>
    tpu.enqueue_dma source(%dma_start3A_41 : memref<8192xi32, #tpu.memory_space<hbm>>) target(%dma_start3A_40 : memref<8192xi32, #tpu.memory_space<vmem>>) target_semaphore(%arg13 : memref<!tpu.dma_semaphore, #tpu.memory_space<semaphore_mem>>)
    %add3A_42 = arith.constant 40960 : i32
    %add3A_43 = arith.addi %mul3A_2, %add3A_42 : i32
    %dma_start3A_44 = arith.constant 40960 : i32
    %dma_start3A_45 = tpu.memref_slice %arg4[%dma_start3A_44] : memref<62624xi32, #tpu.memory_space<vmem>> -> memref<8192xi32, #tpu.memory_space<vmem>>
    %dma_start3A_46 = tpu.memref_slice %arg2[%add3A_43] : memref<2000000xi32, #tpu.memory_space<hbm>> -> memref<8192xi32, #tpu.memory_space<hbm>>
    %dma_start3A_47 = arith.constant 40960 : i32
    %dma_start3A_48 = tpu.memref_slice %arg4[%dma_start3A_47] : memref<62624xi32, #tpu.memory_space<vmem>> -> memref<8192xi32, #tpu.memory_space<vmem>>
    %dma_start3A_49 = tpu.memref_slice %arg2[%add3A_43] : memref<2000000xi32, #tpu.memory_space<hbm>> -> memref<8192xi32, #tpu.memory_space<hbm>>
    tpu.enqueue_dma source(%dma_start3A_49 : memref<8192xi32, #tpu.memory_space<hbm>>) target(%dma_start3A_48 : memref<8192xi32, #tpu.memory_space<vmem>>) target_semaphore(%arg14 : memref<!tpu.dma_semaphore, #tpu.memory_space<semaphore_mem>>)
    %add3A_50 = arith.constant 49152 : i32
    %add3A_51 = arith.addi %mul3A_2, %add3A_50 : i32
    %dma_start3A_52 = arith.constant 49152 : i32
    %dma_start3A_53 = tpu.memref_slice %arg4[%dma_start3A_52] : memref<62624xi32, #tpu.memory_space<vmem>> -> memref<8192xi32, #tpu.memory_space<vmem>>
    %dma_start3A_54 = tpu.memref_slice %arg2[%add3A_51] : memref<2000000xi32, #tpu.memory_space<hbm>> -> memref<8192xi32, #tpu.memory_space<hbm>>
    %dma_start3A_55 = arith.constant 49152 : i32
    %dma_start3A_56 = tpu.memref_slice %arg4[%dma_start3A_55] : memref<62624xi32, #tpu.memory_space<vmem>> -> memref<8192xi32, #tpu.memory_space<vmem>>
    %dma_start3A_57 = tpu.memref_slice %arg2[%add3A_51] : memref<2000000xi32, #tpu.memory_space<hbm>> -> memref<8192xi32, #tpu.memory_space<hbm>>
    tpu.enqueue_dma source(%dma_start3A_57 : memref<8192xi32, #tpu.memory_space<hbm>>) target(%dma_start3A_56 : memref<8192xi32, #tpu.memory_space<vmem>>) target_semaphore(%arg15 : memref<!tpu.dma_semaphore, #tpu.memory_space<semaphore_mem>>)
    %add3A_58 = arith.constant 57344 : i32
    %add3A_59 = arith.addi %mul3A_2, %add3A_58 : i32
    %dma_start3A_60 = arith.constant 57344 : i32
    %dma_start3A_61 = tpu.memref_slice %arg4[%dma_start3A_60] : memref<62624xi32, #tpu.memory_space<vmem>> -> memref<5280xi32, #tpu.memory_space<vmem>>
    %dma_start3A_62 = tpu.memref_slice %arg2[%add3A_59] : memref<2000000xi32, #tpu.memory_space<hbm>> -> memref<5280xi32, #tpu.memory_space<hbm>>
    %dma_start3A_63 = arith.constant 57344 : i32
    %dma_start3A_64 = tpu.memref_slice %arg4[%dma_start3A_63] : memref<62624xi32, #tpu.memory_space<vmem>> -> memref<5280xi32, #tpu.memory_space<vmem>>
    %dma_start3A_65 = tpu.memref_slice %arg2[%add3A_59] : memref<2000000xi32, #tpu.memory_space<hbm>> -> memref<5280xi32, #tpu.memory_space<hbm>>
    tpu.enqueue_dma source(%dma_start3A_65 : memref<5280xi32, #tpu.memory_space<hbm>>) target(%dma_start3A_64 : memref<5280xi32, #tpu.memory_space<vmem>>) target_semaphore(%arg16 : memref<!tpu.dma_semaphore, #tpu.memory_space<semaphore_mem>>)
    %broadcast_in_dim3A = arith.constant 0 : i32
    %broadcast_in_dim3A_66 = vector.broadcast %broadcast_in_dim3A : i32 to vector<16xi32>
    %swap3A = arith.constant 0 : index
    %swap3A_67 = tpu.vector_load %arg5[%swap3A] {strides = array<i32>} : memref<1024xi32, #tpu.memory_space<vmem>>, vector<16xi32>,
    tpu.vector_store %arg5[%swap3A], %broadcast_in_dim3A_66 {strides = array<i32>} : memref<1024xi32, #tpu.memory_space<vmem>>, vector<16xi32>,
    %swap3A_68 = arith.constant 0 : index
    %swap3A_69 = tpu.vector_load %arg6[%swap3A_68] {strides = array<i32>} : memref<1024xi32, #tpu.memory_space<vmem>>, vector<16xi32>,
    tpu.vector_store %arg6[%swap3A_68], %broadcast_in_dim3A_66 {strides = array<i32>} : memref<1024xi32, #tpu.memory_space<vmem>>, vector<16xi32>,
    %swap3A_70 = arith.constant 0 : index
    %swap3A_71 = tpu.vector_load %arg7[%swap3A_70] {strides = array<i32>} : memref<1024xi32, #tpu.memory_space<vmem>>, vector<16xi32>,
    tpu.vector_store %arg7[%swap3A_70], %broadcast_in_dim3A_66 {strides = array<i32>} : memref<1024xi32, #tpu.memory_space<vmem>>, vector<16xi32>,
    %swap3A_72 = arith.constant 0 : index
    %swap3A_73 = tpu.vector_load %arg8[%swap3A_72] {strides = array<i32>} : memref<1024xi32, #tpu.memory_space<vmem>>, vector<16xi32>,
    tpu.vector_store %arg8[%swap3A_72], %broadcast_in_dim3A_66 {strides = array<i32>} : memref<1024xi32, #tpu.memory_space<vmem>>, vector<16xi32>,
    %swap3A_74 = arith.constant 16 : index
    %swap3A_75 = tpu.vector_load %arg5[%swap3A_74] {strides = array<i32>} : memref<1024xi32, #tpu.memory_space<vmem>>, vector<16xi32>,
    tpu.vector_store %arg5[%swap3A_74], %broadcast_in_dim3A_66 {strides = array<i32>} : memref<1024xi32, #tpu.memory_space<vmem>>, vector<16xi32>,
    %swap3A_76 = arith.constant 16 : index
    %swap3A_77 = tpu.vector_load %arg6[%swap3A_76] {strides = array<i32>} : memref<1024xi32, #tpu.memory_space<vmem>>, vector<16xi32>,
    tpu.vector_store %arg6[%swap3A_76], %broadcast_in_dim3A_66 {strides = array<i32>} : memref<1024xi32, #tpu.memory_space<vmem>>, vector<16xi32>,
    %swap3A_78 = arith.constant 16 : index
    %swap3A_79 = tpu.vector_load %arg7[%swap3A_78] {strides = array<i32>} : memref<1024xi32, #tpu.memory_space<vmem>>, vector<16xi32>,
    tpu.vector_store %arg7[%swap3A_78], %broadcast_in_dim3A_66 {strides = array<i32>} : memref<1024xi32, #tpu.memory_space<vmem>>, vector<16xi32>,
    %swap3A_80 = arith.constant 16 : index
    %swap3A_81 = tpu.vector_load %arg8[%swap3A_80] {strides = array<i32>} : memref<1024xi32, #tpu.memory_space<vmem>>, vector<16xi32>,
    tpu.vector_store %arg8[%swap3A_80], %broadcast_in_dim3A_66 {strides = array<i32>} : memref<1024xi32, #tpu.memory_space<vmem>>, vector<16xi32>,
    %swap3A_82 = arith.constant 32 : index
    %swap3A_83 = tpu.vector_load %arg5[%swap3A_82] {strides = array<i32>} : memref<1024xi32, #tpu.memory_space<vmem>>, vector<16xi32>,
    tpu.vector_store %arg5[%swap3A_82], %broadcast_in_dim3A_66 {strides = array<i32>} : memref<1024xi32, #tpu.memory_space<vmem>>, vector<16xi32>,
    %swap3A_84 = arith.constant 32 : index
    %swap3A_85 = tpu.vector_load %arg6[%swap3A_84] {strides = array<i32>} : memref<1024xi32, #tpu.memory_space<vmem>>, vector<16xi32>,
    tpu.vector_store %arg6[%swap3A_84], %broadcast_in_dim3A_66 {strides = array<i32>} : memref<1024xi32, #tpu.memory_space<vmem>>, vector<16xi32>,
    %swap3A_86 = arith.constant 32 : index
    %swap3A_87 = tpu.vector_load %arg7[%swap3A_86] {strides = array<i32>} : memref<1024xi32, #tpu.memory_space<vmem>>, vector<16xi32>,
    tpu.vector_store %arg7[%swap3A_86], %broadcast_in_dim3A_66 {strides = array<i32>} : memref<1024xi32, #tpu.memory_space<vmem>>, vector<16xi32>,
    %swap3A_88 = arith.constant 32 : index
    %swap3A_89 = tpu.vector_load %arg8[%swap3A_88] {strides = array<i32>} : memref<1024xi32, #tpu.memory_space<vmem>>, vector<16xi32>,
    tpu.vector_store %arg8[%swap3A_88], %broadcast_in_dim3A_66 {strides = array<i32>} : memref<1024xi32, #tpu.memory_space<vmem>>, vector<16xi32>,
    %swap3A_90 = arith.constant 48 : index
    %swap3A_91 = tpu.vector_load %arg5[%swap3A_90] {strides = array<i32>} : memref<1024xi32, #tpu.memory_space<vmem>>, vector<16xi32>,
    tpu.vector_store %arg5[%swap3A_90], %broadcast_in_dim3A_66 {strides = array<i32>} : memref<1024xi32, #tpu.memory_space<vmem>>, vector<16xi32>,
    %swap3A_92 = arith.constant 48 : index
    %swap3A_93 = tpu.vector_load %arg6[%swap3A_92] {strides = array<i32>} : memref<1024xi32, #tpu.memory_space<vmem>>, vector<16xi32>,
    tpu.vector_store %arg6[%swap3A_92], %broadcast_in_dim3A_66 {strides = array<i32>} : memref<1024xi32, #tpu.memory_space<vmem>>, vector<16xi32>,
    %swap3A_94 = arith.constant 48 : index
    %swap3A_95 = tpu.vector_load %arg7[%swap3A_94] {strides = array<i32>} : memref<1024xi32, #tpu.memory_space<vmem>>, vector<16xi32>,
    tpu.vector_store %arg7[%swap3A_94], %broadcast_in_dim3A_66 {strides = array<i32>} : memref<1024xi32, #tpu.memory_space<vmem>>, vector<16xi32>,
    %swap3A_96 = arith.constant 48 : index
    %swap3A_97 = tpu.vector_load %arg8[%swap3A_96] {strides = array<i32>} : memref<1024xi32, #tpu.memory_space<vmem>>, vector<16xi32>,
    tpu.vector_store %arg8[%swap3A_96], %broadcast_in_dim3A_66 {strides = array<i32>} : memref<1024xi32, #tpu.memory_space<vmem>>, vector<16xi32>,
    %swap3A_98 = arith.constant 64 : index
    %swap3A_99 = tpu.vector_load %arg5[%swap3A_98] {strides = array<i32>} : memref<1024xi32, #tpu.memory_space<vmem>>, vector<16xi32>,
    tpu.vector_store %arg5[%swap3A_98], %broadcast_in_dim3A_66 {strides = array<i32>} : memref<1024xi32, #tpu.memory_space<vmem>>, vector<16xi32>,
    %swap3A_100 = arith.constant 64 : index
    %swap3A_101 = tpu.vector_load %arg6[%swap3A_100] {strides = array<i32>} : memref<1024xi32, #tpu.memory_space<vmem>>, vector<16xi32>,
    tpu.vector_store %arg6[%swap3A_100], %broadcast_in_dim3A_66 {strides = array<i32>} : memref<1024xi32, #tpu.memory_space<vmem>>, vector<16xi32>,
    %swap3A_102 = arith.constant 64 : index
    %swap3A_103 = tpu.vector_load %arg7[%swap3A_102] {strides = array<i32>} : memref<1024xi32, #tpu.memory_space<vmem>>, vector<16xi32>,
    tpu.vector_store %arg7[%swap3A_102], %broadcast_in_dim3A_66 {strides = array<i32>} : memref<1024xi32, #tpu.memory_space<vmem>>, vector<16xi32>,
    %swap3A_104 = arith.constant 64 : index
    %swap3A_105 = tpu.vector_load %arg8[%swap3A_104] {strides = array<i32>} : memref<1024xi32, #tpu.memory_space<vmem>>, vector<16xi32>,
    tpu.vector_store %arg8[%swap3A_104], %broadcast_in_dim3A_66 {strides = array<i32>} : memref<1024xi32, #tpu.memory_space<vmem>>, vector<16xi32>,
    %swap3A_106 = arith.constant 80 : index
    %swap3A_107 = tpu.vector_load %arg5[%swap3A_106] {strides = array<i32>} : memref<1024xi32, #tpu.memory_space<vmem>>, vector<16xi32>,
    tpu.vector_store %arg5[%swap3A_106], %broadcast_in_dim3A_66 {strides = array<i32>} : memref<1024xi32, #tpu.memory_space<vmem>>, vector<16xi32>,
    %swap3A_108 = arith.constant 80 : index
    %swap3A_109 = tpu.vector_load %arg6[%swap3A_108] {strides = array<i32>} : memref<1024xi32, #tpu.memory_space<vmem>>, vector<16xi32>,
    tpu.vector_store %arg6[%swap3A_108], %broadcast_in_dim3A_66 {strides = array<i32>} : memref<1024xi32, #tpu.memory_space<vmem>>, vector<16xi32>,
    %swap3A_110 = arith.constant 80 : index
    %swap3A_111 = tpu.vector_load %arg7[%swap3A_110] {strides = array<i32>} : memref<1024xi32, #tpu.memory_space<vmem>>, vector<16xi32>,
    tpu.vector_store %arg7[%swap3A_110], %broadcast_in_dim3A_66 {strides = array<i32>} : memref<1024xi32, #tpu.memory_space<vmem>>, vector<16xi32>,
    %swap3A_112 = arith.constant 80 : index
    %swap3A_113 = tpu.vector_load %arg8[%swap3A_112] {strides = array<i32>} : memref<1024xi32, #tpu.memory_space<vmem>>, vector<16xi32>,
    tpu.vector_store %arg8[%swap3A_112], %broadcast_in_dim3A_66 {strides = array<i32>} : memref<1024xi32, #tpu.memory_space<vmem>>, vector<16xi32>,
    %swap3A_114 = arith.constant 96 : index
    %swap3A_115 = tpu.vector_load %arg5[%swap3A_114] {strides = array<i32>} : memref<1024xi32, #tpu.memory_space<vmem>>, vector<16xi32>,
    tpu.vector_store %arg5[%swap3A_114], %broadcast_in_dim3A_66 {strides = array<i32>} : memref<1024xi32, #tpu.memory_space<vmem>>, vector<16xi32>,
    %swap3A_116 = arith.constant 96 : index
    %swap3A_117 = tpu.vector_load %arg6[%swap3A_116] {strides = array<i32>} : memref<1024xi32, #tpu.memory_space<vmem>>, vector<16xi32>,
    tpu.vector_store %arg6[%swap3A_116], %broadcast_in_dim3A_66 {strides = array<i32>} : memref<1024xi32, #tpu.memory_space<vmem>>, vector<16xi32>,
    %swap3A_118 = arith.constant 96 : index
    %swap3A_119 = tpu.vector_load %arg7[%swap3A_118] {strides = array<i32>} : memref<1024xi32, #tpu.memory_space<vmem>>, vector<16xi32>,
    tpu.vector_store %arg7[%swap3A_118], %broadcast_in_dim3A_66 {strides = array<i32>} : memref<1024xi32, #tpu.memory_space<vmem>>, vector<16xi32>,
    %swap3A_120 = arith.constant 96 : index
    %swap3A_121 = tpu.vector_load %arg8[%swap3A_120] {strides = array<i32>} : memref<1024xi32, #tpu.memory_space<vmem>>, vector<16xi32>,
    tpu.vector_store %arg8[%swap3A_120], %broadcast_in_dim3A_66 {strides = array<i32>} : memref<1024xi32, #tpu.memory_space<vmem>>, vector<16xi32>,
    %swap3A_122 = arith.constant 112 : index
    %swap3A_123 = tpu.vector_load %arg5[%swap3A_122] {strides = array<i32>} : memref<1024xi32, #tpu.memory_space<vmem>>, vector<16xi32>,
    tpu.vector_store %arg5[%swap3A_122], %broadcast_in_dim3A_66 {strides = array<i32>} : memref<1024xi32, #tpu.memory_space<vmem>>, vector<16xi32>,
    %swap3A_124 = arith.constant 112 : index
    %swap3A_125 = tpu.vector_load %arg6[%swap3A_124] {strides = array<i32>} : memref<1024xi32, #tpu.memory_space<vmem>>, vector<16xi32>,
    tpu.vector_store %arg6[%swap3A_124], %broadcast_in_dim3A_66 {strides = array<i32>} : memref<1024xi32, #tpu.memory_space<vmem>>, vector<16xi32>,
    %swap3A_126 = arith.constant 112 : index
    %swap3A_127 = tpu.vector_load %arg7[%swap3A_126] {strides = array<i32>} : memref<1024xi32, #tpu.memory_space<vmem>>, vector<16xi32>,
    tpu.vector_store %arg7[%swap3A_126], %broadcast_in_dim3A_66 {strides = array<i32>} : memref<1024xi32, #tpu.memory_space<vmem>>, vector<16xi32>,
    %swap3A_128 = arith.constant 112 : index
    %swap3A_129 = tpu.vector_load %arg8[%swap3A_128] {strides = array<i32>} : memref<1024xi32, #tpu.memory_space<vmem>>, vector<16xi32>,
    tpu.vector_store %arg8[%swap3A_128], %broadcast_in_dim3A_66 {strides = array<i32>} : memref<1024xi32, #tpu.memory_space<vmem>>, vector<16xi32>,
    %swap3A_130 = arith.constant 128 : index
    %swap3A_131 = tpu.vector_load %arg5[%swap3A_130] {strides = array<i32>} : memref<1024xi32, #tpu.memory_space<vmem>>, vector<16xi32>,
    tpu.vector_store %arg5[%swap3A_130], %broadcast_in_dim3A_66 {strides = array<i32>} : memref<1024xi32, #tpu.memory_space<vmem>>, vector<16xi32>,
    %swap3A_132 = arith.constant 128 : index
    %swap3A_133 = tpu.vector_load %arg6[%swap3A_132] {strides = array<i32>} : memref<1024xi32, #tpu.memory_space<vmem>>, vector<16xi32>,
    tpu.vector_store %arg6[%swap3A_132], %broadcast_in_dim3A_66 {strides = array<i32>} : memref<1024xi32, #tpu.memory_space<vmem>>, vector<16xi32>,
    %swap3A_134 = arith.constant 128 : index
    %swap3A_135 = tpu.vector_load %arg7[%swap3A_134] {strides = array<i32>} : memref<1024xi32, #tpu.memory_space<vmem>>, vector<16xi32>,
    tpu.vector_store %arg7[%swap3A_134], %broadcast_in_dim3A_66 {strides = array<i32>} : memref<1024xi32, #tpu.memory_space<vmem>>, vector<16xi32>,
    %swap3A_136 = arith.constant 128 : index
    %swap3A_137 = tpu.vector_load %arg8[%swap3A_136] {strides = array<i32>} : memref<1024xi32, #tpu.memory_space<vmem>>, vector<16xi32>,
    tpu.vector_store %arg8[%swap3A_136], %broadcast_in_dim3A_66 {strides = array<i32>} : memref<1024xi32, #tpu.memory_space<vmem>>, vector<16xi32>,
    %swap3A_138 = arith.constant 144 : index
    %swap3A_139 = tpu.vector_load %arg5[%swap3A_138] {strides = array<i32>} : memref<1024xi32, #tpu.memory_space<vmem>>, vector<16xi32>,
    tpu.vector_store %arg5[%swap3A_138], %broadcast_in_dim3A_66 {strides = array<i32>} : memref<1024xi32, #tpu.memory_space<vmem>>, vector<16xi32>,
    %swap3A_140 = arith.constant 144 : index
    %swap3A_141 = tpu.vector_load %arg6[%swap3A_140] {strides = array<i32>} : memref<1024xi32, #tpu.memory_space<vmem>>, vector<16xi32>,
    tpu.vector_store %arg6[%swap3A_140], %broadcast_in_dim3A_66 {strides = array<i32>} : memref<1024xi32, #tpu.memory_space<vmem>>, vector<16xi32>,
    %swap3A_142 = arith.constant 144 : index
    %swap3A_143 = tpu.vector_load %arg7[%swap3A_142] {strides = array<i32>} : memref<1024xi32, #tpu.memory_space<vmem>>, vector<16xi32>,
    tpu.vector_store %arg7[%swap3A_142], %broadcast_in_dim3A_66 {strides = array<i32>} : memref<1024xi32, #tpu.memory_space<vmem>>, vector<16xi32>,
    %swap3A_144 = arith.constant 144 : index
    %swap3A_145 = tpu.vector_load %arg8[%swap3A_144] {strides = array<i32>} : memref<1024xi32, #tpu.memory_space<vmem>>, vector<16xi32>,
    tpu.vector_store %arg8[%swap3A_144], %broadcast_in_dim3A_66 {strides = array<i32>} : memref<1024xi32, #tpu.memory_space<vmem>>, vector<16xi32>,
    %swap3A_146 = arith.constant 160 : index
    %swap3A_147 = tpu.vector_load %arg5[%swap3A_146] {strides = array<i32>} : memref<1024xi32, #tpu.memory_space<vmem>>, vector<16xi32>,
    tpu.vector_store %arg5[%swap3A_146], %broadcast_in_dim3A_66 {strides = array<i32>} : memref<1024xi32, #tpu.memory_space<vmem>>, vector<16xi32>,
    %swap3A_148 = arith.constant 160 : index
    %swap3A_149 = tpu.vector_load %arg6[%swap3A_148] {strides = array<i32>} : memref<1024xi32, #tpu.memory_space<vmem>>, vector<16xi32>,
    tpu.vector_store %arg6[%swap3A_148], %broadcast_in_dim3A_66 {strides = array<i32>} : memref<1024xi32, #tpu.memory_space<vmem>>, vector<16xi32>,
    %swap3A_150 = arith.constant 160 : index
    %swap3A_151 = tpu.vector_load %arg7[%swap3A_150] {strides = array<i32>} : memref<1024xi32, #tpu.memory_space<vmem>>, vector<16xi32>,
    tpu.vector_store %arg7[%swap3A_150], %broadcast_in_dim3A_66 {strides = array<i32>} : memref<1024xi32, #tpu.memory_space<vmem>>, vector<16xi32>,
    %swap3A_152 = arith.constant 160 : index
    %swap3A_153 = tpu.vector_load %arg8[%swap3A_152] {strides = array<i32>} : memref<1024xi32, #tpu.memory_space<vmem>>, vector<16xi32>,
    tpu.vector_store %arg8[%swap3A_152], %broadcast_in_dim3A_66 {strides = array<i32>} : memref<1024xi32, #tpu.memory_space<vmem>>, vector<16xi32>,
    %swap3A_154 = arith.constant 176 : index
    %swap3A_155 = tpu.vector_load %arg5[%swap3A_154] {strides = array<i32>} : memref<1024xi32, #tpu.memory_space<vmem>>, vector<16xi32>,
    tpu.vector_store %arg5[%swap3A_154], %broadcast_in_dim3A_66 {strides = array<i32>} : memref<1024xi32, #tpu.memory_space<vmem>>, vector<16xi32>,
    %swap3A_156 = arith.constant 176 : index
    %swap3A_157 = tpu.vector_load %arg6[%swap3A_156] {strides = array<i32>} : memref<1024xi32, #tpu.memory_space<vmem>>, vector<16xi32>,
    tpu.vector_store %arg6[%swap3A_156], %broadcast_in_dim3A_66 {strides = array<i32>} : memref<1024xi32, #tpu.memory_space<vmem>>, vector<16xi32>,
    %swap3A_158 = arith.constant 176 : index
    %swap3A_159 = tpu.vector_load %arg7[%swap3A_158] {strides = array<i32>} : memref<1024xi32, #tpu.memory_space<vmem>>, vector<16xi32>,
    tpu.vector_store %arg7[%swap3A_158], %broadcast_in_dim3A_66 {strides = array<i32>} : memref<1024xi32, #tpu.memory_space<vmem>>, vector<16xi32>,
    %swap3A_160 = arith.constant 176 : index
    %swap3A_161 = tpu.vector_load %arg8[%swap3A_160] {strides = array<i32>} : memref<1024xi32, #tpu.memory_space<vmem>>, vector<16xi32>,
    tpu.vector_store %arg8[%swap3A_160], %broadcast_in_dim3A_66 {strides = array<i32>} : memref<1024xi32, #tpu.memory_space<vmem>>, vector<16xi32>,
    %swap3A_162 = arith.constant 192 : index
    %swap3A_163 = tpu.vector_load %arg5[%swap3A_162] {strides = array<i32>} : memref<1024xi32, #tpu.memory_space<vmem>>, vector<16xi32>,
    tpu.vector_store %arg5[%swap3A_162], %broadcast_in_dim3A_66 {strides = array<i32>} : memref<1024xi32, #tpu.memory_space<vmem>>, vector<16xi32>,
    %swap3A_164 = arith.constant 192 : index
    %swap3A_165 = tpu.vector_load %arg6[%swap3A_164] {strides = array<i32>} : memref<1024xi32, #tpu.memory_space<vmem>>, vector<16xi32>,
    tpu.vector_store %arg6[%swap3A_164], %broadcast_in_dim3A_66 {strides = array<i32>} : memref<1024xi32, #tpu.memory_space<vmem>>, vector<16xi32>,
    %swap3A_166 = arith.constant 192 : index
    %swap3A_167 = tpu.vector_load %arg7[%swap3A_166] {strides = array<i32>} : memref<1024xi32, #tpu.memory_space<vmem>>, vector<16xi32>,
    tpu.vector_store %arg7[%swap3A_166], %broadcast_in_dim3A_66 {strides = array<i32>} : memref<1024xi32, #tpu.memory_space<vmem>>, vector<16xi32>,
    %swap3A_168 = arith.constant 192 : index
    %swap3A_169 = tpu.vector_load %arg8[%swap3A_168] {strides = array<i32>} : memref<1024xi32, #tpu.memory_space<vmem>>, vector<16xi32>,
    tpu.vector_store %arg8[%swap3A_168], %broadcast_in_dim3A_66 {strides = array<i32>} : memref<1024xi32, #tpu.memory_space<vmem>>, vector<16xi32>,
    %swap3A_170 = arith.constant 208 : index
    %swap3A_171 = tpu.vector_load %arg5[%swap3A_170] {strides = array<i32>} : memref<1024xi32, #tpu.memory_space<vmem>>, vector<16xi32>,
    tpu.vector_store %arg5[%swap3A_170], %broadcast_in_dim3A_66 {strides = array<i32>} : memref<1024xi32, #tpu.memory_space<vmem>>, vector<16xi32>,
    %swap3A_172 = arith.constant 208 : index
    %swap3A_173 = tpu.vector_load %arg6[%swap3A_172] {strides = array<i32>} : memref<1024xi32, #tpu.memory_space<vmem>>, vector<16xi32>,
    tpu.vector_store %arg6[%swap3A_172], %broadcast_in_dim3A_66 {strides = array<i32>} : memref<1024xi32, #tpu.memory_space<vmem>>, vector<16xi32>,
    %swap3A_174 = arith.constant 208 : index
    %swap3A_175 = tpu.vector_load %arg7[%swap3A_174] {strides = array<i32>} : memref<1024xi32, #tpu.memory_space<vmem>>, vector<16xi32>,
    tpu.vector_store %arg7[%swap3A_174], %broadcast_in_dim3A_66 {strides = array<i32>} : memref<1024xi32, #tpu.memory_space<vmem>>, vector<16xi32>,
    %swap3A_176 = arith.constant 208 : index
    %swap3A_177 = tpu.vector_load %arg8[%swap3A_176] {strides = array<i32>} : memref<1024xi32, #tpu.memory_space<vmem>>, vector<16xi32>,
    tpu.vector_store %arg8[%swap3A_176], %broadcast_in_dim3A_66 {strides = array<i32>} : memref<1024xi32, #tpu.memory_space<vmem>>, vector<16xi32>,
    %swap3A_178 = arith.constant 224 : index
    %swap3A_179 = tpu.vector_load %arg5[%swap3A_178] {strides = array<i32>} : memref<1024xi32, #tpu.memory_space<vmem>>, vector<16xi32>,
    tpu.vector_store %arg5[%swap3A_178], %broadcast_in_dim3A_66 {strides = array<i32>} : memref<1024xi32, #tpu.memory_space<vmem>>, vector<16xi32>,
    %swap3A_180 = arith.constant 224 : index
    %swap3A_181 = tpu.vector_load %arg6[%swap3A_180] {strides = array<i32>} : memref<1024xi32, #tpu.memory_space<vmem>>, vector<16xi32>,
    tpu.vector_store %arg6[%swap3A_180], %broadcast_in_dim3A_66 {strides = array<i32>} : memref<1024xi32, #tpu.memory_space<vmem>>, vector<16xi32>,
    %swap3A_182 = arith.constant 224 : index
    %swap3A_183 = tpu.vector_load %arg7[%swap3A_182] {strides = array<i32>} : memref<1024xi32, #tpu.memory_space<vmem>>, vector<16xi32>,
    tpu.vector_store %arg7[%swap3A_182], %broadcast_in_dim3A_66 {strides = array<i32>} : memref<1024xi32, #tpu.memory_space<vmem>>, vector<16xi32>,
    %swap3A_184 = arith.constant 224 : index
    %swap3A_185 = tpu.vector_load %arg8[%swap3A_184] {strides = array<i32>} : memref<1024xi32, #tpu.memory_space<vmem>>, vector<16xi32>,
    tpu.vector_store %arg8[%swap3A_184], %broadcast_in_dim3A_66 {strides = array<i32>} : memref<1024xi32, #tpu.memory_space<vmem>>, vector<16xi32>,
    %swap3A_186 = arith.constant 240 : index
    %swap3A_187 = tpu.vector_load %arg5[%swap3A_186] {strides = array<i32>} : memref<1024xi32, #tpu.memory_space<vmem>>, vector<16xi32>,
    tpu.vector_store %arg5[%swap3A_186], %broadcast_in_dim3A_66 {strides = array<i32>} : memref<1024xi32, #tpu.memory_space<vmem>>, vector<16xi32>,
    %swap3A_188 = arith.constant 240 : index
    %swap3A_189 = tpu.vector_load %arg6[%swap3A_188] {strides = array<i32>} : memref<1024xi32, #tpu.memory_space<vmem>>, vector<16xi32>,
    tpu.vector_store %arg6[%swap3A_188], %broadcast_in_dim3A_66 {strides = array<i32>} : memref<1024xi32, #tpu.memory_space<vmem>>, vector<16xi32>,
    %swap3A_190 = arith.constant 240 : index
    %swap3A_191 = tpu.vector_load %arg7[%swap3A_190] {strides = array<i32>} : memref<1024xi32, #tpu.memory_space<vmem>>, vector<16xi32>,
    tpu.vector_store %arg7[%swap3A_190], %broadcast_in_dim3A_66 {strides = array<i32>} : memref<1024xi32, #tpu.memory_space<vmem>>, vector<16xi32>,
    %swap3A_192 = arith.constant 240 : index
    %swap3A_193 = tpu.vector_load %arg8[%swap3A_192] {strides = array<i32>} : memref<1024xi32, #tpu.memory_space<vmem>>, vector<16xi32>,
    tpu.vector_store %arg8[%swap3A_192], %broadcast_in_dim3A_66 {strides = array<i32>} : memref<1024xi32, #tpu.memory_space<vmem>>, vector<16xi32>,
    %swap3A_194 = arith.constant 256 : index
    %swap3A_195 = tpu.vector_load %arg5[%swap3A_194] {strides = array<i32>} : memref<1024xi32, #tpu.memory_space<vmem>>, vector<16xi32>,
    tpu.vector_store %arg5[%swap3A_194], %broadcast_in_dim3A_66 {strides = array<i32>} : memref<1024xi32, #tpu.memory_space<vmem>>, vector<16xi32>,
    %swap3A_196 = arith.constant 256 : index
    %swap3A_197 = tpu.vector_load %arg6[%swap3A_196] {strides = array<i32>} : memref<1024xi32, #tpu.memory_space<vmem>>, vector<16xi32>,
    tpu.vector_store %arg6[%swap3A_196], %broadcast_in_dim3A_66 {strides = array<i32>} : memref<1024xi32, #tpu.memory_space<vmem>>, vector<16xi32>,
    %swap3A_198 = arith.constant 256 : index
    %swap3A_199 = tpu.vector_load %arg7[%swap3A_198] {strides = array<i32>} : memref<1024xi32, #tpu.memory_space<vmem>>, vector<16xi32>,
    tpu.vector_store %arg7[%swap3A_198], %broadcast_in_dim3A_66 {strides = array<i32>} : memref<1024xi32, #tpu.memory_space<vmem>>, vector<16xi32>,
    %swap3A_200 = arith.constant 256 : index
    %swap3A_201 = tpu.vector_load %arg8[%swap3A_200] {strides = array<i32>} : memref<1024xi32, #tpu.memory_space<vmem>>, vector<16xi32>,
    tpu.vector_store %arg8[%swap3A_200], %broadcast_in_dim3A_66 {strides = array<i32>} : memref<1024xi32, #tpu.memory_space<vmem>>, vector<16xi32>,
    %swap3A_202 = arith.constant 272 : index
    %swap3A_203 = tpu.vector_load %arg5[%swap3A_202] {strides = array<i32>} : memref<1024xi32, #tpu.memory_space<vmem>>, vector<16xi32>,
    tpu.vector_store %arg5[%swap3A_202], %broadcast_in_dim3A_66 {strides = array<i32>} : memref<1024xi32, #tpu.memory_space<vmem>>, vector<16xi32>,
    %swap3A_204 = arith.constant 272 : index
    %swap3A_205 = tpu.vector_load %arg6[%swap3A_204] {strides = array<i32>} : memref<1024xi32, #tpu.memory_space<vmem>>, vector<16xi32>,
    tpu.vector_store %arg6[%swap3A_204], %broadcast_in_dim3A_66 {strides = array<i32>} : memref<1024xi32, #tpu.memory_space<vmem>>, vector<16xi32>,
    %swap3A_206 = arith.constant 272 : index
    %swap3A_207 = tpu.vector_load %arg7[%swap3A_206] {strides = array<i32>} : memref<1024xi32, #tpu.memory_space<vmem>>, vector<16xi32>,
    tpu.vector_store %arg7[%swap3A_206], %broadcast_in_dim3A_66 {strides = array<i32>} : memref<1024xi32, #tpu.memory_space<vmem>>, vector<16xi32>,
    %swap3A_208 = arith.constant 272 : index
    %swap3A_209 = tpu.vector_load %arg8[%swap3A_208] {strides = array<i32>} : memref<1024xi32, #tpu.memory_space<vmem>>, vector<16xi32>,
    tpu.vector_store %arg8[%swap3A_208], %broadcast_in_dim3A_66 {strides = array<i32>} : memref<1024xi32, #tpu.memory_space<vmem>>, vector<16xi32>,
    %swap3A_210 = arith.constant 288 : index
    %swap3A_211 = tpu.vector_load %arg5[%swap3A_210] {strides = array<i32>} : memref<1024xi32, #tpu.memory_space<vmem>>, vector<16xi32>,
    tpu.vector_store %arg5[%swap3A_210], %broadcast_in_dim3A_66 {strides = array<i32>} : memref<1024xi32, #tpu.memory_space<vmem>>, vector<16xi32>,
    %swap3A_212 = arith.constant 288 : index
    %swap3A_213 = tpu.vector_load %arg6[%swap3A_212] {strides = array<i32>} : memref<1024xi32, #tpu.memory_space<vmem>>, vector<16xi32>,
    tpu.vector_store %arg6[%swap3A_212], %broadcast_in_dim3A_66 {strides = array<i32>} : memref<1024xi32, #tpu.memory_space<vmem>>, vector<16xi32>,
    %swap3A_214 = arith.constant 288 : index
    %swap3A_215 = tpu.vector_load %arg7[%swap3A_214] {strides = array<i32>} : memref<1024xi32, #tpu.memory_space<vmem>>, vector<16xi32>,
    tpu.vector_store %arg7[%swap3A_214], %broadcast_in_dim3A_66 {strides = array<i32>} : memref<1024xi32, #tpu.memory_space<vmem>>, vector<16xi32>,
    %swap3A_216 = arith.constant 288 : index
    %swap3A_217 = tpu.vector_load %arg8[%swap3A_216] {strides = array<i32>} : memref<1024xi32, #tpu.memory_space<vmem>>, vector<16xi32>,
    tpu.vector_store %arg8[%swap3A_216], %broadcast_in_dim3A_66 {strides = array<i32>} : memref<1024xi32, #tpu.memory_space<vmem>>, vector<16xi32>,
    %swap3A_218 = arith.constant 304 : index
    %swap3A_219 = tpu.vector_load %arg5[%swap3A_218] {strides = array<i32>} : memref<1024xi32, #tpu.memory_space<vmem>>, vector<16xi32>,
    tpu.vector_store %arg5[%swap3A_218], %broadcast_in_dim3A_66 {strides = array<i32>} : memref<1024xi32, #tpu.memory_space<vmem>>, vector<16xi32>,
    %swap3A_220 = arith.constant 304 : index
    %swap3A_221 = tpu.vector_load %arg6[%swap3A_220] {strides = array<i32>} : memref<1024xi32, #tpu.memory_space<vmem>>, vector<16xi32>,
    tpu.vector_store %arg6[%swap3A_220], %broadcast_in_dim3A_66 {strides = array<i32>} : memref<1024xi32, #tpu.memory_space<vmem>>, vector<16xi32>,
    %swap3A_222 = arith.constant 304 : index
    %swap3A_223 = tpu.vector_load %arg7[%swap3A_222] {strides = array<i32>} : memref<1024xi32, #tpu.memory_space<vmem>>, vector<16xi32>,
    tpu.vector_store %arg7[%swap3A_222], %broadcast_in_dim3A_66 {strides = array<i32>} : memref<1024xi32, #tpu.memory_space<vmem>>, vector<16xi32>,
    %swap3A_224 = arith.constant 304 : index
    %swap3A_225 = tpu.vector_load %arg8[%swap3A_224] {strides = array<i32>} : memref<1024xi32, #tpu.memory_space<vmem>>, vector<16xi32>,
    tpu.vector_store %arg8[%swap3A_224], %broadcast_in_dim3A_66 {strides = array<i32>} : memref<1024xi32, #tpu.memory_space<vmem>>, vector<16xi32>,
    %swap3A_226 = arith.constant 320 : index
    %swap3A_227 = tpu.vector_load %arg5[%swap3A_226] {strides = array<i32>} : memref<1024xi32, #tpu.memory_space<vmem>>, vector<16xi32>,
    tpu.vector_store %arg5[%swap3A_226], %broadcast_in_dim3A_66 {strides = array<i32>} : memref<1024xi32, #tpu.memory_space<vmem>>, vector<16xi32>,
    %swap3A_228 = arith.constant 320 : index
    %swap3A_229 = tpu.vector_load %arg6[%swap3A_228] {strides = array<i32>} : memref<1024xi32, #tpu.memory_space<vmem>>, vector<16xi32>,
    tpu.vector_store %arg6[%swap3A_228], %broadcast_in_dim3A_66 {strides = array<i32>} : memref<1024xi32, #tpu.memory_space<vmem>>, vector<16xi32>,
    %swap3A_230 = arith.constant 320 : index
    %swap3A_231 = tpu.vector_load %arg7[%swap3A_230] {strides = array<i32>} : memref<1024xi32, #tpu.memory_space<vmem>>, vector<16xi32>,
    tpu.vector_store %arg7[%swap3A_230], %broadcast_in_dim3A_66 {strides = array<i32>} : memref<1024xi32, #tpu.memory_space<vmem>>, vector<16xi32>,
    %swap3A_232 = arith.constant 320 : index
    %swap3A_233 = tpu.vector_load %arg8[%swap3A_232] {strides = array<i32>} : memref<1024xi32, #tpu.memory_space<vmem>>, vector<16xi32>,
    tpu.vector_store %arg8[%swap3A_232], %broadcast_in_dim3A_66 {strides = array<i32>} : memref<1024xi32, #tpu.memory_space<vmem>>, vector<16xi32>,
    %swap3A_234 = arith.constant 336 : index
    %swap3A_235 = tpu.vector_load %arg5[%swap3A_234] {strides = array<i32>} : memref<1024xi32, #tpu.memory_space<vmem>>, vector<16xi32>,
    tpu.vector_store %arg5[%swap3A_234], %broadcast_in_dim3A_66 {strides = array<i32>} : memref<1024xi32, #tpu.memory_space<vmem>>, vector<16xi32>,
    %swap3A_236 = arith.constant 336 : index
    %swap3A_237 = tpu.vector_load %arg6[%swap3A_236] {strides = array<i32>} : memref<1024xi32, #tpu.memory_space<vmem>>, vector<16xi32>,
    tpu.vector_store %arg6[%swap3A_236], %broadcast_in_dim3A_66 {strides = array<i32>} : memref<1024xi32, #tpu.memory_space<vmem>>, vector<16xi32>,
    %swap3A_238 = arith.constant 336 : index
    %swap3A_239 = tpu.vector_load %arg7[%swap3A_238] {strides = array<i32>} : memref<1024xi32, #tpu.memory_space<vmem>>, vector<16xi32>,
    tpu.vector_store %arg7[%swap3A_238], %broadcast_in_dim3A_66 {strides = array<i32>} : memref<1024xi32, #tpu.memory_space<vmem>>, vector<16xi32>,
    %swap3A_240 = arith.constant 336 : index
    %swap3A_241 = tpu.vector_load %arg8[%swap3A_240] {strides = array<i32>} : memref<1024xi32, #tpu.memory_space<vmem>>, vector<16xi32>,
    tpu.vector_store %arg8[%swap3A_240], %broadcast_in_dim3A_66 {strides = array<i32>} : memref<1024xi32, #tpu.memory_space<vmem>>, vector<16xi32>,
    %swap3A_242 = arith.constant 352 : index
    %swap3A_243 = tpu.vector_load %arg5[%swap3A_242] {strides = array<i32>} : memref<1024xi32, #tpu.memory_space<vmem>>, vector<16xi32>,
    tpu.vector_store %arg5[%swap3A_242], %broadcast_in_dim3A_66 {strides = array<i32>} : memref<1024xi32, #tpu.memory_space<vmem>>, vector<16xi32>,
    %swap3A_244 = arith.constant 352 : index
    %swap3A_245 = tpu.vector_load %arg6[%swap3A_244] {strides = array<i32>} : memref<1024xi32, #tpu.memory_space<vmem>>, vector<16xi32>,
    tpu.vector_store %arg6[%swap3A_244], %broadcast_in_dim3A_66 {strides = array<i32>} : memref<1024xi32, #tpu.memory_space<vmem>>, vector<16xi32>,
    %swap3A_246 = arith.constant 352 : index
    %swap3A_247 = tpu.vector_load %arg7[%swap3A_246] {strides = array<i32>} : memref<1024xi32, #tpu.memory_space<vmem>>, vector<16xi32>,
    tpu.vector_store %arg7[%swap3A_246], %broadcast_in_dim3A_66 {strides = array<i32>} : memref<1024xi32, #tpu.memory_space<vmem>>, vector<16xi32>,
    %swap3A_248 = arith.constant 352 : index
    %swap3A_249 = tpu.vector_load %arg8[%swap3A_248] {strides = array<i32>} : memref<1024xi32, #tpu.memory_space<vmem>>, vector<16xi32>,
    tpu.vector_store %arg8[%swap3A_248], %broadcast_in_dim3A_66 {strides = array<i32>} : memref<1024xi32, #tpu.memory_space<vmem>>, vector<16xi32>,
    %swap3A_250 = arith.constant 368 : index
    %swap3A_251 = tpu.vector_load %arg5[%swap3A_250] {strides = array<i32>} : memref<1024xi32, #tpu.memory_space<vmem>>, vector<16xi32>,
    tpu.vector_store %arg5[%swap3A_250], %broadcast_in_dim3A_66 {strides = array<i32>} : memref<1024xi32, #tpu.memory_space<vmem>>, vector<16xi32>,
    %swap3A_252 = arith.constant 368 : index
    %swap3A_253 = tpu.vector_load %arg6[%swap3A_252] {strides = array<i32>} : memref<1024xi32, #tpu.memory_space<vmem>>, vector<16xi32>,
    tpu.vector_store %arg6[%swap3A_252], %broadcast_in_dim3A_66 {strides = array<i32>} : memref<1024xi32, #tpu.memory_space<vmem>>, vector<16xi32>,
    %swap3A_254 = arith.constant 368 : index
    %swap3A_255 = tpu.vector_load %arg7[%swap3A_254] {strides = array<i32>} : memref<1024xi32, #tpu.memory_space<vmem>>, vector<16xi32>,
    tpu.vector_store %arg7[%swap3A_254], %broadcast_in_dim3A_66 {strides = array<i32>} : memref<1024xi32, #tpu.memory_space<vmem>>, vector<16xi32>,
    %swap3A_256 = arith.constant 368 : index
    %swap3A_257 = tpu.vector_load %arg8[%swap3A_256] {strides = array<i32>} : memref<1024xi32, #tpu.memory_space<vmem>>, vector<16xi32>,
    tpu.vector_store %arg8[%swap3A_256], %broadcast_in_dim3A_66 {strides = array<i32>} : memref<1024xi32, #tpu.memory_space<vmem>>, vector<16xi32>,
    %swap3A_258 = arith.constant 384 : index
    %swap3A_259 = tpu.vector_load %arg5[%swap3A_258] {strides = array<i32>} : memref<1024xi32, #tpu.memory_space<vmem>>, vector<16xi32>,
    tpu.vector_store %arg5[%swap3A_258], %broadcast_in_dim3A_66 {strides = array<i32>} : memref<1024xi32, #tpu.memory_space<vmem>>, vector<16xi32>,
    %swap3A_260 = arith.constant 384 : index
    %swap3A_261 = tpu.vector_load %arg6[%swap3A_260] {strides = array<i32>} : memref<1024xi32, #tpu.memory_space<vmem>>, vector<16xi32>,
    tpu.vector_store %arg6[%swap3A_260], %broadcast_in_dim3A_66 {strides = array<i32>} : memref<1024xi32, #tpu.memory_space<vmem>>, vector<16xi32>,
    %swap3A_262 = arith.constant 384 : index
    %swap3A_263 = tpu.vector_load %arg7[%swap3A_262] {strides = array<i32>} : memref<1024xi32, #tpu.memory_space<vmem>>, vector<16xi32>,
    tpu.vector_store %arg7[%swap3A_262], %broadcast_in_dim3A_66 {strides = array<i32>} : memref<1024xi32, #tpu.memory_space<vmem>>, vector<16xi32>,
    %swap3A_264 = arith.constant 384 : index
    %swap3A_265 = tpu.vector_load %arg8[%swap3A_264] {strides = array<i32>} : memref<1024xi32, #tpu.memory_space<vmem>>, vector<16xi32>,
    tpu.vector_store %arg8[%swap3A_264], %broadcast_in_dim3A_66 {strides = array<i32>} : memref<1024xi32, #tpu.memory_space<vmem>>, vector<16xi32>,
    %swap3A_266 = arith.constant 400 : index
    %swap3A_267 = tpu.vector_load %arg5[%swap3A_266] {strides = array<i32>} : memref<1024xi32, #tpu.memory_space<vmem>>, vector<16xi32>,
    tpu.vector_store %arg5[%swap3A_266], %broadcast_in_dim3A_66 {strides = array<i32>} : memref<1024xi32, #tpu.memory_space<vmem>>, vector<16xi32>,
    %swap3A_268 = arith.constant 400 : index
    %swap3A_269 = tpu.vector_load %arg6[%swap3A_268] {strides = array<i32>} : memref<1024xi32, #tpu.memory_space<vmem>>, vector<16xi32>,
    tpu.vector_store %arg6[%swap3A_268], %broadcast_in_dim3A_66 {strides = array<i32>} : memref<1024xi32, #tpu.memory_space<vmem>>, vector<16xi32>,
    %swap3A_270 = arith.constant 400 : index
    %swap3A_271 = tpu.vector_load %arg7[%swap3A_270] {strides = array<i32>} : memref<1024xi32, #tpu.memory_space<vmem>>, vector<16xi32>,
    tpu.vector_store %arg7[%swap3A_270], %broadcast_in_dim3A_66 {strides = array<i32>} : memref<1024xi32, #tpu.memory_space<vmem>>, vector<16xi32>,
    %swap3A_272 = arith.constant 400 : index
    %swap3A_273 = tpu.vector_load %arg8[%swap3A_272] {strides = array<i32>} : memref<1024xi32, #tpu.memory_space<vmem>>, vector<16xi32>,
    tpu.vector_store %arg8[%swap3A_272], %broadcast_in_dim3A_66 {strides = array<i32>} : memref<1024xi32, #tpu.memory_space<vmem>>, vector<16xi32>,
    %swap3A_274 = arith.constant 416 : index
    %swap3A_275 = tpu.vector_load %arg5[%swap3A_274] {strides = array<i32>} : memref<1024xi32, #tpu.memory_space<vmem>>, vector<16xi32>,
    tpu.vector_store %arg5[%swap3A_274], %broadcast_in_dim3A_66 {strides = array<i32>} : memref<1024xi32, #tpu.memory_space<vmem>>, vector<16xi32>,
    %swap3A_276 = arith.constant 416 : index
    %swap3A_277 = tpu.vector_load %arg6[%swap3A_276] {strides = array<i32>} : memref<1024xi32, #tpu.memory_space<vmem>>, vector<16xi32>,
    tpu.vector_store %arg6[%swap3A_276], %broadcast_in_dim3A_66 {strides = array<i32>} : memref<1024xi32, #tpu.memory_space<vmem>>, vector<16xi32>,
    %swap3A_278 = arith.constant 416 : index
    %swap3A_279 = tpu.vector_load %arg7[%swap3A_278] {strides = array<i32>} : memref<1024xi32, #tpu.memory_space<vmem>>, vector<16xi32>,
    tpu.vector_store %arg7[%swap3A_278], %broadcast_in_dim3A_66 {strides = array<i32>} : memref<1024xi32, #tpu.memory_space<vmem>>, vector<16xi32>,
    %swap3A_280 = arith.constant 416 : index
    %swap3A_281 = tpu.vector_load %arg8[%swap3A_280] {strides = array<i32>} : memref<1024xi32, #tpu.memory_space<vmem>>, vector<16xi32>,
    tpu.vector_store %arg8[%swap3A_280], %broadcast_in_dim3A_66 {strides = array<i32>} : memref<1024xi32, #tpu.memory_space<vmem>>, vector<16xi32>,
    %swap3A_282 = arith.constant 432 : index
    %swap3A_283 = tpu.vector_load %arg5[%swap3A_282] {strides = array<i32>} : memref<1024xi32, #tpu.memory_space<vmem>>, vector<16xi32>,
    tpu.vector_store %arg5[%swap3A_282], %broadcast_in_dim3A_66 {strides = array<i32>} : memref<1024xi32, #tpu.memory_space<vmem>>, vector<16xi32>,
    %swap3A_284 = arith.constant 432 : index
    %swap3A_285 = tpu.vector_load %arg6[%swap3A_284] {strides = array<i32>} : memref<1024xi32, #tpu.memory_space<vmem>>, vector<16xi32>,
    tpu.vector_store %arg6[%swap3A_284], %broadcast_in_dim3A_66 {strides = array<i32>} : memref<1024xi32, #tpu.memory_space<vmem>>, vector<16xi32>,
    %swap3A_286 = arith.constant 432 : index
    %swap3A_287 = tpu.vector_load %arg7[%swap3A_286] {strides = array<i32>} : memref<1024xi32, #tpu.memory_space<vmem>>, vector<16xi32>,
    tpu.vector_store %arg7[%swap3A_286], %broadcast_in_dim3A_66 {strides = array<i32>} : memref<1024xi32, #tpu.memory_space<vmem>>, vector<16xi32>,
    %swap3A_288 = arith.constant 432 : index
    %swap3A_289 = tpu.vector_load %arg8[%swap3A_288] {strides = array<i32>} : memref<1024xi32, #tpu.memory_space<vmem>>, vector<16xi32>,
    tpu.vector_store %arg8[%swap3A_288], %broadcast_in_dim3A_66 {strides = array<i32>} : memref<1024xi32, #tpu.memory_space<vmem>>, vector<16xi32>,
    %swap3A_290 = arith.constant 448 : index
    %swap3A_291 = tpu.vector_load %arg5[%swap3A_290] {strides = array<i32>} : memref<1024xi32, #tpu.memory_space<vmem>>, vector<16xi32>,
    tpu.vector_store %arg5[%swap3A_290], %broadcast_in_dim3A_66 {strides = array<i32>} : memref<1024xi32, #tpu.memory_space<vmem>>, vector<16xi32>,
    %swap3A_292 = arith.constant 448 : index
    %swap3A_293 = tpu.vector_load %arg6[%swap3A_292] {strides = array<i32>} : memref<1024xi32, #tpu.memory_space<vmem>>, vector<16xi32>,
    tpu.vector_store %arg6[%swap3A_292], %broadcast_in_dim3A_66 {strides = array<i32>} : memref<1024xi32, #tpu.memory_space<vmem>>, vector<16xi32>,
    %swap3A_294 = arith.constant 448 : index
    %swap3A_295 = tpu.vector_load %arg7[%swap3A_294] {strides = array<i32>} : memref<1024xi32, #tpu.memory_space<vmem>>, vector<16xi32>,
    tpu.vector_store %arg7[%swap3A_294], %broadcast_in_dim3A_66 {strides = array<i32>} : memref<1024xi32, #tpu.memory_space<vmem>>, vector<16xi32>,
    %swap3A_296 = arith.constant 448 : index
    %swap3A_297 = tpu.vector_load %arg8[%swap3A_296] {strides = array<i32>} : memref<1024xi32, #tpu.memory_space<vmem>>, vector<16xi32>,
    tpu.vector_store %arg8[%swap3A_296], %broadcast_in_dim3A_66 {strides = array<i32>} : memref<1024xi32, #tpu.memory_space<vmem>>, vector<16xi32>,
    %swap3A_298 = arith.constant 464 : index
    %swap3A_299 = tpu.vector_load %arg5[%swap3A_298] {strides = array<i32>} : memref<1024xi32, #tpu.memory_space<vmem>>, vector<16xi32>,
    tpu.vector_store %arg5[%swap3A_298], %broadcast_in_dim3A_66 {strides = array<i32>} : memref<1024xi32, #tpu.memory_space<vmem>>, vector<16xi32>,
    %swap3A_300 = arith.constant 464 : index
    %swap3A_301 = tpu.vector_load %arg6[%swap3A_300] {strides = array<i32>} : memref<1024xi32, #tpu.memory_space<vmem>>, vector<16xi32>,
    tpu.vector_store %arg6[%swap3A_300], %broadcast_in_dim3A_66 {strides = array<i32>} : memref<1024xi32, #tpu.memory_space<vmem>>, vector<16xi32>,
    %swap3A_302 = arith.constant 464 : index
    %swap3A_303 = tpu.vector_load %arg7[%swap3A_302] {strides = array<i32>} : memref<1024xi32, #tpu.memory_space<vmem>>, vector<16xi32>,
    tpu.vector_store %arg7[%swap3A_302], %broadcast_in_dim3A_66 {strides = array<i32>} : memref<1024xi32, #tpu.memory_space<vmem>>, vector<16xi32>,
    %swap3A_304 = arith.constant 464 : index
    %swap3A_305 = tpu.vector_load %arg8[%swap3A_304] {strides = array<i32>} : memref<1024xi32, #tpu.memory_space<vmem>>, vector<16xi32>,
    tpu.vector_store %arg8[%swap3A_304], %broadcast_in_dim3A_66 {strides = array<i32>} : memref<1024xi32, #tpu.memory_space<vmem>>, vector<16xi32>,
    %swap3A_306 = arith.constant 480 : index
    %swap3A_307 = tpu.vector_load %arg5[%swap3A_306] {strides = array<i32>} : memref<1024xi32, #tpu.memory_space<vmem>>, vector<16xi32>,
    tpu.vector_store %arg5[%swap3A_306], %broadcast_in_dim3A_66 {strides = array<i32>} : memref<1024xi32, #tpu.memory_space<vmem>>, vector<16xi32>,
    %swap3A_308 = arith.constant 480 : index
    %swap3A_309 = tpu.vector_load %arg6[%swap3A_308] {strides = array<i32>} : memref<1024xi32, #tpu.memory_space<vmem>>, vector<16xi32>,
    tpu.vector_store %arg6[%swap3A_308], %broadcast_in_dim3A_66 {strides = array<i32>} : memref<1024xi32, #tpu.memory_space<vmem>>, vector<16xi32>,
    %swap3A_310 = arith.constant 480 : index
    %swap3A_311 = tpu.vector_load %arg7[%swap3A_310] {strides = array<i32>} : memref<1024xi32, #tpu.memory_space<vmem>>, vector<16xi32>,
    tpu.vector_store %arg7[%swap3A_310], %broadcast_in_dim3A_66 {strides = array<i32>} : memref<1024xi32, #tpu.memory_space<vmem>>, vector<16xi32>,
    %swap3A_312 = arith.constant 480 : index
    %swap3A_313 = tpu.vector_load %arg8[%swap3A_312] {strides = array<i32>} : memref<1024xi32, #tpu.memory_space<vmem>>, vector<16xi32>,
    tpu.vector_store %arg8[%swap3A_312], %broadcast_in_dim3A_66 {strides = array<i32>} : memref<1024xi32, #tpu.memory_space<vmem>>, vector<16xi32>,
    %swap3A_314 = arith.constant 496 : index
    %swap3A_315 = tpu.vector_load %arg5[%swap3A_314] {strides = array<i32>} : memref<1024xi32, #tpu.memory_space<vmem>>, vector<16xi32>,
    tpu.vector_store %arg5[%swap3A_314], %broadcast_in_dim3A_66 {strides = array<i32>} : memref<1024xi32, #tpu.memory_space<vmem>>, vector<16xi32>,
    %swap3A_316 = arith.constant 496 : index
    %swap3A_317 = tpu.vector_load %arg6[%swap3A_316] {strides = array<i32>} : memref<1024xi32, #tpu.memory_space<vmem>>, vector<16xi32>,
    tpu.vector_store %arg6[%swap3A_316], %broadcast_in_dim3A_66 {strides = array<i32>} : memref<1024xi32, #tpu.memory_space<vmem>>, vector<16xi32>,
    %swap3A_318 = arith.constant 496 : index
    %swap3A_319 = tpu.vector_load %arg7[%swap3A_318] {strides = array<i32>} : memref<1024xi32, #tpu.memory_space<vmem>>, vector<16xi32>,
    tpu.vector_store %arg7[%swap3A_318], %broadcast_in_dim3A_66 {strides = array<i32>} : memref<1024xi32, #tpu.memory_space<vmem>>, vector<16xi32>,
    %swap3A_320 = arith.constant 496 : index
    %swap3A_321 = tpu.vector_load %arg8[%swap3A_320] {strides = array<i32>} : memref<1024xi32, #tpu.memory_space<vmem>>, vector<16xi32>,
    tpu.vector_store %arg8[%swap3A_320], %broadcast_in_dim3A_66 {strides = array<i32>} : memref<1024xi32, #tpu.memory_space<vmem>>, vector<16xi32>,
    %swap3A_322 = arith.constant 512 : index
    %swap3A_323 = tpu.vector_load %arg5[%swap3A_322] {strides = array<i32>} : memref<1024xi32, #tpu.memory_space<vmem>>, vector<16xi32>,
    tpu.vector_store %arg5[%swap3A_322], %broadcast_in_dim3A_66 {strides = array<i32>} : memref<1024xi32, #tpu.memory_space<vmem>>, vector<16xi32>,
    %swap3A_324 = arith.constant 512 : index
    %swap3A_325 = tpu.vector_load %arg6[%swap3A_324] {strides = array<i32>} : memref<1024xi32, #tpu.memory_space<vmem>>, vector<16xi32>,
    tpu.vector_store %arg6[%swap3A_324], %broadcast_in_dim3A_66 {strides = array<i32>} : memref<1024xi32, #tpu.memory_space<vmem>>, vector<16xi32>,
    %swap3A_326 = arith.constant 512 : index
    %swap3A_327 = tpu.vector_load %arg7[%swap3A_326] {strides = array<i32>} : memref<1024xi32, #tpu.memory_space<vmem>>, vector<16xi32>,
    tpu.vector_store %arg7[%swap3A_326], %broadcast_in_dim3A_66 {strides = array<i32>} : memref<1024xi32, #tpu.memory_space<vmem>>, vector<16xi32>,
    %swap3A_328 = arith.constant 512 : index
    %swap3A_329 = tpu.vector_load %arg8[%swap3A_328] {strides = array<i32>} : memref<1024xi32, #tpu.memory_space<vmem>>, vector<16xi32>,
    tpu.vector_store %arg8[%swap3A_328], %broadcast_in_dim3A_66 {strides = array<i32>} : memref<1024xi32, #tpu.memory_space<vmem>>, vector<16xi32>,
    %swap3A_330 = arith.constant 528 : index
    %swap3A_331 = tpu.vector_load %arg5[%swap3A_330] {strides = array<i32>} : memref<1024xi32, #tpu.memory_space<vmem>>, vector<16xi32>,
    tpu.vector_store %arg5[%swap3A_330], %broadcast_in_dim3A_66 {strides = array<i32>} : memref<1024xi32, #tpu.memory_space<vmem>>, vector<16xi32>,
    %swap3A_332 = arith.constant 528 : index
    %swap3A_333 = tpu.vector_load %arg6[%swap3A_332] {strides = array<i32>} : memref<1024xi32, #tpu.memory_space<vmem>>, vector<16xi32>,
    tpu.vector_store %arg6[%swap3A_332], %broadcast_in_dim3A_66 {strides = array<i32>} : memref<1024xi32, #tpu.memory_space<vmem>>, vector<16xi32>,
    %swap3A_334 = arith.constant 528 : index
    %swap3A_335 = tpu.vector_load %arg7[%swap3A_334] {strides = array<i32>} : memref<1024xi32, #tpu.memory_space<vmem>>, vector<16xi32>,
    tpu.vector_store %arg7[%swap3A_334], %broadcast_in_dim3A_66 {strides = array<i32>} : memref<1024xi32, #tpu.memory_space<vmem>>, vector<16xi32>,
    %swap3A_336 = arith.constant 528 : index
    %swap3A_337 = tpu.vector_load %arg8[%swap3A_336] {strides = array<i32>} : memref<1024xi32, #tpu.memory_space<vmem>>, vector<16xi32>,
    tpu.vector_store %arg8[%swap3A_336], %broadcast_in_dim3A_66 {strides = array<i32>} : memref<1024xi32, #tpu.memory_space<vmem>>, vector<16xi32>,
    %swap3A_338 = arith.constant 544 : index
    %swap3A_339 = tpu.vector_load %arg5[%swap3A_338] {strides = array<i32>} : memref<1024xi32, #tpu.memory_space<vmem>>, vector<16xi32>,
    tpu.vector_store %arg5[%swap3A_338], %broadcast_in_dim3A_66 {strides = array<i32>} : memref<1024xi32, #tpu.memory_space<vmem>>, vector<16xi32>,
    %swap3A_340 = arith.constant 544 : index
    %swap3A_341 = tpu.vector_load %arg6[%swap3A_340] {strides = array<i32>} : memref<1024xi32, #tpu.memory_space<vmem>>, vector<16xi32>,
    tpu.vector_store %arg6[%swap3A_340], %broadcast_in_dim3A_66 {strides = array<i32>} : memref<1024xi32, #tpu.memory_space<vmem>>, vector<16xi32>,
    %swap3A_342 = arith.constant 544 : index
    %swap3A_343 = tpu.vector_load %arg7[%swap3A_342] {strides = array<i32>} : memref<1024xi32, #tpu.memory_space<vmem>>, vector<16xi32>,
    tpu.vector_store %arg7[%swap3A_342], %broadcast_in_dim3A_66 {strides = array<i32>} : memref<1024xi32, #tpu.memory_space<vmem>>, vector<16xi32>,
    %swap3A_344 = arith.constant 544 : index
    %swap3A_345 = tpu.vector_load %arg8[%swap3A_344] {strides = array<i32>} : memref<1024xi32, #tpu.memory_space<vmem>>, vector<16xi32>,
    tpu.vector_store %arg8[%swap3A_344], %broadcast_in_dim3A_66 {strides = array<i32>} : memref<1024xi32, #tpu.memory_space<vmem>>, vector<16xi32>,
    %swap3A_346 = arith.constant 560 : index
    %swap3A_347 = tpu.vector_load %arg5[%swap3A_346] {strides = array<i32>} : memref<1024xi32, #tpu.memory_space<vmem>>, vector<16xi32>,
    tpu.vector_store %arg5[%swap3A_346], %broadcast_in_dim3A_66 {strides = array<i32>} : memref<1024xi32, #tpu.memory_space<vmem>>, vector<16xi32>,
    %swap3A_348 = arith.constant 560 : index
    %swap3A_349 = tpu.vector_load %arg6[%swap3A_348] {strides = array<i32>} : memref<1024xi32, #tpu.memory_space<vmem>>, vector<16xi32>,
    tpu.vector_store %arg6[%swap3A_348], %broadcast_in_dim3A_66 {strides = array<i32>} : memref<1024xi32, #tpu.memory_space<vmem>>, vector<16xi32>,
    %swap3A_350 = arith.constant 560 : index
    %swap3A_351 = tpu.vector_load %arg7[%swap3A_350] {strides = array<i32>} : memref<1024xi32, #tpu.memory_space<vmem>>, vector<16xi32>,
    tpu.vector_store %arg7[%swap3A_350], %broadcast_in_dim3A_66 {strides = array<i32>} : memref<1024xi32, #tpu.memory_space<vmem>>, vector<16xi32>,
    %swap3A_352 = arith.constant 560 : index
    %swap3A_353 = tpu.vector_load %arg8[%swap3A_352] {strides = array<i32>} : memref<1024xi32, #tpu.memory_space<vmem>>, vector<16xi32>,
    tpu.vector_store %arg8[%swap3A_352], %broadcast_in_dim3A_66 {strides = array<i32>} : memref<1024xi32, #tpu.memory_space<vmem>>, vector<16xi32>,
    %swap3A_354 = arith.constant 576 : index
    %swap3A_355 = tpu.vector_load %arg5[%swap3A_354] {strides = array<i32>} : memref<1024xi32, #tpu.memory_space<vmem>>, vector<16xi32>,
    tpu.vector_store %arg5[%swap3A_354], %broadcast_in_dim3A_66 {strides = array<i32>} : memref<1024xi32, #tpu.memory_space<vmem>>, vector<16xi32>,
    %swap3A_356 = arith.constant 576 : index
    %swap3A_357 = tpu.vector_load %arg6[%swap3A_356] {strides = array<i32>} : memref<1024xi32, #tpu.memory_space<vmem>>, vector<16xi32>,
    tpu.vector_store %arg6[%swap3A_356], %broadcast_in_dim3A_66 {strides = array<i32>} : memref<1024xi32, #tpu.memory_space<vmem>>, vector<16xi32>,
    %swap3A_358 = arith.constant 576 : index
    %swap3A_359 = tpu.vector_load %arg7[%swap3A_358] {strides = array<i32>} : memref<1024xi32, #tpu.memory_space<vmem>>, vector<16xi32>,
    tpu.vector_store %arg7[%swap3A_358], %broadcast_in_dim3A_66 {strides = array<i32>} : memref<1024xi32, #tpu.memory_space<vmem>>, vector<16xi32>,
    %swap3A_360 = arith.constant 576 : index
    %swap3A_361 = tpu.vector_load %arg8[%swap3A_360] {strides = array<i32>} : memref<1024xi32, #tpu.memory_space<vmem>>, vector<16xi32>,
    tpu.vector_store %arg8[%swap3A_360], %broadcast_in_dim3A_66 {strides = array<i32>} : memref<1024xi32, #tpu.memory_space<vmem>>, vector<16xi32>,
    %swap3A_362 = arith.constant 592 : index
    %swap3A_363 = tpu.vector_load %arg5[%swap3A_362] {strides = array<i32>} : memref<1024xi32, #tpu.memory_space<vmem>>, vector<16xi32>,
    tpu.vector_store %arg5[%swap3A_362], %broadcast_in_dim3A_66 {strides = array<i32>} : memref<1024xi32, #tpu.memory_space<vmem>>, vector<16xi32>,
    %swap3A_364 = arith.constant 592 : index
    %swap3A_365 = tpu.vector_load %arg6[%swap3A_364] {strides = array<i32>} : memref<1024xi32, #tpu.memory_space<vmem>>, vector<16xi32>,
    tpu.vector_store %arg6[%swap3A_364], %broadcast_in_dim3A_66 {strides = array<i32>} : memref<1024xi32, #tpu.memory_space<vmem>>, vector<16xi32>,
    %swap3A_366 = arith.constant 592 : index
    %swap3A_367 = tpu.vector_load %arg7[%swap3A_366] {strides = array<i32>} : memref<1024xi32, #tpu.memory_space<vmem>>, vector<16xi32>,
    tpu.vector_store %arg7[%swap3A_366], %broadcast_in_dim3A_66 {strides = array<i32>} : memref<1024xi32, #tpu.memory_space<vmem>>, vector<16xi32>,
    %swap3A_368 = arith.constant 592 : index
    %swap3A_369 = tpu.vector_load %arg8[%swap3A_368] {strides = array<i32>} : memref<1024xi32, #tpu.memory_space<vmem>>, vector<16xi32>,
    tpu.vector_store %arg8[%swap3A_368], %broadcast_in_dim3A_66 {strides = array<i32>} : memref<1024xi32, #tpu.memory_space<vmem>>, vector<16xi32>,
    %swap3A_370 = arith.constant 608 : index
    %swap3A_371 = tpu.vector_load %arg5[%swap3A_370] {strides = array<i32>} : memref<1024xi32, #tpu.memory_space<vmem>>, vector<16xi32>,
    tpu.vector_store %arg5[%swap3A_370], %broadcast_in_dim3A_66 {strides = array<i32>} : memref<1024xi32, #tpu.memory_space<vmem>>, vector<16xi32>,
    %swap3A_372 = arith.constant 608 : index
    %swap3A_373 = tpu.vector_load %arg6[%swap3A_372] {strides = array<i32>} : memref<1024xi32, #tpu.memory_space<vmem>>, vector<16xi32>,
    tpu.vector_store %arg6[%swap3A_372], %broadcast_in_dim3A_66 {strides = array<i32>} : memref<1024xi32, #tpu.memory_space<vmem>>, vector<16xi32>,
    %swap3A_374 = arith.constant 608 : index
    %swap3A_375 = tpu.vector_load %arg7[%swap3A_374] {strides = array<i32>} : memref<1024xi32, #tpu.memory_space<vmem>>, vector<16xi32>,
    tpu.vector_store %arg7[%swap3A_374], %broadcast_in_dim3A_66 {strides = array<i32>} : memref<1024xi32, #tpu.memory_space<vmem>>, vector<16xi32>,
    %swap3A_376 = arith.constant 608 : index
    %swap3A_377 = tpu.vector_load %arg8[%swap3A_376] {strides = array<i32>} : memref<1024xi32, #tpu.memory_space<vmem>>, vector<16xi32>,
    tpu.vector_store %arg8[%swap3A_376], %broadcast_in_dim3A_66 {strides = array<i32>} : memref<1024xi32, #tpu.memory_space<vmem>>, vector<16xi32>,
    %swap3A_378 = arith.constant 624 : index
    %swap3A_379 = tpu.vector_load %arg5[%swap3A_378] {strides = array<i32>} : memref<1024xi32, #tpu.memory_space<vmem>>, vector<16xi32>,
    tpu.vector_store %arg5[%swap3A_378], %broadcast_in_dim3A_66 {strides = array<i32>} : memref<1024xi32, #tpu.memory_space<vmem>>, vector<16xi32>,
    %swap3A_380 = arith.constant 624 : index
    %swap3A_381 = tpu.vector_load %arg6[%swap3A_380] {strides = array<i32>} : memref<1024xi32, #tpu.memory_space<vmem>>, vector<16xi32>,
    tpu.vector_store %arg6[%swap3A_380], %broadcast_in_dim3A_66 {strides = array<i32>} : memref<1024xi32, #tpu.memory_space<vmem>>, vector<16xi32>,
    %swap3A_382 = arith.constant 624 : index
    %swap3A_383 = tpu.vector_load %arg7[%swap3A_382] {strides = array<i32>} : memref<1024xi32, #tpu.memory_space<vmem>>, vector<16xi32>,
    tpu.vector_store %arg7[%swap3A_382], %broadcast_in_dim3A_66 {strides = array<i32>} : memref<1024xi32, #tpu.memory_space<vmem>>, vector<16xi32>,
    %swap3A_384 = arith.constant 624 : index
    %swap3A_385 = tpu.vector_load %arg8[%swap3A_384] {strides = array<i32>} : memref<1024xi32, #tpu.memory_space<vmem>>, vector<16xi32>,
    tpu.vector_store %arg8[%swap3A_384], %broadcast_in_dim3A_66 {strides = array<i32>} : memref<1024xi32, #tpu.memory_space<vmem>>, vector<16xi32>,
    %swap3A_386 = arith.constant 640 : index
    %swap3A_387 = tpu.vector_load %arg5[%swap3A_386] {strides = array<i32>} : memref<1024xi32, #tpu.memory_space<vmem>>, vector<16xi32>,
    tpu.vector_store %arg5[%swap3A_386], %broadcast_in_dim3A_66 {strides = array<i32>} : memref<1024xi32, #tpu.memory_space<vmem>>, vector<16xi32>,
    %swap3A_388 = arith.constant 640 : index
    %swap3A_389 = tpu.vector_load %arg6[%swap3A_388] {strides = array<i32>} : memref<1024xi32, #tpu.memory_space<vmem>>, vector<16xi32>,
    tpu.vector_store %arg6[%swap3A_388], %broadcast_in_dim3A_66 {strides = array<i32>} : memref<1024xi32, #tpu.memory_space<vmem>>, vector<16xi32>,
    %swap3A_390 = arith.constant 640 : index
    %swap3A_391 = tpu.vector_load %arg7[%swap3A_390] {strides = array<i32>} : memref<1024xi32, #tpu.memory_space<vmem>>, vector<16xi32>,
    tpu.vector_store %arg7[%swap3A_390], %broadcast_in_dim3A_66 {strides = array<i32>} : memref<1024xi32, #tpu.memory_space<vmem>>, vector<16xi32>,
    %swap3A_392 = arith.constant 640 : index
    %swap3A_393 = tpu.vector_load %arg8[%swap3A_392] {strides = array<i32>} : memref<1024xi32, #tpu.memory_space<vmem>>, vector<16xi32>,
    tpu.vector_store %arg8[%swap3A_392], %broadcast_in_dim3A_66 {strides = array<i32>} : memref<1024xi32, #tpu.memory_space<vmem>>, vector<16xi32>,
    %swap3A_394 = arith.constant 656 : index
    %swap3A_395 = tpu.vector_load %arg5[%swap3A_394] {strides = array<i32>} : memref<1024xi32, #tpu.memory_space<vmem>>, vector<16xi32>,
    tpu.vector_store %arg5[%swap3A_394], %broadcast_in_dim3A_66 {strides = array<i32>} : memref<1024xi32, #tpu.memory_space<vmem>>, vector<16xi32>,
    %swap3A_396 = arith.constant 656 : index
    %swap3A_397 = tpu.vector_load %arg6[%swap3A_396] {strides = array<i32>} : memref<1024xi32, #tpu.memory_space<vmem>>, vector<16xi32>,
    tpu.vector_store %arg6[%swap3A_396], %broadcast_in_dim3A_66 {strides = array<i32>} : memref<1024xi32, #tpu.memory_space<vmem>>, vector<16xi32>,
    %swap3A_398 = arith.constant 656 : index
    %swap3A_399 = tpu.vector_load %arg7[%swap3A_398] {strides = array<i32>} : memref<1024xi32, #tpu.memory_space<vmem>>, vector<16xi32>,
    tpu.vector_store %arg7[%swap3A_398], %broadcast_in_dim3A_66 {strides = array<i32>} : memref<1024xi32, #tpu.memory_space<vmem>>, vector<16xi32>,
    %swap3A_400 = arith.constant 656 : index
    %swap3A_401 = tpu.vector_load %arg8[%swap3A_400] {strides = array<i32>} : memref<1024xi32, #tpu.memory_space<vmem>>, vector<16xi32>,
    tpu.vector_store %arg8[%swap3A_400], %broadcast_in_dim3A_66 {strides = array<i32>} : memref<1024xi32, #tpu.memory_space<vmem>>, vector<16xi32>,
    %swap3A_402 = arith.constant 672 : index
    %swap3A_403 = tpu.vector_load %arg5[%swap3A_402] {strides = array<i32>} : memref<1024xi32, #tpu.memory_space<vmem>>, vector<16xi32>,
    tpu.vector_store %arg5[%swap3A_402], %broadcast_in_dim3A_66 {strides = array<i32>} : memref<1024xi32, #tpu.memory_space<vmem>>, vector<16xi32>,
    %swap3A_404 = arith.constant 672 : index
    %swap3A_405 = tpu.vector_load %arg6[%swap3A_404] {strides = array<i32>} : memref<1024xi32, #tpu.memory_space<vmem>>, vector<16xi32>,
    tpu.vector_store %arg6[%swap3A_404], %broadcast_in_dim3A_66 {strides = array<i32>} : memref<1024xi32, #tpu.memory_space<vmem>>, vector<16xi32>,
    %swap3A_406 = arith.constant 672 : index
    %swap3A_407 = tpu.vector_load %arg7[%swap3A_406] {strides = array<i32>} : memref<1024xi32, #tpu.memory_space<vmem>>, vector<16xi32>,
    tpu.vector_store %arg7[%swap3A_406], %broadcast_in_dim3A_66 {strides = array<i32>} : memref<1024xi32, #tpu.memory_space<vmem>>, vector<16xi32>,
    %swap3A_408 = arith.constant 672 : index
    %swap3A_409 = tpu.vector_load %arg8[%swap3A_408] {strides = array<i32>} : memref<1024xi32, #tpu.memory_space<vmem>>, vector<16xi32>,
    tpu.vector_store %arg8[%swap3A_408], %broadcast_in_dim3A_66 {strides = array<i32>} : memref<1024xi32, #tpu.memory_space<vmem>>, vector<16xi32>,
    %swap3A_410 = arith.constant 688 : index
    %swap3A_411 = tpu.vector_load %arg5[%swap3A_410] {strides = array<i32>} : memref<1024xi32, #tpu.memory_space<vmem>>, vector<16xi32>,
    tpu.vector_store %arg5[%swap3A_410], %broadcast_in_dim3A_66 {strides = array<i32>} : memref<1024xi32, #tpu.memory_space<vmem>>, vector<16xi32>,
    %swap3A_412 = arith.constant 688 : index
    %swap3A_413 = tpu.vector_load %arg6[%swap3A_412] {strides = array<i32>} : memref<1024xi32, #tpu.memory_space<vmem>>, vector<16xi32>,
    tpu.vector_store %arg6[%swap3A_412], %broadcast_in_dim3A_66 {strides = array<i32>} : memref<1024xi32, #tpu.memory_space<vmem>>, vector<16xi32>,
    %swap3A_414 = arith.constant 688 : index
    %swap3A_415 = tpu.vector_load %arg7[%swap3A_414] {strides = array<i32>} : memref<1024xi32, #tpu.memory_space<vmem>>, vector<16xi32>,
    tpu.vector_store %arg7[%swap3A_414], %broadcast_in_dim3A_66 {strides = array<i32>} : memref<1024xi32, #tpu.memory_space<vmem>>, vector<16xi32>,
    %swap3A_416 = arith.constant 688 : index
    %swap3A_417 = tpu.vector_load %arg8[%swap3A_416] {strides = array<i32>} : memref<1024xi32, #tpu.memory_space<vmem>>, vector<16xi32>,
    tpu.vector_store %arg8[%swap3A_416], %broadcast_in_dim3A_66 {strides = array<i32>} : memref<1024xi32, #tpu.memory_space<vmem>>, vector<16xi32>,
    %swap3A_418 = arith.constant 704 : index
    %swap3A_419 = tpu.vector_load %arg5[%swap3A_418] {strides = array<i32>} : memref<1024xi32, #tpu.memory_space<vmem>>, vector<16xi32>,
    tpu.vector_store %arg5[%swap3A_418], %broadcast_in_dim3A_66 {strides = array<i32>} : memref<1024xi32, #tpu.memory_space<vmem>>, vector<16xi32>,
    %swap3A_420 = arith.constant 704 : index
    %swap3A_421 = tpu.vector_load %arg6[%swap3A_420] {strides = array<i32>} : memref<1024xi32, #tpu.memory_space<vmem>>, vector<16xi32>,
    tpu.vector_store %arg6[%swap3A_420], %broadcast_in_dim3A_66 {strides = array<i32>} : memref<1024xi32, #tpu.memory_space<vmem>>, vector<16xi32>,
    %swap3A_422 = arith.constant 704 : index
    %swap3A_423 = tpu.vector_load %arg7[%swap3A_422] {strides = array<i32>} : memref<1024xi32, #tpu.memory_space<vmem>>, vector<16xi32>,
    tpu.vector_store %arg7[%swap3A_422], %broadcast_in_dim3A_66 {strides = array<i32>} : memref<1024xi32, #tpu.memory_space<vmem>>, vector<16xi32>,
    %swap3A_424 = arith.constant 704 : index
    %swap3A_425 = tpu.vector_load %arg8[%swap3A_424] {strides = array<i32>} : memref<1024xi32, #tpu.memory_space<vmem>>, vector<16xi32>,
    tpu.vector_store %arg8[%swap3A_424], %broadcast_in_dim3A_66 {strides = array<i32>} : memref<1024xi32, #tpu.memory_space<vmem>>, vector<16xi32>,
    %swap3A_426 = arith.constant 720 : index
    %swap3A_427 = tpu.vector_load %arg5[%swap3A_426] {strides = array<i32>} : memref<1024xi32, #tpu.memory_space<vmem>>, vector<16xi32>,
    tpu.vector_store %arg5[%swap3A_426], %broadcast_in_dim3A_66 {strides = array<i32>} : memref<1024xi32, #tpu.memory_space<vmem>>, vector<16xi32>,
    %swap3A_428 = arith.constant 720 : index
    %swap3A_429 = tpu.vector_load %arg6[%swap3A_428] {strides = array<i32>} : memref<1024xi32, #tpu.memory_space<vmem>>, vector<16xi32>,
    tpu.vector_store %arg6[%swap3A_428], %broadcast_in_dim3A_66 {strides = array<i32>} : memref<1024xi32, #tpu.memory_space<vmem>>, vector<16xi32>,
    %swap3A_430 = arith.constant 720 : index
    %swap3A_431 = tpu.vector_load %arg7[%swap3A_430] {strides = array<i32>} : memref<1024xi32, #tpu.memory_space<vmem>>, vector<16xi32>,
    tpu.vector_store %arg7[%swap3A_430], %broadcast_in_dim3A_66 {strides = array<i32>} : memref<1024xi32, #tpu.memory_space<vmem>>, vector<16xi32>,
    %swap3A_432 = arith.constant 720 : index
    %swap3A_433 = tpu.vector_load %arg8[%swap3A_432] {strides = array<i32>} : memref<1024xi32, #tpu.memory_space<vmem>>, vector<16xi32>,
    tpu.vector_store %arg8[%swap3A_432], %broadcast_in_dim3A_66 {strides = array<i32>} : memref<1024xi32, #tpu.memory_space<vmem>>, vector<16xi32>,
    %swap3A_434 = arith.constant 736 : index
    %swap3A_435 = tpu.vector_load %arg5[%swap3A_434] {strides = array<i32>} : memref<1024xi32, #tpu.memory_space<vmem>>, vector<16xi32>,
    tpu.vector_store %arg5[%swap3A_434], %broadcast_in_dim3A_66 {strides = array<i32>} : memref<1024xi32, #tpu.memory_space<vmem>>, vector<16xi32>,
    %swap3A_436 = arith.constant 736 : index
    %swap3A_437 = tpu.vector_load %arg6[%swap3A_436] {strides = array<i32>} : memref<1024xi32, #tpu.memory_space<vmem>>, vector<16xi32>,
    tpu.vector_store %arg6[%swap3A_436], %broadcast_in_dim3A_66 {strides = array<i32>} : memref<1024xi32, #tpu.memory_space<vmem>>, vector<16xi32>,
    %swap3A_438 = arith.constant 736 : index
    %swap3A_439 = tpu.vector_load %arg7[%swap3A_438] {strides = array<i32>} : memref<1024xi32, #tpu.memory_space<vmem>>, vector<16xi32>,
    tpu.vector_store %arg7[%swap3A_438], %broadcast_in_dim3A_66 {strides = array<i32>} : memref<1024xi32, #tpu.memory_space<vmem>>, vector<16xi32>,
    %swap3A_440 = arith.constant 736 : index
    %swap3A_441 = tpu.vector_load %arg8[%swap3A_440] {strides = array<i32>} : memref<1024xi32, #tpu.memory_space<vmem>>, vector<16xi32>,
    tpu.vector_store %arg8[%swap3A_440], %broadcast_in_dim3A_66 {strides = array<i32>} : memref<1024xi32, #tpu.memory_space<vmem>>, vector<16xi32>,
    %swap3A_442 = arith.constant 752 : index
    %swap3A_443 = tpu.vector_load %arg5[%swap3A_442] {strides = array<i32>} : memref<1024xi32, #tpu.memory_space<vmem>>, vector<16xi32>,
    tpu.vector_store %arg5[%swap3A_442], %broadcast_in_dim3A_66 {strides = array<i32>} : memref<1024xi32, #tpu.memory_space<vmem>>, vector<16xi32>,
    %swap3A_444 = arith.constant 752 : index
    %swap3A_445 = tpu.vector_load %arg6[%swap3A_444] {strides = array<i32>} : memref<1024xi32, #tpu.memory_space<vmem>>, vector<16xi32>,
    tpu.vector_store %arg6[%swap3A_444], %broadcast_in_dim3A_66 {strides = array<i32>} : memref<1024xi32, #tpu.memory_space<vmem>>, vector<16xi32>,
    %swap3A_446 = arith.constant 752 : index
    %swap3A_447 = tpu.vector_load %arg7[%swap3A_446] {strides = array<i32>} : memref<1024xi32, #tpu.memory_space<vmem>>, vector<16xi32>,
    tpu.vector_store %arg7[%swap3A_446], %broadcast_in_dim3A_66 {strides = array<i32>} : memref<1024xi32, #tpu.memory_space<vmem>>, vector<16xi32>,
    %swap3A_448 = arith.constant 752 : index
    %swap3A_449 = tpu.vector_load %arg8[%swap3A_448] {strides = array<i32>} : memref<1024xi32, #tpu.memory_space<vmem>>, vector<16xi32>,
    tpu.vector_store %arg8[%swap3A_448], %broadcast_in_dim3A_66 {strides = array<i32>} : memref<1024xi32, #tpu.memory_space<vmem>>, vector<16xi32>,
    %swap3A_450 = arith.constant 768 : index
    %swap3A_451 = tpu.vector_load %arg5[%swap3A_450] {strides = array<i32>} : memref<1024xi32, #tpu.memory_space<vmem>>, vector<16xi32>,
    tpu.vector_store %arg5[%swap3A_450], %broadcast_in_dim3A_66 {strides = array<i32>} : memref<1024xi32, #tpu.memory_space<vmem>>, vector<16xi32>,
    %swap3A_452 = arith.constant 768 : index
    %swap3A_453 = tpu.vector_load %arg6[%swap3A_452] {strides = array<i32>} : memref<1024xi32, #tpu.memory_space<vmem>>, vector<16xi32>,
    tpu.vector_store %arg6[%swap3A_452], %broadcast_in_dim3A_66 {strides = array<i32>} : memref<1024xi32, #tpu.memory_space<vmem>>, vector<16xi32>,
    %swap3A_454 = arith.constant 768 : index
    %swap3A_455 = tpu.vector_load %arg7[%swap3A_454] {strides = array<i32>} : memref<1024xi32, #tpu.memory_space<vmem>>, vector<16xi32>,
    tpu.vector_store %arg7[%swap3A_454], %broadcast_in_dim3A_66 {strides = array<i32>} : memref<1024xi32, #tpu.memory_space<vmem>>, vector<16xi32>,
    %swap3A_456 = arith.constant 768 : index
    %swap3A_457 = tpu.vector_load %arg8[%swap3A_456] {strides = array<i32>} : memref<1024xi32, #tpu.memory_space<vmem>>, vector<16xi32>,
    tpu.vector_store %arg8[%swap3A_456], %broadcast_in_dim3A_66 {strides = array<i32>} : memref<1024xi32, #tpu.memory_space<vmem>>, vector<16xi32>,
    %swap3A_458 = arith.constant 784 : index
    %swap3A_459 = tpu.vector_load %arg5[%swap3A_458] {strides = array<i32>} : memref<1024xi32, #tpu.memory_space<vmem>>, vector<16xi32>,
    tpu.vector_store %arg5[%swap3A_458], %broadcast_in_dim3A_66 {strides = array<i32>} : memref<1024xi32, #tpu.memory_space<vmem>>, vector<16xi32>,
    %swap3A_460 = arith.constant 784 : index
    %swap3A_461 = tpu.vector_load %arg6[%swap3A_460] {strides = array<i32>} : memref<1024xi32, #tpu.memory_space<vmem>>, vector<16xi32>,
    tpu.vector_store %arg6[%swap3A_460], %broadcast_in_dim3A_66 {strides = array<i32>} : memref<1024xi32, #tpu.memory_space<vmem>>, vector<16xi32>,
    %swap3A_462 = arith.constant 784 : index
    %swap3A_463 = tpu.vector_load %arg7[%swap3A_462] {strides = array<i32>} : memref<1024xi32, #tpu.memory_space<vmem>>, vector<16xi32>,
    tpu.vector_store %arg7[%swap3A_462], %broadcast_in_dim3A_66 {strides = array<i32>} : memref<1024xi32, #tpu.memory_space<vmem>>, vector<16xi32>,
    %swap3A_464 = arith.constant 784 : index
    %swap3A_465 = tpu.vector_load %arg8[%swap3A_464] {strides = array<i32>} : memref<1024xi32, #tpu.memory_space<vmem>>, vector<16xi32>,
    tpu.vector_store %arg8[%swap3A_464], %broadcast_in_dim3A_66 {strides = array<i32>} : memref<1024xi32, #tpu.memory_space<vmem>>, vector<16xi32>,
    %swap3A_466 = arith.constant 800 : index
    %swap3A_467 = tpu.vector_load %arg5[%swap3A_466] {strides = array<i32>} : memref<1024xi32, #tpu.memory_space<vmem>>, vector<16xi32>,
    tpu.vector_store %arg5[%swap3A_466], %broadcast_in_dim3A_66 {strides = array<i32>} : memref<1024xi32, #tpu.memory_space<vmem>>, vector<16xi32>,
    %swap3A_468 = arith.constant 800 : index
    %swap3A_469 = tpu.vector_load %arg6[%swap3A_468] {strides = array<i32>} : memref<1024xi32, #tpu.memory_space<vmem>>, vector<16xi32>,
    tpu.vector_store %arg6[%swap3A_468], %broadcast_in_dim3A_66 {strides = array<i32>} : memref<1024xi32, #tpu.memory_space<vmem>>, vector<16xi32>,
    %swap3A_470 = arith.constant 800 : index
    %swap3A_471 = tpu.vector_load %arg7[%swap3A_470] {strides = array<i32>} : memref<1024xi32, #tpu.memory_space<vmem>>, vector<16xi32>,
    tpu.vector_store %arg7[%swap3A_470], %broadcast_in_dim3A_66 {strides = array<i32>} : memref<1024xi32, #tpu.memory_space<vmem>>, vector<16xi32>,
    %swap3A_472 = arith.constant 800 : index
    %swap3A_473 = tpu.vector_load %arg8[%swap3A_472] {strides = array<i32>} : memref<1024xi32, #tpu.memory_space<vmem>>, vector<16xi32>,
    tpu.vector_store %arg8[%swap3A_472], %broadcast_in_dim3A_66 {strides = array<i32>} : memref<1024xi32, #tpu.memory_space<vmem>>, vector<16xi32>,
    %swap3A_474 = arith.constant 816 : index
    %swap3A_475 = tpu.vector_load %arg5[%swap3A_474] {strides = array<i32>} : memref<1024xi32, #tpu.memory_space<vmem>>, vector<16xi32>,
    tpu.vector_store %arg5[%swap3A_474], %broadcast_in_dim3A_66 {strides = array<i32>} : memref<1024xi32, #tpu.memory_space<vmem>>, vector<16xi32>,
    %swap3A_476 = arith.constant 816 : index
    %swap3A_477 = tpu.vector_load %arg6[%swap3A_476] {strides = array<i32>} : memref<1024xi32, #tpu.memory_space<vmem>>, vector<16xi32>,
    tpu.vector_store %arg6[%swap3A_476], %broadcast_in_dim3A_66 {strides = array<i32>} : memref<1024xi32, #tpu.memory_space<vmem>>, vector<16xi32>,
    %swap3A_478 = arith.constant 816 : index
    %swap3A_479 = tpu.vector_load %arg7[%swap3A_478] {strides = array<i32>} : memref<1024xi32, #tpu.memory_space<vmem>>, vector<16xi32>,
    tpu.vector_store %arg7[%swap3A_478], %broadcast_in_dim3A_66 {strides = array<i32>} : memref<1024xi32, #tpu.memory_space<vmem>>, vector<16xi32>,
    %swap3A_480 = arith.constant 816 : index
    %swap3A_481 = tpu.vector_load %arg8[%swap3A_480] {strides = array<i32>} : memref<1024xi32, #tpu.memory_space<vmem>>, vector<16xi32>,
    tpu.vector_store %arg8[%swap3A_480], %broadcast_in_dim3A_66 {strides = array<i32>} : memref<1024xi32, #tpu.memory_space<vmem>>, vector<16xi32>,
    %swap3A_482 = arith.constant 832 : index
    %swap3A_483 = tpu.vector_load %arg5[%swap3A_482] {strides = array<i32>} : memref<1024xi32, #tpu.memory_space<vmem>>, vector<16xi32>,
    tpu.vector_store %arg5[%swap3A_482], %broadcast_in_dim3A_66 {strides = array<i32>} : memref<1024xi32, #tpu.memory_space<vmem>>, vector<16xi32>,
    %swap3A_484 = arith.constant 832 : index
    %swap3A_485 = tpu.vector_load %arg6[%swap3A_484] {strides = array<i32>} : memref<1024xi32, #tpu.memory_space<vmem>>, vector<16xi32>,
    tpu.vector_store %arg6[%swap3A_484], %broadcast_in_dim3A_66 {strides = array<i32>} : memref<1024xi32, #tpu.memory_space<vmem>>, vector<16xi32>,
    %swap3A_486 = arith.constant 832 : index
    %swap3A_487 = tpu.vector_load %arg7[%swap3A_486] {strides = array<i32>} : memref<1024xi32, #tpu.memory_space<vmem>>, vector<16xi32>,
    tpu.vector_store %arg7[%swap3A_486], %broadcast_in_dim3A_66 {strides = array<i32>} : memref<1024xi32, #tpu.memory_space<vmem>>, vector<16xi32>,
    %swap3A_488 = arith.constant 832 : index
    %swap3A_489 = tpu.vector_load %arg8[%swap3A_488] {strides = array<i32>} : memref<1024xi32, #tpu.memory_space<vmem>>, vector<16xi32>,
    tpu.vector_store %arg8[%swap3A_488], %broadcast_in_dim3A_66 {strides = array<i32>} : memref<1024xi32, #tpu.memory_space<vmem>>, vector<16xi32>,
    %swap3A_490 = arith.constant 848 : index
    %swap3A_491 = tpu.vector_load %arg5[%swap3A_490] {strides = array<i32>} : memref<1024xi32, #tpu.memory_space<vmem>>, vector<16xi32>,
    tpu.vector_store %arg5[%swap3A_490], %broadcast_in_dim3A_66 {strides = array<i32>} : memref<1024xi32, #tpu.memory_space<vmem>>, vector<16xi32>,
    %swap3A_492 = arith.constant 848 : index
    %swap3A_493 = tpu.vector_load %arg6[%swap3A_492] {strides = array<i32>} : memref<1024xi32, #tpu.memory_space<vmem>>, vector<16xi32>,
    tpu.vector_store %arg6[%swap3A_492], %broadcast_in_dim3A_66 {strides = array<i32>} : memref<1024xi32, #tpu.memory_space<vmem>>, vector<16xi32>,
    %swap3A_494 = arith.constant 848 : index
    %swap3A_495 = tpu.vector_load %arg7[%swap3A_494] {strides = array<i32>} : memref<1024xi32, #tpu.memory_space<vmem>>, vector<16xi32>,
    tpu.vector_store %arg7[%swap3A_494], %broadcast_in_dim3A_66 {strides = array<i32>} : memref<1024xi32, #tpu.memory_space<vmem>>, vector<16xi32>,
    %swap3A_496 = arith.constant 848 : index
    %swap3A_497 = tpu.vector_load %arg8[%swap3A_496] {strides = array<i32>} : memref<1024xi32, #tpu.memory_space<vmem>>, vector<16xi32>,
    tpu.vector_store %arg8[%swap3A_496], %broadcast_in_dim3A_66 {strides = array<i32>} : memref<1024xi32, #tpu.memory_space<vmem>>, vector<16xi32>,
    %swap3A_498 = arith.constant 864 : index
    %swap3A_499 = tpu.vector_load %arg5[%swap3A_498] {strides = array<i32>} : memref<1024xi32, #tpu.memory_space<vmem>>, vector<16xi32>,
    tpu.vector_store %arg5[%swap3A_498], %broadcast_in_dim3A_66 {strides = array<i32>} : memref<1024xi32, #tpu.memory_space<vmem>>, vector<16xi32>,
    %swap3A_500 = arith.constant 864 : index
    %swap3A_501 = tpu.vector_load %arg6[%swap3A_500] {strides = array<i32>} : memref<1024xi32, #tpu.memory_space<vmem>>, vector<16xi32>,
    tpu.vector_store %arg6[%swap3A_500], %broadcast_in_dim3A_66 {strides = array<i32>} : memref<1024xi32, #tpu.memory_space<vmem>>, vector<16xi32>,
    %swap3A_502 = arith.constant 864 : index
    %swap3A_503 = tpu.vector_load %arg7[%swap3A_502] {strides = array<i32>} : memref<1024xi32, #tpu.memory_space<vmem>>, vector<16xi32>,
    tpu.vector_store %arg7[%swap3A_502], %broadcast_in_dim3A_66 {strides = array<i32>} : memref<1024xi32, #tpu.memory_space<vmem>>, vector<16xi32>,
    %swap3A_504 = arith.constant 864 : index
    %swap3A_505 = tpu.vector_load %arg8[%swap3A_504] {strides = array<i32>} : memref<1024xi32, #tpu.memory_space<vmem>>, vector<16xi32>,
    tpu.vector_store %arg8[%swap3A_504], %broadcast_in_dim3A_66 {strides = array<i32>} : memref<1024xi32, #tpu.memory_space<vmem>>, vector<16xi32>,
    %swap3A_506 = arith.constant 880 : index
    %swap3A_507 = tpu.vector_load %arg5[%swap3A_506] {strides = array<i32>} : memref<1024xi32, #tpu.memory_space<vmem>>, vector<16xi32>,
    tpu.vector_store %arg5[%swap3A_506], %broadcast_in_dim3A_66 {strides = array<i32>} : memref<1024xi32, #tpu.memory_space<vmem>>, vector<16xi32>,
    %swap3A_508 = arith.constant 880 : index
    %swap3A_509 = tpu.vector_load %arg6[%swap3A_508] {strides = array<i32>} : memref<1024xi32, #tpu.memory_space<vmem>>, vector<16xi32>,
    tpu.vector_store %arg6[%swap3A_508], %broadcast_in_dim3A_66 {strides = array<i32>} : memref<1024xi32, #tpu.memory_space<vmem>>, vector<16xi32>,
    %swap3A_510 = arith.constant 880 : index
    %swap3A_511 = tpu.vector_load %arg7[%swap3A_510] {strides = array<i32>} : memref<1024xi32, #tpu.memory_space<vmem>>, vector<16xi32>,
    tpu.vector_store %arg7[%swap3A_510], %broadcast_in_dim3A_66 {strides = array<i32>} : memref<1024xi32, #tpu.memory_space<vmem>>, vector<16xi32>,
    %swap3A_512 = arith.constant 880 : index
    %swap3A_513 = tpu.vector_load %arg8[%swap3A_512] {strides = array<i32>} : memref<1024xi32, #tpu.memory_space<vmem>>, vector<16xi32>,
    tpu.vector_store %arg8[%swap3A_512], %broadcast_in_dim3A_66 {strides = array<i32>} : memref<1024xi32, #tpu.memory_space<vmem>>, vector<16xi32>,
    %swap3A_514 = arith.constant 896 : index
    %swap3A_515 = tpu.vector_load %arg5[%swap3A_514] {strides = array<i32>} : memref<1024xi32, #tpu.memory_space<vmem>>, vector<16xi32>,
    tpu.vector_store %arg5[%swap3A_514], %broadcast_in_dim3A_66 {strides = array<i32>} : memref<1024xi32, #tpu.memory_space<vmem>>, vector<16xi32>,
    %swap3A_516 = arith.constant 896 : index
    %swap3A_517 = tpu.vector_load %arg6[%swap3A_516] {strides = array<i32>} : memref<1024xi32, #tpu.memory_space<vmem>>, vector<16xi32>,
    tpu.vector_store %arg6[%swap3A_516], %broadcast_in_dim3A_66 {strides = array<i32>} : memref<1024xi32, #tpu.memory_space<vmem>>, vector<16xi32>,
    %swap3A_518 = arith.constant 896 : index
    %swap3A_519 = tpu.vector_load %arg7[%swap3A_518] {strides = array<i32>} : memref<1024xi32, #tpu.memory_space<vmem>>, vector<16xi32>,
    tpu.vector_store %arg7[%swap3A_518], %broadcast_in_dim3A_66 {strides = array<i32>} : memref<1024xi32, #tpu.memory_space<vmem>>, vector<16xi32>,
    %swap3A_520 = arith.constant 896 : index
    %swap3A_521 = tpu.vector_load %arg8[%swap3A_520] {strides = array<i32>} : memref<1024xi32, #tpu.memory_space<vmem>>, vector<16xi32>,
    tpu.vector_store %arg8[%swap3A_520], %broadcast_in_dim3A_66 {strides = array<i32>} : memref<1024xi32, #tpu.memory_space<vmem>>, vector<16xi32>,
    %swap3A_522 = arith.constant 912 : index
    %swap3A_523 = tpu.vector_load %arg5[%swap3A_522] {strides = array<i32>} : memref<1024xi32, #tpu.memory_space<vmem>>, vector<16xi32>,
    tpu.vector_store %arg5[%swap3A_522], %broadcast_in_dim3A_66 {strides = array<i32>} : memref<1024xi32, #tpu.memory_space<vmem>>, vector<16xi32>,
    %swap3A_524 = arith.constant 912 : index
    %swap3A_525 = tpu.vector_load %arg6[%swap3A_524] {strides = array<i32>} : memref<1024xi32, #tpu.memory_space<vmem>>, vector<16xi32>,
    tpu.vector_store %arg6[%swap3A_524], %broadcast_in_dim3A_66 {strides = array<i32>} : memref<1024xi32, #tpu.memory_space<vmem>>, vector<16xi32>,
    %swap3A_526 = arith.constant 912 : index
    %swap3A_527 = tpu.vector_load %arg7[%swap3A_526] {strides = array<i32>} : memref<1024xi32, #tpu.memory_space<vmem>>, vector<16xi32>,
    tpu.vector_store %arg7[%swap3A_526], %broadcast_in_dim3A_66 {strides = array<i32>} : memref<1024xi32, #tpu.memory_space<vmem>>, vector<16xi32>,
    %swap3A_528 = arith.constant 912 : index
    %swap3A_529 = tpu.vector_load %arg8[%swap3A_528] {strides = array<i32>} : memref<1024xi32, #tpu.memory_space<vmem>>, vector<16xi32>,
    tpu.vector_store %arg8[%swap3A_528], %broadcast_in_dim3A_66 {strides = array<i32>} : memref<1024xi32, #tpu.memory_space<vmem>>, vector<16xi32>,
    %swap3A_530 = arith.constant 928 : index
    %swap3A_531 = tpu.vector_load %arg5[%swap3A_530] {strides = array<i32>} : memref<1024xi32, #tpu.memory_space<vmem>>, vector<16xi32>,
    tpu.vector_store %arg5[%swap3A_530], %broadcast_in_dim3A_66 {strides = array<i32>} : memref<1024xi32, #tpu.memory_space<vmem>>, vector<16xi32>,
    %swap3A_532 = arith.constant 928 : index
    %swap3A_533 = tpu.vector_load %arg6[%swap3A_532] {strides = array<i32>} : memref<1024xi32, #tpu.memory_space<vmem>>, vector<16xi32>,
    tpu.vector_store %arg6[%swap3A_532], %broadcast_in_dim3A_66 {strides = array<i32>} : memref<1024xi32, #tpu.memory_space<vmem>>, vector<16xi32>,
    %swap3A_534 = arith.constant 928 : index
    %swap3A_535 = tpu.vector_load %arg7[%swap3A_534] {strides = array<i32>} : memref<1024xi32, #tpu.memory_space<vmem>>, vector<16xi32>,
    tpu.vector_store %arg7[%swap3A_534], %broadcast_in_dim3A_66 {strides = array<i32>} : memref<1024xi32, #tpu.memory_space<vmem>>, vector<16xi32>,
    %swap3A_536 = arith.constant 928 : index
    %swap3A_537 = tpu.vector_load %arg8[%swap3A_536] {strides = array<i32>} : memref<1024xi32, #tpu.memory_space<vmem>>, vector<16xi32>,
    tpu.vector_store %arg8[%swap3A_536], %broadcast_in_dim3A_66 {strides = array<i32>} : memref<1024xi32, #tpu.memory_space<vmem>>, vector<16xi32>,
    %swap3A_538 = arith.constant 944 : index
    %swap3A_539 = tpu.vector_load %arg5[%swap3A_538] {strides = array<i32>} : memref<1024xi32, #tpu.memory_space<vmem>>, vector<16xi32>,
    tpu.vector_store %arg5[%swap3A_538], %broadcast_in_dim3A_66 {strides = array<i32>} : memref<1024xi32, #tpu.memory_space<vmem>>, vector<16xi32>,
    %swap3A_540 = arith.constant 944 : index
    %swap3A_541 = tpu.vector_load %arg6[%swap3A_540] {strides = array<i32>} : memref<1024xi32, #tpu.memory_space<vmem>>, vector<16xi32>,
    tpu.vector_store %arg6[%swap3A_540], %broadcast_in_dim3A_66 {strides = array<i32>} : memref<1024xi32, #tpu.memory_space<vmem>>, vector<16xi32>,
    %swap3A_542 = arith.constant 944 : index
    %swap3A_543 = tpu.vector_load %arg7[%swap3A_542] {strides = array<i32>} : memref<1024xi32, #tpu.memory_space<vmem>>, vector<16xi32>,
    tpu.vector_store %arg7[%swap3A_542], %broadcast_in_dim3A_66 {strides = array<i32>} : memref<1024xi32, #tpu.memory_space<vmem>>, vector<16xi32>,
    %swap3A_544 = arith.constant 944 : index
    %swap3A_545 = tpu.vector_load %arg8[%swap3A_544] {strides = array<i32>} : memref<1024xi32, #tpu.memory_space<vmem>>, vector<16xi32>,
    tpu.vector_store %arg8[%swap3A_544], %broadcast_in_dim3A_66 {strides = array<i32>} : memref<1024xi32, #tpu.memory_space<vmem>>, vector<16xi32>,
    %swap3A_546 = arith.constant 960 : index
    %swap3A_547 = tpu.vector_load %arg5[%swap3A_546] {strides = array<i32>} : memref<1024xi32, #tpu.memory_space<vmem>>, vector<16xi32>,
    tpu.vector_store %arg5[%swap3A_546], %broadcast_in_dim3A_66 {strides = array<i32>} : memref<1024xi32, #tpu.memory_space<vmem>>, vector<16xi32>,
    %swap3A_548 = arith.constant 960 : index
    %swap3A_549 = tpu.vector_load %arg6[%swap3A_548] {strides = array<i32>} : memref<1024xi32, #tpu.memory_space<vmem>>, vector<16xi32>,
    tpu.vector_store %arg6[%swap3A_548], %broadcast_in_dim3A_66 {strides = array<i32>} : memref<1024xi32, #tpu.memory_space<vmem>>, vector<16xi32>,
    %swap3A_550 = arith.constant 960 : index
    %swap3A_551 = tpu.vector_load %arg7[%swap3A_550] {strides = array<i32>} : memref<1024xi32, #tpu.memory_space<vmem>>, vector<16xi32>,
    tpu.vector_store %arg7[%swap3A_550], %broadcast_in_dim3A_66 {strides = array<i32>} : memref<1024xi32, #tpu.memory_space<vmem>>, vector<16xi32>,
    %swap3A_552 = arith.constant 960 : index
    %swap3A_553 = tpu.vector_load %arg8[%swap3A_552] {strides = array<i32>} : memref<1024xi32, #tpu.memory_space<vmem>>, vector<16xi32>,
    tpu.vector_store %arg8[%swap3A_552], %broadcast_in_dim3A_66 {strides = array<i32>} : memref<1024xi32, #tpu.memory_space<vmem>>, vector<16xi32>,
    %swap3A_554 = arith.constant 976 : index
    %swap3A_555 = tpu.vector_load %arg5[%swap3A_554] {strides = array<i32>} : memref<1024xi32, #tpu.memory_space<vmem>>, vector<16xi32>,
    tpu.vector_store %arg5[%swap3A_554], %broadcast_in_dim3A_66 {strides = array<i32>} : memref<1024xi32, #tpu.memory_space<vmem>>, vector<16xi32>,
    %swap3A_556 = arith.constant 976 : index
    %swap3A_557 = tpu.vector_load %arg6[%swap3A_556] {strides = array<i32>} : memref<1024xi32, #tpu.memory_space<vmem>>, vector<16xi32>,
    tpu.vector_store %arg6[%swap3A_556], %broadcast_in_dim3A_66 {strides = array<i32>} : memref<1024xi32, #tpu.memory_space<vmem>>, vector<16xi32>,
    %swap3A_558 = arith.constant 976 : index
    %swap3A_559 = tpu.vector_load %arg7[%swap3A_558] {strides = array<i32>} : memref<1024xi32, #tpu.memory_space<vmem>>, vector<16xi32>,
    tpu.vector_store %arg7[%swap3A_558], %broadcast_in_dim3A_66 {strides = array<i32>} : memref<1024xi32, #tpu.memory_space<vmem>>, vector<16xi32>,
    %swap3A_560 = arith.constant 976 : index
    %swap3A_561 = tpu.vector_load %arg8[%swap3A_560] {strides = array<i32>} : memref<1024xi32, #tpu.memory_space<vmem>>, vector<16xi32>,
    tpu.vector_store %arg8[%swap3A_560], %broadcast_in_dim3A_66 {strides = array<i32>} : memref<1024xi32, #tpu.memory_space<vmem>>, vector<16xi32>,
    %swap3A_562 = arith.constant 992 : index
    %swap3A_563 = tpu.vector_load %arg5[%swap3A_562] {strides = array<i32>} : memref<1024xi32, #tpu.memory_space<vmem>>, vector<16xi32>,
    tpu.vector_store %arg5[%swap3A_562], %broadcast_in_dim3A_66 {strides = array<i32>} : memref<1024xi32, #tpu.memory_space<vmem>>, vector<16xi32>,
    %swap3A_564 = arith.constant 992 : index
    %swap3A_565 = tpu.vector_load %arg6[%swap3A_564] {strides = array<i32>} : memref<1024xi32, #tpu.memory_space<vmem>>, vector<16xi32>,
    tpu.vector_store %arg6[%swap3A_564], %broadcast_in_dim3A_66 {strides = array<i32>} : memref<1024xi32, #tpu.memory_space<vmem>>, vector<16xi32>,
    %swap3A_566 = arith.constant 992 : index
    %swap3A_567 = tpu.vector_load %arg7[%swap3A_566] {strides = array<i32>} : memref<1024xi32, #tpu.memory_space<vmem>>, vector<16xi32>,
    tpu.vector_store %arg7[%swap3A_566], %broadcast_in_dim3A_66 {strides = array<i32>} : memref<1024xi32, #tpu.memory_space<vmem>>, vector<16xi32>,
    %swap3A_568 = arith.constant 992 : index
    %swap3A_569 = tpu.vector_load %arg8[%swap3A_568] {strides = array<i32>} : memref<1024xi32, #tpu.memory_space<vmem>>, vector<16xi32>,
    tpu.vector_store %arg8[%swap3A_568], %broadcast_in_dim3A_66 {strides = array<i32>} : memref<1024xi32, #tpu.memory_space<vmem>>, vector<16xi32>,
    %swap3A_570 = arith.constant 1008 : index
    %swap3A_571 = tpu.vector_load %arg5[%swap3A_570] {strides = array<i32>} : memref<1024xi32, #tpu.memory_space<vmem>>, vector<16xi32>,
    tpu.vector_store %arg5[%swap3A_570], %broadcast_in_dim3A_66 {strides = array<i32>} : memref<1024xi32, #tpu.memory_space<vmem>>, vector<16xi32>,
    %swap3A_572 = arith.constant 1008 : index
    %swap3A_573 = tpu.vector_load %arg6[%swap3A_572] {strides = array<i32>} : memref<1024xi32, #tpu.memory_space<vmem>>, vector<16xi32>,
    tpu.vector_store %arg6[%swap3A_572], %broadcast_in_dim3A_66 {strides = array<i32>} : memref<1024xi32, #tpu.memory_space<vmem>>, vector<16xi32>,
    %swap3A_574 = arith.constant 1008 : index
    %swap3A_575 = tpu.vector_load %arg7[%swap3A_574] {strides = array<i32>} : memref<1024xi32, #tpu.memory_space<vmem>>, vector<16xi32>,
    tpu.vector_store %arg7[%swap3A_574], %broadcast_in_dim3A_66 {strides = array<i32>} : memref<1024xi32, #tpu.memory_space<vmem>>, vector<16xi32>,
    %swap3A_576 = arith.constant 1008 : index
    %swap3A_577 = tpu.vector_load %arg8[%swap3A_576] {strides = array<i32>} : memref<1024xi32, #tpu.memory_space<vmem>>, vector<16xi32>,
    tpu.vector_store %arg8[%swap3A_576], %broadcast_in_dim3A_66 {strides = array<i32>} : memref<1024xi32, #tpu.memory_space<vmem>>, vector<16xi32>,
    %broadcast_in_dim3A_578 = arith.constant 1 : i32
    %broadcast_in_dim3A_579 = vector.broadcast %broadcast_in_dim3A_578 : i32 to vector<16xi32>
    %add3A_580 = arith.constant 0 : i32
    %add3A_581 = arith.addi %mul3A_2, %add3A_580 : i32
    %dma_wait3A = arith.constant 0 : i32
    %dma_wait3A_582 = tpu.memref_slice %arg4[%dma_wait3A] : memref<62624xi32, #tpu.memory_space<vmem>> -> memref<8192xi32, #tpu.memory_space<vmem>>
    %dma_wait3A_583 = tpu.memref_slice %arg2[%add3A_581] : memref<2000000xi32, #tpu.memory_space<hbm>> -> memref<8192xi32, #tpu.memory_space<hbm>>
    %dma_wait3A_584 = arith.constant 0 : i32
    %dma_wait3A_585 = tpu.memref_slice %arg4[%dma_wait3A_584] : memref<62624xi32, #tpu.memory_space<vmem>> -> memref<8192xi32, #tpu.memory_space<vmem>>
    %dma_wait3A_586 = tpu.memref_slice %arg2[%add3A_581] : memref<2000000xi32, #tpu.memory_space<hbm>> -> memref<8192xi32, #tpu.memory_space<hbm>>
    tpu.wait_dma2 semaphore(%arg9 : memref<!tpu.dma_semaphore, #tpu.memory_space<semaphore_mem>>) src(%dma_wait3A_586 : memref<8192xi32, #tpu.memory_space<hbm>>) dst(%dma_wait3A_585 : memref<8192xi32, #tpu.memory_space<vmem>>)
    %scan3A = arith.constant 0 : i32
    %scan3A_587 = arith.constant 0 : i32
    %scan3A_588 = arith.constant 128 : i32
    %scan3A_589 = arith.addi %scan3A_587, %scan3A_588 : i32
    %scan3A_590 = arith.constant 2 : i32
    scf.for %scan3A_1530 = %scan3A_587 to %scan3A_589 step %scan3A_590  : i32 {
      %mul3A_1531 = arith.constant 4 : i32
      %mul3A_1532 = arith.muli %scan3A_1530, %mul3A_1531 : i32
      %mul3A_1533 = arith.constant 16 : i32
      %mul3A_1534 = arith.muli %mul3A_1532, %mul3A_1533 : i32
      %add3A_1535 = arith.constant 0 : i32
      %add3A_1536 = arith.addi %add3A_1535, %mul3A_1534 : i32
      %get3A_1537 = arith.index_cast %add3A_1536 : i32 to index
      %get3A_1538 = tpu.vector_load %arg4[%get3A_1537] {strides = array<i32>} : memref<62624xi32, #tpu.memory_space<vmem>>, vector<16xi32>,
      %mul3A_1539 = arith.constant 4 : i32
      %mul3A_1540 = arith.muli %scan3A_1530, %mul3A_1539 : i32
      %mul3A_1541 = arith.constant 16 : i32
      %mul3A_1542 = arith.muli %mul3A_1540, %mul3A_1541 : i32
      %add3A_1543 = arith.constant 0 : i32
      %add3A_1544 = arith.addi %add3A_1543, %mul3A_1542 : i32
      %add3A_1545 = arith.constant 16 : i32
      %add3A_1546 = arith.addi %add3A_1544, %add3A_1545 : i32
      %get3A_1547 = arith.index_cast %add3A_1546 : i32 to index
      %get3A_1548 = tpu.vector_load %arg4[%get3A_1547] {strides = array<i32>} : memref<62624xi32, #tpu.memory_space<vmem>>, vector<16xi32>,
      %mul3A_1549 = arith.constant 4 : i32
      %mul3A_1550 = arith.muli %scan3A_1530, %mul3A_1549 : i32
      %mul3A_1551 = arith.constant 16 : i32
      %mul3A_1552 = arith.muli %mul3A_1550, %mul3A_1551 : i32
      %add3A_1553 = arith.constant 0 : i32
      %add3A_1554 = arith.addi %add3A_1553, %mul3A_1552 : i32
      %add3A_1555 = arith.constant 32 : i32
      %add3A_1556 = arith.addi %add3A_1554, %add3A_1555 : i32
      %get3A_1557 = arith.index_cast %add3A_1556 : i32 to index
      %get3A_1558 = tpu.vector_load %arg4[%get3A_1557] {strides = array<i32>} : memref<62624xi32, #tpu.memory_space<vmem>>, vector<16xi32>,
      %mul3A_1559 = arith.constant 4 : i32
      %mul3A_1560 = arith.muli %scan3A_1530, %mul3A_1559 : i32
      %mul3A_1561 = arith.constant 16 : i32
      %mul3A_1562 = arith.muli %mul3A_1560, %mul3A_1561 : i32
      %add3A_1563 = arith.constant 0 : i32
      %add3A_1564 = arith.addi %add3A_1563, %mul3A_1562 : i32
      %add3A_1565 = arith.constant 48 : i32
      %add3A_1566 = arith.addi %add3A_1564, %add3A_1565 : i32
      %get3A_1567 = arith.index_cast %add3A_1566 : i32 to index
      %get3A_1568 = tpu.vector_load %arg4[%get3A_1567] {strides = array<i32>} : memref<62624xi32, #tpu.memory_space<vmem>>, vector<16xi32>,
      %sub3A_1569 = arith.constant 1 : i32
      %sub3A_1570 = vector.broadcast %sub3A_1569 : i32 to vector<16xi32>
      %sub3A_1571 = arith.subi %get3A_1538, %sub3A_1570 : vector<16xi32>
      tpu.vector_store_idx %arg5[%sub3A_1571], %broadcast_in_dim3A_579 : memref<1024xi32, #tpu.memory_space<vmem>>[vector<16xi32>], vector<16xi32>,
      %sub3A_1572 = arith.constant 1 : i32
      %sub3A_1573 = vector.broadcast %sub3A_1572 : i32 to vector<16xi32>
      %sub3A_1574 = arith.subi %get3A_1548, %sub3A_1573 : vector<16xi32>
      tpu.vector_store_idx %arg6[%sub3A_1574], %broadcast_in_dim3A_579 : memref<1024xi32, #tpu.memory_space<vmem>>[vector<16xi32>], vector<16xi32>,
      %sub3A_1575 = arith.constant 1 : i32
      %sub3A_1576 = vector.broadcast %sub3A_1575 : i32 to vector<16xi32>
      %sub3A_1577 = arith.subi %get3A_1558, %sub3A_1576 : vector<16xi32>
      tpu.vector_store_idx %arg7[%sub3A_1577], %broadcast_in_dim3A_579 : memref<1024xi32, #tpu.memory_space<vmem>>[vector<16xi32>], vector<16xi32>,
      %sub3A_1578 = arith.constant 1 : i32
      %sub3A_1579 = vector.broadcast %sub3A_1578 : i32 to vector<16xi32>
      %sub3A_1580 = arith.subi %get3A_1568, %sub3A_1579 : vector<16xi32>
      tpu.vector_store_idx %arg8[%sub3A_1580], %broadcast_in_dim3A_579 : memref<1024xi32, #tpu.memory_space<vmem>>[vector<16xi32>], vector<16xi32>,
      %scan3A_1581 = arith.constant 1 : i32
      %scan3A_1582 = arith.addi %scan3A_1530, %scan3A_1581 : i32
      %mul3A_1583 = arith.constant 4 : i32
      %mul3A_1584 = arith.muli %scan3A_1582, %mul3A_1583 : i32
      %mul3A_1585 = arith.constant 16 : i32
      %mul3A_1586 = arith.muli %mul3A_1584, %mul3A_1585 : i32
      %add3A_1587 = arith.constant 0 : i32
      %add3A_1588 = arith.addi %add3A_1587, %mul3A_1586 : i32
      %get3A_1589 = arith.index_cast %add3A_1588 : i32 to index
      %get3A_1590 = tpu.vector_load %arg4[%get3A_1589] {strides = array<i32>} : memref<62624xi32, #tpu.memory_space<vmem>>, vector<16xi32>,
      %mul3A_1591 = arith.constant 4 : i32
      %mul3A_1592 = arith.muli %scan3A_1582, %mul3A_1591 : i32
      %mul3A_1593 = arith.constant 16 : i32
      %mul3A_1594 = arith.muli %mul3A_1592, %mul3A_1593 : i32
      %add3A_1595 = arith.constant 0 : i32
      %add3A_1596 = arith.addi %add3A_1595, %mul3A_1594 : i32
      %add3A_1597 = arith.constant 16 : i32
      %add3A_1598 = arith.addi %add3A_1596, %add3A_1597 : i32
      %get3A_1599 = arith.index_cast %add3A_1598 : i32 to index
      %get3A_1600 = tpu.vector_load %arg4[%get3A_1599] {strides = array<i32>} : memref<62624xi32, #tpu.memory_space<vmem>>, vector<16xi32>,
      %mul3A_1601 = arith.constant 4 : i32
      %mul3A_1602 = arith.muli %scan3A_1582, %mul3A_1601 : i32
      %mul3A_1603 = arith.constant 16 : i32
      %mul3A_1604 = arith.muli %mul3A_1602, %mul3A_1603 : i32
      %add3A_1605 = arith.constant 0 : i32
      %add3A_1606 = arith.addi %add3A_1605, %mul3A_1604 : i32
      %add3A_1607 = arith.constant 32 : i32
      %add3A_1608 = arith.addi %add3A_1606, %add3A_1607 : i32
      %get3A_1609 = arith.index_cast %add3A_1608 : i32 to index
      %get3A_1610 = tpu.vector_load %arg4[%get3A_1609] {strides = array<i32>} : memref<62624xi32, #tpu.memory_space<vmem>>, vector<16xi32>,
      %mul3A_1611 = arith.constant 4 : i32
      %mul3A_1612 = arith.muli %scan3A_1582, %mul3A_1611 : i32
      %mul3A_1613 = arith.constant 16 : i32
      %mul3A_1614 = arith.muli %mul3A_1612, %mul3A_1613 : i32
      %add3A_1615 = arith.constant 0 : i32
      %add3A_1616 = arith.addi %add3A_1615, %mul3A_1614 : i32
      %add3A_1617 = arith.constant 48 : i32
      %add3A_1618 = arith.addi %add3A_1616, %add3A_1617 : i32
      %get3A_1619 = arith.index_cast %add3A_1618 : i32 to index
      %get3A_1620 = tpu.vector_load %arg4[%get3A_1619] {strides = array<i32>} : memref<62624xi32, #tpu.memory_space<vmem>>, vector<16xi32>,
      %sub3A_1621 = arith.constant 1 : i32
      %sub3A_1622 = vector.broadcast %sub3A_1621 : i32 to vector<16xi32>
      %sub3A_1623 = arith.subi %get3A_1590, %sub3A_1622 : vector<16xi32>
      tpu.vector_store_idx %arg5[%sub3A_1623], %broadcast_in_dim3A_579 : memref<1024xi32, #tpu.memory_space<vmem>>[vector<16xi32>], vector<16xi32>,
      %sub3A_1624 = arith.constant 1 : i32
      %sub3A_1625 = vector.broadcast %sub3A_1624 : i32 to vector<16xi32>
      %sub3A_1626 = arith.subi %get3A_1600, %sub3A_1625 : vector<16xi32>
      tpu.vector_store_idx %arg6[%sub3A_1626], %broadcast_in_dim3A_579 : memref<1024xi32, #tpu.memory_space<vmem>>[vector<16xi32>], vector<16xi32>,
      %sub3A_1627 = arith.constant 1 : i32
      %sub3A_1628 = vector.broadcast %sub3A_1627 : i32 to vector<16xi32>
      %sub3A_1629 = arith.subi %get3A_1610, %sub3A_1628 : vector<16xi32>
      tpu.vector_store_idx %arg7[%sub3A_1629], %broadcast_in_dim3A_579 : memref<1024xi32, #tpu.memory_space<vmem>>[vector<16xi32>], vector<16xi32>,
      %sub3A_1630 = arith.constant 1 : i32
      %sub3A_1631 = vector.broadcast %sub3A_1630 : i32 to vector<16xi32>
      %sub3A_1632 = arith.subi %get3A_1620, %sub3A_1631 : vector<16xi32>
      tpu.vector_store_idx %arg8[%sub3A_1632], %broadcast_in_dim3A_579 : memref<1024xi32, #tpu.memory_space<vmem>>[vector<16xi32>], vector<16xi32>,
    }
    %scan3A_591 = arith.constant 128 : i32
    %add3A_592 = arith.constant 8192 : i32
    %add3A_593 = arith.addi %mul3A_2, %add3A_592 : i32
    %dma_wait3A_594 = arith.constant 8192 : i32
    %dma_wait3A_595 = tpu.memref_slice %arg4[%dma_wait3A_594] : memref<62624xi32, #tpu.memory_space<vmem>> -> memref<8192xi32, #tpu.memory_space<vmem>>
    %dma_wait3A_596 = tpu.memref_slice %arg2[%add3A_593] : memref<2000000xi32, #tpu.memory_space<hbm>> -> memref<8192xi32, #tpu.memory_space<hbm>>
    %dma_wait3A_597 = arith.constant 8192 : i32
    %dma_wait3A_598 = tpu.memref_slice %arg4[%dma_wait3A_597] : memref<62624xi32, #tpu.memory_space<vmem>> -> memref<8192xi32, #tpu.memory_space<vmem>>
    %dma_wait3A_599 = tpu.memref_slice %arg2[%add3A_593] : memref<2000000xi32, #tpu.memory_space<hbm>> -> memref<8192xi32, #tpu.memory_space<hbm>>
    tpu.wait_dma2 semaphore(%arg10 : memref<!tpu.dma_semaphore, #tpu.memory_space<semaphore_mem>>) src(%dma_wait3A_599 : memref<8192xi32, #tpu.memory_space<hbm>>) dst(%dma_wait3A_598 : memref<8192xi32, #tpu.memory_space<vmem>>)
    %scan3A_600 = arith.constant 0 : i32
    %scan3A_601 = arith.constant 0 : i32
    %scan3A_602 = arith.constant 128 : i32
    %scan3A_603 = arith.addi %scan3A_601, %scan3A_602 : i32
    %scan3A_604 = arith.constant 2 : i32
    scf.for %scan3A_1530 = %scan3A_601 to %scan3A_603 step %scan3A_604  : i32 {
      %mul3A_1531 = arith.constant 4 : i32
      %mul3A_1532 = arith.muli %scan3A_1530, %mul3A_1531 : i32
      %mul3A_1533 = arith.constant 16 : i32
      %mul3A_1534 = arith.muli %mul3A_1532, %mul3A_1533 : i32
      %add3A_1535 = arith.constant 8192 : i32
      %add3A_1536 = arith.addi %add3A_1535, %mul3A_1534 : i32
      %get3A_1537 = arith.index_cast %add3A_1536 : i32 to index
      %get3A_1538 = tpu.vector_load %arg4[%get3A_1537] {strides = array<i32>} : memref<62624xi32, #tpu.memory_space<vmem>>, vector<16xi32>,
      %mul3A_1539 = arith.constant 4 : i32
      %mul3A_1540 = arith.muli %scan3A_1530, %mul3A_1539 : i32
      %mul3A_1541 = arith.constant 16 : i32
      %mul3A_1542 = arith.muli %mul3A_1540, %mul3A_1541 : i32
      %add3A_1543 = arith.constant 8192 : i32
      %add3A_1544 = arith.addi %add3A_1543, %mul3A_1542 : i32
      %add3A_1545 = arith.constant 16 : i32
      %add3A_1546 = arith.addi %add3A_1544, %add3A_1545 : i32
      %get3A_1547 = arith.index_cast %add3A_1546 : i32 to index
      %get3A_1548 = tpu.vector_load %arg4[%get3A_1547] {strides = array<i32>} : memref<62624xi32, #tpu.memory_space<vmem>>, vector<16xi32>,
      %mul3A_1549 = arith.constant 4 : i32
      %mul3A_1550 = arith.muli %scan3A_1530, %mul3A_1549 : i32
      %mul3A_1551 = arith.constant 16 : i32
      %mul3A_1552 = arith.muli %mul3A_1550, %mul3A_1551 : i32
      %add3A_1553 = arith.constant 8192 : i32
      %add3A_1554 = arith.addi %add3A_1553, %mul3A_1552 : i32
      %add3A_1555 = arith.constant 32 : i32
      %add3A_1556 = arith.addi %add3A_1554, %add3A_1555 : i32
      %get3A_1557 = arith.index_cast %add3A_1556 : i32 to index
      %get3A_1558 = tpu.vector_load %arg4[%get3A_1557] {strides = array<i32>} : memref<62624xi32, #tpu.memory_space<vmem>>, vector<16xi32>,
      %mul3A_1559 = arith.constant 4 : i32
      %mul3A_1560 = arith.muli %scan3A_1530, %mul3A_1559 : i32
      %mul3A_1561 = arith.constant 16 : i32
      %mul3A_1562 = arith.muli %mul3A_1560, %mul3A_1561 : i32
      %add3A_1563 = arith.constant 8192 : i32
      %add3A_1564 = arith.addi %add3A_1563, %mul3A_1562 : i32
      %add3A_1565 = arith.constant 48 : i32
      %add3A_1566 = arith.addi %add3A_1564, %add3A_1565 : i32
      %get3A_1567 = arith.index_cast %add3A_1566 : i32 to index
      %get3A_1568 = tpu.vector_load %arg4[%get3A_1567] {strides = array<i32>} : memref<62624xi32, #tpu.memory_space<vmem>>, vector<16xi32>,
      %sub3A_1569 = arith.constant 1 : i32
      %sub3A_1570 = vector.broadcast %sub3A_1569 : i32 to vector<16xi32>
      %sub3A_1571 = arith.subi %get3A_1538, %sub3A_1570 : vector<16xi32>
      tpu.vector_store_idx %arg5[%sub3A_1571], %broadcast_in_dim3A_579 : memref<1024xi32, #tpu.memory_space<vmem>>[vector<16xi32>], vector<16xi32>,
      %sub3A_1572 = arith.constant 1 : i32
      %sub3A_1573 = vector.broadcast %sub3A_1572 : i32 to vector<16xi32>
      %sub3A_1574 = arith.subi %get3A_1548, %sub3A_1573 : vector<16xi32>
      tpu.vector_store_idx %arg6[%sub3A_1574], %broadcast_in_dim3A_579 : memref<1024xi32, #tpu.memory_space<vmem>>[vector<16xi32>], vector<16xi32>,
      %sub3A_1575 = arith.constant 1 : i32
      %sub3A_1576 = vector.broadcast %sub3A_1575 : i32 to vector<16xi32>
      %sub3A_1577 = arith.subi %get3A_1558, %sub3A_1576 : vector<16xi32>
      tpu.vector_store_idx %arg7[%sub3A_1577], %broadcast_in_dim3A_579 : memref<1024xi32, #tpu.memory_space<vmem>>[vector<16xi32>], vector<16xi32>,
      %sub3A_1578 = arith.constant 1 : i32
      %sub3A_1579 = vector.broadcast %sub3A_1578 : i32 to vector<16xi32>
      %sub3A_1580 = arith.subi %get3A_1568, %sub3A_1579 : vector<16xi32>
      tpu.vector_store_idx %arg8[%sub3A_1580], %broadcast_in_dim3A_579 : memref<1024xi32, #tpu.memory_space<vmem>>[vector<16xi32>], vector<16xi32>,
      %scan3A_1581 = arith.constant 1 : i32
      %scan3A_1582 = arith.addi %scan3A_1530, %scan3A_1581 : i32
      %mul3A_1583 = arith.constant 4 : i32
      %mul3A_1584 = arith.muli %scan3A_1582, %mul3A_1583 : i32
      %mul3A_1585 = arith.constant 16 : i32
      %mul3A_1586 = arith.muli %mul3A_1584, %mul3A_1585 : i32
      %add3A_1587 = arith.constant 8192 : i32
      %add3A_1588 = arith.addi %add3A_1587, %mul3A_1586 : i32
      %get3A_1589 = arith.index_cast %add3A_1588 : i32 to index
      %get3A_1590 = tpu.vector_load %arg4[%get3A_1589] {strides = array<i32>} : memref<62624xi32, #tpu.memory_space<vmem>>, vector<16xi32>,
      %mul3A_1591 = arith.constant 4 : i32
      %mul3A_1592 = arith.muli %scan3A_1582, %mul3A_1591 : i32
      %mul3A_1593 = arith.constant 16 : i32
      %mul3A_1594 = arith.muli %mul3A_1592, %mul3A_1593 : i32
      %add3A_1595 = arith.constant 8192 : i32
      %add3A_1596 = arith.addi %add3A_1595, %mul3A_1594 : i32
      %add3A_1597 = arith.constant 16 : i32
      %add3A_1598 = arith.addi %add3A_1596, %add3A_1597 : i32
      %get3A_1599 = arith.index_cast %add3A_1598 : i32 to index
      %get3A_1600 = tpu.vector_load %arg4[%get3A_1599] {strides = array<i32>} : memref<62624xi32, #tpu.memory_space<vmem>>, vector<16xi32>,
      %mul3A_1601 = arith.constant 4 : i32
      %mul3A_1602 = arith.muli %scan3A_1582, %mul3A_1601 : i32
      %mul3A_1603 = arith.constant 16 : i32
      %mul3A_1604 = arith.muli %mul3A_1602, %mul3A_1603 : i32
      %add3A_1605 = arith.constant 8192 : i32
      %add3A_1606 = arith.addi %add3A_1605, %mul3A_1604 : i32
      %add3A_1607 = arith.constant 32 : i32
      %add3A_1608 = arith.addi %add3A_1606, %add3A_1607 : i32
      %get3A_1609 = arith.index_cast %add3A_1608 : i32 to index
      %get3A_1610 = tpu.vector_load %arg4[%get3A_1609] {strides = array<i32>} : memref<62624xi32, #tpu.memory_space<vmem>>, vector<16xi32>,
      %mul3A_1611 = arith.constant 4 : i32
      %mul3A_1612 = arith.muli %scan3A_1582, %mul3A_1611 : i32
      %mul3A_1613 = arith.constant 16 : i32
      %mul3A_1614 = arith.muli %mul3A_1612, %mul3A_1613 : i32
      %add3A_1615 = arith.constant 8192 : i32
      %add3A_1616 = arith.addi %add3A_1615, %mul3A_1614 : i32
      %add3A_1617 = arith.constant 48 : i32
      %add3A_1618 = arith.addi %add3A_1616, %add3A_1617 : i32
      %get3A_1619 = arith.index_cast %add3A_1618 : i32 to index
      %get3A_1620 = tpu.vector_load %arg4[%get3A_1619] {strides = array<i32>} : memref<62624xi32, #tpu.memory_space<vmem>>, vector<16xi32>,
      %sub3A_1621 = arith.constant 1 : i32
      %sub3A_1622 = vector.broadcast %sub3A_1621 : i32 to vector<16xi32>
      %sub3A_1623 = arith.subi %get3A_1590, %sub3A_1622 : vector<16xi32>
      tpu.vector_store_idx %arg5[%sub3A_1623], %broadcast_in_dim3A_579 : memref<1024xi32, #tpu.memory_space<vmem>>[vector<16xi32>], vector<16xi32>,
      %sub3A_1624 = arith.constant 1 : i32
      %sub3A_1625 = vector.broadcast %sub3A_1624 : i32 to vector<16xi32>
      %sub3A_1626 = arith.subi %get3A_1600, %sub3A_1625 : vector<16xi32>
      tpu.vector_store_idx %arg6[%sub3A_1626], %broadcast_in_dim3A_579 : memref<1024xi32, #tpu.memory_space<vmem>>[vector<16xi32>], vector<16xi32>,
      %sub3A_1627 = arith.constant 1 : i32
      %sub3A_1628 = vector.broadcast %sub3A_1627 : i32 to vector<16xi32>
      %sub3A_1629 = arith.subi %get3A_1610, %sub3A_1628 : vector<16xi32>
      tpu.vector_store_idx %arg7[%sub3A_1629], %broadcast_in_dim3A_579 : memref<1024xi32, #tpu.memory_space<vmem>>[vector<16xi32>], vector<16xi32>,
      %sub3A_1630 = arith.constant 1 : i32
      %sub3A_1631 = vector.broadcast %sub3A_1630 : i32 to vector<16xi32>
      %sub3A_1632 = arith.subi %get3A_1620, %sub3A_1631 : vector<16xi32>
      tpu.vector_store_idx %arg8[%sub3A_1632], %broadcast_in_dim3A_579 : memref<1024xi32, #tpu.memory_space<vmem>>[vector<16xi32>], vector<16xi32>,
    }
    %scan3A_605 = arith.constant 128 : i32
    %add3A_606 = arith.constant 16384 : i32
    %add3A_607 = arith.addi %mul3A_2, %add3A_606 : i32
    %dma_wait3A_608 = arith.constant 16384 : i32
    %dma_wait3A_609 = tpu.memref_slice %arg4[%dma_wait3A_608] : memref<62624xi32, #tpu.memory_space<vmem>> -> memref<8192xi32, #tpu.memory_space<vmem>>
    %dma_wait3A_610 = tpu.memref_slice %arg2[%add3A_607] : memref<2000000xi32, #tpu.memory_space<hbm>> -> memref<8192xi32, #tpu.memory_space<hbm>>
    %dma_wait3A_611 = arith.constant 16384 : i32
    %dma_wait3A_612 = tpu.memref_slice %arg4[%dma_wait3A_611] : memref<62624xi32, #tpu.memory_space<vmem>> -> memref<8192xi32, #tpu.memory_space<vmem>>
    %dma_wait3A_613 = tpu.memref_slice %arg2[%add3A_607] : memref<2000000xi32, #tpu.memory_space<hbm>> -> memref<8192xi32, #tpu.memory_space<hbm>>
    tpu.wait_dma2 semaphore(%arg11 : memref<!tpu.dma_semaphore, #tpu.memory_space<semaphore_mem>>) src(%dma_wait3A_613 : memref<8192xi32, #tpu.memory_space<hbm>>) dst(%dma_wait3A_612 : memref<8192xi32, #tpu.memory_space<vmem>>)
    %scan3A_614 = arith.constant 0 : i32
    %scan3A_615 = arith.constant 0 : i32
    %scan3A_616 = arith.constant 128 : i32
    %scan3A_617 = arith.addi %scan3A_615, %scan3A_616 : i32
    %scan3A_618 = arith.constant 2 : i32
    scf.for %scan3A_1530 = %scan3A_615 to %scan3A_617 step %scan3A_618  : i32 {
      %mul3A_1531 = arith.constant 4 : i32
      %mul3A_1532 = arith.muli %scan3A_1530, %mul3A_1531 : i32
      %mul3A_1533 = arith.constant 16 : i32
      %mul3A_1534 = arith.muli %mul3A_1532, %mul3A_1533 : i32
      %add3A_1535 = arith.constant 16384 : i32
      %add3A_1536 = arith.addi %add3A_1535, %mul3A_1534 : i32
      %get3A_1537 = arith.index_cast %add3A_1536 : i32 to index
      %get3A_1538 = tpu.vector_load %arg4[%get3A_1537] {strides = array<i32>} : memref<62624xi32, #tpu.memory_space<vmem>>, vector<16xi32>,
      %mul3A_1539 = arith.constant 4 : i32
      %mul3A_1540 = arith.muli %scan3A_1530, %mul3A_1539 : i32
      %mul3A_1541 = arith.constant 16 : i32
      %mul3A_1542 = arith.muli %mul3A_1540, %mul3A_1541 : i32
      %add3A_1543 = arith.constant 16384 : i32
      %add3A_1544 = arith.addi %add3A_1543, %mul3A_1542 : i32
      %add3A_1545 = arith.constant 16 : i32
      %add3A_1546 = arith.addi %add3A_1544, %add3A_1545 : i32
      %get3A_1547 = arith.index_cast %add3A_1546 : i32 to index
      %get3A_1548 = tpu.vector_load %arg4[%get3A_1547] {strides = array<i32>} : memref<62624xi32, #tpu.memory_space<vmem>>, vector<16xi32>,
      %mul3A_1549 = arith.constant 4 : i32
      %mul3A_1550 = arith.muli %scan3A_1530, %mul3A_1549 : i32
      %mul3A_1551 = arith.constant 16 : i32
      %mul3A_1552 = arith.muli %mul3A_1550, %mul3A_1551 : i32
      %add3A_1553 = arith.constant 16384 : i32
      %add3A_1554 = arith.addi %add3A_1553, %mul3A_1552 : i32
      %add3A_1555 = arith.constant 32 : i32
      %add3A_1556 = arith.addi %add3A_1554, %add3A_1555 : i32
      %get3A_1557 = arith.index_cast %add3A_1556 : i32 to index
      %get3A_1558 = tpu.vector_load %arg4[%get3A_1557] {strides = array<i32>} : memref<62624xi32, #tpu.memory_space<vmem>>, vector<16xi32>,
      %mul3A_1559 = arith.constant 4 : i32
      %mul3A_1560 = arith.muli %scan3A_1530, %mul3A_1559 : i32
      %mul3A_1561 = arith.constant 16 : i32
      %mul3A_1562 = arith.muli %mul3A_1560, %mul3A_1561 : i32
      %add3A_1563 = arith.constant 16384 : i32
      %add3A_1564 = arith.addi %add3A_1563, %mul3A_1562 : i32
      %add3A_1565 = arith.constant 48 : i32
      %add3A_1566 = arith.addi %add3A_1564, %add3A_1565 : i32
      %get3A_1567 = arith.index_cast %add3A_1566 : i32 to index
      %get3A_1568 = tpu.vector_load %arg4[%get3A_1567] {strides = array<i32>} : memref<62624xi32, #tpu.memory_space<vmem>>, vector<16xi32>,
      %sub3A_1569 = arith.constant 1 : i32
      %sub3A_1570 = vector.broadcast %sub3A_1569 : i32 to vector<16xi32>
      %sub3A_1571 = arith.subi %get3A_1538, %sub3A_1570 : vector<16xi32>
      tpu.vector_store_idx %arg5[%sub3A_1571], %broadcast_in_dim3A_579 : memref<1024xi32, #tpu.memory_space<vmem>>[vector<16xi32>], vector<16xi32>,
      %sub3A_1572 = arith.constant 1 : i32
      %sub3A_1573 = vector.broadcast %sub3A_1572 : i32 to vector<16xi32>
      %sub3A_1574 = arith.subi %get3A_1548, %sub3A_1573 : vector<16xi32>
      tpu.vector_store_idx %arg6[%sub3A_1574], %broadcast_in_dim3A_579 : memref<1024xi32, #tpu.memory_space<vmem>>[vector<16xi32>], vector<16xi32>,
      %sub3A_1575 = arith.constant 1 : i32
      %sub3A_1576 = vector.broadcast %sub3A_1575 : i32 to vector<16xi32>
      %sub3A_1577 = arith.subi %get3A_1558, %sub3A_1576 : vector<16xi32>
      tpu.vector_store_idx %arg7[%sub3A_1577], %broadcast_in_dim3A_579 : memref<1024xi32, #tpu.memory_space<vmem>>[vector<16xi32>], vector<16xi32>,
      %sub3A_1578 = arith.constant 1 : i32
      %sub3A_1579 = vector.broadcast %sub3A_1578 : i32 to vector<16xi32>
      %sub3A_1580 = arith.subi %get3A_1568, %sub3A_1579 : vector<16xi32>
      tpu.vector_store_idx %arg8[%sub3A_1580], %broadcast_in_dim3A_579 : memref<1024xi32, #tpu.memory_space<vmem>>[vector<16xi32>], vector<16xi32>,
      %scan3A_1581 = arith.constant 1 : i32
      %scan3A_1582 = arith.addi %scan3A_1530, %scan3A_1581 : i32
      %mul3A_1583 = arith.constant 4 : i32
      %mul3A_1584 = arith.muli %scan3A_1582, %mul3A_1583 : i32
      %mul3A_1585 = arith.constant 16 : i32
      %mul3A_1586 = arith.muli %mul3A_1584, %mul3A_1585 : i32
      %add3A_1587 = arith.constant 16384 : i32
      %add3A_1588 = arith.addi %add3A_1587, %mul3A_1586 : i32
      %get3A_1589 = arith.index_cast %add3A_1588 : i32 to index
      %get3A_1590 = tpu.vector_load %arg4[%get3A_1589] {strides = array<i32>} : memref<62624xi32, #tpu.memory_space<vmem>>, vector<16xi32>,
      %mul3A_1591 = arith.constant 4 : i32
      %mul3A_1592 = arith.muli %scan3A_1582, %mul3A_1591 : i32
      %mul3A_1593 = arith.constant 16 : i32
      %mul3A_1594 = arith.muli %mul3A_1592, %mul3A_1593 : i32
      %add3A_1595 = arith.constant 16384 : i32
      %add3A_1596 = arith.addi %add3A_1595, %mul3A_1594 : i32
      %add3A_1597 = arith.constant 16 : i32
      %add3A_1598 = arith.addi %add3A_1596, %add3A_1597 : i32
      %get3A_1599 = arith.index_cast %add3A_1598 : i32 to index
      %get3A_1600 = tpu.vector_load %arg4[%get3A_1599] {strides = array<i32>} : memref<62624xi32, #tpu.memory_space<vmem>>, vector<16xi32>,
      %mul3A_1601 = arith.constant 4 : i32
      %mul3A_1602 = arith.muli %scan3A_1582, %mul3A_1601 : i32
      %mul3A_1603 = arith.constant 16 : i32
      %mul3A_1604 = arith.muli %mul3A_1602, %mul3A_1603 : i32
      %add3A_1605 = arith.constant 16384 : i32
      %add3A_1606 = arith.addi %add3A_1605, %mul3A_1604 : i32
      %add3A_1607 = arith.constant 32 : i32
      %add3A_1608 = arith.addi %add3A_1606, %add3A_1607 : i32
      %get3A_1609 = arith.index_cast %add3A_1608 : i32 to index
      %get3A_1610 = tpu.vector_load %arg4[%get3A_1609] {strides = array<i32>} : memref<62624xi32, #tpu.memory_space<vmem>>, vector<16xi32>,
      %mul3A_1611 = arith.constant 4 : i32
      %mul3A_1612 = arith.muli %scan3A_1582, %mul3A_1611 : i32
      %mul3A_1613 = arith.constant 16 : i32
      %mul3A_1614 = arith.muli %mul3A_1612, %mul3A_1613 : i32
      %add3A_1615 = arith.constant 16384 : i32
      %add3A_1616 = arith.addi %add3A_1615, %mul3A_1614 : i32
      %add3A_1617 = arith.constant 48 : i32
      %add3A_1618 = arith.addi %add3A_1616, %add3A_1617 : i32
      %get3A_1619 = arith.index_cast %add3A_1618 : i32 to index
      %get3A_1620 = tpu.vector_load %arg4[%get3A_1619] {strides = array<i32>} : memref<62624xi32, #tpu.memory_space<vmem>>, vector<16xi32>,
      %sub3A_1621 = arith.constant 1 : i32
      %sub3A_1622 = vector.broadcast %sub3A_1621 : i32 to vector<16xi32>
      %sub3A_1623 = arith.subi %get3A_1590, %sub3A_1622 : vector<16xi32>
      tpu.vector_store_idx %arg5[%sub3A_1623], %broadcast_in_dim3A_579 : memref<1024xi32, #tpu.memory_space<vmem>>[vector<16xi32>], vector<16xi32>,
      %sub3A_1624 = arith.constant 1 : i32
      %sub3A_1625 = vector.broadcast %sub3A_1624 : i32 to vector<16xi32>
      %sub3A_1626 = arith.subi %get3A_1600, %sub3A_1625 : vector<16xi32>
      tpu.vector_store_idx %arg6[%sub3A_1626], %broadcast_in_dim3A_579 : memref<1024xi32, #tpu.memory_space<vmem>>[vector<16xi32>], vector<16xi32>,
      %sub3A_1627 = arith.constant 1 : i32
      %sub3A_1628 = vector.broadcast %sub3A_1627 : i32 to vector<16xi32>
      %sub3A_1629 = arith.subi %get3A_1610, %sub3A_1628 : vector<16xi32>
      tpu.vector_store_idx %arg7[%sub3A_1629], %broadcast_in_dim3A_579 : memref<1024xi32, #tpu.memory_space<vmem>>[vector<16xi32>], vector<16xi32>,
      %sub3A_1630 = arith.constant 1 : i32
      %sub3A_1631 = vector.broadcast %sub3A_1630 : i32 to vector<16xi32>
      %sub3A_1632 = arith.subi %get3A_1620, %sub3A_1631 : vector<16xi32>
      tpu.vector_store_idx %arg8[%sub3A_1632], %broadcast_in_dim3A_579 : memref<1024xi32, #tpu.memory_space<vmem>>[vector<16xi32>], vector<16xi32>,
    }
    %scan3A_619 = arith.constant 128 : i32
    %add3A_620 = arith.constant 24576 : i32
    %add3A_621 = arith.addi %mul3A_2, %add3A_620 : i32
    %dma_wait3A_622 = arith.constant 24576 : i32
    %dma_wait3A_623 = tpu.memref_slice %arg4[%dma_wait3A_622] : memref<62624xi32, #tpu.memory_space<vmem>> -> memref<8192xi32, #tpu.memory_space<vmem>>
    %dma_wait3A_624 = tpu.memref_slice %arg2[%add3A_621] : memref<2000000xi32, #tpu.memory_space<hbm>> -> memref<8192xi32, #tpu.memory_space<hbm>>
    %dma_wait3A_625 = arith.constant 24576 : i32
    %dma_wait3A_626 = tpu.memref_slice %arg4[%dma_wait3A_625] : memref<62624xi32, #tpu.memory_space<vmem>> -> memref<8192xi32, #tpu.memory_space<vmem>>
    %dma_wait3A_627 = tpu.memref_slice %arg2[%add3A_621] : memref<2000000xi32, #tpu.memory_space<hbm>> -> memref<8192xi32, #tpu.memory_space<hbm>>
    tpu.wait_dma2 semaphore(%arg12 : memref<!tpu.dma_semaphore, #tpu.memory_space<semaphore_mem>>) src(%dma_wait3A_627 : memref<8192xi32, #tpu.memory_space<hbm>>) dst(%dma_wait3A_626 : memref<8192xi32, #tpu.memory_space<vmem>>)
    %scan3A_628 = arith.constant 0 : i32
    %scan3A_629 = arith.constant 0 : i32
    %scan3A_630 = arith.constant 128 : i32
    %scan3A_631 = arith.addi %scan3A_629, %scan3A_630 : i32
    %scan3A_632 = arith.constant 2 : i32
    scf.for %scan3A_1530 = %scan3A_629 to %scan3A_631 step %scan3A_632  : i32 {
      %mul3A_1531 = arith.constant 4 : i32
      %mul3A_1532 = arith.muli %scan3A_1530, %mul3A_1531 : i32
      %mul3A_1533 = arith.constant 16 : i32
      %mul3A_1534 = arith.muli %mul3A_1532, %mul3A_1533 : i32
      %add3A_1535 = arith.constant 24576 : i32
      %add3A_1536 = arith.addi %add3A_1535, %mul3A_1534 : i32
      %get3A_1537 = arith.index_cast %add3A_1536 : i32 to index
      %get3A_1538 = tpu.vector_load %arg4[%get3A_1537] {strides = array<i32>} : memref<62624xi32, #tpu.memory_space<vmem>>, vector<16xi32>,
      %mul3A_1539 = arith.constant 4 : i32
      %mul3A_1540 = arith.muli %scan3A_1530, %mul3A_1539 : i32
      %mul3A_1541 = arith.constant 16 : i32
      %mul3A_1542 = arith.muli %mul3A_1540, %mul3A_1541 : i32
      %add3A_1543 = arith.constant 24576 : i32
      %add3A_1544 = arith.addi %add3A_1543, %mul3A_1542 : i32
      %add3A_1545 = arith.constant 16 : i32
      %add3A_1546 = arith.addi %add3A_1544, %add3A_1545 : i32
      %get3A_1547 = arith.index_cast %add3A_1546 : i32 to index
      %get3A_1548 = tpu.vector_load %arg4[%get3A_1547] {strides = array<i32>} : memref<62624xi32, #tpu.memory_space<vmem>>, vector<16xi32>,
      %mul3A_1549 = arith.constant 4 : i32
      %mul3A_1550 = arith.muli %scan3A_1530, %mul3A_1549 : i32
      %mul3A_1551 = arith.constant 16 : i32
      %mul3A_1552 = arith.muli %mul3A_1550, %mul3A_1551 : i32
      %add3A_1553 = arith.constant 24576 : i32
      %add3A_1554 = arith.addi %add3A_1553, %mul3A_1552 : i32
      %add3A_1555 = arith.constant 32 : i32
      %add3A_1556 = arith.addi %add3A_1554, %add3A_1555 : i32
      %get3A_1557 = arith.index_cast %add3A_1556 : i32 to index
      %get3A_1558 = tpu.vector_load %arg4[%get3A_1557] {strides = array<i32>} : memref<62624xi32, #tpu.memory_space<vmem>>, vector<16xi32>,
      %mul3A_1559 = arith.constant 4 : i32
      %mul3A_1560 = arith.muli %scan3A_1530, %mul3A_1559 : i32
      %mul3A_1561 = arith.constant 16 : i32
      %mul3A_1562 = arith.muli %mul3A_1560, %mul3A_1561 : i32
      %add3A_1563 = arith.constant 24576 : i32
      %add3A_1564 = arith.addi %add3A_1563, %mul3A_1562 : i32
      %add3A_1565 = arith.constant 48 : i32
      %add3A_1566 = arith.addi %add3A_1564, %add3A_1565 : i32
      %get3A_1567 = arith.index_cast %add3A_1566 : i32 to index
      %get3A_1568 = tpu.vector_load %arg4[%get3A_1567] {strides = array<i32>} : memref<62624xi32, #tpu.memory_space<vmem>>, vector<16xi32>,
      %sub3A_1569 = arith.constant 1 : i32
      %sub3A_1570 = vector.broadcast %sub3A_1569 : i32 to vector<16xi32>
      %sub3A_1571 = arith.subi %get3A_1538, %sub3A_1570 : vector<16xi32>
      tpu.vector_store_idx %arg5[%sub3A_1571], %broadcast_in_dim3A_579 : memref<1024xi32, #tpu.memory_space<vmem>>[vector<16xi32>], vector<16xi32>,
      %sub3A_1572 = arith.constant 1 : i32
      %sub3A_1573 = vector.broadcast %sub3A_1572 : i32 to vector<16xi32>
      %sub3A_1574 = arith.subi %get3A_1548, %sub3A_1573 : vector<16xi32>
      tpu.vector_store_idx %arg6[%sub3A_1574], %broadcast_in_dim3A_579 : memref<1024xi32, #tpu.memory_space<vmem>>[vector<16xi32>], vector<16xi32>,
      %sub3A_1575 = arith.constant 1 : i32
      %sub3A_1576 = vector.broadcast %sub3A_1575 : i32 to vector<16xi32>
      %sub3A_1577 = arith.subi %get3A_1558, %sub3A_1576 : vector<16xi32>
      tpu.vector_store_idx %arg7[%sub3A_1577], %broadcast_in_dim3A_579 : memref<1024xi32, #tpu.memory_space<vmem>>[vector<16xi32>], vector<16xi32>,
      %sub3A_1578 = arith.constant 1 : i32
      %sub3A_1579 = vector.broadcast %sub3A_1578 : i32 to vector<16xi32>
      %sub3A_1580 = arith.subi %get3A_1568, %sub3A_1579 : vector<16xi32>
      tpu.vector_store_idx %arg8[%sub3A_1580], %broadcast_in_dim3A_579 : memref<1024xi32, #tpu.memory_space<vmem>>[vector<16xi32>], vector<16xi32>,
      %scan3A_1581 = arith.constant 1 : i32
      %scan3A_1582 = arith.addi %scan3A_1530, %scan3A_1581 : i32
      %mul3A_1583 = arith.constant 4 : i32
      %mul3A_1584 = arith.muli %scan3A_1582, %mul3A_1583 : i32
      %mul3A_1585 = arith.constant 16 : i32
      %mul3A_1586 = arith.muli %mul3A_1584, %mul3A_1585 : i32
      %add3A_1587 = arith.constant 24576 : i32
      %add3A_1588 = arith.addi %add3A_1587, %mul3A_1586 : i32
      %get3A_1589 = arith.index_cast %add3A_1588 : i32 to index
      %get3A_1590 = tpu.vector_load %arg4[%get3A_1589] {strides = array<i32>} : memref<62624xi32, #tpu.memory_space<vmem>>, vector<16xi32>,
      %mul3A_1591 = arith.constant 4 : i32
      %mul3A_1592 = arith.muli %scan3A_1582, %mul3A_1591 : i32
      %mul3A_1593 = arith.constant 16 : i32
      %mul3A_1594 = arith.muli %mul3A_1592, %mul3A_1593 : i32
      %add3A_1595 = arith.constant 24576 : i32
      %add3A_1596 = arith.addi %add3A_1595, %mul3A_1594 : i32
      %add3A_1597 = arith.constant 16 : i32
      %add3A_1598 = arith.addi %add3A_1596, %add3A_1597 : i32
      %get3A_1599 = arith.index_cast %add3A_1598 : i32 to index
      %get3A_1600 = tpu.vector_load %arg4[%get3A_1599] {strides = array<i32>} : memref<62624xi32, #tpu.memory_space<vmem>>, vector<16xi32>,
      %mul3A_1601 = arith.constant 4 : i32
      %mul3A_1602 = arith.muli %scan3A_1582, %mul3A_1601 : i32
      %mul3A_1603 = arith.constant 16 : i32
      %mul3A_1604 = arith.muli %mul3A_1602, %mul3A_1603 : i32
      %add3A_1605 = arith.constant 24576 : i32
      %add3A_1606 = arith.addi %add3A_1605, %mul3A_1604 : i32
      %add3A_1607 = arith.constant 32 : i32
      %add3A_1608 = arith.addi %add3A_1606, %add3A_1607 : i32
      %get3A_1609 = arith.index_cast %add3A_1608 : i32 to index
      %get3A_1610 = tpu.vector_load %arg4[%get3A_1609] {strides = array<i32>} : memref<62624xi32, #tpu.memory_space<vmem>>, vector<16xi32>,
      %mul3A_1611 = arith.constant 4 : i32
      %mul3A_1612 = arith.muli %scan3A_1582, %mul3A_1611 : i32
      %mul3A_1613 = arith.constant 16 : i32
      %mul3A_1614 = arith.muli %mul3A_1612, %mul3A_1613 : i32
      %add3A_1615 = arith.constant 24576 : i32
      %add3A_1616 = arith.addi %add3A_1615, %mul3A_1614 : i32
      %add3A_1617 = arith.constant 48 : i32
      %add3A_1618 = arith.addi %add3A_1616, %add3A_1617 : i32
      %get3A_1619 = arith.index_cast %add3A_1618 : i32 to index
      %get3A_1620 = tpu.vector_load %arg4[%get3A_1619] {strides = array<i32>} : memref<62624xi32, #tpu.memory_space<vmem>>, vector<16xi32>,
      %sub3A_1621 = arith.constant 1 : i32
      %sub3A_1622 = vector.broadcast %sub3A_1621 : i32 to vector<16xi32>
      %sub3A_1623 = arith.subi %get3A_1590, %sub3A_1622 : vector<16xi32>
      tpu.vector_store_idx %arg5[%sub3A_1623], %broadcast_in_dim3A_579 : memref<1024xi32, #tpu.memory_space<vmem>>[vector<16xi32>], vector<16xi32>,
      %sub3A_1624 = arith.constant 1 : i32
      %sub3A_1625 = vector.broadcast %sub3A_1624 : i32 to vector<16xi32>
      %sub3A_1626 = arith.subi %get3A_1600, %sub3A_1625 : vector<16xi32>
      tpu.vector_store_idx %arg6[%sub3A_1626], %broadcast_in_dim3A_579 : memref<1024xi32, #tpu.memory_space<vmem>>[vector<16xi32>], vector<16xi32>,
      %sub3A_1627 = arith.constant 1 : i32
      %sub3A_1628 = vector.broadcast %sub3A_1627 : i32 to vector<16xi32>
      %sub3A_1629 = arith.subi %get3A_1610, %sub3A_1628 : vector<16xi32>
      tpu.vector_store_idx %arg7[%sub3A_1629], %broadcast_in_dim3A_579 : memref<1024xi32, #tpu.memory_space<vmem>>[vector<16xi32>], vector<16xi32>,
      %sub3A_1630 = arith.constant 1 : i32
      %sub3A_1631 = vector.broadcast %sub3A_1630 : i32 to vector<16xi32>
      %sub3A_1632 = arith.subi %get3A_1620, %sub3A_1631 : vector<16xi32>
      tpu.vector_store_idx %arg8[%sub3A_1632], %broadcast_in_dim3A_579 : memref<1024xi32, #tpu.memory_space<vmem>>[vector<16xi32>], vector<16xi32>,
    }
    %scan3A_633 = arith.constant 128 : i32
    %add3A_634 = arith.constant 32768 : i32
    %add3A_635 = arith.addi %mul3A_2, %add3A_634 : i32
    %dma_wait3A_636 = arith.constant 32768 : i32
    %dma_wait3A_637 = tpu.memref_slice %arg4[%dma_wait3A_636] : memref<62624xi32, #tpu.memory_space<vmem>> -> memref<8192xi32, #tpu.memory_space<vmem>>
    %dma_wait3A_638 = tpu.memref_slice %arg2[%add3A_635] : memref<2000000xi32, #tpu.memory_space<hbm>> -> memref<8192xi32, #tpu.memory_space<hbm>>
    %dma_wait3A_639 = arith.constant 32768 : i32
    %dma_wait3A_640 = tpu.memref_slice %arg4[%dma_wait3A_639] : memref<62624xi32, #tpu.memory_space<vmem>> -> memref<8192xi32, #tpu.memory_space<vmem>>
    %dma_wait3A_641 = tpu.memref_slice %arg2[%add3A_635] : memref<2000000xi32, #tpu.memory_space<hbm>> -> memref<8192xi32, #tpu.memory_space<hbm>>
    tpu.wait_dma2 semaphore(%arg13 : memref<!tpu.dma_semaphore, #tpu.memory_space<semaphore_mem>>) src(%dma_wait3A_641 : memref<8192xi32, #tpu.memory_space<hbm>>) dst(%dma_wait3A_640 : memref<8192xi32, #tpu.memory_space<vmem>>)
    %scan3A_642 = arith.constant 0 : i32
    %scan3A_643 = arith.constant 0 : i32
    %scan3A_644 = arith.constant 128 : i32
    %scan3A_645 = arith.addi %scan3A_643, %scan3A_644 : i32
    %scan3A_646 = arith.constant 2 : i32
    scf.for %scan3A_1530 = %scan3A_643 to %scan3A_645 step %scan3A_646  : i32 {
      %mul3A_1531 = arith.constant 4 : i32
      %mul3A_1532 = arith.muli %scan3A_1530, %mul3A_1531 : i32
      %mul3A_1533 = arith.constant 16 : i32
      %mul3A_1534 = arith.muli %mul3A_1532, %mul3A_1533 : i32
      %add3A_1535 = arith.constant 32768 : i32
      %add3A_1536 = arith.addi %add3A_1535, %mul3A_1534 : i32
      %get3A_1537 = arith.index_cast %add3A_1536 : i32 to index
      %get3A_1538 = tpu.vector_load %arg4[%get3A_1537] {strides = array<i32>} : memref<62624xi32, #tpu.memory_space<vmem>>, vector<16xi32>,
      %mul3A_1539 = arith.constant 4 : i32
      %mul3A_1540 = arith.muli %scan3A_1530, %mul3A_1539 : i32
      %mul3A_1541 = arith.constant 16 : i32
      %mul3A_1542 = arith.muli %mul3A_1540, %mul3A_1541 : i32
      %add3A_1543 = arith.constant 32768 : i32
      %add3A_1544 = arith.addi %add3A_1543, %mul3A_1542 : i32
      %add3A_1545 = arith.constant 16 : i32
      %add3A_1546 = arith.addi %add3A_1544, %add3A_1545 : i32
      %get3A_1547 = arith.index_cast %add3A_1546 : i32 to index
      %get3A_1548 = tpu.vector_load %arg4[%get3A_1547] {strides = array<i32>} : memref<62624xi32, #tpu.memory_space<vmem>>, vector<16xi32>,
      %mul3A_1549 = arith.constant 4 : i32
      %mul3A_1550 = arith.muli %scan3A_1530, %mul3A_1549 : i32
      %mul3A_1551 = arith.constant 16 : i32
      %mul3A_1552 = arith.muli %mul3A_1550, %mul3A_1551 : i32
      %add3A_1553 = arith.constant 32768 : i32
      %add3A_1554 = arith.addi %add3A_1553, %mul3A_1552 : i32
      %add3A_1555 = arith.constant 32 : i32
      %add3A_1556 = arith.addi %add3A_1554, %add3A_1555 : i32
      %get3A_1557 = arith.index_cast %add3A_1556 : i32 to index
      %get3A_1558 = tpu.vector_load %arg4[%get3A_1557] {strides = array<i32>} : memref<62624xi32, #tpu.memory_space<vmem>>, vector<16xi32>,
      %mul3A_1559 = arith.constant 4 : i32
      %mul3A_1560 = arith.muli %scan3A_1530, %mul3A_1559 : i32
      %mul3A_1561 = arith.constant 16 : i32
      %mul3A_1562 = arith.muli %mul3A_1560, %mul3A_1561 : i32
      %add3A_1563 = arith.constant 32768 : i32
      %add3A_1564 = arith.addi %add3A_1563, %mul3A_1562 : i32
      %add3A_1565 = arith.constant 48 : i32
      %add3A_1566 = arith.addi %add3A_1564, %add3A_1565 : i32
      %get3A_1567 = arith.index_cast %add3A_1566 : i32 to index
      %get3A_1568 = tpu.vector_load %arg4[%get3A_1567] {strides = array<i32>} : memref<62624xi32, #tpu.memory_space<vmem>>, vector<16xi32>,
      %sub3A_1569 = arith.constant 1 : i32
      %sub3A_1570 = vector.broadcast %sub3A_1569 : i32 to vector<16xi32>
      %sub3A_1571 = arith.subi %get3A_1538, %sub3A_1570 : vector<16xi32>
      tpu.vector_store_idx %arg5[%sub3A_1571], %broadcast_in_dim3A_579 : memref<1024xi32, #tpu.memory_space<vmem>>[vector<16xi32>], vector<16xi32>,
      %sub3A_1572 = arith.constant 1 : i32
      %sub3A_1573 = vector.broadcast %sub3A_1572 : i32 to vector<16xi32>
      %sub3A_1574 = arith.subi %get3A_1548, %sub3A_1573 : vector<16xi32>
      tpu.vector_store_idx %arg6[%sub3A_1574], %broadcast_in_dim3A_579 : memref<1024xi32, #tpu.memory_space<vmem>>[vector<16xi32>], vector<16xi32>,
      %sub3A_1575 = arith.constant 1 : i32
      %sub3A_1576 = vector.broadcast %sub3A_1575 : i32 to vector<16xi32>
      %sub3A_1577 = arith.subi %get3A_1558, %sub3A_1576 : vector<16xi32>
      tpu.vector_store_idx %arg7[%sub3A_1577], %broadcast_in_dim3A_579 : memref<1024xi32, #tpu.memory_space<vmem>>[vector<16xi32>], vector<16xi32>,
      %sub3A_1578 = arith.constant 1 : i32
      %sub3A_1579 = vector.broadcast %sub3A_1578 : i32 to vector<16xi32>
      %sub3A_1580 = arith.subi %get3A_1568, %sub3A_1579 : vector<16xi32>
      tpu.vector_store_idx %arg8[%sub3A_1580], %broadcast_in_dim3A_579 : memref<1024xi32, #tpu.memory_space<vmem>>[vector<16xi32>], vector<16xi32>,
      %scan3A_1581 = arith.constant 1 : i32
      %scan3A_1582 = arith.addi %scan3A_1530, %scan3A_1581 : i32
      %mul3A_1583 = arith.constant 4 : i32
      %mul3A_1584 = arith.muli %scan3A_1582, %mul3A_1583 : i32
      %mul3A_1585 = arith.constant 16 : i32
      %mul3A_1586 = arith.muli %mul3A_1584, %mul3A_1585 : i32
      %add3A_1587 = arith.constant 32768 : i32
      %add3A_1588 = arith.addi %add3A_1587, %mul3A_1586 : i32
      %get3A_1589 = arith.index_cast %add3A_1588 : i32 to index
      %get3A_1590 = tpu.vector_load %arg4[%get3A_1589] {strides = array<i32>} : memref<62624xi32, #tpu.memory_space<vmem>>, vector<16xi32>,
      %mul3A_1591 = arith.constant 4 : i32
      %mul3A_1592 = arith.muli %scan3A_1582, %mul3A_1591 : i32
      %mul3A_1593 = arith.constant 16 : i32
      %mul3A_1594 = arith.muli %mul3A_1592, %mul3A_1593 : i32
      %add3A_1595 = arith.constant 32768 : i32
      %add3A_1596 = arith.addi %add3A_1595, %mul3A_1594 : i32
      %add3A_1597 = arith.constant 16 : i32
      %add3A_1598 = arith.addi %add3A_1596, %add3A_1597 : i32
      %get3A_1599 = arith.index_cast %add3A_1598 : i32 to index
      %get3A_1600 = tpu.vector_load %arg4[%get3A_1599] {strides = array<i32>} : memref<62624xi32, #tpu.memory_space<vmem>>, vector<16xi32>,
      %mul3A_1601 = arith.constant 4 : i32
      %mul3A_1602 = arith.muli %scan3A_1582, %mul3A_1601 : i32
      %mul3A_1603 = arith.constant 16 : i32
      %mul3A_1604 = arith.muli %mul3A_1602, %mul3A_1603 : i32
      %add3A_1605 = arith.constant 32768 : i32
      %add3A_1606 = arith.addi %add3A_1605, %mul3A_1604 : i32
      %add3A_1607 = arith.constant 32 : i32
      %add3A_1608 = arith.addi %add3A_1606, %add3A_1607 : i32
      %get3A_1609 = arith.index_cast %add3A_1608 : i32 to index
      %get3A_1610 = tpu.vector_load %arg4[%get3A_1609] {strides = array<i32>} : memref<62624xi32, #tpu.memory_space<vmem>>, vector<16xi32>,
      %mul3A_1611 = arith.constant 4 : i32
      %mul3A_1612 = arith.muli %scan3A_1582, %mul3A_1611 : i32
      %mul3A_1613 = arith.constant 16 : i32
      %mul3A_1614 = arith.muli %mul3A_1612, %mul3A_1613 : i32
      %add3A_1615 = arith.constant 32768 : i32
      %add3A_1616 = arith.addi %add3A_1615, %mul3A_1614 : i32
      %add3A_1617 = arith.constant 48 : i32
      %add3A_1618 = arith.addi %add3A_1616, %add3A_1617 : i32
      %get3A_1619 = arith.index_cast %add3A_1618 : i32 to index
      %get3A_1620 = tpu.vector_load %arg4[%get3A_1619] {strides = array<i32>} : memref<62624xi32, #tpu.memory_space<vmem>>, vector<16xi32>,
      %sub3A_1621 = arith.constant 1 : i32
      %sub3A_1622 = vector.broadcast %sub3A_1621 : i32 to vector<16xi32>
      %sub3A_1623 = arith.subi %get3A_1590, %sub3A_1622 : vector<16xi32>
      tpu.vector_store_idx %arg5[%sub3A_1623], %broadcast_in_dim3A_579 : memref<1024xi32, #tpu.memory_space<vmem>>[vector<16xi32>], vector<16xi32>,
      %sub3A_1624 = arith.constant 1 : i32
      %sub3A_1625 = vector.broadcast %sub3A_1624 : i32 to vector<16xi32>
      %sub3A_1626 = arith.subi %get3A_1600, %sub3A_1625 : vector<16xi32>
      tpu.vector_store_idx %arg6[%sub3A_1626], %broadcast_in_dim3A_579 : memref<1024xi32, #tpu.memory_space<vmem>>[vector<16xi32>], vector<16xi32>,
      %sub3A_1627 = arith.constant 1 : i32
      %sub3A_1628 = vector.broadcast %sub3A_1627 : i32 to vector<16xi32>
      %sub3A_1629 = arith.subi %get3A_1610, %sub3A_1628 : vector<16xi32>
      tpu.vector_store_idx %arg7[%sub3A_1629], %broadcast_in_dim3A_579 : memref<1024xi32, #tpu.memory_space<vmem>>[vector<16xi32>], vector<16xi32>,
      %sub3A_1630 = arith.constant 1 : i32
      %sub3A_1631 = vector.broadcast %sub3A_1630 : i32 to vector<16xi32>
      %sub3A_1632 = arith.subi %get3A_1620, %sub3A_1631 : vector<16xi32>
      tpu.vector_store_idx %arg8[%sub3A_1632], %broadcast_in_dim3A_579 : memref<1024xi32, #tpu.memory_space<vmem>>[vector<16xi32>], vector<16xi32>,
    }
    %scan3A_647 = arith.constant 128 : i32
    %add3A_648 = arith.constant 40960 : i32
    %add3A_649 = arith.addi %mul3A_2, %add3A_648 : i32
    %dma_wait3A_650 = arith.constant 40960 : i32
    %dma_wait3A_651 = tpu.memref_slice %arg4[%dma_wait3A_650] : memref<62624xi32, #tpu.memory_space<vmem>> -> memref<8192xi32, #tpu.memory_space<vmem>>
    %dma_wait3A_652 = tpu.memref_slice %arg2[%add3A_649] : memref<2000000xi32, #tpu.memory_space<hbm>> -> memref<8192xi32, #tpu.memory_space<hbm>>
    %dma_wait3A_653 = arith.constant 40960 : i32
    %dma_wait3A_654 = tpu.memref_slice %arg4[%dma_wait3A_653] : memref<62624xi32, #tpu.memory_space<vmem>> -> memref<8192xi32, #tpu.memory_space<vmem>>
    %dma_wait3A_655 = tpu.memref_slice %arg2[%add3A_649] : memref<2000000xi32, #tpu.memory_space<hbm>> -> memref<8192xi32, #tpu.memory_space<hbm>>
    tpu.wait_dma2 semaphore(%arg14 : memref<!tpu.dma_semaphore, #tpu.memory_space<semaphore_mem>>) src(%dma_wait3A_655 : memref<8192xi32, #tpu.memory_space<hbm>>) dst(%dma_wait3A_654 : memref<8192xi32, #tpu.memory_space<vmem>>)
    %scan3A_656 = arith.constant 0 : i32
    %scan3A_657 = arith.constant 0 : i32
    %scan3A_658 = arith.constant 128 : i32
    %scan3A_659 = arith.addi %scan3A_657, %scan3A_658 : i32
    %scan3A_660 = arith.constant 2 : i32
    scf.for %scan3A_1530 = %scan3A_657 to %scan3A_659 step %scan3A_660  : i32 {
      %mul3A_1531 = arith.constant 4 : i32
      %mul3A_1532 = arith.muli %scan3A_1530, %mul3A_1531 : i32
      %mul3A_1533 = arith.constant 16 : i32
      %mul3A_1534 = arith.muli %mul3A_1532, %mul3A_1533 : i32
      %add3A_1535 = arith.constant 40960 : i32
      %add3A_1536 = arith.addi %add3A_1535, %mul3A_1534 : i32
      %get3A_1537 = arith.index_cast %add3A_1536 : i32 to index
      %get3A_1538 = tpu.vector_load %arg4[%get3A_1537] {strides = array<i32>} : memref<62624xi32, #tpu.memory_space<vmem>>, vector<16xi32>,
      %mul3A_1539 = arith.constant 4 : i32
      %mul3A_1540 = arith.muli %scan3A_1530, %mul3A_1539 : i32
      %mul3A_1541 = arith.constant 16 : i32
      %mul3A_1542 = arith.muli %mul3A_1540, %mul3A_1541 : i32
      %add3A_1543 = arith.constant 40960 : i32
      %add3A_1544 = arith.addi %add3A_1543, %mul3A_1542 : i32
      %add3A_1545 = arith.constant 16 : i32
      %add3A_1546 = arith.addi %add3A_1544, %add3A_1545 : i32
      %get3A_1547 = arith.index_cast %add3A_1546 : i32 to index
      %get3A_1548 = tpu.vector_load %arg4[%get3A_1547] {strides = array<i32>} : memref<62624xi32, #tpu.memory_space<vmem>>, vector<16xi32>,
      %mul3A_1549 = arith.constant 4 : i32
      %mul3A_1550 = arith.muli %scan3A_1530, %mul3A_1549 : i32
      %mul3A_1551 = arith.constant 16 : i32
      %mul3A_1552 = arith.muli %mul3A_1550, %mul3A_1551 : i32
      %add3A_1553 = arith.constant 40960 : i32
      %add3A_1554 = arith.addi %add3A_1553, %mul3A_1552 : i32
      %add3A_1555 = arith.constant 32 : i32
      %add3A_1556 = arith.addi %add3A_1554, %add3A_1555 : i32
      %get3A_1557 = arith.index_cast %add3A_1556 : i32 to index
      %get3A_1558 = tpu.vector_load %arg4[%get3A_1557] {strides = array<i32>} : memref<62624xi32, #tpu.memory_space<vmem>>, vector<16xi32>,
      %mul3A_1559 = arith.constant 4 : i32
      %mul3A_1560 = arith.muli %scan3A_1530, %mul3A_1559 : i32
      %mul3A_1561 = arith.constant 16 : i32
      %mul3A_1562 = arith.muli %mul3A_1560, %mul3A_1561 : i32
      %add3A_1563 = arith.constant 40960 : i32
      %add3A_1564 = arith.addi %add3A_1563, %mul3A_1562 : i32
      %add3A_1565 = arith.constant 48 : i32
      %add3A_1566 = arith.addi %add3A_1564, %add3A_1565 : i32
      %get3A_1567 = arith.index_cast %add3A_1566 : i32 to index
      %get3A_1568 = tpu.vector_load %arg4[%get3A_1567] {strides = array<i32>} : memref<62624xi32, #tpu.memory_space<vmem>>, vector<16xi32>,
      %sub3A_1569 = arith.constant 1 : i32
      %sub3A_1570 = vector.broadcast %sub3A_1569 : i32 to vector<16xi32>
      %sub3A_1571 = arith.subi %get3A_1538, %sub3A_1570 : vector<16xi32>
      tpu.vector_store_idx %arg5[%sub3A_1571], %broadcast_in_dim3A_579 : memref<1024xi32, #tpu.memory_space<vmem>>[vector<16xi32>], vector<16xi32>,
      %sub3A_1572 = arith.constant 1 : i32
      %sub3A_1573 = vector.broadcast %sub3A_1572 : i32 to vector<16xi32>
      %sub3A_1574 = arith.subi %get3A_1548, %sub3A_1573 : vector<16xi32>
      tpu.vector_store_idx %arg6[%sub3A_1574], %broadcast_in_dim3A_579 : memref<1024xi32, #tpu.memory_space<vmem>>[vector<16xi32>], vector<16xi32>,
      %sub3A_1575 = arith.constant 1 : i32
      %sub3A_1576 = vector.broadcast %sub3A_1575 : i32 to vector<16xi32>
      %sub3A_1577 = arith.subi %get3A_1558, %sub3A_1576 : vector<16xi32>
      tpu.vector_store_idx %arg7[%sub3A_1577], %broadcast_in_dim3A_579 : memref<1024xi32, #tpu.memory_space<vmem>>[vector<16xi32>], vector<16xi32>,
      %sub3A_1578 = arith.constant 1 : i32
      %sub3A_1579 = vector.broadcast %sub3A_1578 : i32 to vector<16xi32>
      %sub3A_1580 = arith.subi %get3A_1568, %sub3A_1579 : vector<16xi32>
      tpu.vector_store_idx %arg8[%sub3A_1580], %broadcast_in_dim3A_579 : memref<1024xi32, #tpu.memory_space<vmem>>[vector<16xi32>], vector<16xi32>,
      %scan3A_1581 = arith.constant 1 : i32
      %scan3A_1582 = arith.addi %scan3A_1530, %scan3A_1581 : i32
      %mul3A_1583 = arith.constant 4 : i32
      %mul3A_1584 = arith.muli %scan3A_1582, %mul3A_1583 : i32
      %mul3A_1585 = arith.constant 16 : i32
      %mul3A_1586 = arith.muli %mul3A_1584, %mul3A_1585 : i32
      %add3A_1587 = arith.constant 40960 : i32
      %add3A_1588 = arith.addi %add3A_1587, %mul3A_1586 : i32
      %get3A_1589 = arith.index_cast %add3A_1588 : i32 to index
      %get3A_1590 = tpu.vector_load %arg4[%get3A_1589] {strides = array<i32>} : memref<62624xi32, #tpu.memory_space<vmem>>, vector<16xi32>,
      %mul3A_1591 = arith.constant 4 : i32
      %mul3A_1592 = arith.muli %scan3A_1582, %mul3A_1591 : i32
      %mul3A_1593 = arith.constant 16 : i32
      %mul3A_1594 = arith.muli %mul3A_1592, %mul3A_1593 : i32
      %add3A_1595 = arith.constant 40960 : i32
      %add3A_1596 = arith.addi %add3A_1595, %mul3A_1594 : i32
      %add3A_1597 = arith.constant 16 : i32
      %add3A_1598 = arith.addi %add3A_1596, %add3A_1597 : i32
      %get3A_1599 = arith.index_cast %add3A_1598 : i32 to index
      %get3A_1600 = tpu.vector_load %arg4[%get3A_1599] {strides = array<i32>} : memref<62624xi32, #tpu.memory_space<vmem>>, vector<16xi32>,
      %mul3A_1601 = arith.constant 4 : i32
      %mul3A_1602 = arith.muli %scan3A_1582, %mul3A_1601 : i32
      %mul3A_1603 = arith.constant 16 : i32
      %mul3A_1604 = arith.muli %mul3A_1602, %mul3A_1603 : i32
      %add3A_1605 = arith.constant 40960 : i32
      %add3A_1606 = arith.addi %add3A_1605, %mul3A_1604 : i32
      %add3A_1607 = arith.constant 32 : i32
      %add3A_1608 = arith.addi %add3A_1606, %add3A_1607 : i32
      %get3A_1609 = arith.index_cast %add3A_1608 : i32 to index
      %get3A_1610 = tpu.vector_load %arg4[%get3A_1609] {strides = array<i32>} : memref<62624xi32, #tpu.memory_space<vmem>>, vector<16xi32>,
      %mul3A_1611 = arith.constant 4 : i32
      %mul3A_1612 = arith.muli %scan3A_1582, %mul3A_1611 : i32
      %mul3A_1613 = arith.constant 16 : i32
      %mul3A_1614 = arith.muli %mul3A_1612, %mul3A_1613 : i32
      %add3A_1615 = arith.constant 40960 : i32
      %add3A_1616 = arith.addi %add3A_1615, %mul3A_1614 : i32
      %add3A_1617 = arith.constant 48 : i32
      %add3A_1618 = arith.addi %add3A_1616, %add3A_1617 : i32
      %get3A_1619 = arith.index_cast %add3A_1618 : i32 to index
      %get3A_1620 = tpu.vector_load %arg4[%get3A_1619] {strides = array<i32>} : memref<62624xi32, #tpu.memory_space<vmem>>, vector<16xi32>,
      %sub3A_1621 = arith.constant 1 : i32
      %sub3A_1622 = vector.broadcast %sub3A_1621 : i32 to vector<16xi32>
      %sub3A_1623 = arith.subi %get3A_1590, %sub3A_1622 : vector<16xi32>
      tpu.vector_store_idx %arg5[%sub3A_1623], %broadcast_in_dim3A_579 : memref<1024xi32, #tpu.memory_space<vmem>>[vector<16xi32>], vector<16xi32>,
      %sub3A_1624 = arith.constant 1 : i32
      %sub3A_1625 = vector.broadcast %sub3A_1624 : i32 to vector<16xi32>
      %sub3A_1626 = arith.subi %get3A_1600, %sub3A_1625 : vector<16xi32>
      tpu.vector_store_idx %arg6[%sub3A_1626], %broadcast_in_dim3A_579 : memref<1024xi32, #tpu.memory_space<vmem>>[vector<16xi32>], vector<16xi32>,
      %sub3A_1627 = arith.constant 1 : i32
      %sub3A_1628 = vector.broadcast %sub3A_1627 : i32 to vector<16xi32>
      %sub3A_1629 = arith.subi %get3A_1610, %sub3A_1628 : vector<16xi32>
      tpu.vector_store_idx %arg7[%sub3A_1629], %broadcast_in_dim3A_579 : memref<1024xi32, #tpu.memory_space<vmem>>[vector<16xi32>], vector<16xi32>,
      %sub3A_1630 = arith.constant 1 : i32
      %sub3A_1631 = vector.broadcast %sub3A_1630 : i32 to vector<16xi32>
      %sub3A_1632 = arith.subi %get3A_1620, %sub3A_1631 : vector<16xi32>
      tpu.vector_store_idx %arg8[%sub3A_1632], %broadcast_in_dim3A_579 : memref<1024xi32, #tpu.memory_space<vmem>>[vector<16xi32>], vector<16xi32>,
    }
    %scan3A_661 = arith.constant 128 : i32
    %add3A_662 = arith.constant 49152 : i32
    %add3A_663 = arith.addi %mul3A_2, %add3A_662 : i32
    %dma_wait3A_664 = arith.constant 49152 : i32
    %dma_wait3A_665 = tpu.memref_slice %arg4[%dma_wait3A_664] : memref<62624xi32, #tpu.memory_space<vmem>> -> memref<8192xi32, #tpu.memory_space<vmem>>
    %dma_wait3A_666 = tpu.memref_slice %arg2[%add3A_663] : memref<2000000xi32, #tpu.memory_space<hbm>> -> memref<8192xi32, #tpu.memory_space<hbm>>
    %dma_wait3A_667 = arith.constant 49152 : i32
    %dma_wait3A_668 = tpu.memref_slice %arg4[%dma_wait3A_667] : memref<62624xi32, #tpu.memory_space<vmem>> -> memref<8192xi32, #tpu.memory_space<vmem>>
    %dma_wait3A_669 = tpu.memref_slice %arg2[%add3A_663] : memref<2000000xi32, #tpu.memory_space<hbm>> -> memref<8192xi32, #tpu.memory_space<hbm>>
    tpu.wait_dma2 semaphore(%arg15 : memref<!tpu.dma_semaphore, #tpu.memory_space<semaphore_mem>>) src(%dma_wait3A_669 : memref<8192xi32, #tpu.memory_space<hbm>>) dst(%dma_wait3A_668 : memref<8192xi32, #tpu.memory_space<vmem>>)
    %scan3A_670 = arith.constant 0 : i32
    %scan3A_671 = arith.constant 0 : i32
    %scan3A_672 = arith.constant 128 : i32
    %scan3A_673 = arith.addi %scan3A_671, %scan3A_672 : i32
    %scan3A_674 = arith.constant 2 : i32
    scf.for %scan3A_1530 = %scan3A_671 to %scan3A_673 step %scan3A_674  : i32 {
      %mul3A_1531 = arith.constant 4 : i32
      %mul3A_1532 = arith.muli %scan3A_1530, %mul3A_1531 : i32
      %mul3A_1533 = arith.constant 16 : i32
      %mul3A_1534 = arith.muli %mul3A_1532, %mul3A_1533 : i32
      %add3A_1535 = arith.constant 49152 : i32
      %add3A_1536 = arith.addi %add3A_1535, %mul3A_1534 : i32
      %get3A_1537 = arith.index_cast %add3A_1536 : i32 to index
      %get3A_1538 = tpu.vector_load %arg4[%get3A_1537] {strides = array<i32>} : memref<62624xi32, #tpu.memory_space<vmem>>, vector<16xi32>,
      %mul3A_1539 = arith.constant 4 : i32
      %mul3A_1540 = arith.muli %scan3A_1530, %mul3A_1539 : i32
      %mul3A_1541 = arith.constant 16 : i32
      %mul3A_1542 = arith.muli %mul3A_1540, %mul3A_1541 : i32
      %add3A_1543 = arith.constant 49152 : i32
      %add3A_1544 = arith.addi %add3A_1543, %mul3A_1542 : i32
      %add3A_1545 = arith.constant 16 : i32
      %add3A_1546 = arith.addi %add3A_1544, %add3A_1545 : i32
      %get3A_1547 = arith.index_cast %add3A_1546 : i32 to index
      %get3A_1548 = tpu.vector_load %arg4[%get3A_1547] {strides = array<i32>} : memref<62624xi32, #tpu.memory_space<vmem>>, vector<16xi32>,
      %mul3A_1549 = arith.constant 4 : i32
      %mul3A_1550 = arith.muli %scan3A_1530, %mul3A_1549 : i32
      %mul3A_1551 = arith.constant 16 : i32
      %mul3A_1552 = arith.muli %mul3A_1550, %mul3A_1551 : i32
      %add3A_1553 = arith.constant 49152 : i32
      %add3A_1554 = arith.addi %add3A_1553, %mul3A_1552 : i32
      %add3A_1555 = arith.constant 32 : i32
      %add3A_1556 = arith.addi %add3A_1554, %add3A_1555 : i32
      %get3A_1557 = arith.index_cast %add3A_1556 : i32 to index
      %get3A_1558 = tpu.vector_load %arg4[%get3A_1557] {strides = array<i32>} : memref<62624xi32, #tpu.memory_space<vmem>>, vector<16xi32>,
      %mul3A_1559 = arith.constant 4 : i32
      %mul3A_1560 = arith.muli %scan3A_1530, %mul3A_1559 : i32
      %mul3A_1561 = arith.constant 16 : i32
      %mul3A_1562 = arith.muli %mul3A_1560, %mul3A_1561 : i32
      %add3A_1563 = arith.constant 49152 : i32
      %add3A_1564 = arith.addi %add3A_1563, %mul3A_1562 : i32
      %add3A_1565 = arith.constant 48 : i32
      %add3A_1566 = arith.addi %add3A_1564, %add3A_1565 : i32
      %get3A_1567 = arith.index_cast %add3A_1566 : i32 to index
      %get3A_1568 = tpu.vector_load %arg4[%get3A_1567] {strides = array<i32>} : memref<62624xi32, #tpu.memory_space<vmem>>, vector<16xi32>,
      %sub3A_1569 = arith.constant 1 : i32
      %sub3A_1570 = vector.broadcast %sub3A_1569 : i32 to vector<16xi32>
      %sub3A_1571 = arith.subi %get3A_1538, %sub3A_1570 : vector<16xi32>
      tpu.vector_store_idx %arg5[%sub3A_1571], %broadcast_in_dim3A_579 : memref<1024xi32, #tpu.memory_space<vmem>>[vector<16xi32>], vector<16xi32>,
      %sub3A_1572 = arith.constant 1 : i32
      %sub3A_1573 = vector.broadcast %sub3A_1572 : i32 to vector<16xi32>
      %sub3A_1574 = arith.subi %get3A_1548, %sub3A_1573 : vector<16xi32>
      tpu.vector_store_idx %arg6[%sub3A_1574], %broadcast_in_dim3A_579 : memref<1024xi32, #tpu.memory_space<vmem>>[vector<16xi32>], vector<16xi32>,
      %sub3A_1575 = arith.constant 1 : i32
      %sub3A_1576 = vector.broadcast %sub3A_1575 : i32 to vector<16xi32>
      %sub3A_1577 = arith.subi %get3A_1558, %sub3A_1576 : vector<16xi32>
      tpu.vector_store_idx %arg7[%sub3A_1577], %broadcast_in_dim3A_579 : memref<1024xi32, #tpu.memory_space<vmem>>[vector<16xi32>], vector<16xi32>,
      %sub3A_1578 = arith.constant 1 : i32
      %sub3A_1579 = vector.broadcast %sub3A_1578 : i32 to vector<16xi32>
      %sub3A_1580 = arith.subi %get3A_1568, %sub3A_1579 : vector<16xi32>
      tpu.vector_store_idx %arg8[%sub3A_1580], %broadcast_in_dim3A_579 : memref<1024xi32, #tpu.memory_space<vmem>>[vector<16xi32>], vector<16xi32>,
      %scan3A_1581 = arith.constant 1 : i32
      %scan3A_1582 = arith.addi %scan3A_1530, %scan3A_1581 : i32
      %mul3A_1583 = arith.constant 4 : i32
      %mul3A_1584 = arith.muli %scan3A_1582, %mul3A_1583 : i32
      %mul3A_1585 = arith.constant 16 : i32
      %mul3A_1586 = arith.muli %mul3A_1584, %mul3A_1585 : i32
      %add3A_1587 = arith.constant 49152 : i32
      %add3A_1588 = arith.addi %add3A_1587, %mul3A_1586 : i32
      %get3A_1589 = arith.index_cast %add3A_1588 : i32 to index
      %get3A_1590 = tpu.vector_load %arg4[%get3A_1589] {strides = array<i32>} : memref<62624xi32, #tpu.memory_space<vmem>>, vector<16xi32>,
      %mul3A_1591 = arith.constant 4 : i32
      %mul3A_1592 = arith.muli %scan3A_1582, %mul3A_1591 : i32
      %mul3A_1593 = arith.constant 16 : i32
      %mul3A_1594 = arith.muli %mul3A_1592, %mul3A_1593 : i32
      %add3A_1595 = arith.constant 49152 : i32
      %add3A_1596 = arith.addi %add3A_1595, %mul3A_1594 : i32
      %add3A_1597 = arith.constant 16 : i32
      %add3A_1598 = arith.addi %add3A_1596, %add3A_1597 : i32
      %get3A_1599 = arith.index_cast %add3A_1598 : i32 to index
      %get3A_1600 = tpu.vector_load %arg4[%get3A_1599] {strides = array<i32>} : memref<62624xi32, #tpu.memory_space<vmem>>, vector<16xi32>,
      %mul3A_1601 = arith.constant 4 : i32
      %mul3A_1602 = arith.muli %scan3A_1582, %mul3A_1601 : i32
      %mul3A_1603 = arith.constant 16 : i32
      %mul3A_1604 = arith.muli %mul3A_1602, %mul3A_1603 : i32
      %add3A_1605 = arith.constant 49152 : i32
      %add3A_1606 = arith.addi %add3A_1605, %mul3A_1604 : i32
      %add3A_1607 = arith.constant 32 : i32
      %add3A_1608 = arith.addi %add3A_1606, %add3A_1607 : i32
      %get3A_1609 = arith.index_cast %add3A_1608 : i32 to index
      %get3A_1610 = tpu.vector_load %arg4[%get3A_1609] {strides = array<i32>} : memref<62624xi32, #tpu.memory_space<vmem>>, vector<16xi32>,
      %mul3A_1611 = arith.constant 4 : i32
      %mul3A_1612 = arith.muli %scan3A_1582, %mul3A_1611 : i32
      %mul3A_1613 = arith.constant 16 : i32
      %mul3A_1614 = arith.muli %mul3A_1612, %mul3A_1613 : i32
      %add3A_1615 = arith.constant 49152 : i32
      %add3A_1616 = arith.addi %add3A_1615, %mul3A_1614 : i32
      %add3A_1617 = arith.constant 48 : i32
      %add3A_1618 = arith.addi %add3A_1616, %add3A_1617 : i32
      %get3A_1619 = arith.index_cast %add3A_1618 : i32 to index
      %get3A_1620 = tpu.vector_load %arg4[%get3A_1619] {strides = array<i32>} : memref<62624xi32, #tpu.memory_space<vmem>>, vector<16xi32>,
      %sub3A_1621 = arith.constant 1 : i32
      %sub3A_1622 = vector.broadcast %sub3A_1621 : i32 to vector<16xi32>
      %sub3A_1623 = arith.subi %get3A_1590, %sub3A_1622 : vector<16xi32>
      tpu.vector_store_idx %arg5[%sub3A_1623], %broadcast_in_dim3A_579 : memref<1024xi32, #tpu.memory_space<vmem>>[vector<16xi32>], vector<16xi32>,
      %sub3A_1624 = arith.constant 1 : i32
      %sub3A_1625 = vector.broadcast %sub3A_1624 : i32 to vector<16xi32>
      %sub3A_1626 = arith.subi %get3A_1600, %sub3A_1625 : vector<16xi32>
      tpu.vector_store_idx %arg6[%sub3A_1626], %broadcast_in_dim3A_579 : memref<1024xi32, #tpu.memory_space<vmem>>[vector<16xi32>], vector<16xi32>,
      %sub3A_1627 = arith.constant 1 : i32
      %sub3A_1628 = vector.broadcast %sub3A_1627 : i32 to vector<16xi32>
      %sub3A_1629 = arith.subi %get3A_1610, %sub3A_1628 : vector<16xi32>
      tpu.vector_store_idx %arg7[%sub3A_1629], %broadcast_in_dim3A_579 : memref<1024xi32, #tpu.memory_space<vmem>>[vector<16xi32>], vector<16xi32>,
      %sub3A_1630 = arith.constant 1 : i32
      %sub3A_1631 = vector.broadcast %sub3A_1630 : i32 to vector<16xi32>
      %sub3A_1632 = arith.subi %get3A_1620, %sub3A_1631 : vector<16xi32>
      tpu.vector_store_idx %arg8[%sub3A_1632], %broadcast_in_dim3A_579 : memref<1024xi32, #tpu.memory_space<vmem>>[vector<16xi32>], vector<16xi32>,
    }
    %scan3A_675 = arith.constant 128 : i32
    %add3A_676 = arith.constant 57344 : i32
    %add3A_677 = arith.addi %mul3A_2, %add3A_676 : i32
    %dma_wait3A_678 = arith.constant 57344 : i32
    %dma_wait3A_679 = tpu.memref_slice %arg4[%dma_wait3A_678] : memref<62624xi32, #tpu.memory_space<vmem>> -> memref<5280xi32, #tpu.memory_space<vmem>>
    %dma_wait3A_680 = tpu.memref_slice %arg2[%add3A_677] : memref<2000000xi32, #tpu.memory_space<hbm>> -> memref<5280xi32, #tpu.memory_space<hbm>>
    %dma_wait3A_681 = arith.constant 57344 : i32
    %dma_wait3A_682 = tpu.memref_slice %arg4[%dma_wait3A_681] : memref<62624xi32, #tpu.memory_space<vmem>> -> memref<5280xi32, #tpu.memory_space<vmem>>
    %dma_wait3A_683 = tpu.memref_slice %arg2[%add3A_677] : memref<2000000xi32, #tpu.memory_space<hbm>> -> memref<5280xi32, #tpu.memory_space<hbm>>
    tpu.wait_dma2 semaphore(%arg16 : memref<!tpu.dma_semaphore, #tpu.memory_space<semaphore_mem>>) src(%dma_wait3A_683 : memref<5280xi32, #tpu.memory_space<hbm>>) dst(%dma_wait3A_682 : memref<5280xi32, #tpu.memory_space<vmem>>)
    %scan3A_684 = arith.constant 0 : i32
    %scan3A_685 = arith.constant 0 : i32
    %scan3A_686 = arith.constant 82 : i32
    %scan3A_687 = arith.addi %scan3A_685, %scan3A_686 : i32
    %scan3A_688 = arith.constant 2 : i32
    scf.for %scan3A_1530 = %scan3A_685 to %scan3A_687 step %scan3A_688  : i32 {
      %mul3A_1531 = arith.constant 4 : i32
      %mul3A_1532 = arith.muli %scan3A_1530, %mul3A_1531 : i32
      %mul3A_1533 = arith.constant 16 : i32
      %mul3A_1534 = arith.muli %mul3A_1532, %mul3A_1533 : i32
      %add3A_1535 = arith.constant 57344 : i32
      %add3A_1536 = arith.addi %add3A_1535, %mul3A_1534 : i32
      %get3A_1537 = arith.index_cast %add3A_1536 : i32 to index
      %get3A_1538 = tpu.vector_load %arg4[%get3A_1537] {strides = array<i32>} : memref<62624xi32, #tpu.memory_space<vmem>>, vector<16xi32>,
      %mul3A_1539 = arith.constant 4 : i32
      %mul3A_1540 = arith.muli %scan3A_1530, %mul3A_1539 : i32
      %mul3A_1541 = arith.constant 16 : i32
      %mul3A_1542 = arith.muli %mul3A_1540, %mul3A_1541 : i32
      %add3A_1543 = arith.constant 57344 : i32
      %add3A_1544 = arith.addi %add3A_1543, %mul3A_1542 : i32
      %add3A_1545 = arith.constant 16 : i32
      %add3A_1546 = arith.addi %add3A_1544, %add3A_1545 : i32
      %get3A_1547 = arith.index_cast %add3A_1546 : i32 to index
      %get3A_1548 = tpu.vector_load %arg4[%get3A_1547] {strides = array<i32>} : memref<62624xi32, #tpu.memory_space<vmem>>, vector<16xi32>,
      %mul3A_1549 = arith.constant 4 : i32
      %mul3A_1550 = arith.muli %scan3A_1530, %mul3A_1549 : i32
      %mul3A_1551 = arith.constant 16 : i32
      %mul3A_1552 = arith.muli %mul3A_1550, %mul3A_1551 : i32
      %add3A_1553 = arith.constant 57344 : i32
      %add3A_1554 = arith.addi %add3A_1553, %mul3A_1552 : i32
      %add3A_1555 = arith.constant 32 : i32
      %add3A_1556 = arith.addi %add3A_1554, %add3A_1555 : i32
      %get3A_1557 = arith.index_cast %add3A_1556 : i32 to index
      %get3A_1558 = tpu.vector_load %arg4[%get3A_1557] {strides = array<i32>} : memref<62624xi32, #tpu.memory_space<vmem>>, vector<16xi32>,
      %mul3A_1559 = arith.constant 4 : i32
      %mul3A_1560 = arith.muli %scan3A_1530, %mul3A_1559 : i32
      %mul3A_1561 = arith.constant 16 : i32
      %mul3A_1562 = arith.muli %mul3A_1560, %mul3A_1561 : i32
      %add3A_1563 = arith.constant 57344 : i32
      %add3A_1564 = arith.addi %add3A_1563, %mul3A_1562 : i32
      %add3A_1565 = arith.constant 48 : i32
      %add3A_1566 = arith.addi %add3A_1564, %add3A_1565 : i32
      %get3A_1567 = arith.index_cast %add3A_1566 : i32 to index
      %get3A_1568 = tpu.vector_load %arg4[%get3A_1567] {strides = array<i32>} : memref<62624xi32, #tpu.memory_space<vmem>>, vector<16xi32>,
      %sub3A_1569 = arith.constant 1 : i32
      %sub3A_1570 = vector.broadcast %sub3A_1569 : i32 to vector<16xi32>
      %sub3A_1571 = arith.subi %get3A_1538, %sub3A_1570 : vector<16xi32>
      tpu.vector_store_idx %arg5[%sub3A_1571], %broadcast_in_dim3A_579 : memref<1024xi32, #tpu.memory_space<vmem>>[vector<16xi32>], vector<16xi32>,
      %sub3A_1572 = arith.constant 1 : i32
      %sub3A_1573 = vector.broadcast %sub3A_1572 : i32 to vector<16xi32>
      %sub3A_1574 = arith.subi %get3A_1548, %sub3A_1573 : vector<16xi32>
      tpu.vector_store_idx %arg6[%sub3A_1574], %broadcast_in_dim3A_579 : memref<1024xi32, #tpu.memory_space<vmem>>[vector<16xi32>], vector<16xi32>,
      %sub3A_1575 = arith.constant 1 : i32
      %sub3A_1576 = vector.broadcast %sub3A_1575 : i32 to vector<16xi32>
      %sub3A_1577 = arith.subi %get3A_1558, %sub3A_1576 : vector<16xi32>
      tpu.vector_store_idx %arg7[%sub3A_1577], %broadcast_in_dim3A_579 : memref<1024xi32, #tpu.memory_space<vmem>>[vector<16xi32>], vector<16xi32>,
      %sub3A_1578 = arith.constant 1 : i32
      %sub3A_1579 = vector.broadcast %sub3A_1578 : i32 to vector<16xi32>
      %sub3A_1580 = arith.subi %get3A_1568, %sub3A_1579 : vector<16xi32>
      tpu.vector_store_idx %arg8[%sub3A_1580], %broadcast_in_dim3A_579 : memref<1024xi32, #tpu.memory_space<vmem>>[vector<16xi32>], vector<16xi32>,
      %scan3A_1581 = arith.constant 1 : i32
      %scan3A_1582 = arith.addi %scan3A_1530, %scan3A_1581 : i32
      %mul3A_1583 = arith.constant 4 : i32
      %mul3A_1584 = arith.muli %scan3A_1582, %mul3A_1583 : i32
      %mul3A_1585 = arith.constant 16 : i32
      %mul3A_1586 = arith.muli %mul3A_1584, %mul3A_1585 : i32
      %add3A_1587 = arith.constant 57344 : i32
      %add3A_1588 = arith.addi %add3A_1587, %mul3A_1586 : i32
      %get3A_1589 = arith.index_cast %add3A_1588 : i32 to index
      %get3A_1590 = tpu.vector_load %arg4[%get3A_1589] {strides = array<i32>} : memref<62624xi32, #tpu.memory_space<vmem>>, vector<16xi32>,
      %mul3A_1591 = arith.constant 4 : i32
      %mul3A_1592 = arith.muli %scan3A_1582, %mul3A_1591 : i32
      %mul3A_1593 = arith.constant 16 : i32
      %mul3A_1594 = arith.muli %mul3A_1592, %mul3A_1593 : i32
      %add3A_1595 = arith.constant 57344 : i32
      %add3A_1596 = arith.addi %add3A_1595, %mul3A_1594 : i32
      %add3A_1597 = arith.constant 16 : i32
      %add3A_1598 = arith.addi %add3A_1596, %add3A_1597 : i32
      %get3A_1599 = arith.index_cast %add3A_1598 : i32 to index
      %get3A_1600 = tpu.vector_load %arg4[%get3A_1599] {strides = array<i32>} : memref<62624xi32, #tpu.memory_space<vmem>>, vector<16xi32>,
      %mul3A_1601 = arith.constant 4 : i32
      %mul3A_1602 = arith.muli %scan3A_1582, %mul3A_1601 : i32
      %mul3A_1603 = arith.constant 16 : i32
      %mul3A_1604 = arith.muli %mul3A_1602, %mul3A_1603 : i32
      %add3A_1605 = arith.constant 57344 : i32
      %add3A_1606 = arith.addi %add3A_1605, %mul3A_1604 : i32
      %add3A_1607 = arith.constant 32 : i32
      %add3A_1608 = arith.addi %add3A_1606, %add3A_1607 : i32
      %get3A_1609 = arith.index_cast %add3A_1608 : i32 to index
      %get3A_1610 = tpu.vector_load %arg4[%get3A_1609] {strides = array<i32>} : memref<62624xi32, #tpu.memory_space<vmem>>, vector<16xi32>,
      %mul3A_1611 = arith.constant 4 : i32
      %mul3A_1612 = arith.muli %scan3A_1582, %mul3A_1611 : i32
      %mul3A_1613 = arith.constant 16 : i32
      %mul3A_1614 = arith.muli %mul3A_1612, %mul3A_1613 : i32
      %add3A_1615 = arith.constant 57344 : i32
      %add3A_1616 = arith.addi %add3A_1615, %mul3A_1614 : i32
      %add3A_1617 = arith.constant 48 : i32
      %add3A_1618 = arith.addi %add3A_1616, %add3A_1617 : i32
      %get3A_1619 = arith.index_cast %add3A_1618 : i32 to index
      %get3A_1620 = tpu.vector_load %arg4[%get3A_1619] {strides = array<i32>} : memref<62624xi32, #tpu.memory_space<vmem>>, vector<16xi32>,
      %sub3A_1621 = arith.constant 1 : i32
      %sub3A_1622 = vector.broadcast %sub3A_1621 : i32 to vector<16xi32>
      %sub3A_1623 = arith.subi %get3A_1590, %sub3A_1622 : vector<16xi32>
      tpu.vector_store_idx %arg5[%sub3A_1623], %broadcast_in_dim3A_579 : memref<1024xi32, #tpu.memory_space<vmem>>[vector<16xi32>], vector<16xi32>,
      %sub3A_1624 = arith.constant 1 : i32
      %sub3A_1625 = vector.broadcast %sub3A_1624 : i32 to vector<16xi32>
      %sub3A_1626 = arith.subi %get3A_1600, %sub3A_1625 : vector<16xi32>
      tpu.vector_store_idx %arg6[%sub3A_1626], %broadcast_in_dim3A_579 : memref<1024xi32, #tpu.memory_space<vmem>>[vector<16xi32>], vector<16xi32>,
      %sub3A_1627 = arith.constant 1 : i32
      %sub3A_1628 = vector.broadcast %sub3A_1627 : i32 to vector<16xi32>
      %sub3A_1629 = arith.subi %get3A_1610, %sub3A_1628 : vector<16xi32>
      tpu.vector_store_idx %arg7[%sub3A_1629], %broadcast_in_dim3A_579 : memref<1024xi32, #tpu.memory_space<vmem>>[vector<16xi32>], vector<16xi32>,
      %sub3A_1630 = arith.constant 1 : i32
      %sub3A_1631 = vector.broadcast %sub3A_1630 : i32 to vector<16xi32>
      %sub3A_1632 = arith.subi %get3A_1620, %sub3A_1631 : vector<16xi32>
      tpu.vector_store_idx %arg8[%sub3A_1632], %broadcast_in_dim3A_579 : memref<1024xi32, #tpu.memory_space<vmem>>[vector<16xi32>], vector<16xi32>,
    }
    %scan3A_689 = arith.constant 82 : i32
    %get3A = arith.constant 62592 : index
    %get3A_690 = tpu.vector_load %arg4[%get3A] {strides = array<i32>} : memref<62624xi32, #tpu.memory_space<vmem>>, vector<16xi32>,
    %get3A_691 = arith.constant 62608 : index
    %get3A_692 = tpu.vector_load %arg4[%get3A_691] {strides = array<i32>} : memref<62624xi32, #tpu.memory_space<vmem>>, vector<16xi32>,
    %sub3A = arith.constant 1 : i32
    %sub3A_693 = vector.broadcast %sub3A : i32 to vector<16xi32>
    %sub3A_694 = arith.subi %get3A_690, %sub3A_693 : vector<16xi32>
    tpu.vector_store_idx %arg5[%sub3A_694], %broadcast_in_dim3A_579 : memref<1024xi32, #tpu.memory_space<vmem>>[vector<16xi32>], vector<16xi32>,
    %sub3A_695 = arith.constant 1 : i32
    %sub3A_696 = vector.broadcast %sub3A_695 : i32 to vector<16xi32>
    %sub3A_697 = arith.subi %get3A_692, %sub3A_696 : vector<16xi32>
    tpu.vector_store_idx %arg6[%sub3A_697], %broadcast_in_dim3A_579 : memref<1024xi32, #tpu.memory_space<vmem>>[vector<16xi32>], vector<16xi32>,
    %get3A_698 = arith.constant 0 : index
    %get3A_699 = tpu.vector_load %arg5[%get3A_698] {strides = array<i32>} : memref<1024xi32, #tpu.memory_space<vmem>>, vector<16xi32>,
    %get3A_700 = arith.constant 0 : index
    %get3A_701 = tpu.vector_load %arg6[%get3A_700] {strides = array<i32>} : memref<1024xi32, #tpu.memory_space<vmem>>, vector<16xi32>,
    %add3A_702 = arith.addi %get3A_699, %get3A_701 : vector<16xi32>
    %get3A_703 = arith.constant 0 : index
    %get3A_704 = tpu.vector_load %arg7[%get3A_703] {strides = array<i32>} : memref<1024xi32, #tpu.memory_space<vmem>>, vector<16xi32>,
    %get3A_705 = arith.constant 0 : index
    %get3A_706 = tpu.vector_load %arg8[%get3A_705] {strides = array<i32>} : memref<1024xi32, #tpu.memory_space<vmem>>, vector<16xi32>,
    %add3A_707 = arith.addi %get3A_704, %get3A_706 : vector<16xi32>
    %add3A_708 = arith.addi %add3A_702, %add3A_707 : vector<16xi32>
    %swap3A_709 = arith.constant 0 : index
    %swap3A_710 = tpu.vector_load %arg5[%swap3A_709] {strides = array<i32>} : memref<1024xi32, #tpu.memory_space<vmem>>, vector<16xi32>,
    tpu.vector_store %arg5[%swap3A_709], %add3A_708 {strides = array<i32>} : memref<1024xi32, #tpu.memory_space<vmem>>, vector<16xi32>,
    %get3A_711 = arith.constant 16 : index
    %get3A_712 = tpu.vector_load %arg5[%get3A_711] {strides = array<i32>} : memref<1024xi32, #tpu.memory_space<vmem>>, vector<16xi32>,
    %get3A_713 = arith.constant 16 : index
    %get3A_714 = tpu.vector_load %arg6[%get3A_713] {strides = array<i32>} : memref<1024xi32, #tpu.memory_space<vmem>>, vector<16xi32>,
    %add3A_715 = arith.addi %get3A_712, %get3A_714 : vector<16xi32>
    %get3A_716 = arith.constant 16 : index
    %get3A_717 = tpu.vector_load %arg7[%get3A_716] {strides = array<i32>} : memref<1024xi32, #tpu.memory_space<vmem>>, vector<16xi32>,
    %get3A_718 = arith.constant 16 : index
    %get3A_719 = tpu.vector_load %arg8[%get3A_718] {strides = array<i32>} : memref<1024xi32, #tpu.memory_space<vmem>>, vector<16xi32>,
    %add3A_720 = arith.addi %get3A_717, %get3A_719 : vector<16xi32>
    %add3A_721 = arith.addi %add3A_715, %add3A_720 : vector<16xi32>
    %swap3A_722 = arith.constant 16 : index
    %swap3A_723 = tpu.vector_load %arg5[%swap3A_722] {strides = array<i32>} : memref<1024xi32, #tpu.memory_space<vmem>>, vector<16xi32>,
    tpu.vector_store %arg5[%swap3A_722], %add3A_721 {strides = array<i32>} : memref<1024xi32, #tpu.memory_space<vmem>>, vector<16xi32>,
    %get3A_724 = arith.constant 32 : index
    %get3A_725 = tpu.vector_load %arg5[%get3A_724] {strides = array<i32>} : memref<1024xi32, #tpu.memory_space<vmem>>, vector<16xi32>,
    %get3A_726 = arith.constant 32 : index
    %get3A_727 = tpu.vector_load %arg6[%get3A_726] {strides = array<i32>} : memref<1024xi32, #tpu.memory_space<vmem>>, vector<16xi32>,
    %add3A_728 = arith.addi %get3A_725, %get3A_727 : vector<16xi32>
    %get3A_729 = arith.constant 32 : index
    %get3A_730 = tpu.vector_load %arg7[%get3A_729] {strides = array<i32>} : memref<1024xi32, #tpu.memory_space<vmem>>, vector<16xi32>,
    %get3A_731 = arith.constant 32 : index
    %get3A_732 = tpu.vector_load %arg8[%get3A_731] {strides = array<i32>} : memref<1024xi32, #tpu.memory_space<vmem>>, vector<16xi32>,
    %add3A_733 = arith.addi %get3A_730, %get3A_732 : vector<16xi32>
    %add3A_734 = arith.addi %add3A_728, %add3A_733 : vector<16xi32>
    %swap3A_735 = arith.constant 32 : index
    %swap3A_736 = tpu.vector_load %arg5[%swap3A_735] {strides = array<i32>} : memref<1024xi32, #tpu.memory_space<vmem>>, vector<16xi32>,
    tpu.vector_store %arg5[%swap3A_735], %add3A_734 {strides = array<i32>} : memref<1024xi32, #tpu.memory_space<vmem>>, vector<16xi32>,
    %get3A_737 = arith.constant 48 : index
    %get3A_738 = tpu.vector_load %arg5[%get3A_737] {strides = array<i32>} : memref<1024xi32, #tpu.memory_space<vmem>>, vector<16xi32>,
    %get3A_739 = arith.constant 48 : index
    %get3A_740 = tpu.vector_load %arg6[%get3A_739] {strides = array<i32>} : memref<1024xi32, #tpu.memory_space<vmem>>, vector<16xi32>,
    %add3A_741 = arith.addi %get3A_738, %get3A_740 : vector<16xi32>
    %get3A_742 = arith.constant 48 : index
    %get3A_743 = tpu.vector_load %arg7[%get3A_742] {strides = array<i32>} : memref<1024xi32, #tpu.memory_space<vmem>>, vector<16xi32>,
    %get3A_744 = arith.constant 48 : index
    %get3A_745 = tpu.vector_load %arg8[%get3A_744] {strides = array<i32>} : memref<1024xi32, #tpu.memory_space<vmem>>, vector<16xi32>,
    %add3A_746 = arith.addi %get3A_743, %get3A_745 : vector<16xi32>
    %add3A_747 = arith.addi %add3A_741, %add3A_746 : vector<16xi32>
    %swap3A_748 = arith.constant 48 : index
    %swap3A_749 = tpu.vector_load %arg5[%swap3A_748] {strides = array<i32>} : memref<1024xi32, #tpu.memory_space<vmem>>, vector<16xi32>,
    tpu.vector_store %arg5[%swap3A_748], %add3A_747 {strides = array<i32>} : memref<1024xi32, #tpu.memory_space<vmem>>, vector<16xi32>,
    %get3A_750 = arith.constant 64 : index
    %get3A_751 = tpu.vector_load %arg5[%get3A_750] {strides = array<i32>} : memref<1024xi32, #tpu.memory_space<vmem>>, vector<16xi32>,
    %get3A_752 = arith.constant 64 : index
    %get3A_753 = tpu.vector_load %arg6[%get3A_752] {strides = array<i32>} : memref<1024xi32, #tpu.memory_space<vmem>>, vector<16xi32>,
    %add3A_754 = arith.addi %get3A_751, %get3A_753 : vector<16xi32>
    %get3A_755 = arith.constant 64 : index
    %get3A_756 = tpu.vector_load %arg7[%get3A_755] {strides = array<i32>} : memref<1024xi32, #tpu.memory_space<vmem>>, vector<16xi32>,
    %get3A_757 = arith.constant 64 : index
    %get3A_758 = tpu.vector_load %arg8[%get3A_757] {strides = array<i32>} : memref<1024xi32, #tpu.memory_space<vmem>>, vector<16xi32>,
    %add3A_759 = arith.addi %get3A_756, %get3A_758 : vector<16xi32>
    %add3A_760 = arith.addi %add3A_754, %add3A_759 : vector<16xi32>
    %swap3A_761 = arith.constant 64 : index
    %swap3A_762 = tpu.vector_load %arg5[%swap3A_761] {strides = array<i32>} : memref<1024xi32, #tpu.memory_space<vmem>>, vector<16xi32>,
    tpu.vector_store %arg5[%swap3A_761], %add3A_760 {strides = array<i32>} : memref<1024xi32, #tpu.memory_space<vmem>>, vector<16xi32>,
    %get3A_763 = arith.constant 80 : index
    %get3A_764 = tpu.vector_load %arg5[%get3A_763] {strides = array<i32>} : memref<1024xi32, #tpu.memory_space<vmem>>, vector<16xi32>,
    %get3A_765 = arith.constant 80 : index
    %get3A_766 = tpu.vector_load %arg6[%get3A_765] {strides = array<i32>} : memref<1024xi32, #tpu.memory_space<vmem>>, vector<16xi32>,
    %add3A_767 = arith.addi %get3A_764, %get3A_766 : vector<16xi32>
    %get3A_768 = arith.constant 80 : index
    %get3A_769 = tpu.vector_load %arg7[%get3A_768] {strides = array<i32>} : memref<1024xi32, #tpu.memory_space<vmem>>, vector<16xi32>,
    %get3A_770 = arith.constant 80 : index
    %get3A_771 = tpu.vector_load %arg8[%get3A_770] {strides = array<i32>} : memref<1024xi32, #tpu.memory_space<vmem>>, vector<16xi32>,
    %add3A_772 = arith.addi %get3A_769, %get3A_771 : vector<16xi32>
    %add3A_773 = arith.addi %add3A_767, %add3A_772 : vector<16xi32>
    %swap3A_774 = arith.constant 80 : index
    %swap3A_775 = tpu.vector_load %arg5[%swap3A_774] {strides = array<i32>} : memref<1024xi32, #tpu.memory_space<vmem>>, vector<16xi32>,
    tpu.vector_store %arg5[%swap3A_774], %add3A_773 {strides = array<i32>} : memref<1024xi32, #tpu.memory_space<vmem>>, vector<16xi32>,
    %get3A_776 = arith.constant 96 : index
    %get3A_777 = tpu.vector_load %arg5[%get3A_776] {strides = array<i32>} : memref<1024xi32, #tpu.memory_space<vmem>>, vector<16xi32>,
    %get3A_778 = arith.constant 96 : index
    %get3A_779 = tpu.vector_load %arg6[%get3A_778] {strides = array<i32>} : memref<1024xi32, #tpu.memory_space<vmem>>, vector<16xi32>,
    %add3A_780 = arith.addi %get3A_777, %get3A_779 : vector<16xi32>
    %get3A_781 = arith.constant 96 : index
    %get3A_782 = tpu.vector_load %arg7[%get3A_781] {strides = array<i32>} : memref<1024xi32, #tpu.memory_space<vmem>>, vector<16xi32>,
    %get3A_783 = arith.constant 96 : index
    %get3A_784 = tpu.vector_load %arg8[%get3A_783] {strides = array<i32>} : memref<1024xi32, #tpu.memory_space<vmem>>, vector<16xi32>,
    %add3A_785 = arith.addi %get3A_782, %get3A_784 : vector<16xi32>
    %add3A_786 = arith.addi %add3A_780, %add3A_785 : vector<16xi32>
    %swap3A_787 = arith.constant 96 : index
    %swap3A_788 = tpu.vector_load %arg5[%swap3A_787] {strides = array<i32>} : memref<1024xi32, #tpu.memory_space<vmem>>, vector<16xi32>,
    tpu.vector_store %arg5[%swap3A_787], %add3A_786 {strides = array<i32>} : memref<1024xi32, #tpu.memory_space<vmem>>, vector<16xi32>,
    %get3A_789 = arith.constant 112 : index
    %get3A_790 = tpu.vector_load %arg5[%get3A_789] {strides = array<i32>} : memref<1024xi32, #tpu.memory_space<vmem>>, vector<16xi32>,
    %get3A_791 = arith.constant 112 : index
    %get3A_792 = tpu.vector_load %arg6[%get3A_791] {strides = array<i32>} : memref<1024xi32, #tpu.memory_space<vmem>>, vector<16xi32>,
    %add3A_793 = arith.addi %get3A_790, %get3A_792 : vector<16xi32>
    %get3A_794 = arith.constant 112 : index
    %get3A_795 = tpu.vector_load %arg7[%get3A_794] {strides = array<i32>} : memref<1024xi32, #tpu.memory_space<vmem>>, vector<16xi32>,
    %get3A_796 = arith.constant 112 : index
    %get3A_797 = tpu.vector_load %arg8[%get3A_796] {strides = array<i32>} : memref<1024xi32, #tpu.memory_space<vmem>>, vector<16xi32>,
    %add3A_798 = arith.addi %get3A_795, %get3A_797 : vector<16xi32>
    %add3A_799 = arith.addi %add3A_793, %add3A_798 : vector<16xi32>
    %swap3A_800 = arith.constant 112 : index
    %swap3A_801 = tpu.vector_load %arg5[%swap3A_800] {strides = array<i32>} : memref<1024xi32, #tpu.memory_space<vmem>>, vector<16xi32>,
    tpu.vector_store %arg5[%swap3A_800], %add3A_799 {strides = array<i32>} : memref<1024xi32, #tpu.memory_space<vmem>>, vector<16xi32>,
    %get3A_802 = arith.constant 128 : index
    %get3A_803 = tpu.vector_load %arg5[%get3A_802] {strides = array<i32>} : memref<1024xi32, #tpu.memory_space<vmem>>, vector<16xi32>,
    %get3A_804 = arith.constant 128 : index
    %get3A_805 = tpu.vector_load %arg6[%get3A_804] {strides = array<i32>} : memref<1024xi32, #tpu.memory_space<vmem>>, vector<16xi32>,
    %add3A_806 = arith.addi %get3A_803, %get3A_805 : vector<16xi32>
    %get3A_807 = arith.constant 128 : index
    %get3A_808 = tpu.vector_load %arg7[%get3A_807] {strides = array<i32>} : memref<1024xi32, #tpu.memory_space<vmem>>, vector<16xi32>,
    %get3A_809 = arith.constant 128 : index
    %get3A_810 = tpu.vector_load %arg8[%get3A_809] {strides = array<i32>} : memref<1024xi32, #tpu.memory_space<vmem>>, vector<16xi32>,
    %add3A_811 = arith.addi %get3A_808, %get3A_810 : vector<16xi32>
    %add3A_812 = arith.addi %add3A_806, %add3A_811 : vector<16xi32>
    %swap3A_813 = arith.constant 128 : index
    %swap3A_814 = tpu.vector_load %arg5[%swap3A_813] {strides = array<i32>} : memref<1024xi32, #tpu.memory_space<vmem>>, vector<16xi32>,
    tpu.vector_store %arg5[%swap3A_813], %add3A_812 {strides = array<i32>} : memref<1024xi32, #tpu.memory_space<vmem>>, vector<16xi32>,
    %get3A_815 = arith.constant 144 : index
    %get3A_816 = tpu.vector_load %arg5[%get3A_815] {strides = array<i32>} : memref<1024xi32, #tpu.memory_space<vmem>>, vector<16xi32>,
    %get3A_817 = arith.constant 144 : index
    %get3A_818 = tpu.vector_load %arg6[%get3A_817] {strides = array<i32>} : memref<1024xi32, #tpu.memory_space<vmem>>, vector<16xi32>,
    %add3A_819 = arith.addi %get3A_816, %get3A_818 : vector<16xi32>
    %get3A_820 = arith.constant 144 : index
    %get3A_821 = tpu.vector_load %arg7[%get3A_820] {strides = array<i32>} : memref<1024xi32, #tpu.memory_space<vmem>>, vector<16xi32>,
    %get3A_822 = arith.constant 144 : index
    %get3A_823 = tpu.vector_load %arg8[%get3A_822] {strides = array<i32>} : memref<1024xi32, #tpu.memory_space<vmem>>, vector<16xi32>,
    %add3A_824 = arith.addi %get3A_821, %get3A_823 : vector<16xi32>
    %add3A_825 = arith.addi %add3A_819, %add3A_824 : vector<16xi32>
    %swap3A_826 = arith.constant 144 : index
    %swap3A_827 = tpu.vector_load %arg5[%swap3A_826] {strides = array<i32>} : memref<1024xi32, #tpu.memory_space<vmem>>, vector<16xi32>,
    tpu.vector_store %arg5[%swap3A_826], %add3A_825 {strides = array<i32>} : memref<1024xi32, #tpu.memory_space<vmem>>, vector<16xi32>,
    %get3A_828 = arith.constant 160 : index
    %get3A_829 = tpu.vector_load %arg5[%get3A_828] {strides = array<i32>} : memref<1024xi32, #tpu.memory_space<vmem>>, vector<16xi32>,
    %get3A_830 = arith.constant 160 : index
    %get3A_831 = tpu.vector_load %arg6[%get3A_830] {strides = array<i32>} : memref<1024xi32, #tpu.memory_space<vmem>>, vector<16xi32>,
    %add3A_832 = arith.addi %get3A_829, %get3A_831 : vector<16xi32>
    %get3A_833 = arith.constant 160 : index
    %get3A_834 = tpu.vector_load %arg7[%get3A_833] {strides = array<i32>} : memref<1024xi32, #tpu.memory_space<vmem>>, vector<16xi32>,
    %get3A_835 = arith.constant 160 : index
    %get3A_836 = tpu.vector_load %arg8[%get3A_835] {strides = array<i32>} : memref<1024xi32, #tpu.memory_space<vmem>>, vector<16xi32>,
    %add3A_837 = arith.addi %get3A_834, %get3A_836 : vector<16xi32>
    %add3A_838 = arith.addi %add3A_832, %add3A_837 : vector<16xi32>
    %swap3A_839 = arith.constant 160 : index
    %swap3A_840 = tpu.vector_load %arg5[%swap3A_839] {strides = array<i32>} : memref<1024xi32, #tpu.memory_space<vmem>>, vector<16xi32>,
    tpu.vector_store %arg5[%swap3A_839], %add3A_838 {strides = array<i32>} : memref<1024xi32, #tpu.memory_space<vmem>>, vector<16xi32>,
    %get3A_841 = arith.constant 176 : index
    %get3A_842 = tpu.vector_load %arg5[%get3A_841] {strides = array<i32>} : memref<1024xi32, #tpu.memory_space<vmem>>, vector<16xi32>,
    %get3A_843 = arith.constant 176 : index
    %get3A_844 = tpu.vector_load %arg6[%get3A_843] {strides = array<i32>} : memref<1024xi32, #tpu.memory_space<vmem>>, vector<16xi32>,
    %add3A_845 = arith.addi %get3A_842, %get3A_844 : vector<16xi32>
    %get3A_846 = arith.constant 176 : index
    %get3A_847 = tpu.vector_load %arg7[%get3A_846] {strides = array<i32>} : memref<1024xi32, #tpu.memory_space<vmem>>, vector<16xi32>,
    %get3A_848 = arith.constant 176 : index
    %get3A_849 = tpu.vector_load %arg8[%get3A_848] {strides = array<i32>} : memref<1024xi32, #tpu.memory_space<vmem>>, vector<16xi32>,
    %add3A_850 = arith.addi %get3A_847, %get3A_849 : vector<16xi32>
    %add3A_851 = arith.addi %add3A_845, %add3A_850 : vector<16xi32>
    %swap3A_852 = arith.constant 176 : index
    %swap3A_853 = tpu.vector_load %arg5[%swap3A_852] {strides = array<i32>} : memref<1024xi32, #tpu.memory_space<vmem>>, vector<16xi32>,
    tpu.vector_store %arg5[%swap3A_852], %add3A_851 {strides = array<i32>} : memref<1024xi32, #tpu.memory_space<vmem>>, vector<16xi32>,
    %get3A_854 = arith.constant 192 : index
    %get3A_855 = tpu.vector_load %arg5[%get3A_854] {strides = array<i32>} : memref<1024xi32, #tpu.memory_space<vmem>>, vector<16xi32>,
    %get3A_856 = arith.constant 192 : index
    %get3A_857 = tpu.vector_load %arg6[%get3A_856] {strides = array<i32>} : memref<1024xi32, #tpu.memory_space<vmem>>, vector<16xi32>,
    %add3A_858 = arith.addi %get3A_855, %get3A_857 : vector<16xi32>
    %get3A_859 = arith.constant 192 : index
    %get3A_860 = tpu.vector_load %arg7[%get3A_859] {strides = array<i32>} : memref<1024xi32, #tpu.memory_space<vmem>>, vector<16xi32>,
    %get3A_861 = arith.constant 192 : index
    %get3A_862 = tpu.vector_load %arg8[%get3A_861] {strides = array<i32>} : memref<1024xi32, #tpu.memory_space<vmem>>, vector<16xi32>,
    %add3A_863 = arith.addi %get3A_860, %get3A_862 : vector<16xi32>
    %add3A_864 = arith.addi %add3A_858, %add3A_863 : vector<16xi32>
    %swap3A_865 = arith.constant 192 : index
    %swap3A_866 = tpu.vector_load %arg5[%swap3A_865] {strides = array<i32>} : memref<1024xi32, #tpu.memory_space<vmem>>, vector<16xi32>,
    tpu.vector_store %arg5[%swap3A_865], %add3A_864 {strides = array<i32>} : memref<1024xi32, #tpu.memory_space<vmem>>, vector<16xi32>,
    %get3A_867 = arith.constant 208 : index
    %get3A_868 = tpu.vector_load %arg5[%get3A_867] {strides = array<i32>} : memref<1024xi32, #tpu.memory_space<vmem>>, vector<16xi32>,
    %get3A_869 = arith.constant 208 : index
    %get3A_870 = tpu.vector_load %arg6[%get3A_869] {strides = array<i32>} : memref<1024xi32, #tpu.memory_space<vmem>>, vector<16xi32>,
    %add3A_871 = arith.addi %get3A_868, %get3A_870 : vector<16xi32>
    %get3A_872 = arith.constant 208 : index
    %get3A_873 = tpu.vector_load %arg7[%get3A_872] {strides = array<i32>} : memref<1024xi32, #tpu.memory_space<vmem>>, vector<16xi32>,
    %get3A_874 = arith.constant 208 : index
    %get3A_875 = tpu.vector_load %arg8[%get3A_874] {strides = array<i32>} : memref<1024xi32, #tpu.memory_space<vmem>>, vector<16xi32>,
    %add3A_876 = arith.addi %get3A_873, %get3A_875 : vector<16xi32>
    %add3A_877 = arith.addi %add3A_871, %add3A_876 : vector<16xi32>
    %swap3A_878 = arith.constant 208 : index
    %swap3A_879 = tpu.vector_load %arg5[%swap3A_878] {strides = array<i32>} : memref<1024xi32, #tpu.memory_space<vmem>>, vector<16xi32>,
    tpu.vector_store %arg5[%swap3A_878], %add3A_877 {strides = array<i32>} : memref<1024xi32, #tpu.memory_space<vmem>>, vector<16xi32>,
    %get3A_880 = arith.constant 224 : index
    %get3A_881 = tpu.vector_load %arg5[%get3A_880] {strides = array<i32>} : memref<1024xi32, #tpu.memory_space<vmem>>, vector<16xi32>,
    %get3A_882 = arith.constant 224 : index
    %get3A_883 = tpu.vector_load %arg6[%get3A_882] {strides = array<i32>} : memref<1024xi32, #tpu.memory_space<vmem>>, vector<16xi32>,
    %add3A_884 = arith.addi %get3A_881, %get3A_883 : vector<16xi32>
    %get3A_885 = arith.constant 224 : index
    %get3A_886 = tpu.vector_load %arg7[%get3A_885] {strides = array<i32>} : memref<1024xi32, #tpu.memory_space<vmem>>, vector<16xi32>,
    %get3A_887 = arith.constant 224 : index
    %get3A_888 = tpu.vector_load %arg8[%get3A_887] {strides = array<i32>} : memref<1024xi32, #tpu.memory_space<vmem>>, vector<16xi32>,
    %add3A_889 = arith.addi %get3A_886, %get3A_888 : vector<16xi32>
    %add3A_890 = arith.addi %add3A_884, %add3A_889 : vector<16xi32>
    %swap3A_891 = arith.constant 224 : index
    %swap3A_892 = tpu.vector_load %arg5[%swap3A_891] {strides = array<i32>} : memref<1024xi32, #tpu.memory_space<vmem>>, vector<16xi32>,
    tpu.vector_store %arg5[%swap3A_891], %add3A_890 {strides = array<i32>} : memref<1024xi32, #tpu.memory_space<vmem>>, vector<16xi32>,
    %get3A_893 = arith.constant 240 : index
    %get3A_894 = tpu.vector_load %arg5[%get3A_893] {strides = array<i32>} : memref<1024xi32, #tpu.memory_space<vmem>>, vector<16xi32>,
    %get3A_895 = arith.constant 240 : index
    %get3A_896 = tpu.vector_load %arg6[%get3A_895] {strides = array<i32>} : memref<1024xi32, #tpu.memory_space<vmem>>, vector<16xi32>,
    %add3A_897 = arith.addi %get3A_894, %get3A_896 : vector<16xi32>
    %get3A_898 = arith.constant 240 : index
    %get3A_899 = tpu.vector_load %arg7[%get3A_898] {strides = array<i32>} : memref<1024xi32, #tpu.memory_space<vmem>>, vector<16xi32>,
    %get3A_900 = arith.constant 240 : index
    %get3A_901 = tpu.vector_load %arg8[%get3A_900] {strides = array<i32>} : memref<1024xi32, #tpu.memory_space<vmem>>, vector<16xi32>,
    %add3A_902 = arith.addi %get3A_899, %get3A_901 : vector<16xi32>
    %add3A_903 = arith.addi %add3A_897, %add3A_902 : vector<16xi32>
    %swap3A_904 = arith.constant 240 : index
    %swap3A_905 = tpu.vector_load %arg5[%swap3A_904] {strides = array<i32>} : memref<1024xi32, #tpu.memory_space<vmem>>, vector<16xi32>,
    tpu.vector_store %arg5[%swap3A_904], %add3A_903 {strides = array<i32>} : memref<1024xi32, #tpu.memory_space<vmem>>, vector<16xi32>,
    %get3A_906 = arith.constant 256 : index
    %get3A_907 = tpu.vector_load %arg5[%get3A_906] {strides = array<i32>} : memref<1024xi32, #tpu.memory_space<vmem>>, vector<16xi32>,
    %get3A_908 = arith.constant 256 : index
    %get3A_909 = tpu.vector_load %arg6[%get3A_908] {strides = array<i32>} : memref<1024xi32, #tpu.memory_space<vmem>>, vector<16xi32>,
    %add3A_910 = arith.addi %get3A_907, %get3A_909 : vector<16xi32>
    %get3A_911 = arith.constant 256 : index
    %get3A_912 = tpu.vector_load %arg7[%get3A_911] {strides = array<i32>} : memref<1024xi32, #tpu.memory_space<vmem>>, vector<16xi32>,
    %get3A_913 = arith.constant 256 : index
    %get3A_914 = tpu.vector_load %arg8[%get3A_913] {strides = array<i32>} : memref<1024xi32, #tpu.memory_space<vmem>>, vector<16xi32>,
    %add3A_915 = arith.addi %get3A_912, %get3A_914 : vector<16xi32>
    %add3A_916 = arith.addi %add3A_910, %add3A_915 : vector<16xi32>
    %swap3A_917 = arith.constant 256 : index
    %swap3A_918 = tpu.vector_load %arg5[%swap3A_917] {strides = array<i32>} : memref<1024xi32, #tpu.memory_space<vmem>>, vector<16xi32>,
    tpu.vector_store %arg5[%swap3A_917], %add3A_916 {strides = array<i32>} : memref<1024xi32, #tpu.memory_space<vmem>>, vector<16xi32>,
    %get3A_919 = arith.constant 272 : index
    %get3A_920 = tpu.vector_load %arg5[%get3A_919] {strides = array<i32>} : memref<1024xi32, #tpu.memory_space<vmem>>, vector<16xi32>,
    %get3A_921 = arith.constant 272 : index
    %get3A_922 = tpu.vector_load %arg6[%get3A_921] {strides = array<i32>} : memref<1024xi32, #tpu.memory_space<vmem>>, vector<16xi32>,
    %add3A_923 = arith.addi %get3A_920, %get3A_922 : vector<16xi32>
    %get3A_924 = arith.constant 272 : index
    %get3A_925 = tpu.vector_load %arg7[%get3A_924] {strides = array<i32>} : memref<1024xi32, #tpu.memory_space<vmem>>, vector<16xi32>,
    %get3A_926 = arith.constant 272 : index
    %get3A_927 = tpu.vector_load %arg8[%get3A_926] {strides = array<i32>} : memref<1024xi32, #tpu.memory_space<vmem>>, vector<16xi32>,
    %add3A_928 = arith.addi %get3A_925, %get3A_927 : vector<16xi32>
    %add3A_929 = arith.addi %add3A_923, %add3A_928 : vector<16xi32>
    %swap3A_930 = arith.constant 272 : index
    %swap3A_931 = tpu.vector_load %arg5[%swap3A_930] {strides = array<i32>} : memref<1024xi32, #tpu.memory_space<vmem>>, vector<16xi32>,
    tpu.vector_store %arg5[%swap3A_930], %add3A_929 {strides = array<i32>} : memref<1024xi32, #tpu.memory_space<vmem>>, vector<16xi32>,
    %get3A_932 = arith.constant 288 : index
    %get3A_933 = tpu.vector_load %arg5[%get3A_932] {strides = array<i32>} : memref<1024xi32, #tpu.memory_space<vmem>>, vector<16xi32>,
    %get3A_934 = arith.constant 288 : index
    %get3A_935 = tpu.vector_load %arg6[%get3A_934] {strides = array<i32>} : memref<1024xi32, #tpu.memory_space<vmem>>, vector<16xi32>,
    %add3A_936 = arith.addi %get3A_933, %get3A_935 : vector<16xi32>
    %get3A_937 = arith.constant 288 : index
    %get3A_938 = tpu.vector_load %arg7[%get3A_937] {strides = array<i32>} : memref<1024xi32, #tpu.memory_space<vmem>>, vector<16xi32>,
    %get3A_939 = arith.constant 288 : index
    %get3A_940 = tpu.vector_load %arg8[%get3A_939] {strides = array<i32>} : memref<1024xi32, #tpu.memory_space<vmem>>, vector<16xi32>,
    %add3A_941 = arith.addi %get3A_938, %get3A_940 : vector<16xi32>
    %add3A_942 = arith.addi %add3A_936, %add3A_941 : vector<16xi32>
    %swap3A_943 = arith.constant 288 : index
    %swap3A_944 = tpu.vector_load %arg5[%swap3A_943] {strides = array<i32>} : memref<1024xi32, #tpu.memory_space<vmem>>, vector<16xi32>,
    tpu.vector_store %arg5[%swap3A_943], %add3A_942 {strides = array<i32>} : memref<1024xi32, #tpu.memory_space<vmem>>, vector<16xi32>,
    %get3A_945 = arith.constant 304 : index
    %get3A_946 = tpu.vector_load %arg5[%get3A_945] {strides = array<i32>} : memref<1024xi32, #tpu.memory_space<vmem>>, vector<16xi32>,
    %get3A_947 = arith.constant 304 : index
    %get3A_948 = tpu.vector_load %arg6[%get3A_947] {strides = array<i32>} : memref<1024xi32, #tpu.memory_space<vmem>>, vector<16xi32>,
    %add3A_949 = arith.addi %get3A_946, %get3A_948 : vector<16xi32>
    %get3A_950 = arith.constant 304 : index
    %get3A_951 = tpu.vector_load %arg7[%get3A_950] {strides = array<i32>} : memref<1024xi32, #tpu.memory_space<vmem>>, vector<16xi32>,
    %get3A_952 = arith.constant 304 : index
    %get3A_953 = tpu.vector_load %arg8[%get3A_952] {strides = array<i32>} : memref<1024xi32, #tpu.memory_space<vmem>>, vector<16xi32>,
    %add3A_954 = arith.addi %get3A_951, %get3A_953 : vector<16xi32>
    %add3A_955 = arith.addi %add3A_949, %add3A_954 : vector<16xi32>
    %swap3A_956 = arith.constant 304 : index
    %swap3A_957 = tpu.vector_load %arg5[%swap3A_956] {strides = array<i32>} : memref<1024xi32, #tpu.memory_space<vmem>>, vector<16xi32>,
    tpu.vector_store %arg5[%swap3A_956], %add3A_955 {strides = array<i32>} : memref<1024xi32, #tpu.memory_space<vmem>>, vector<16xi32>,
    %get3A_958 = arith.constant 320 : index
    %get3A_959 = tpu.vector_load %arg5[%get3A_958] {strides = array<i32>} : memref<1024xi32, #tpu.memory_space<vmem>>, vector<16xi32>,
    %get3A_960 = arith.constant 320 : index
    %get3A_961 = tpu.vector_load %arg6[%get3A_960] {strides = array<i32>} : memref<1024xi32, #tpu.memory_space<vmem>>, vector<16xi32>,
    %add3A_962 = arith.addi %get3A_959, %get3A_961 : vector<16xi32>
    %get3A_963 = arith.constant 320 : index
    %get3A_964 = tpu.vector_load %arg7[%get3A_963] {strides = array<i32>} : memref<1024xi32, #tpu.memory_space<vmem>>, vector<16xi32>,
    %get3A_965 = arith.constant 320 : index
    %get3A_966 = tpu.vector_load %arg8[%get3A_965] {strides = array<i32>} : memref<1024xi32, #tpu.memory_space<vmem>>, vector<16xi32>,
    %add3A_967 = arith.addi %get3A_964, %get3A_966 : vector<16xi32>
    %add3A_968 = arith.addi %add3A_962, %add3A_967 : vector<16xi32>
    %swap3A_969 = arith.constant 320 : index
    %swap3A_970 = tpu.vector_load %arg5[%swap3A_969] {strides = array<i32>} : memref<1024xi32, #tpu.memory_space<vmem>>, vector<16xi32>,
    tpu.vector_store %arg5[%swap3A_969], %add3A_968 {strides = array<i32>} : memref<1024xi32, #tpu.memory_space<vmem>>, vector<16xi32>,
    %get3A_971 = arith.constant 336 : index
    %get3A_972 = tpu.vector_load %arg5[%get3A_971] {strides = array<i32>} : memref<1024xi32, #tpu.memory_space<vmem>>, vector<16xi32>,
    %get3A_973 = arith.constant 336 : index
    %get3A_974 = tpu.vector_load %arg6[%get3A_973] {strides = array<i32>} : memref<1024xi32, #tpu.memory_space<vmem>>, vector<16xi32>,
    %add3A_975 = arith.addi %get3A_972, %get3A_974 : vector<16xi32>
    %get3A_976 = arith.constant 336 : index
    %get3A_977 = tpu.vector_load %arg7[%get3A_976] {strides = array<i32>} : memref<1024xi32, #tpu.memory_space<vmem>>, vector<16xi32>,
    %get3A_978 = arith.constant 336 : index
    %get3A_979 = tpu.vector_load %arg8[%get3A_978] {strides = array<i32>} : memref<1024xi32, #tpu.memory_space<vmem>>, vector<16xi32>,
    %add3A_980 = arith.addi %get3A_977, %get3A_979 : vector<16xi32>
    %add3A_981 = arith.addi %add3A_975, %add3A_980 : vector<16xi32>
    %swap3A_982 = arith.constant 336 : index
    %swap3A_983 = tpu.vector_load %arg5[%swap3A_982] {strides = array<i32>} : memref<1024xi32, #tpu.memory_space<vmem>>, vector<16xi32>,
    tpu.vector_store %arg5[%swap3A_982], %add3A_981 {strides = array<i32>} : memref<1024xi32, #tpu.memory_space<vmem>>, vector<16xi32>,
    %get3A_984 = arith.constant 352 : index
    %get3A_985 = tpu.vector_load %arg5[%get3A_984] {strides = array<i32>} : memref<1024xi32, #tpu.memory_space<vmem>>, vector<16xi32>,
    %get3A_986 = arith.constant 352 : index
    %get3A_987 = tpu.vector_load %arg6[%get3A_986] {strides = array<i32>} : memref<1024xi32, #tpu.memory_space<vmem>>, vector<16xi32>,
    %add3A_988 = arith.addi %get3A_985, %get3A_987 : vector<16xi32>
    %get3A_989 = arith.constant 352 : index
    %get3A_990 = tpu.vector_load %arg7[%get3A_989] {strides = array<i32>} : memref<1024xi32, #tpu.memory_space<vmem>>, vector<16xi32>,
    %get3A_991 = arith.constant 352 : index
    %get3A_992 = tpu.vector_load %arg8[%get3A_991] {strides = array<i32>} : memref<1024xi32, #tpu.memory_space<vmem>>, vector<16xi32>,
    %add3A_993 = arith.addi %get3A_990, %get3A_992 : vector<16xi32>
    %add3A_994 = arith.addi %add3A_988, %add3A_993 : vector<16xi32>
    %swap3A_995 = arith.constant 352 : index
    %swap3A_996 = tpu.vector_load %arg5[%swap3A_995] {strides = array<i32>} : memref<1024xi32, #tpu.memory_space<vmem>>, vector<16xi32>,
    tpu.vector_store %arg5[%swap3A_995], %add3A_994 {strides = array<i32>} : memref<1024xi32, #tpu.memory_space<vmem>>, vector<16xi32>,
    %get3A_997 = arith.constant 368 : index
    %get3A_998 = tpu.vector_load %arg5[%get3A_997] {strides = array<i32>} : memref<1024xi32, #tpu.memory_space<vmem>>, vector<16xi32>,
    %get3A_999 = arith.constant 368 : index
    %get3A_1000 = tpu.vector_load %arg6[%get3A_999] {strides = array<i32>} : memref<1024xi32, #tpu.memory_space<vmem>>, vector<16xi32>,
    %add3A_1001 = arith.addi %get3A_998, %get3A_1000 : vector<16xi32>
    %get3A_1002 = arith.constant 368 : index
    %get3A_1003 = tpu.vector_load %arg7[%get3A_1002] {strides = array<i32>} : memref<1024xi32, #tpu.memory_space<vmem>>, vector<16xi32>,
    %get3A_1004 = arith.constant 368 : index
    %get3A_1005 = tpu.vector_load %arg8[%get3A_1004] {strides = array<i32>} : memref<1024xi32, #tpu.memory_space<vmem>>, vector<16xi32>,
    %add3A_1006 = arith.addi %get3A_1003, %get3A_1005 : vector<16xi32>
    %add3A_1007 = arith.addi %add3A_1001, %add3A_1006 : vector<16xi32>
    %swap3A_1008 = arith.constant 368 : index
    %swap3A_1009 = tpu.vector_load %arg5[%swap3A_1008] {strides = array<i32>} : memref<1024xi32, #tpu.memory_space<vmem>>, vector<16xi32>,
    tpu.vector_store %arg5[%swap3A_1008], %add3A_1007 {strides = array<i32>} : memref<1024xi32, #tpu.memory_space<vmem>>, vector<16xi32>,
    %get3A_1010 = arith.constant 384 : index
    %get3A_1011 = tpu.vector_load %arg5[%get3A_1010] {strides = array<i32>} : memref<1024xi32, #tpu.memory_space<vmem>>, vector<16xi32>,
    %get3A_1012 = arith.constant 384 : index
    %get3A_1013 = tpu.vector_load %arg6[%get3A_1012] {strides = array<i32>} : memref<1024xi32, #tpu.memory_space<vmem>>, vector<16xi32>,
    %add3A_1014 = arith.addi %get3A_1011, %get3A_1013 : vector<16xi32>
    %get3A_1015 = arith.constant 384 : index
    %get3A_1016 = tpu.vector_load %arg7[%get3A_1015] {strides = array<i32>} : memref<1024xi32, #tpu.memory_space<vmem>>, vector<16xi32>,
    %get3A_1017 = arith.constant 384 : index
    %get3A_1018 = tpu.vector_load %arg8[%get3A_1017] {strides = array<i32>} : memref<1024xi32, #tpu.memory_space<vmem>>, vector<16xi32>,
    %add3A_1019 = arith.addi %get3A_1016, %get3A_1018 : vector<16xi32>
    %add3A_1020 = arith.addi %add3A_1014, %add3A_1019 : vector<16xi32>
    %swap3A_1021 = arith.constant 384 : index
    %swap3A_1022 = tpu.vector_load %arg5[%swap3A_1021] {strides = array<i32>} : memref<1024xi32, #tpu.memory_space<vmem>>, vector<16xi32>,
    tpu.vector_store %arg5[%swap3A_1021], %add3A_1020 {strides = array<i32>} : memref<1024xi32, #tpu.memory_space<vmem>>, vector<16xi32>,
    %get3A_1023 = arith.constant 400 : index
    %get3A_1024 = tpu.vector_load %arg5[%get3A_1023] {strides = array<i32>} : memref<1024xi32, #tpu.memory_space<vmem>>, vector<16xi32>,
    %get3A_1025 = arith.constant 400 : index
    %get3A_1026 = tpu.vector_load %arg6[%get3A_1025] {strides = array<i32>} : memref<1024xi32, #tpu.memory_space<vmem>>, vector<16xi32>,
    %add3A_1027 = arith.addi %get3A_1024, %get3A_1026 : vector<16xi32>
    %get3A_1028 = arith.constant 400 : index
    %get3A_1029 = tpu.vector_load %arg7[%get3A_1028] {strides = array<i32>} : memref<1024xi32, #tpu.memory_space<vmem>>, vector<16xi32>,
    %get3A_1030 = arith.constant 400 : index
    %get3A_1031 = tpu.vector_load %arg8[%get3A_1030] {strides = array<i32>} : memref<1024xi32, #tpu.memory_space<vmem>>, vector<16xi32>,
    %add3A_1032 = arith.addi %get3A_1029, %get3A_1031 : vector<16xi32>
    %add3A_1033 = arith.addi %add3A_1027, %add3A_1032 : vector<16xi32>
    %swap3A_1034 = arith.constant 400 : index
    %swap3A_1035 = tpu.vector_load %arg5[%swap3A_1034] {strides = array<i32>} : memref<1024xi32, #tpu.memory_space<vmem>>, vector<16xi32>,
    tpu.vector_store %arg5[%swap3A_1034], %add3A_1033 {strides = array<i32>} : memref<1024xi32, #tpu.memory_space<vmem>>, vector<16xi32>,
    %get3A_1036 = arith.constant 416 : index
    %get3A_1037 = tpu.vector_load %arg5[%get3A_1036] {strides = array<i32>} : memref<1024xi32, #tpu.memory_space<vmem>>, vector<16xi32>,
    %get3A_1038 = arith.constant 416 : index
    %get3A_1039 = tpu.vector_load %arg6[%get3A_1038] {strides = array<i32>} : memref<1024xi32, #tpu.memory_space<vmem>>, vector<16xi32>,
    %add3A_1040 = arith.addi %get3A_1037, %get3A_1039 : vector<16xi32>
    %get3A_1041 = arith.constant 416 : index
    %get3A_1042 = tpu.vector_load %arg7[%get3A_1041] {strides = array<i32>} : memref<1024xi32, #tpu.memory_space<vmem>>, vector<16xi32>,
    %get3A_1043 = arith.constant 416 : index
    %get3A_1044 = tpu.vector_load %arg8[%get3A_1043] {strides = array<i32>} : memref<1024xi32, #tpu.memory_space<vmem>>, vector<16xi32>,
    %add3A_1045 = arith.addi %get3A_1042, %get3A_1044 : vector<16xi32>
    %add3A_1046 = arith.addi %add3A_1040, %add3A_1045 : vector<16xi32>
    %swap3A_1047 = arith.constant 416 : index
    %swap3A_1048 = tpu.vector_load %arg5[%swap3A_1047] {strides = array<i32>} : memref<1024xi32, #tpu.memory_space<vmem>>, vector<16xi32>,
    tpu.vector_store %arg5[%swap3A_1047], %add3A_1046 {strides = array<i32>} : memref<1024xi32, #tpu.memory_space<vmem>>, vector<16xi32>,
    %get3A_1049 = arith.constant 432 : index
    %get3A_1050 = tpu.vector_load %arg5[%get3A_1049] {strides = array<i32>} : memref<1024xi32, #tpu.memory_space<vmem>>, vector<16xi32>,
    %get3A_1051 = arith.constant 432 : index
    %get3A_1052 = tpu.vector_load %arg6[%get3A_1051] {strides = array<i32>} : memref<1024xi32, #tpu.memory_space<vmem>>, vector<16xi32>,
    %add3A_1053 = arith.addi %get3A_1050, %get3A_1052 : vector<16xi32>
    %get3A_1054 = arith.constant 432 : index
    %get3A_1055 = tpu.vector_load %arg7[%get3A_1054] {strides = array<i32>} : memref<1024xi32, #tpu.memory_space<vmem>>, vector<16xi32>,
    %get3A_1056 = arith.constant 432 : index
    %get3A_1057 = tpu.vector_load %arg8[%get3A_1056] {strides = array<i32>} : memref<1024xi32, #tpu.memory_space<vmem>>, vector<16xi32>,
    %add3A_1058 = arith.addi %get3A_1055, %get3A_1057 : vector<16xi32>
    %add3A_1059 = arith.addi %add3A_1053, %add3A_1058 : vector<16xi32>
    %swap3A_1060 = arith.constant 432 : index
    %swap3A_1061 = tpu.vector_load %arg5[%swap3A_1060] {strides = array<i32>} : memref<1024xi32, #tpu.memory_space<vmem>>, vector<16xi32>,
    tpu.vector_store %arg5[%swap3A_1060], %add3A_1059 {strides = array<i32>} : memref<1024xi32, #tpu.memory_space<vmem>>, vector<16xi32>,
    %get3A_1062 = arith.constant 448 : index
    %get3A_1063 = tpu.vector_load %arg5[%get3A_1062] {strides = array<i32>} : memref<1024xi32, #tpu.memory_space<vmem>>, vector<16xi32>,
    %get3A_1064 = arith.constant 448 : index
    %get3A_1065 = tpu.vector_load %arg6[%get3A_1064] {strides = array<i32>} : memref<1024xi32, #tpu.memory_space<vmem>>, vector<16xi32>,
    %add3A_1066 = arith.addi %get3A_1063, %get3A_1065 : vector<16xi32>
    %get3A_1067 = arith.constant 448 : index
    %get3A_1068 = tpu.vector_load %arg7[%get3A_1067] {strides = array<i32>} : memref<1024xi32, #tpu.memory_space<vmem>>, vector<16xi32>,
    %get3A_1069 = arith.constant 448 : index
    %get3A_1070 = tpu.vector_load %arg8[%get3A_1069] {strides = array<i32>} : memref<1024xi32, #tpu.memory_space<vmem>>, vector<16xi32>,
    %add3A_1071 = arith.addi %get3A_1068, %get3A_1070 : vector<16xi32>
    %add3A_1072 = arith.addi %add3A_1066, %add3A_1071 : vector<16xi32>
    %swap3A_1073 = arith.constant 448 : index
    %swap3A_1074 = tpu.vector_load %arg5[%swap3A_1073] {strides = array<i32>} : memref<1024xi32, #tpu.memory_space<vmem>>, vector<16xi32>,
    tpu.vector_store %arg5[%swap3A_1073], %add3A_1072 {strides = array<i32>} : memref<1024xi32, #tpu.memory_space<vmem>>, vector<16xi32>,
    %get3A_1075 = arith.constant 464 : index
    %get3A_1076 = tpu.vector_load %arg5[%get3A_1075] {strides = array<i32>} : memref<1024xi32, #tpu.memory_space<vmem>>, vector<16xi32>,
    %get3A_1077 = arith.constant 464 : index
    %get3A_1078 = tpu.vector_load %arg6[%get3A_1077] {strides = array<i32>} : memref<1024xi32, #tpu.memory_space<vmem>>, vector<16xi32>,
    %add3A_1079 = arith.addi %get3A_1076, %get3A_1078 : vector<16xi32>
    %get3A_1080 = arith.constant 464 : index
    %get3A_1081 = tpu.vector_load %arg7[%get3A_1080] {strides = array<i32>} : memref<1024xi32, #tpu.memory_space<vmem>>, vector<16xi32>,
    %get3A_1082 = arith.constant 464 : index
    %get3A_1083 = tpu.vector_load %arg8[%get3A_1082] {strides = array<i32>} : memref<1024xi32, #tpu.memory_space<vmem>>, vector<16xi32>,
    %add3A_1084 = arith.addi %get3A_1081, %get3A_1083 : vector<16xi32>
    %add3A_1085 = arith.addi %add3A_1079, %add3A_1084 : vector<16xi32>
    %swap3A_1086 = arith.constant 464 : index
    %swap3A_1087 = tpu.vector_load %arg5[%swap3A_1086] {strides = array<i32>} : memref<1024xi32, #tpu.memory_space<vmem>>, vector<16xi32>,
    tpu.vector_store %arg5[%swap3A_1086], %add3A_1085 {strides = array<i32>} : memref<1024xi32, #tpu.memory_space<vmem>>, vector<16xi32>,
    %get3A_1088 = arith.constant 480 : index
    %get3A_1089 = tpu.vector_load %arg5[%get3A_1088] {strides = array<i32>} : memref<1024xi32, #tpu.memory_space<vmem>>, vector<16xi32>,
    %get3A_1090 = arith.constant 480 : index
    %get3A_1091 = tpu.vector_load %arg6[%get3A_1090] {strides = array<i32>} : memref<1024xi32, #tpu.memory_space<vmem>>, vector<16xi32>,
    %add3A_1092 = arith.addi %get3A_1089, %get3A_1091 : vector<16xi32>
    %get3A_1093 = arith.constant 480 : index
    %get3A_1094 = tpu.vector_load %arg7[%get3A_1093] {strides = array<i32>} : memref<1024xi32, #tpu.memory_space<vmem>>, vector<16xi32>,
    %get3A_1095 = arith.constant 480 : index
    %get3A_1096 = tpu.vector_load %arg8[%get3A_1095] {strides = array<i32>} : memref<1024xi32, #tpu.memory_space<vmem>>, vector<16xi32>,
    %add3A_1097 = arith.addi %get3A_1094, %get3A_1096 : vector<16xi32>
    %add3A_1098 = arith.addi %add3A_1092, %add3A_1097 : vector<16xi32>
    %swap3A_1099 = arith.constant 480 : index
    %swap3A_1100 = tpu.vector_load %arg5[%swap3A_1099] {strides = array<i32>} : memref<1024xi32, #tpu.memory_space<vmem>>, vector<16xi32>,
    tpu.vector_store %arg5[%swap3A_1099], %add3A_1098 {strides = array<i32>} : memref<1024xi32, #tpu.memory_space<vmem>>, vector<16xi32>,
    %get3A_1101 = arith.constant 496 : index
    %get3A_1102 = tpu.vector_load %arg5[%get3A_1101] {strides = array<i32>} : memref<1024xi32, #tpu.memory_space<vmem>>, vector<16xi32>,
    %get3A_1103 = arith.constant 496 : index
    %get3A_1104 = tpu.vector_load %arg6[%get3A_1103] {strides = array<i32>} : memref<1024xi32, #tpu.memory_space<vmem>>, vector<16xi32>,
    %add3A_1105 = arith.addi %get3A_1102, %get3A_1104 : vector<16xi32>
    %get3A_1106 = arith.constant 496 : index
    %get3A_1107 = tpu.vector_load %arg7[%get3A_1106] {strides = array<i32>} : memref<1024xi32, #tpu.memory_space<vmem>>, vector<16xi32>,
    %get3A_1108 = arith.constant 496 : index
    %get3A_1109 = tpu.vector_load %arg8[%get3A_1108] {strides = array<i32>} : memref<1024xi32, #tpu.memory_space<vmem>>, vector<16xi32>,
    %add3A_1110 = arith.addi %get3A_1107, %get3A_1109 : vector<16xi32>
    %add3A_1111 = arith.addi %add3A_1105, %add3A_1110 : vector<16xi32>
    %swap3A_1112 = arith.constant 496 : index
    %swap3A_1113 = tpu.vector_load %arg5[%swap3A_1112] {strides = array<i32>} : memref<1024xi32, #tpu.memory_space<vmem>>, vector<16xi32>,
    tpu.vector_store %arg5[%swap3A_1112], %add3A_1111 {strides = array<i32>} : memref<1024xi32, #tpu.memory_space<vmem>>, vector<16xi32>,
    %get3A_1114 = arith.constant 512 : index
    %get3A_1115 = tpu.vector_load %arg5[%get3A_1114] {strides = array<i32>} : memref<1024xi32, #tpu.memory_space<vmem>>, vector<16xi32>,
    %get3A_1116 = arith.constant 512 : index
    %get3A_1117 = tpu.vector_load %arg6[%get3A_1116] {strides = array<i32>} : memref<1024xi32, #tpu.memory_space<vmem>>, vector<16xi32>,
    %add3A_1118 = arith.addi %get3A_1115, %get3A_1117 : vector<16xi32>
    %get3A_1119 = arith.constant 512 : index
    %get3A_1120 = tpu.vector_load %arg7[%get3A_1119] {strides = array<i32>} : memref<1024xi32, #tpu.memory_space<vmem>>, vector<16xi32>,
    %get3A_1121 = arith.constant 512 : index
    %get3A_1122 = tpu.vector_load %arg8[%get3A_1121] {strides = array<i32>} : memref<1024xi32, #tpu.memory_space<vmem>>, vector<16xi32>,
    %add3A_1123 = arith.addi %get3A_1120, %get3A_1122 : vector<16xi32>
    %add3A_1124 = arith.addi %add3A_1118, %add3A_1123 : vector<16xi32>
    %swap3A_1125 = arith.constant 512 : index
    %swap3A_1126 = tpu.vector_load %arg5[%swap3A_1125] {strides = array<i32>} : memref<1024xi32, #tpu.memory_space<vmem>>, vector<16xi32>,
    tpu.vector_store %arg5[%swap3A_1125], %add3A_1124 {strides = array<i32>} : memref<1024xi32, #tpu.memory_space<vmem>>, vector<16xi32>,
    %get3A_1127 = arith.constant 528 : index
    %get3A_1128 = tpu.vector_load %arg5[%get3A_1127] {strides = array<i32>} : memref<1024xi32, #tpu.memory_space<vmem>>, vector<16xi32>,
    %get3A_1129 = arith.constant 528 : index
    %get3A_1130 = tpu.vector_load %arg6[%get3A_1129] {strides = array<i32>} : memref<1024xi32, #tpu.memory_space<vmem>>, vector<16xi32>,
    %add3A_1131 = arith.addi %get3A_1128, %get3A_1130 : vector<16xi32>
    %get3A_1132 = arith.constant 528 : index
    %get3A_1133 = tpu.vector_load %arg7[%get3A_1132] {strides = array<i32>} : memref<1024xi32, #tpu.memory_space<vmem>>, vector<16xi32>,
    %get3A_1134 = arith.constant 528 : index
    %get3A_1135 = tpu.vector_load %arg8[%get3A_1134] {strides = array<i32>} : memref<1024xi32, #tpu.memory_space<vmem>>, vector<16xi32>,
    %add3A_1136 = arith.addi %get3A_1133, %get3A_1135 : vector<16xi32>
    %add3A_1137 = arith.addi %add3A_1131, %add3A_1136 : vector<16xi32>
    %swap3A_1138 = arith.constant 528 : index
    %swap3A_1139 = tpu.vector_load %arg5[%swap3A_1138] {strides = array<i32>} : memref<1024xi32, #tpu.memory_space<vmem>>, vector<16xi32>,
    tpu.vector_store %arg5[%swap3A_1138], %add3A_1137 {strides = array<i32>} : memref<1024xi32, #tpu.memory_space<vmem>>, vector<16xi32>,
    %get3A_1140 = arith.constant 544 : index
    %get3A_1141 = tpu.vector_load %arg5[%get3A_1140] {strides = array<i32>} : memref<1024xi32, #tpu.memory_space<vmem>>, vector<16xi32>,
    %get3A_1142 = arith.constant 544 : index
    %get3A_1143 = tpu.vector_load %arg6[%get3A_1142] {strides = array<i32>} : memref<1024xi32, #tpu.memory_space<vmem>>, vector<16xi32>,
    %add3A_1144 = arith.addi %get3A_1141, %get3A_1143 : vector<16xi32>
    %get3A_1145 = arith.constant 544 : index
    %get3A_1146 = tpu.vector_load %arg7[%get3A_1145] {strides = array<i32>} : memref<1024xi32, #tpu.memory_space<vmem>>, vector<16xi32>,
    %get3A_1147 = arith.constant 544 : index
    %get3A_1148 = tpu.vector_load %arg8[%get3A_1147] {strides = array<i32>} : memref<1024xi32, #tpu.memory_space<vmem>>, vector<16xi32>,
    %add3A_1149 = arith.addi %get3A_1146, %get3A_1148 : vector<16xi32>
    %add3A_1150 = arith.addi %add3A_1144, %add3A_1149 : vector<16xi32>
    %swap3A_1151 = arith.constant 544 : index
    %swap3A_1152 = tpu.vector_load %arg5[%swap3A_1151] {strides = array<i32>} : memref<1024xi32, #tpu.memory_space<vmem>>, vector<16xi32>,
    tpu.vector_store %arg5[%swap3A_1151], %add3A_1150 {strides = array<i32>} : memref<1024xi32, #tpu.memory_space<vmem>>, vector<16xi32>,
    %get3A_1153 = arith.constant 560 : index
    %get3A_1154 = tpu.vector_load %arg5[%get3A_1153] {strides = array<i32>} : memref<1024xi32, #tpu.memory_space<vmem>>, vector<16xi32>,
    %get3A_1155 = arith.constant 560 : index
    %get3A_1156 = tpu.vector_load %arg6[%get3A_1155] {strides = array<i32>} : memref<1024xi32, #tpu.memory_space<vmem>>, vector<16xi32>,
    %add3A_1157 = arith.addi %get3A_1154, %get3A_1156 : vector<16xi32>
    %get3A_1158 = arith.constant 560 : index
    %get3A_1159 = tpu.vector_load %arg7[%get3A_1158] {strides = array<i32>} : memref<1024xi32, #tpu.memory_space<vmem>>, vector<16xi32>,
    %get3A_1160 = arith.constant 560 : index
    %get3A_1161 = tpu.vector_load %arg8[%get3A_1160] {strides = array<i32>} : memref<1024xi32, #tpu.memory_space<vmem>>, vector<16xi32>,
    %add3A_1162 = arith.addi %get3A_1159, %get3A_1161 : vector<16xi32>
    %add3A_1163 = arith.addi %add3A_1157, %add3A_1162 : vector<16xi32>
    %swap3A_1164 = arith.constant 560 : index
    %swap3A_1165 = tpu.vector_load %arg5[%swap3A_1164] {strides = array<i32>} : memref<1024xi32, #tpu.memory_space<vmem>>, vector<16xi32>,
    tpu.vector_store %arg5[%swap3A_1164], %add3A_1163 {strides = array<i32>} : memref<1024xi32, #tpu.memory_space<vmem>>, vector<16xi32>,
    %get3A_1166 = arith.constant 576 : index
    %get3A_1167 = tpu.vector_load %arg5[%get3A_1166] {strides = array<i32>} : memref<1024xi32, #tpu.memory_space<vmem>>, vector<16xi32>,
    %get3A_1168 = arith.constant 576 : index
    %get3A_1169 = tpu.vector_load %arg6[%get3A_1168] {strides = array<i32>} : memref<1024xi32, #tpu.memory_space<vmem>>, vector<16xi32>,
    %add3A_1170 = arith.addi %get3A_1167, %get3A_1169 : vector<16xi32>
    %get3A_1171 = arith.constant 576 : index
    %get3A_1172 = tpu.vector_load %arg7[%get3A_1171] {strides = array<i32>} : memref<1024xi32, #tpu.memory_space<vmem>>, vector<16xi32>,
    %get3A_1173 = arith.constant 576 : index
    %get3A_1174 = tpu.vector_load %arg8[%get3A_1173] {strides = array<i32>} : memref<1024xi32, #tpu.memory_space<vmem>>, vector<16xi32>,
    %add3A_1175 = arith.addi %get3A_1172, %get3A_1174 : vector<16xi32>
    %add3A_1176 = arith.addi %add3A_1170, %add3A_1175 : vector<16xi32>
    %swap3A_1177 = arith.constant 576 : index
    %swap3A_1178 = tpu.vector_load %arg5[%swap3A_1177] {strides = array<i32>} : memref<1024xi32, #tpu.memory_space<vmem>>, vector<16xi32>,
    tpu.vector_store %arg5[%swap3A_1177], %add3A_1176 {strides = array<i32>} : memref<1024xi32, #tpu.memory_space<vmem>>, vector<16xi32>,
    %get3A_1179 = arith.constant 592 : index
    %get3A_1180 = tpu.vector_load %arg5[%get3A_1179] {strides = array<i32>} : memref<1024xi32, #tpu.memory_space<vmem>>, vector<16xi32>,
    %get3A_1181 = arith.constant 592 : index
    %get3A_1182 = tpu.vector_load %arg6[%get3A_1181] {strides = array<i32>} : memref<1024xi32, #tpu.memory_space<vmem>>, vector<16xi32>,
    %add3A_1183 = arith.addi %get3A_1180, %get3A_1182 : vector<16xi32>
    %get3A_1184 = arith.constant 592 : index
    %get3A_1185 = tpu.vector_load %arg7[%get3A_1184] {strides = array<i32>} : memref<1024xi32, #tpu.memory_space<vmem>>, vector<16xi32>,
    %get3A_1186 = arith.constant 592 : index
    %get3A_1187 = tpu.vector_load %arg8[%get3A_1186] {strides = array<i32>} : memref<1024xi32, #tpu.memory_space<vmem>>, vector<16xi32>,
    %add3A_1188 = arith.addi %get3A_1185, %get3A_1187 : vector<16xi32>
    %add3A_1189 = arith.addi %add3A_1183, %add3A_1188 : vector<16xi32>
    %swap3A_1190 = arith.constant 592 : index
    %swap3A_1191 = tpu.vector_load %arg5[%swap3A_1190] {strides = array<i32>} : memref<1024xi32, #tpu.memory_space<vmem>>, vector<16xi32>,
    tpu.vector_store %arg5[%swap3A_1190], %add3A_1189 {strides = array<i32>} : memref<1024xi32, #tpu.memory_space<vmem>>, vector<16xi32>,
    %get3A_1192 = arith.constant 608 : index
    %get3A_1193 = tpu.vector_load %arg5[%get3A_1192] {strides = array<i32>} : memref<1024xi32, #tpu.memory_space<vmem>>, vector<16xi32>,
    %get3A_1194 = arith.constant 608 : index
    %get3A_1195 = tpu.vector_load %arg6[%get3A_1194] {strides = array<i32>} : memref<1024xi32, #tpu.memory_space<vmem>>, vector<16xi32>,
    %add3A_1196 = arith.addi %get3A_1193, %get3A_1195 : vector<16xi32>
    %get3A_1197 = arith.constant 608 : index
    %get3A_1198 = tpu.vector_load %arg7[%get3A_1197] {strides = array<i32>} : memref<1024xi32, #tpu.memory_space<vmem>>, vector<16xi32>,
    %get3A_1199 = arith.constant 608 : index
    %get3A_1200 = tpu.vector_load %arg8[%get3A_1199] {strides = array<i32>} : memref<1024xi32, #tpu.memory_space<vmem>>, vector<16xi32>,
    %add3A_1201 = arith.addi %get3A_1198, %get3A_1200 : vector<16xi32>
    %add3A_1202 = arith.addi %add3A_1196, %add3A_1201 : vector<16xi32>
    %swap3A_1203 = arith.constant 608 : index
    %swap3A_1204 = tpu.vector_load %arg5[%swap3A_1203] {strides = array<i32>} : memref<1024xi32, #tpu.memory_space<vmem>>, vector<16xi32>,
    tpu.vector_store %arg5[%swap3A_1203], %add3A_1202 {strides = array<i32>} : memref<1024xi32, #tpu.memory_space<vmem>>, vector<16xi32>,
    %get3A_1205 = arith.constant 624 : index
    %get3A_1206 = tpu.vector_load %arg5[%get3A_1205] {strides = array<i32>} : memref<1024xi32, #tpu.memory_space<vmem>>, vector<16xi32>,
    %get3A_1207 = arith.constant 624 : index
    %get3A_1208 = tpu.vector_load %arg6[%get3A_1207] {strides = array<i32>} : memref<1024xi32, #tpu.memory_space<vmem>>, vector<16xi32>,
    %add3A_1209 = arith.addi %get3A_1206, %get3A_1208 : vector<16xi32>
    %get3A_1210 = arith.constant 624 : index
    %get3A_1211 = tpu.vector_load %arg7[%get3A_1210] {strides = array<i32>} : memref<1024xi32, #tpu.memory_space<vmem>>, vector<16xi32>,
    %get3A_1212 = arith.constant 624 : index
    %get3A_1213 = tpu.vector_load %arg8[%get3A_1212] {strides = array<i32>} : memref<1024xi32, #tpu.memory_space<vmem>>, vector<16xi32>,
    %add3A_1214 = arith.addi %get3A_1211, %get3A_1213 : vector<16xi32>
    %add3A_1215 = arith.addi %add3A_1209, %add3A_1214 : vector<16xi32>
    %swap3A_1216 = arith.constant 624 : index
    %swap3A_1217 = tpu.vector_load %arg5[%swap3A_1216] {strides = array<i32>} : memref<1024xi32, #tpu.memory_space<vmem>>, vector<16xi32>,
    tpu.vector_store %arg5[%swap3A_1216], %add3A_1215 {strides = array<i32>} : memref<1024xi32, #tpu.memory_space<vmem>>, vector<16xi32>,
    %get3A_1218 = arith.constant 640 : index
    %get3A_1219 = tpu.vector_load %arg5[%get3A_1218] {strides = array<i32>} : memref<1024xi32, #tpu.memory_space<vmem>>, vector<16xi32>,
    %get3A_1220 = arith.constant 640 : index
    %get3A_1221 = tpu.vector_load %arg6[%get3A_1220] {strides = array<i32>} : memref<1024xi32, #tpu.memory_space<vmem>>, vector<16xi32>,
    %add3A_1222 = arith.addi %get3A_1219, %get3A_1221 : vector<16xi32>
    %get3A_1223 = arith.constant 640 : index
    %get3A_1224 = tpu.vector_load %arg7[%get3A_1223] {strides = array<i32>} : memref<1024xi32, #tpu.memory_space<vmem>>, vector<16xi32>,
    %get3A_1225 = arith.constant 640 : index
    %get3A_1226 = tpu.vector_load %arg8[%get3A_1225] {strides = array<i32>} : memref<1024xi32, #tpu.memory_space<vmem>>, vector<16xi32>,
    %add3A_1227 = arith.addi %get3A_1224, %get3A_1226 : vector<16xi32>
    %add3A_1228 = arith.addi %add3A_1222, %add3A_1227 : vector<16xi32>
    %swap3A_1229 = arith.constant 640 : index
    %swap3A_1230 = tpu.vector_load %arg5[%swap3A_1229] {strides = array<i32>} : memref<1024xi32, #tpu.memory_space<vmem>>, vector<16xi32>,
    tpu.vector_store %arg5[%swap3A_1229], %add3A_1228 {strides = array<i32>} : memref<1024xi32, #tpu.memory_space<vmem>>, vector<16xi32>,
    %get3A_1231 = arith.constant 656 : index
    %get3A_1232 = tpu.vector_load %arg5[%get3A_1231] {strides = array<i32>} : memref<1024xi32, #tpu.memory_space<vmem>>, vector<16xi32>,
    %get3A_1233 = arith.constant 656 : index
    %get3A_1234 = tpu.vector_load %arg6[%get3A_1233] {strides = array<i32>} : memref<1024xi32, #tpu.memory_space<vmem>>, vector<16xi32>,
    %add3A_1235 = arith.addi %get3A_1232, %get3A_1234 : vector<16xi32>
    %get3A_1236 = arith.constant 656 : index
    %get3A_1237 = tpu.vector_load %arg7[%get3A_1236] {strides = array<i32>} : memref<1024xi32, #tpu.memory_space<vmem>>, vector<16xi32>,
    %get3A_1238 = arith.constant 656 : index
    %get3A_1239 = tpu.vector_load %arg8[%get3A_1238] {strides = array<i32>} : memref<1024xi32, #tpu.memory_space<vmem>>, vector<16xi32>,
    %add3A_1240 = arith.addi %get3A_1237, %get3A_1239 : vector<16xi32>
    %add3A_1241 = arith.addi %add3A_1235, %add3A_1240 : vector<16xi32>
    %swap3A_1242 = arith.constant 656 : index
    %swap3A_1243 = tpu.vector_load %arg5[%swap3A_1242] {strides = array<i32>} : memref<1024xi32, #tpu.memory_space<vmem>>, vector<16xi32>,
    tpu.vector_store %arg5[%swap3A_1242], %add3A_1241 {strides = array<i32>} : memref<1024xi32, #tpu.memory_space<vmem>>, vector<16xi32>,
    %get3A_1244 = arith.constant 672 : index
    %get3A_1245 = tpu.vector_load %arg5[%get3A_1244] {strides = array<i32>} : memref<1024xi32, #tpu.memory_space<vmem>>, vector<16xi32>,
    %get3A_1246 = arith.constant 672 : index
    %get3A_1247 = tpu.vector_load %arg6[%get3A_1246] {strides = array<i32>} : memref<1024xi32, #tpu.memory_space<vmem>>, vector<16xi32>,
    %add3A_1248 = arith.addi %get3A_1245, %get3A_1247 : vector<16xi32>
    %get3A_1249 = arith.constant 672 : index
    %get3A_1250 = tpu.vector_load %arg7[%get3A_1249] {strides = array<i32>} : memref<1024xi32, #tpu.memory_space<vmem>>, vector<16xi32>,
    %get3A_1251 = arith.constant 672 : index
    %get3A_1252 = tpu.vector_load %arg8[%get3A_1251] {strides = array<i32>} : memref<1024xi32, #tpu.memory_space<vmem>>, vector<16xi32>,
    %add3A_1253 = arith.addi %get3A_1250, %get3A_1252 : vector<16xi32>
    %add3A_1254 = arith.addi %add3A_1248, %add3A_1253 : vector<16xi32>
    %swap3A_1255 = arith.constant 672 : index
    %swap3A_1256 = tpu.vector_load %arg5[%swap3A_1255] {strides = array<i32>} : memref<1024xi32, #tpu.memory_space<vmem>>, vector<16xi32>,
    tpu.vector_store %arg5[%swap3A_1255], %add3A_1254 {strides = array<i32>} : memref<1024xi32, #tpu.memory_space<vmem>>, vector<16xi32>,
    %get3A_1257 = arith.constant 688 : index
    %get3A_1258 = tpu.vector_load %arg5[%get3A_1257] {strides = array<i32>} : memref<1024xi32, #tpu.memory_space<vmem>>, vector<16xi32>,
    %get3A_1259 = arith.constant 688 : index
    %get3A_1260 = tpu.vector_load %arg6[%get3A_1259] {strides = array<i32>} : memref<1024xi32, #tpu.memory_space<vmem>>, vector<16xi32>,
    %add3A_1261 = arith.addi %get3A_1258, %get3A_1260 : vector<16xi32>
    %get3A_1262 = arith.constant 688 : index
    %get3A_1263 = tpu.vector_load %arg7[%get3A_1262] {strides = array<i32>} : memref<1024xi32, #tpu.memory_space<vmem>>, vector<16xi32>,
    %get3A_1264 = arith.constant 688 : index
    %get3A_1265 = tpu.vector_load %arg8[%get3A_1264] {strides = array<i32>} : memref<1024xi32, #tpu.memory_space<vmem>>, vector<16xi32>,
    %add3A_1266 = arith.addi %get3A_1263, %get3A_1265 : vector<16xi32>
    %add3A_1267 = arith.addi %add3A_1261, %add3A_1266 : vector<16xi32>
    %swap3A_1268 = arith.constant 688 : index
    %swap3A_1269 = tpu.vector_load %arg5[%swap3A_1268] {strides = array<i32>} : memref<1024xi32, #tpu.memory_space<vmem>>, vector<16xi32>,
    tpu.vector_store %arg5[%swap3A_1268], %add3A_1267 {strides = array<i32>} : memref<1024xi32, #tpu.memory_space<vmem>>, vector<16xi32>,
    %get3A_1270 = arith.constant 704 : index
    %get3A_1271 = tpu.vector_load %arg5[%get3A_1270] {strides = array<i32>} : memref<1024xi32, #tpu.memory_space<vmem>>, vector<16xi32>,
    %get3A_1272 = arith.constant 704 : index
    %get3A_1273 = tpu.vector_load %arg6[%get3A_1272] {strides = array<i32>} : memref<1024xi32, #tpu.memory_space<vmem>>, vector<16xi32>,
    %add3A_1274 = arith.addi %get3A_1271, %get3A_1273 : vector<16xi32>
    %get3A_1275 = arith.constant 704 : index
    %get3A_1276 = tpu.vector_load %arg7[%get3A_1275] {strides = array<i32>} : memref<1024xi32, #tpu.memory_space<vmem>>, vector<16xi32>,
    %get3A_1277 = arith.constant 704 : index
    %get3A_1278 = tpu.vector_load %arg8[%get3A_1277] {strides = array<i32>} : memref<1024xi32, #tpu.memory_space<vmem>>, vector<16xi32>,
    %add3A_1279 = arith.addi %get3A_1276, %get3A_1278 : vector<16xi32>
    %add3A_1280 = arith.addi %add3A_1274, %add3A_1279 : vector<16xi32>
    %swap3A_1281 = arith.constant 704 : index
    %swap3A_1282 = tpu.vector_load %arg5[%swap3A_1281] {strides = array<i32>} : memref<1024xi32, #tpu.memory_space<vmem>>, vector<16xi32>,
    tpu.vector_store %arg5[%swap3A_1281], %add3A_1280 {strides = array<i32>} : memref<1024xi32, #tpu.memory_space<vmem>>, vector<16xi32>,
    %get3A_1283 = arith.constant 720 : index
    %get3A_1284 = tpu.vector_load %arg5[%get3A_1283] {strides = array<i32>} : memref<1024xi32, #tpu.memory_space<vmem>>, vector<16xi32>,
    %get3A_1285 = arith.constant 720 : index
    %get3A_1286 = tpu.vector_load %arg6[%get3A_1285] {strides = array<i32>} : memref<1024xi32, #tpu.memory_space<vmem>>, vector<16xi32>,
    %add3A_1287 = arith.addi %get3A_1284, %get3A_1286 : vector<16xi32>
    %get3A_1288 = arith.constant 720 : index
    %get3A_1289 = tpu.vector_load %arg7[%get3A_1288] {strides = array<i32>} : memref<1024xi32, #tpu.memory_space<vmem>>, vector<16xi32>,
    %get3A_1290 = arith.constant 720 : index
    %get3A_1291 = tpu.vector_load %arg8[%get3A_1290] {strides = array<i32>} : memref<1024xi32, #tpu.memory_space<vmem>>, vector<16xi32>,
    %add3A_1292 = arith.addi %get3A_1289, %get3A_1291 : vector<16xi32>
    %add3A_1293 = arith.addi %add3A_1287, %add3A_1292 : vector<16xi32>
    %swap3A_1294 = arith.constant 720 : index
    %swap3A_1295 = tpu.vector_load %arg5[%swap3A_1294] {strides = array<i32>} : memref<1024xi32, #tpu.memory_space<vmem>>, vector<16xi32>,
    tpu.vector_store %arg5[%swap3A_1294], %add3A_1293 {strides = array<i32>} : memref<1024xi32, #tpu.memory_space<vmem>>, vector<16xi32>,
    %get3A_1296 = arith.constant 736 : index
    %get3A_1297 = tpu.vector_load %arg5[%get3A_1296] {strides = array<i32>} : memref<1024xi32, #tpu.memory_space<vmem>>, vector<16xi32>,
    %get3A_1298 = arith.constant 736 : index
    %get3A_1299 = tpu.vector_load %arg6[%get3A_1298] {strides = array<i32>} : memref<1024xi32, #tpu.memory_space<vmem>>, vector<16xi32>,
    %add3A_1300 = arith.addi %get3A_1297, %get3A_1299 : vector<16xi32>
    %get3A_1301 = arith.constant 736 : index
    %get3A_1302 = tpu.vector_load %arg7[%get3A_1301] {strides = array<i32>} : memref<1024xi32, #tpu.memory_space<vmem>>, vector<16xi32>,
    %get3A_1303 = arith.constant 736 : index
    %get3A_1304 = tpu.vector_load %arg8[%get3A_1303] {strides = array<i32>} : memref<1024xi32, #tpu.memory_space<vmem>>, vector<16xi32>,
    %add3A_1305 = arith.addi %get3A_1302, %get3A_1304 : vector<16xi32>
    %add3A_1306 = arith.addi %add3A_1300, %add3A_1305 : vector<16xi32>
    %swap3A_1307 = arith.constant 736 : index
    %swap3A_1308 = tpu.vector_load %arg5[%swap3A_1307] {strides = array<i32>} : memref<1024xi32, #tpu.memory_space<vmem>>, vector<16xi32>,
    tpu.vector_store %arg5[%swap3A_1307], %add3A_1306 {strides = array<i32>} : memref<1024xi32, #tpu.memory_space<vmem>>, vector<16xi32>,
    %get3A_1309 = arith.constant 752 : index
    %get3A_1310 = tpu.vector_load %arg5[%get3A_1309] {strides = array<i32>} : memref<1024xi32, #tpu.memory_space<vmem>>, vector<16xi32>,
    %get3A_1311 = arith.constant 752 : index
    %get3A_1312 = tpu.vector_load %arg6[%get3A_1311] {strides = array<i32>} : memref<1024xi32, #tpu.memory_space<vmem>>, vector<16xi32>,
    %add3A_1313 = arith.addi %get3A_1310, %get3A_1312 : vector<16xi32>
    %get3A_1314 = arith.constant 752 : index
    %get3A_1315 = tpu.vector_load %arg7[%get3A_1314] {strides = array<i32>} : memref<1024xi32, #tpu.memory_space<vmem>>, vector<16xi32>,
    %get3A_1316 = arith.constant 752 : index
    %get3A_1317 = tpu.vector_load %arg8[%get3A_1316] {strides = array<i32>} : memref<1024xi32, #tpu.memory_space<vmem>>, vector<16xi32>,
    %add3A_1318 = arith.addi %get3A_1315, %get3A_1317 : vector<16xi32>
    %add3A_1319 = arith.addi %add3A_1313, %add3A_1318 : vector<16xi32>
    %swap3A_1320 = arith.constant 752 : index
    %swap3A_1321 = tpu.vector_load %arg5[%swap3A_1320] {strides = array<i32>} : memref<1024xi32, #tpu.memory_space<vmem>>, vector<16xi32>,
    tpu.vector_store %arg5[%swap3A_1320], %add3A_1319 {strides = array<i32>} : memref<1024xi32, #tpu.memory_space<vmem>>, vector<16xi32>,
    %get3A_1322 = arith.constant 768 : index
    %get3A_1323 = tpu.vector_load %arg5[%get3A_1322] {strides = array<i32>} : memref<1024xi32, #tpu.memory_space<vmem>>, vector<16xi32>,
    %get3A_1324 = arith.constant 768 : index
    %get3A_1325 = tpu.vector_load %arg6[%get3A_1324] {strides = array<i32>} : memref<1024xi32, #tpu.memory_space<vmem>>, vector<16xi32>,
    %add3A_1326 = arith.addi %get3A_1323, %get3A_1325 : vector<16xi32>
    %get3A_1327 = arith.constant 768 : index
    %get3A_1328 = tpu.vector_load %arg7[%get3A_1327] {strides = array<i32>} : memref<1024xi32, #tpu.memory_space<vmem>>, vector<16xi32>,
    %get3A_1329 = arith.constant 768 : index
    %get3A_1330 = tpu.vector_load %arg8[%get3A_1329] {strides = array<i32>} : memref<1024xi32, #tpu.memory_space<vmem>>, vector<16xi32>,
    %add3A_1331 = arith.addi %get3A_1328, %get3A_1330 : vector<16xi32>
    %add3A_1332 = arith.addi %add3A_1326, %add3A_1331 : vector<16xi32>
    %swap3A_1333 = arith.constant 768 : index
    %swap3A_1334 = tpu.vector_load %arg5[%swap3A_1333] {strides = array<i32>} : memref<1024xi32, #tpu.memory_space<vmem>>, vector<16xi32>,
    tpu.vector_store %arg5[%swap3A_1333], %add3A_1332 {strides = array<i32>} : memref<1024xi32, #tpu.memory_space<vmem>>, vector<16xi32>,
    %get3A_1335 = arith.constant 784 : index
    %get3A_1336 = tpu.vector_load %arg5[%get3A_1335] {strides = array<i32>} : memref<1024xi32, #tpu.memory_space<vmem>>, vector<16xi32>,
    %get3A_1337 = arith.constant 784 : index
    %get3A_1338 = tpu.vector_load %arg6[%get3A_1337] {strides = array<i32>} : memref<1024xi32, #tpu.memory_space<vmem>>, vector<16xi32>,
    %add3A_1339 = arith.addi %get3A_1336, %get3A_1338 : vector<16xi32>
    %get3A_1340 = arith.constant 784 : index
    %get3A_1341 = tpu.vector_load %arg7[%get3A_1340] {strides = array<i32>} : memref<1024xi32, #tpu.memory_space<vmem>>, vector<16xi32>,
    %get3A_1342 = arith.constant 784 : index
    %get3A_1343 = tpu.vector_load %arg8[%get3A_1342] {strides = array<i32>} : memref<1024xi32, #tpu.memory_space<vmem>>, vector<16xi32>,
    %add3A_1344 = arith.addi %get3A_1341, %get3A_1343 : vector<16xi32>
    %add3A_1345 = arith.addi %add3A_1339, %add3A_1344 : vector<16xi32>
    %swap3A_1346 = arith.constant 784 : index
    %swap3A_1347 = tpu.vector_load %arg5[%swap3A_1346] {strides = array<i32>} : memref<1024xi32, #tpu.memory_space<vmem>>, vector<16xi32>,
    tpu.vector_store %arg5[%swap3A_1346], %add3A_1345 {strides = array<i32>} : memref<1024xi32, #tpu.memory_space<vmem>>, vector<16xi32>,
    %get3A_1348 = arith.constant 800 : index
    %get3A_1349 = tpu.vector_load %arg5[%get3A_1348] {strides = array<i32>} : memref<1024xi32, #tpu.memory_space<vmem>>, vector<16xi32>,
    %get3A_1350 = arith.constant 800 : index
    %get3A_1351 = tpu.vector_load %arg6[%get3A_1350] {strides = array<i32>} : memref<1024xi32, #tpu.memory_space<vmem>>, vector<16xi32>,
    %add3A_1352 = arith.addi %get3A_1349, %get3A_1351 : vector<16xi32>
    %get3A_1353 = arith.constant 800 : index
    %get3A_1354 = tpu.vector_load %arg7[%get3A_1353] {strides = array<i32>} : memref<1024xi32, #tpu.memory_space<vmem>>, vector<16xi32>,
    %get3A_1355 = arith.constant 800 : index
    %get3A_1356 = tpu.vector_load %arg8[%get3A_1355] {strides = array<i32>} : memref<1024xi32, #tpu.memory_space<vmem>>, vector<16xi32>,
    %add3A_1357 = arith.addi %get3A_1354, %get3A_1356 : vector<16xi32>
    %add3A_1358 = arith.addi %add3A_1352, %add3A_1357 : vector<16xi32>
    %swap3A_1359 = arith.constant 800 : index
    %swap3A_1360 = tpu.vector_load %arg5[%swap3A_1359] {strides = array<i32>} : memref<1024xi32, #tpu.memory_space<vmem>>, vector<16xi32>,
    tpu.vector_store %arg5[%swap3A_1359], %add3A_1358 {strides = array<i32>} : memref<1024xi32, #tpu.memory_space<vmem>>, vector<16xi32>,
    %get3A_1361 = arith.constant 816 : index
    %get3A_1362 = tpu.vector_load %arg5[%get3A_1361] {strides = array<i32>} : memref<1024xi32, #tpu.memory_space<vmem>>, vector<16xi32>,
    %get3A_1363 = arith.constant 816 : index
    %get3A_1364 = tpu.vector_load %arg6[%get3A_1363] {strides = array<i32>} : memref<1024xi32, #tpu.memory_space<vmem>>, vector<16xi32>,
    %add3A_1365 = arith.addi %get3A_1362, %get3A_1364 : vector<16xi32>
    %get3A_1366 = arith.constant 816 : index
    %get3A_1367 = tpu.vector_load %arg7[%get3A_1366] {strides = array<i32>} : memref<1024xi32, #tpu.memory_space<vmem>>, vector<16xi32>,
    %get3A_1368 = arith.constant 816 : index
    %get3A_1369 = tpu.vector_load %arg8[%get3A_1368] {strides = array<i32>} : memref<1024xi32, #tpu.memory_space<vmem>>, vector<16xi32>,
    %add3A_1370 = arith.addi %get3A_1367, %get3A_1369 : vector<16xi32>
    %add3A_1371 = arith.addi %add3A_1365, %add3A_1370 : vector<16xi32>
    %swap3A_1372 = arith.constant 816 : index
    %swap3A_1373 = tpu.vector_load %arg5[%swap3A_1372] {strides = array<i32>} : memref<1024xi32, #tpu.memory_space<vmem>>, vector<16xi32>,
    tpu.vector_store %arg5[%swap3A_1372], %add3A_1371 {strides = array<i32>} : memref<1024xi32, #tpu.memory_space<vmem>>, vector<16xi32>,
    %get3A_1374 = arith.constant 832 : index
    %get3A_1375 = tpu.vector_load %arg5[%get3A_1374] {strides = array<i32>} : memref<1024xi32, #tpu.memory_space<vmem>>, vector<16xi32>,
    %get3A_1376 = arith.constant 832 : index
    %get3A_1377 = tpu.vector_load %arg6[%get3A_1376] {strides = array<i32>} : memref<1024xi32, #tpu.memory_space<vmem>>, vector<16xi32>,
    %add3A_1378 = arith.addi %get3A_1375, %get3A_1377 : vector<16xi32>
    %get3A_1379 = arith.constant 832 : index
    %get3A_1380 = tpu.vector_load %arg7[%get3A_1379] {strides = array<i32>} : memref<1024xi32, #tpu.memory_space<vmem>>, vector<16xi32>,
    %get3A_1381 = arith.constant 832 : index
    %get3A_1382 = tpu.vector_load %arg8[%get3A_1381] {strides = array<i32>} : memref<1024xi32, #tpu.memory_space<vmem>>, vector<16xi32>,
    %add3A_1383 = arith.addi %get3A_1380, %get3A_1382 : vector<16xi32>
    %add3A_1384 = arith.addi %add3A_1378, %add3A_1383 : vector<16xi32>
    %swap3A_1385 = arith.constant 832 : index
    %swap3A_1386 = tpu.vector_load %arg5[%swap3A_1385] {strides = array<i32>} : memref<1024xi32, #tpu.memory_space<vmem>>, vector<16xi32>,
    tpu.vector_store %arg5[%swap3A_1385], %add3A_1384 {strides = array<i32>} : memref<1024xi32, #tpu.memory_space<vmem>>, vector<16xi32>,
    %get3A_1387 = arith.constant 848 : index
    %get3A_1388 = tpu.vector_load %arg5[%get3A_1387] {strides = array<i32>} : memref<1024xi32, #tpu.memory_space<vmem>>, vector<16xi32>,
    %get3A_1389 = arith.constant 848 : index
    %get3A_1390 = tpu.vector_load %arg6[%get3A_1389] {strides = array<i32>} : memref<1024xi32, #tpu.memory_space<vmem>>, vector<16xi32>,
    %add3A_1391 = arith.addi %get3A_1388, %get3A_1390 : vector<16xi32>
    %get3A_1392 = arith.constant 848 : index
    %get3A_1393 = tpu.vector_load %arg7[%get3A_1392] {strides = array<i32>} : memref<1024xi32, #tpu.memory_space<vmem>>, vector<16xi32>,
    %get3A_1394 = arith.constant 848 : index
    %get3A_1395 = tpu.vector_load %arg8[%get3A_1394] {strides = array<i32>} : memref<1024xi32, #tpu.memory_space<vmem>>, vector<16xi32>,
    %add3A_1396 = arith.addi %get3A_1393, %get3A_1395 : vector<16xi32>
    %add3A_1397 = arith.addi %add3A_1391, %add3A_1396 : vector<16xi32>
    %swap3A_1398 = arith.constant 848 : index
    %swap3A_1399 = tpu.vector_load %arg5[%swap3A_1398] {strides = array<i32>} : memref<1024xi32, #tpu.memory_space<vmem>>, vector<16xi32>,
    tpu.vector_store %arg5[%swap3A_1398], %add3A_1397 {strides = array<i32>} : memref<1024xi32, #tpu.memory_space<vmem>>, vector<16xi32>,
    %get3A_1400 = arith.constant 864 : index
    %get3A_1401 = tpu.vector_load %arg5[%get3A_1400] {strides = array<i32>} : memref<1024xi32, #tpu.memory_space<vmem>>, vector<16xi32>,
    %get3A_1402 = arith.constant 864 : index
    %get3A_1403 = tpu.vector_load %arg6[%get3A_1402] {strides = array<i32>} : memref<1024xi32, #tpu.memory_space<vmem>>, vector<16xi32>,
    %add3A_1404 = arith.addi %get3A_1401, %get3A_1403 : vector<16xi32>
    %get3A_1405 = arith.constant 864 : index
    %get3A_1406 = tpu.vector_load %arg7[%get3A_1405] {strides = array<i32>} : memref<1024xi32, #tpu.memory_space<vmem>>, vector<16xi32>,
    %get3A_1407 = arith.constant 864 : index
    %get3A_1408 = tpu.vector_load %arg8[%get3A_1407] {strides = array<i32>} : memref<1024xi32, #tpu.memory_space<vmem>>, vector<16xi32>,
    %add3A_1409 = arith.addi %get3A_1406, %get3A_1408 : vector<16xi32>
    %add3A_1410 = arith.addi %add3A_1404, %add3A_1409 : vector<16xi32>
    %swap3A_1411 = arith.constant 864 : index
    %swap3A_1412 = tpu.vector_load %arg5[%swap3A_1411] {strides = array<i32>} : memref<1024xi32, #tpu.memory_space<vmem>>, vector<16xi32>,
    tpu.vector_store %arg5[%swap3A_1411], %add3A_1410 {strides = array<i32>} : memref<1024xi32, #tpu.memory_space<vmem>>, vector<16xi32>,
    %get3A_1413 = arith.constant 880 : index
    %get3A_1414 = tpu.vector_load %arg5[%get3A_1413] {strides = array<i32>} : memref<1024xi32, #tpu.memory_space<vmem>>, vector<16xi32>,
    %get3A_1415 = arith.constant 880 : index
    %get3A_1416 = tpu.vector_load %arg6[%get3A_1415] {strides = array<i32>} : memref<1024xi32, #tpu.memory_space<vmem>>, vector<16xi32>,
    %add3A_1417 = arith.addi %get3A_1414, %get3A_1416 : vector<16xi32>
    %get3A_1418 = arith.constant 880 : index
    %get3A_1419 = tpu.vector_load %arg7[%get3A_1418] {strides = array<i32>} : memref<1024xi32, #tpu.memory_space<vmem>>, vector<16xi32>,
    %get3A_1420 = arith.constant 880 : index
    %get3A_1421 = tpu.vector_load %arg8[%get3A_1420] {strides = array<i32>} : memref<1024xi32, #tpu.memory_space<vmem>>, vector<16xi32>,
    %add3A_1422 = arith.addi %get3A_1419, %get3A_1421 : vector<16xi32>
    %add3A_1423 = arith.addi %add3A_1417, %add3A_1422 : vector<16xi32>
    %swap3A_1424 = arith.constant 880 : index
    %swap3A_1425 = tpu.vector_load %arg5[%swap3A_1424] {strides = array<i32>} : memref<1024xi32, #tpu.memory_space<vmem>>, vector<16xi32>,
    tpu.vector_store %arg5[%swap3A_1424], %add3A_1423 {strides = array<i32>} : memref<1024xi32, #tpu.memory_space<vmem>>, vector<16xi32>,
    %get3A_1426 = arith.constant 896 : index
    %get3A_1427 = tpu.vector_load %arg5[%get3A_1426] {strides = array<i32>} : memref<1024xi32, #tpu.memory_space<vmem>>, vector<16xi32>,
    %get3A_1428 = arith.constant 896 : index
    %get3A_1429 = tpu.vector_load %arg6[%get3A_1428] {strides = array<i32>} : memref<1024xi32, #tpu.memory_space<vmem>>, vector<16xi32>,
    %add3A_1430 = arith.addi %get3A_1427, %get3A_1429 : vector<16xi32>
    %get3A_1431 = arith.constant 896 : index
    %get3A_1432 = tpu.vector_load %arg7[%get3A_1431] {strides = array<i32>} : memref<1024xi32, #tpu.memory_space<vmem>>, vector<16xi32>,
    %get3A_1433 = arith.constant 896 : index
    %get3A_1434 = tpu.vector_load %arg8[%get3A_1433] {strides = array<i32>} : memref<1024xi32, #tpu.memory_space<vmem>>, vector<16xi32>,
    %add3A_1435 = arith.addi %get3A_1432, %get3A_1434 : vector<16xi32>
    %add3A_1436 = arith.addi %add3A_1430, %add3A_1435 : vector<16xi32>
    %swap3A_1437 = arith.constant 896 : index
    %swap3A_1438 = tpu.vector_load %arg5[%swap3A_1437] {strides = array<i32>} : memref<1024xi32, #tpu.memory_space<vmem>>, vector<16xi32>,
    tpu.vector_store %arg5[%swap3A_1437], %add3A_1436 {strides = array<i32>} : memref<1024xi32, #tpu.memory_space<vmem>>, vector<16xi32>,
    %get3A_1439 = arith.constant 912 : index
    %get3A_1440 = tpu.vector_load %arg5[%get3A_1439] {strides = array<i32>} : memref<1024xi32, #tpu.memory_space<vmem>>, vector<16xi32>,
    %get3A_1441 = arith.constant 912 : index
    %get3A_1442 = tpu.vector_load %arg6[%get3A_1441] {strides = array<i32>} : memref<1024xi32, #tpu.memory_space<vmem>>, vector<16xi32>,
    %add3A_1443 = arith.addi %get3A_1440, %get3A_1442 : vector<16xi32>
    %get3A_1444 = arith.constant 912 : index
    %get3A_1445 = tpu.vector_load %arg7[%get3A_1444] {strides = array<i32>} : memref<1024xi32, #tpu.memory_space<vmem>>, vector<16xi32>,
    %get3A_1446 = arith.constant 912 : index
    %get3A_1447 = tpu.vector_load %arg8[%get3A_1446] {strides = array<i32>} : memref<1024xi32, #tpu.memory_space<vmem>>, vector<16xi32>,
    %add3A_1448 = arith.addi %get3A_1445, %get3A_1447 : vector<16xi32>
    %add3A_1449 = arith.addi %add3A_1443, %add3A_1448 : vector<16xi32>
    %swap3A_1450 = arith.constant 912 : index
    %swap3A_1451 = tpu.vector_load %arg5[%swap3A_1450] {strides = array<i32>} : memref<1024xi32, #tpu.memory_space<vmem>>, vector<16xi32>,
    tpu.vector_store %arg5[%swap3A_1450], %add3A_1449 {strides = array<i32>} : memref<1024xi32, #tpu.memory_space<vmem>>, vector<16xi32>,
    %get3A_1452 = arith.constant 928 : index
    %get3A_1453 = tpu.vector_load %arg5[%get3A_1452] {strides = array<i32>} : memref<1024xi32, #tpu.memory_space<vmem>>, vector<16xi32>,
    %get3A_1454 = arith.constant 928 : index
    %get3A_1455 = tpu.vector_load %arg6[%get3A_1454] {strides = array<i32>} : memref<1024xi32, #tpu.memory_space<vmem>>, vector<16xi32>,
    %add3A_1456 = arith.addi %get3A_1453, %get3A_1455 : vector<16xi32>
    %get3A_1457 = arith.constant 928 : index
    %get3A_1458 = tpu.vector_load %arg7[%get3A_1457] {strides = array<i32>} : memref<1024xi32, #tpu.memory_space<vmem>>, vector<16xi32>,
    %get3A_1459 = arith.constant 928 : index
    %get3A_1460 = tpu.vector_load %arg8[%get3A_1459] {strides = array<i32>} : memref<1024xi32, #tpu.memory_space<vmem>>, vector<16xi32>,
    %add3A_1461 = arith.addi %get3A_1458, %get3A_1460 : vector<16xi32>
    %add3A_1462 = arith.addi %add3A_1456, %add3A_1461 : vector<16xi32>
    %swap3A_1463 = arith.constant 928 : index
    %swap3A_1464 = tpu.vector_load %arg5[%swap3A_1463] {strides = array<i32>} : memref<1024xi32, #tpu.memory_space<vmem>>, vector<16xi32>,
    tpu.vector_store %arg5[%swap3A_1463], %add3A_1462 {strides = array<i32>} : memref<1024xi32, #tpu.memory_space<vmem>>, vector<16xi32>,
    %get3A_1465 = arith.constant 944 : index
    %get3A_1466 = tpu.vector_load %arg5[%get3A_1465] {strides = array<i32>} : memref<1024xi32, #tpu.memory_space<vmem>>, vector<16xi32>,
    %get3A_1467 = arith.constant 944 : index
    %get3A_1468 = tpu.vector_load %arg6[%get3A_1467] {strides = array<i32>} : memref<1024xi32, #tpu.memory_space<vmem>>, vector<16xi32>,
    %add3A_1469 = arith.addi %get3A_1466, %get3A_1468 : vector<16xi32>
    %get3A_1470 = arith.constant 944 : index
    %get3A_1471 = tpu.vector_load %arg7[%get3A_1470] {strides = array<i32>} : memref<1024xi32, #tpu.memory_space<vmem>>, vector<16xi32>,
    %get3A_1472 = arith.constant 944 : index
    %get3A_1473 = tpu.vector_load %arg8[%get3A_1472] {strides = array<i32>} : memref<1024xi32, #tpu.memory_space<vmem>>, vector<16xi32>,
    %add3A_1474 = arith.addi %get3A_1471, %get3A_1473 : vector<16xi32>
    %add3A_1475 = arith.addi %add3A_1469, %add3A_1474 : vector<16xi32>
    %swap3A_1476 = arith.constant 944 : index
    %swap3A_1477 = tpu.vector_load %arg5[%swap3A_1476] {strides = array<i32>} : memref<1024xi32, #tpu.memory_space<vmem>>, vector<16xi32>,
    tpu.vector_store %arg5[%swap3A_1476], %add3A_1475 {strides = array<i32>} : memref<1024xi32, #tpu.memory_space<vmem>>, vector<16xi32>,
    %get3A_1478 = arith.constant 960 : index
    %get3A_1479 = tpu.vector_load %arg5[%get3A_1478] {strides = array<i32>} : memref<1024xi32, #tpu.memory_space<vmem>>, vector<16xi32>,
    %get3A_1480 = arith.constant 960 : index
    %get3A_1481 = tpu.vector_load %arg6[%get3A_1480] {strides = array<i32>} : memref<1024xi32, #tpu.memory_space<vmem>>, vector<16xi32>,
    %add3A_1482 = arith.addi %get3A_1479, %get3A_1481 : vector<16xi32>
    %get3A_1483 = arith.constant 960 : index
    %get3A_1484 = tpu.vector_load %arg7[%get3A_1483] {strides = array<i32>} : memref<1024xi32, #tpu.memory_space<vmem>>, vector<16xi32>,
    %get3A_1485 = arith.constant 960 : index
    %get3A_1486 = tpu.vector_load %arg8[%get3A_1485] {strides = array<i32>} : memref<1024xi32, #tpu.memory_space<vmem>>, vector<16xi32>,
    %add3A_1487 = arith.addi %get3A_1484, %get3A_1486 : vector<16xi32>
    %add3A_1488 = arith.addi %add3A_1482, %add3A_1487 : vector<16xi32>
    %swap3A_1489 = arith.constant 960 : index
    %swap3A_1490 = tpu.vector_load %arg5[%swap3A_1489] {strides = array<i32>} : memref<1024xi32, #tpu.memory_space<vmem>>, vector<16xi32>,
    tpu.vector_store %arg5[%swap3A_1489], %add3A_1488 {strides = array<i32>} : memref<1024xi32, #tpu.memory_space<vmem>>, vector<16xi32>,
    %get3A_1491 = arith.constant 976 : index
    %get3A_1492 = tpu.vector_load %arg5[%get3A_1491] {strides = array<i32>} : memref<1024xi32, #tpu.memory_space<vmem>>, vector<16xi32>,
    %get3A_1493 = arith.constant 976 : index
    %get3A_1494 = tpu.vector_load %arg6[%get3A_1493] {strides = array<i32>} : memref<1024xi32, #tpu.memory_space<vmem>>, vector<16xi32>,
    %add3A_1495 = arith.addi %get3A_1492, %get3A_1494 : vector<16xi32>
    %get3A_1496 = arith.constant 976 : index
    %get3A_1497 = tpu.vector_load %arg7[%get3A_1496] {strides = array<i32>} : memref<1024xi32, #tpu.memory_space<vmem>>, vector<16xi32>,
    %get3A_1498 = arith.constant 976 : index
    %get3A_1499 = tpu.vector_load %arg8[%get3A_1498] {strides = array<i32>} : memref<1024xi32, #tpu.memory_space<vmem>>, vector<16xi32>,
    %add3A_1500 = arith.addi %get3A_1497, %get3A_1499 : vector<16xi32>
    %add3A_1501 = arith.addi %add3A_1495, %add3A_1500 : vector<16xi32>
    %swap3A_1502 = arith.constant 976 : index
    %swap3A_1503 = tpu.vector_load %arg5[%swap3A_1502] {strides = array<i32>} : memref<1024xi32, #tpu.memory_space<vmem>>, vector<16xi32>,
    tpu.vector_store %arg5[%swap3A_1502], %add3A_1501 {strides = array<i32>} : memref<1024xi32, #tpu.memory_space<vmem>>, vector<16xi32>,
    %get3A_1504 = arith.constant 992 : index
    %get3A_1505 = tpu.vector_load %arg5[%get3A_1504] {strides = array<i32>} : memref<1024xi32, #tpu.memory_space<vmem>>, vector<16xi32>,
    %get3A_1506 = arith.constant 992 : index
    %get3A_1507 = tpu.vector_load %arg6[%get3A_1506] {strides = array<i32>} : memref<1024xi32, #tpu.memory_space<vmem>>, vector<16xi32>,
    %add3A_1508 = arith.addi %get3A_1505, %get3A_1507 : vector<16xi32>
    %get3A_1509 = arith.constant 992 : index
    %get3A_1510 = tpu.vector_load %arg7[%get3A_1509] {strides = array<i32>} : memref<1024xi32, #tpu.memory_space<vmem>>, vector<16xi32>,
    %get3A_1511 = arith.constant 992 : index
    %get3A_1512 = tpu.vector_load %arg8[%get3A_1511] {strides = array<i32>} : memref<1024xi32, #tpu.memory_space<vmem>>, vector<16xi32>,
    %add3A_1513 = arith.addi %get3A_1510, %get3A_1512 : vector<16xi32>
    %add3A_1514 = arith.addi %add3A_1508, %add3A_1513 : vector<16xi32>
    %swap3A_1515 = arith.constant 992 : index
    %swap3A_1516 = tpu.vector_load %arg5[%swap3A_1515] {strides = array<i32>} : memref<1024xi32, #tpu.memory_space<vmem>>, vector<16xi32>,
    tpu.vector_store %arg5[%swap3A_1515], %add3A_1514 {strides = array<i32>} : memref<1024xi32, #tpu.memory_space<vmem>>, vector<16xi32>,
    %get3A_1517 = arith.constant 1008 : index
    %get3A_1518 = tpu.vector_load %arg5[%get3A_1517] {strides = array<i32>} : memref<1024xi32, #tpu.memory_space<vmem>>, vector<16xi32>,
    %get3A_1519 = arith.constant 1008 : index
    %get3A_1520 = tpu.vector_load %arg6[%get3A_1519] {strides = array<i32>} : memref<1024xi32, #tpu.memory_space<vmem>>, vector<16xi32>,
    %add3A_1521 = arith.addi %get3A_1518, %get3A_1520 : vector<16xi32>
    %get3A_1522 = arith.constant 1008 : index
    %get3A_1523 = tpu.vector_load %arg7[%get3A_1522] {strides = array<i32>} : memref<1024xi32, #tpu.memory_space<vmem>>, vector<16xi32>,
    %get3A_1524 = arith.constant 1008 : index
    %get3A_1525 = tpu.vector_load %arg8[%get3A_1524] {strides = array<i32>} : memref<1024xi32, #tpu.memory_space<vmem>>, vector<16xi32>,
    %add3A_1526 = arith.addi %get3A_1523, %get3A_1525 : vector<16xi32>
    %add3A_1527 = arith.addi %add3A_1521, %add3A_1526 : vector<16xi32>
    %swap3A_1528 = arith.constant 1008 : index
    %swap3A_1529 = tpu.vector_load %arg5[%swap3A_1528] {strides = array<i32>} : memref<1024xi32, #tpu.memory_space<vmem>>, vector<16xi32>,
    tpu.vector_store %arg5[%swap3A_1528], %add3A_1527 {strides = array<i32>} : memref<1024xi32, #tpu.memory_space<vmem>>, vector<16xi32>,
    "tpu.region"() ({
      %run_scoped3A = tpu.sem_alloc : memref<!tpu.dma_semaphore, #tpu.memory_space<semaphore_mem>>
      %dma_start3A_1530 = arith.constant 0 : i32
      %dma_start3A_1531 = tpu.memref_slice %arg3[%add3A, %dma_start3A_1530] : memref<32x1024xi32, #tpu.memory_space<hbm>> -> memref<1x1024xi32, #tpu.memory_space<hbm>>
      %dma_start3A_1532 = tpu.memref_squeeze %dma_start3A_1531 : memref<1x1024xi32, #tpu.memory_space<hbm>> -> memref<1024xi32, #tpu.memory_space<hbm>>
      %dma_start3A_1533 = arith.constant 0 : i32
      %dma_start3A_1534 = tpu.memref_slice %arg3[%add3A, %dma_start3A_1533] : memref<32x1024xi32, #tpu.memory_space<hbm>> -> memref<1x1024xi32, #tpu.memory_space<hbm>>
      %dma_start3A_1535 = tpu.memref_squeeze %dma_start3A_1534 : memref<1x1024xi32, #tpu.memory_space<hbm>> -> memref<1024xi32, #tpu.memory_space<hbm>>
      tpu.enqueue_dma source(%arg5 : memref<1024xi32, #tpu.memory_space<vmem>>) target(%dma_start3A_1535 : memref<1024xi32, #tpu.memory_space<hbm>>) target_semaphore(%run_scoped3A : memref<!tpu.dma_semaphore, #tpu.memory_space<semaphore_mem>>)
      %dma_wait3A_1536 = arith.constant 0 : i32
      %dma_wait3A_1537 = tpu.memref_slice %arg3[%add3A, %dma_wait3A_1536] : memref<32x1024xi32, #tpu.memory_space<hbm>> -> memref<1x1024xi32, #tpu.memory_space<hbm>>
      %dma_wait3A_1538 = tpu.memref_squeeze %dma_wait3A_1537 : memref<1x1024xi32, #tpu.memory_space<hbm>> -> memref<1024xi32, #tpu.memory_space<hbm>>
      %dma_wait3A_1539 = arith.constant 0 : i32
      %dma_wait3A_1540 = tpu.memref_slice %arg3[%add3A, %dma_wait3A_1539] : memref<32x1024xi32, #tpu.memory_space<hbm>> -> memref<1x1024xi32, #tpu.memory_space<hbm>>
      %dma_wait3A_1541 = tpu.memref_squeeze %dma_wait3A_1540 : memref<1x1024xi32, #tpu.memory_space<hbm>> -> memref<1024xi32, #tpu.memory_space<hbm>>
      tpu.wait_dma2 semaphore(%run_scoped3A : memref<!tpu.dma_semaphore, #tpu.memory_space<semaphore_mem>>) src(%arg5 : memref<1024xi32, #tpu.memory_space<vmem>>) dst(%dma_wait3A_1541 : memref<1024xi32, #tpu.memory_space<hbm>>)
      tpu.yield
    }) : () -> ()
    return
  }
}

#map = affine_map<(d0, d1) -> (0)>
module attributes {stable_mosaic.version = 14 : i64} {
  func.func @k(%arg0: i32, %arg1: i32, %arg2: memref<2000000xi32, #tpu.memory_space<hbm>>, %arg3: memref<16384xi32, #tpu.memory_space<hbm>>, %arg4: memref<2000000xi32, #tpu.memory_space<hbm>>, %arg5: memref<62624xi32, #tpu.memory_space<vmem>>, %arg6: memref<16384xi32, #tpu.memory_space<vmem>>, %arg7: memref<!tpu.dma_semaphore, #tpu.memory_space<semaphore_mem>>, %arg8: memref<!tpu.dma_semaphore, #tpu.memory_space<semaphore_mem>>, %arg9: memref<!tpu.dma_semaphore, #tpu.memory_space<semaphore_mem>>, %arg10: memref<!tpu.dma_semaphore, #tpu.memory_space<semaphore_mem>>, %arg11: memref<!tpu.dma_semaphore, #tpu.memory_space<semaphore_mem>>, %arg12: memref<!tpu.dma_semaphore, #tpu.memory_space<semaphore_mem>>, %arg13: memref<!tpu.dma_semaphore, #tpu.memory_space<semaphore_mem>>, %arg14: memref<!tpu.dma_semaphore, #tpu.memory_space<semaphore_mem>>, %arg15: memref<!tpu.dma_semaphore, #tpu.memory_space<semaphore_mem>>) attributes {dimension_semantics = [#tpu.dimension_semantics<core_parallel>, #tpu.dimension_semantics<subcore_parallel>], iteration_bounds = array<i64: 2, 16>, scalar_prefetch = 0 : i64, scratch_operands = 11 : i64, tpu.core_type = #tpu.core_type<sc_vector_subcore>, window_params = [{transform_indices = #map}, {transform_indices = #map}, {transform_indices = #map}]} {
    %mul3A = arith.constant 2 : i32
    %mul3A_0 = arith.muli %arg1, %mul3A : i32
    %add3A = arith.addi %mul3A_0, %arg0 : i32
    %mul3A_1 = arith.constant 62496 : i32
    %mul3A_2 = arith.muli %add3A, %mul3A_1 : i32
    %add3A_3 = arith.constant 0 : i32
    %add3A_4 = arith.addi %mul3A_2, %add3A_3 : i32
    %dma_start3A = arith.constant 0 : i32
    %dma_start3A_5 = tpu.memref_slice %arg5[%dma_start3A] : memref<62624xi32, #tpu.memory_space<vmem>> -> memref<16384xi32, #tpu.memory_space<vmem>>
    %dma_start3A_6 = tpu.memref_slice %arg2[%add3A_4] : memref<2000000xi32, #tpu.memory_space<hbm>> -> memref<16384xi32, #tpu.memory_space<hbm>>
    %dma_start3A_7 = arith.constant 0 : i32
    %dma_start3A_8 = tpu.memref_slice %arg5[%dma_start3A_7] : memref<62624xi32, #tpu.memory_space<vmem>> -> memref<16384xi32, #tpu.memory_space<vmem>>
    %dma_start3A_9 = tpu.memref_slice %arg2[%add3A_4] : memref<2000000xi32, #tpu.memory_space<hbm>> -> memref<16384xi32, #tpu.memory_space<hbm>>
    tpu.enqueue_dma source(%dma_start3A_9 : memref<16384xi32, #tpu.memory_space<hbm>>) target(%dma_start3A_8 : memref<16384xi32, #tpu.memory_space<vmem>>) target_semaphore(%arg7 : memref<!tpu.dma_semaphore, #tpu.memory_space<semaphore_mem>>)
    %add3A_10 = arith.constant 16384 : i32
    %add3A_11 = arith.addi %mul3A_2, %add3A_10 : i32
    %dma_start3A_12 = arith.constant 16384 : i32
    %dma_start3A_13 = tpu.memref_slice %arg5[%dma_start3A_12] : memref<62624xi32, #tpu.memory_space<vmem>> -> memref<16384xi32, #tpu.memory_space<vmem>>
    %dma_start3A_14 = tpu.memref_slice %arg2[%add3A_11] : memref<2000000xi32, #tpu.memory_space<hbm>> -> memref<16384xi32, #tpu.memory_space<hbm>>
    %dma_start3A_15 = arith.constant 16384 : i32
    %dma_start3A_16 = tpu.memref_slice %arg5[%dma_start3A_15] : memref<62624xi32, #tpu.memory_space<vmem>> -> memref<16384xi32, #tpu.memory_space<vmem>>
    %dma_start3A_17 = tpu.memref_slice %arg2[%add3A_11] : memref<2000000xi32, #tpu.memory_space<hbm>> -> memref<16384xi32, #tpu.memory_space<hbm>>
    tpu.enqueue_dma source(%dma_start3A_17 : memref<16384xi32, #tpu.memory_space<hbm>>) target(%dma_start3A_16 : memref<16384xi32, #tpu.memory_space<vmem>>) target_semaphore(%arg8 : memref<!tpu.dma_semaphore, #tpu.memory_space<semaphore_mem>>)
    %add3A_18 = arith.constant 32768 : i32
    %add3A_19 = arith.addi %mul3A_2, %add3A_18 : i32
    %dma_start3A_20 = arith.constant 32768 : i32
    %dma_start3A_21 = tpu.memref_slice %arg5[%dma_start3A_20] : memref<62624xi32, #tpu.memory_space<vmem>> -> memref<16384xi32, #tpu.memory_space<vmem>>
    %dma_start3A_22 = tpu.memref_slice %arg2[%add3A_19] : memref<2000000xi32, #tpu.memory_space<hbm>> -> memref<16384xi32, #tpu.memory_space<hbm>>
    %dma_start3A_23 = arith.constant 32768 : i32
    %dma_start3A_24 = tpu.memref_slice %arg5[%dma_start3A_23] : memref<62624xi32, #tpu.memory_space<vmem>> -> memref<16384xi32, #tpu.memory_space<vmem>>
    %dma_start3A_25 = tpu.memref_slice %arg2[%add3A_19] : memref<2000000xi32, #tpu.memory_space<hbm>> -> memref<16384xi32, #tpu.memory_space<hbm>>
    tpu.enqueue_dma source(%dma_start3A_25 : memref<16384xi32, #tpu.memory_space<hbm>>) target(%dma_start3A_24 : memref<16384xi32, #tpu.memory_space<vmem>>) target_semaphore(%arg9 : memref<!tpu.dma_semaphore, #tpu.memory_space<semaphore_mem>>)
    %add3A_26 = arith.constant 49152 : i32
    %add3A_27 = arith.addi %mul3A_2, %add3A_26 : i32
    %dma_start3A_28 = arith.constant 49152 : i32
    %dma_start3A_29 = tpu.memref_slice %arg5[%dma_start3A_28] : memref<62624xi32, #tpu.memory_space<vmem>> -> memref<13472xi32, #tpu.memory_space<vmem>>
    %dma_start3A_30 = tpu.memref_slice %arg2[%add3A_27] : memref<2000000xi32, #tpu.memory_space<hbm>> -> memref<13472xi32, #tpu.memory_space<hbm>>
    %dma_start3A_31 = arith.constant 49152 : i32
    %dma_start3A_32 = tpu.memref_slice %arg5[%dma_start3A_31] : memref<62624xi32, #tpu.memory_space<vmem>> -> memref<13472xi32, #tpu.memory_space<vmem>>
    %dma_start3A_33 = tpu.memref_slice %arg2[%add3A_27] : memref<2000000xi32, #tpu.memory_space<hbm>> -> memref<13472xi32, #tpu.memory_space<hbm>>
    tpu.enqueue_dma source(%dma_start3A_33 : memref<13472xi32, #tpu.memory_space<hbm>>) target(%dma_start3A_32 : memref<13472xi32, #tpu.memory_space<vmem>>) target_semaphore(%arg10 : memref<!tpu.dma_semaphore, #tpu.memory_space<semaphore_mem>>)
    "tpu.region"() ({
      %run_scoped3A = tpu.sem_alloc : memref<!tpu.dma_semaphore, #tpu.memory_space<semaphore_mem>>
      tpu.enqueue_dma source(%arg3 : memref<16384xi32, #tpu.memory_space<hbm>>) target(%arg6 : memref<16384xi32, #tpu.memory_space<vmem>>) target_semaphore(%run_scoped3A : memref<!tpu.dma_semaphore, #tpu.memory_space<semaphore_mem>>)
      tpu.wait_dma2 semaphore(%run_scoped3A : memref<!tpu.dma_semaphore, #tpu.memory_space<semaphore_mem>>) src(%arg3 : memref<16384xi32, #tpu.memory_space<hbm>>) dst(%arg6 : memref<16384xi32, #tpu.memory_space<vmem>>)
      tpu.yield
    }) : () -> ()
    %iota3A = tpu.iota {dimensions = array<i32: 0>} : vector<16xi32>
    %sub3A = arith.constant 16 : i32
    %sub3A_34 = vector.broadcast %sub3A : i32 to vector<16xi32>
    %sub3A_35 = arith.subi %iota3A, %sub3A_34 : vector<16xi32>
    %add3A_36 = arith.constant 0 : i32
    %add3A_37 = arith.addi %mul3A_2, %add3A_36 : i32
    %dma_wait3A = arith.constant 0 : i32
    %dma_wait3A_38 = tpu.memref_slice %arg5[%dma_wait3A] : memref<62624xi32, #tpu.memory_space<vmem>> -> memref<16384xi32, #tpu.memory_space<vmem>>
    %dma_wait3A_39 = tpu.memref_slice %arg2[%add3A_37] : memref<2000000xi32, #tpu.memory_space<hbm>> -> memref<16384xi32, #tpu.memory_space<hbm>>
    %dma_wait3A_40 = arith.constant 0 : i32
    %dma_wait3A_41 = tpu.memref_slice %arg5[%dma_wait3A_40] : memref<62624xi32, #tpu.memory_space<vmem>> -> memref<16384xi32, #tpu.memory_space<vmem>>
    %dma_wait3A_42 = tpu.memref_slice %arg2[%add3A_37] : memref<2000000xi32, #tpu.memory_space<hbm>> -> memref<16384xi32, #tpu.memory_space<hbm>>
    tpu.wait_dma2 semaphore(%arg7 : memref<!tpu.dma_semaphore, #tpu.memory_space<semaphore_mem>>) src(%dma_wait3A_42 : memref<16384xi32, #tpu.memory_space<hbm>>) dst(%dma_wait3A_41 : memref<16384xi32, #tpu.memory_space<vmem>>)
    %scan3A = arith.constant 0 : i32
    %scan3A_43 = arith.constant 0 : i32
    %scan3A_44 = arith.constant 1024 : i32
    %scan3A_45 = arith.addi %scan3A_43, %scan3A_44 : i32
    %scan3A_46 = arith.constant 8 : i32
    scf.for %scan3A_190 = %scan3A_43 to %scan3A_45 step %scan3A_46  : i32 {
      %mul3A_191 = arith.constant 16 : i32
      %mul3A_192 = arith.muli %scan3A_190, %mul3A_191 : i32
      %add3A_193 = arith.constant 0 : i32
      %add3A_194 = arith.addi %add3A_193, %mul3A_192 : i32
      %get3A_195 = arith.index_cast %add3A_194 : i32 to index
      %get3A_196 = tpu.vector_load %arg5[%get3A_195] {strides = array<i32>} : memref<62624xi32, #tpu.memory_space<vmem>>, vector<16xi32>,
      %shift_left3A_197 = arith.constant 4 : i32
      %shift_left3A_198 = vector.broadcast %shift_left3A_197 : i32 to vector<16xi32>
      %shift_left3A_199 = arith.shli %get3A_196, %shift_left3A_198 : vector<16xi32>
      %add3A_200 = arith.addi %shift_left3A_199, %sub3A_35 : vector<16xi32>
      %gather3A_201 = tpu.vector_load_idx %arg6[%add3A_200] : memref<16384xi32, #tpu.memory_space<vmem>>[vector<16xi32>], vector<16xi32>,
      %mul3A_202 = arith.constant 16 : i32
      %mul3A_203 = arith.muli %scan3A_190, %mul3A_202 : i32
      %add3A_204 = arith.constant 0 : i32
      %add3A_205 = arith.addi %add3A_204, %mul3A_203 : i32
      %swap3A_206 = arith.index_cast %add3A_205 : i32 to index
      %swap3A_207 = tpu.vector_load %arg5[%swap3A_206] {strides = array<i32>} : memref<62624xi32, #tpu.memory_space<vmem>>, vector<16xi32>,
      tpu.vector_store %arg5[%swap3A_206], %gather3A_201 {strides = array<i32>} : memref<62624xi32, #tpu.memory_space<vmem>>, vector<16xi32>,
      %scan3A_208 = arith.constant 1 : i32
      %scan3A_209 = arith.addi %scan3A_190, %scan3A_208 : i32
      %mul3A_210 = arith.constant 16 : i32
      %mul3A_211 = arith.muli %scan3A_209, %mul3A_210 : i32
      %add3A_212 = arith.constant 0 : i32
      %add3A_213 = arith.addi %add3A_212, %mul3A_211 : i32
      %get3A_214 = arith.index_cast %add3A_213 : i32 to index
      %get3A_215 = tpu.vector_load %arg5[%get3A_214] {strides = array<i32>} : memref<62624xi32, #tpu.memory_space<vmem>>, vector<16xi32>,
      %shift_left3A_216 = arith.constant 4 : i32
      %shift_left3A_217 = vector.broadcast %shift_left3A_216 : i32 to vector<16xi32>
      %shift_left3A_218 = arith.shli %get3A_215, %shift_left3A_217 : vector<16xi32>
      %add3A_219 = arith.addi %shift_left3A_218, %sub3A_35 : vector<16xi32>
      %gather3A_220 = tpu.vector_load_idx %arg6[%add3A_219] : memref<16384xi32, #tpu.memory_space<vmem>>[vector<16xi32>], vector<16xi32>,
      %mul3A_221 = arith.constant 16 : i32
      %mul3A_222 = arith.muli %scan3A_209, %mul3A_221 : i32
      %add3A_223 = arith.constant 0 : i32
      %add3A_224 = arith.addi %add3A_223, %mul3A_222 : i32
      %swap3A_225 = arith.index_cast %add3A_224 : i32 to index
      %swap3A_226 = tpu.vector_load %arg5[%swap3A_225] {strides = array<i32>} : memref<62624xi32, #tpu.memory_space<vmem>>, vector<16xi32>,
      tpu.vector_store %arg5[%swap3A_225], %gather3A_220 {strides = array<i32>} : memref<62624xi32, #tpu.memory_space<vmem>>, vector<16xi32>,
      %scan3A_227 = arith.constant 2 : i32
      %scan3A_228 = arith.addi %scan3A_190, %scan3A_227 : i32
      %mul3A_229 = arith.constant 16 : i32
      %mul3A_230 = arith.muli %scan3A_228, %mul3A_229 : i32
      %add3A_231 = arith.constant 0 : i32
      %add3A_232 = arith.addi %add3A_231, %mul3A_230 : i32
      %get3A_233 = arith.index_cast %add3A_232 : i32 to index
      %get3A_234 = tpu.vector_load %arg5[%get3A_233] {strides = array<i32>} : memref<62624xi32, #tpu.memory_space<vmem>>, vector<16xi32>,
      %shift_left3A_235 = arith.constant 4 : i32
      %shift_left3A_236 = vector.broadcast %shift_left3A_235 : i32 to vector<16xi32>
      %shift_left3A_237 = arith.shli %get3A_234, %shift_left3A_236 : vector<16xi32>
      %add3A_238 = arith.addi %shift_left3A_237, %sub3A_35 : vector<16xi32>
      %gather3A_239 = tpu.vector_load_idx %arg6[%add3A_238] : memref<16384xi32, #tpu.memory_space<vmem>>[vector<16xi32>], vector<16xi32>,
      %mul3A_240 = arith.constant 16 : i32
      %mul3A_241 = arith.muli %scan3A_228, %mul3A_240 : i32
      %add3A_242 = arith.constant 0 : i32
      %add3A_243 = arith.addi %add3A_242, %mul3A_241 : i32
      %swap3A_244 = arith.index_cast %add3A_243 : i32 to index
      %swap3A_245 = tpu.vector_load %arg5[%swap3A_244] {strides = array<i32>} : memref<62624xi32, #tpu.memory_space<vmem>>, vector<16xi32>,
      tpu.vector_store %arg5[%swap3A_244], %gather3A_239 {strides = array<i32>} : memref<62624xi32, #tpu.memory_space<vmem>>, vector<16xi32>,
      %scan3A_246 = arith.constant 3 : i32
      %scan3A_247 = arith.addi %scan3A_190, %scan3A_246 : i32
      %mul3A_248 = arith.constant 16 : i32
      %mul3A_249 = arith.muli %scan3A_247, %mul3A_248 : i32
      %add3A_250 = arith.constant 0 : i32
      %add3A_251 = arith.addi %add3A_250, %mul3A_249 : i32
      %get3A_252 = arith.index_cast %add3A_251 : i32 to index
      %get3A_253 = tpu.vector_load %arg5[%get3A_252] {strides = array<i32>} : memref<62624xi32, #tpu.memory_space<vmem>>, vector<16xi32>,
      %shift_left3A_254 = arith.constant 4 : i32
      %shift_left3A_255 = vector.broadcast %shift_left3A_254 : i32 to vector<16xi32>
      %shift_left3A_256 = arith.shli %get3A_253, %shift_left3A_255 : vector<16xi32>
      %add3A_257 = arith.addi %shift_left3A_256, %sub3A_35 : vector<16xi32>
      %gather3A_258 = tpu.vector_load_idx %arg6[%add3A_257] : memref<16384xi32, #tpu.memory_space<vmem>>[vector<16xi32>], vector<16xi32>,
      %mul3A_259 = arith.constant 16 : i32
      %mul3A_260 = arith.muli %scan3A_247, %mul3A_259 : i32
      %add3A_261 = arith.constant 0 : i32
      %add3A_262 = arith.addi %add3A_261, %mul3A_260 : i32
      %swap3A_263 = arith.index_cast %add3A_262 : i32 to index
      %swap3A_264 = tpu.vector_load %arg5[%swap3A_263] {strides = array<i32>} : memref<62624xi32, #tpu.memory_space<vmem>>, vector<16xi32>,
      tpu.vector_store %arg5[%swap3A_263], %gather3A_258 {strides = array<i32>} : memref<62624xi32, #tpu.memory_space<vmem>>, vector<16xi32>,
      %scan3A_265 = arith.constant 4 : i32
      %scan3A_266 = arith.addi %scan3A_190, %scan3A_265 : i32
      %mul3A_267 = arith.constant 16 : i32
      %mul3A_268 = arith.muli %scan3A_266, %mul3A_267 : i32
      %add3A_269 = arith.constant 0 : i32
      %add3A_270 = arith.addi %add3A_269, %mul3A_268 : i32
      %get3A_271 = arith.index_cast %add3A_270 : i32 to index
      %get3A_272 = tpu.vector_load %arg5[%get3A_271] {strides = array<i32>} : memref<62624xi32, #tpu.memory_space<vmem>>, vector<16xi32>,
      %shift_left3A_273 = arith.constant 4 : i32
      %shift_left3A_274 = vector.broadcast %shift_left3A_273 : i32 to vector<16xi32>
      %shift_left3A_275 = arith.shli %get3A_272, %shift_left3A_274 : vector<16xi32>
      %add3A_276 = arith.addi %shift_left3A_275, %sub3A_35 : vector<16xi32>
      %gather3A_277 = tpu.vector_load_idx %arg6[%add3A_276] : memref<16384xi32, #tpu.memory_space<vmem>>[vector<16xi32>], vector<16xi32>,
      %mul3A_278 = arith.constant 16 : i32
      %mul3A_279 = arith.muli %scan3A_266, %mul3A_278 : i32
      %add3A_280 = arith.constant 0 : i32
      %add3A_281 = arith.addi %add3A_280, %mul3A_279 : i32
      %swap3A_282 = arith.index_cast %add3A_281 : i32 to index
      %swap3A_283 = tpu.vector_load %arg5[%swap3A_282] {strides = array<i32>} : memref<62624xi32, #tpu.memory_space<vmem>>, vector<16xi32>,
      tpu.vector_store %arg5[%swap3A_282], %gather3A_277 {strides = array<i32>} : memref<62624xi32, #tpu.memory_space<vmem>>, vector<16xi32>,
      %scan3A_284 = arith.constant 5 : i32
      %scan3A_285 = arith.addi %scan3A_190, %scan3A_284 : i32
      %mul3A_286 = arith.constant 16 : i32
      %mul3A_287 = arith.muli %scan3A_285, %mul3A_286 : i32
      %add3A_288 = arith.constant 0 : i32
      %add3A_289 = arith.addi %add3A_288, %mul3A_287 : i32
      %get3A_290 = arith.index_cast %add3A_289 : i32 to index
      %get3A_291 = tpu.vector_load %arg5[%get3A_290] {strides = array<i32>} : memref<62624xi32, #tpu.memory_space<vmem>>, vector<16xi32>,
      %shift_left3A_292 = arith.constant 4 : i32
      %shift_left3A_293 = vector.broadcast %shift_left3A_292 : i32 to vector<16xi32>
      %shift_left3A_294 = arith.shli %get3A_291, %shift_left3A_293 : vector<16xi32>
      %add3A_295 = arith.addi %shift_left3A_294, %sub3A_35 : vector<16xi32>
      %gather3A_296 = tpu.vector_load_idx %arg6[%add3A_295] : memref<16384xi32, #tpu.memory_space<vmem>>[vector<16xi32>], vector<16xi32>,
      %mul3A_297 = arith.constant 16 : i32
      %mul3A_298 = arith.muli %scan3A_285, %mul3A_297 : i32
      %add3A_299 = arith.constant 0 : i32
      %add3A_300 = arith.addi %add3A_299, %mul3A_298 : i32
      %swap3A_301 = arith.index_cast %add3A_300 : i32 to index
      %swap3A_302 = tpu.vector_load %arg5[%swap3A_301] {strides = array<i32>} : memref<62624xi32, #tpu.memory_space<vmem>>, vector<16xi32>,
      tpu.vector_store %arg5[%swap3A_301], %gather3A_296 {strides = array<i32>} : memref<62624xi32, #tpu.memory_space<vmem>>, vector<16xi32>,
      %scan3A_303 = arith.constant 6 : i32
      %scan3A_304 = arith.addi %scan3A_190, %scan3A_303 : i32
      %mul3A_305 = arith.constant 16 : i32
      %mul3A_306 = arith.muli %scan3A_304, %mul3A_305 : i32
      %add3A_307 = arith.constant 0 : i32
      %add3A_308 = arith.addi %add3A_307, %mul3A_306 : i32
      %get3A_309 = arith.index_cast %add3A_308 : i32 to index
      %get3A_310 = tpu.vector_load %arg5[%get3A_309] {strides = array<i32>} : memref<62624xi32, #tpu.memory_space<vmem>>, vector<16xi32>,
      %shift_left3A_311 = arith.constant 4 : i32
      %shift_left3A_312 = vector.broadcast %shift_left3A_311 : i32 to vector<16xi32>
      %shift_left3A_313 = arith.shli %get3A_310, %shift_left3A_312 : vector<16xi32>
      %add3A_314 = arith.addi %shift_left3A_313, %sub3A_35 : vector<16xi32>
      %gather3A_315 = tpu.vector_load_idx %arg6[%add3A_314] : memref<16384xi32, #tpu.memory_space<vmem>>[vector<16xi32>], vector<16xi32>,
      %mul3A_316 = arith.constant 16 : i32
      %mul3A_317 = arith.muli %scan3A_304, %mul3A_316 : i32
      %add3A_318 = arith.constant 0 : i32
      %add3A_319 = arith.addi %add3A_318, %mul3A_317 : i32
      %swap3A_320 = arith.index_cast %add3A_319 : i32 to index
      %swap3A_321 = tpu.vector_load %arg5[%swap3A_320] {strides = array<i32>} : memref<62624xi32, #tpu.memory_space<vmem>>, vector<16xi32>,
      tpu.vector_store %arg5[%swap3A_320], %gather3A_315 {strides = array<i32>} : memref<62624xi32, #tpu.memory_space<vmem>>, vector<16xi32>,
      %scan3A_322 = arith.constant 7 : i32
      %scan3A_323 = arith.addi %scan3A_190, %scan3A_322 : i32
      %mul3A_324 = arith.constant 16 : i32
      %mul3A_325 = arith.muli %scan3A_323, %mul3A_324 : i32
      %add3A_326 = arith.constant 0 : i32
      %add3A_327 = arith.addi %add3A_326, %mul3A_325 : i32
      %get3A_328 = arith.index_cast %add3A_327 : i32 to index
      %get3A_329 = tpu.vector_load %arg5[%get3A_328] {strides = array<i32>} : memref<62624xi32, #tpu.memory_space<vmem>>, vector<16xi32>,
      %shift_left3A_330 = arith.constant 4 : i32
      %shift_left3A_331 = vector.broadcast %shift_left3A_330 : i32 to vector<16xi32>
      %shift_left3A_332 = arith.shli %get3A_329, %shift_left3A_331 : vector<16xi32>
      %add3A_333 = arith.addi %shift_left3A_332, %sub3A_35 : vector<16xi32>
      %gather3A_334 = tpu.vector_load_idx %arg6[%add3A_333] : memref<16384xi32, #tpu.memory_space<vmem>>[vector<16xi32>], vector<16xi32>,
      %mul3A_335 = arith.constant 16 : i32
      %mul3A_336 = arith.muli %scan3A_323, %mul3A_335 : i32
      %add3A_337 = arith.constant 0 : i32
      %add3A_338 = arith.addi %add3A_337, %mul3A_336 : i32
      %swap3A_339 = arith.index_cast %add3A_338 : i32 to index
      %swap3A_340 = tpu.vector_load %arg5[%swap3A_339] {strides = array<i32>} : memref<62624xi32, #tpu.memory_space<vmem>>, vector<16xi32>,
      tpu.vector_store %arg5[%swap3A_339], %gather3A_334 {strides = array<i32>} : memref<62624xi32, #tpu.memory_space<vmem>>, vector<16xi32>,
    }
    %scan3A_47 = arith.constant 1024 : i32
    %add3A_48 = arith.constant 0 : i32
    %add3A_49 = arith.addi %mul3A_2, %add3A_48 : i32
    %dma_start3A_50 = arith.constant 0 : i32
    %dma_start3A_51 = tpu.memref_slice %arg5[%dma_start3A_50] : memref<62624xi32, #tpu.memory_space<vmem>> -> memref<16384xi32, #tpu.memory_space<vmem>>
    %dma_start3A_52 = tpu.memref_slice %arg4[%add3A_49] : memref<2000000xi32, #tpu.memory_space<hbm>> -> memref<16384xi32, #tpu.memory_space<hbm>>
    %dma_start3A_53 = tpu.memref_slice %arg4[%add3A_49] : memref<2000000xi32, #tpu.memory_space<hbm>> -> memref<16384xi32, #tpu.memory_space<hbm>>
    %dma_start3A_54 = arith.constant 0 : i32
    %dma_start3A_55 = tpu.memref_slice %arg5[%dma_start3A_54] : memref<62624xi32, #tpu.memory_space<vmem>> -> memref<16384xi32, #tpu.memory_space<vmem>>
    tpu.enqueue_dma source(%dma_start3A_55 : memref<16384xi32, #tpu.memory_space<vmem>>) target(%dma_start3A_53 : memref<16384xi32, #tpu.memory_space<hbm>>) target_semaphore(%arg11 : memref<!tpu.dma_semaphore, #tpu.memory_space<semaphore_mem>>)
    %add3A_56 = arith.constant 16384 : i32
    %add3A_57 = arith.addi %mul3A_2, %add3A_56 : i32
    %dma_wait3A_58 = arith.constant 16384 : i32
    %dma_wait3A_59 = tpu.memref_slice %arg5[%dma_wait3A_58] : memref<62624xi32, #tpu.memory_space<vmem>> -> memref<16384xi32, #tpu.memory_space<vmem>>
    %dma_wait3A_60 = tpu.memref_slice %arg2[%add3A_57] : memref<2000000xi32, #tpu.memory_space<hbm>> -> memref<16384xi32, #tpu.memory_space<hbm>>
    %dma_wait3A_61 = arith.constant 16384 : i32
    %dma_wait3A_62 = tpu.memref_slice %arg5[%dma_wait3A_61] : memref<62624xi32, #tpu.memory_space<vmem>> -> memref<16384xi32, #tpu.memory_space<vmem>>
    %dma_wait3A_63 = tpu.memref_slice %arg2[%add3A_57] : memref<2000000xi32, #tpu.memory_space<hbm>> -> memref<16384xi32, #tpu.memory_space<hbm>>
    tpu.wait_dma2 semaphore(%arg8 : memref<!tpu.dma_semaphore, #tpu.memory_space<semaphore_mem>>) src(%dma_wait3A_63 : memref<16384xi32, #tpu.memory_space<hbm>>) dst(%dma_wait3A_62 : memref<16384xi32, #tpu.memory_space<vmem>>)
    %scan3A_64 = arith.constant 0 : i32
    %scan3A_65 = arith.constant 0 : i32
    %scan3A_66 = arith.constant 1024 : i32
    %scan3A_67 = arith.addi %scan3A_65, %scan3A_66 : i32
    %scan3A_68 = arith.constant 8 : i32
    scf.for %scan3A_190 = %scan3A_65 to %scan3A_67 step %scan3A_68  : i32 {
      %mul3A_191 = arith.constant 16 : i32
      %mul3A_192 = arith.muli %scan3A_190, %mul3A_191 : i32
      %add3A_193 = arith.constant 16384 : i32
      %add3A_194 = arith.addi %add3A_193, %mul3A_192 : i32
      %get3A_195 = arith.index_cast %add3A_194 : i32 to index
      %get3A_196 = tpu.vector_load %arg5[%get3A_195] {strides = array<i32>} : memref<62624xi32, #tpu.memory_space<vmem>>, vector<16xi32>,
      %shift_left3A_197 = arith.constant 4 : i32
      %shift_left3A_198 = vector.broadcast %shift_left3A_197 : i32 to vector<16xi32>
      %shift_left3A_199 = arith.shli %get3A_196, %shift_left3A_198 : vector<16xi32>
      %add3A_200 = arith.addi %shift_left3A_199, %sub3A_35 : vector<16xi32>
      %gather3A_201 = tpu.vector_load_idx %arg6[%add3A_200] : memref<16384xi32, #tpu.memory_space<vmem>>[vector<16xi32>], vector<16xi32>,
      %mul3A_202 = arith.constant 16 : i32
      %mul3A_203 = arith.muli %scan3A_190, %mul3A_202 : i32
      %add3A_204 = arith.constant 16384 : i32
      %add3A_205 = arith.addi %add3A_204, %mul3A_203 : i32
      %swap3A_206 = arith.index_cast %add3A_205 : i32 to index
      %swap3A_207 = tpu.vector_load %arg5[%swap3A_206] {strides = array<i32>} : memref<62624xi32, #tpu.memory_space<vmem>>, vector<16xi32>,
      tpu.vector_store %arg5[%swap3A_206], %gather3A_201 {strides = array<i32>} : memref<62624xi32, #tpu.memory_space<vmem>>, vector<16xi32>,
      %scan3A_208 = arith.constant 1 : i32
      %scan3A_209 = arith.addi %scan3A_190, %scan3A_208 : i32
      %mul3A_210 = arith.constant 16 : i32
      %mul3A_211 = arith.muli %scan3A_209, %mul3A_210 : i32
      %add3A_212 = arith.constant 16384 : i32
      %add3A_213 = arith.addi %add3A_212, %mul3A_211 : i32
      %get3A_214 = arith.index_cast %add3A_213 : i32 to index
      %get3A_215 = tpu.vector_load %arg5[%get3A_214] {strides = array<i32>} : memref<62624xi32, #tpu.memory_space<vmem>>, vector<16xi32>,
      %shift_left3A_216 = arith.constant 4 : i32
      %shift_left3A_217 = vector.broadcast %shift_left3A_216 : i32 to vector<16xi32>
      %shift_left3A_218 = arith.shli %get3A_215, %shift_left3A_217 : vector<16xi32>
      %add3A_219 = arith.addi %shift_left3A_218, %sub3A_35 : vector<16xi32>
      %gather3A_220 = tpu.vector_load_idx %arg6[%add3A_219] : memref<16384xi32, #tpu.memory_space<vmem>>[vector<16xi32>], vector<16xi32>,
      %mul3A_221 = arith.constant 16 : i32
      %mul3A_222 = arith.muli %scan3A_209, %mul3A_221 : i32
      %add3A_223 = arith.constant 16384 : i32
      %add3A_224 = arith.addi %add3A_223, %mul3A_222 : i32
      %swap3A_225 = arith.index_cast %add3A_224 : i32 to index
      %swap3A_226 = tpu.vector_load %arg5[%swap3A_225] {strides = array<i32>} : memref<62624xi32, #tpu.memory_space<vmem>>, vector<16xi32>,
      tpu.vector_store %arg5[%swap3A_225], %gather3A_220 {strides = array<i32>} : memref<62624xi32, #tpu.memory_space<vmem>>, vector<16xi32>,
      %scan3A_227 = arith.constant 2 : i32
      %scan3A_228 = arith.addi %scan3A_190, %scan3A_227 : i32
      %mul3A_229 = arith.constant 16 : i32
      %mul3A_230 = arith.muli %scan3A_228, %mul3A_229 : i32
      %add3A_231 = arith.constant 16384 : i32
      %add3A_232 = arith.addi %add3A_231, %mul3A_230 : i32
      %get3A_233 = arith.index_cast %add3A_232 : i32 to index
      %get3A_234 = tpu.vector_load %arg5[%get3A_233] {strides = array<i32>} : memref<62624xi32, #tpu.memory_space<vmem>>, vector<16xi32>,
      %shift_left3A_235 = arith.constant 4 : i32
      %shift_left3A_236 = vector.broadcast %shift_left3A_235 : i32 to vector<16xi32>
      %shift_left3A_237 = arith.shli %get3A_234, %shift_left3A_236 : vector<16xi32>
      %add3A_238 = arith.addi %shift_left3A_237, %sub3A_35 : vector<16xi32>
      %gather3A_239 = tpu.vector_load_idx %arg6[%add3A_238] : memref<16384xi32, #tpu.memory_space<vmem>>[vector<16xi32>], vector<16xi32>,
      %mul3A_240 = arith.constant 16 : i32
      %mul3A_241 = arith.muli %scan3A_228, %mul3A_240 : i32
      %add3A_242 = arith.constant 16384 : i32
      %add3A_243 = arith.addi %add3A_242, %mul3A_241 : i32
      %swap3A_244 = arith.index_cast %add3A_243 : i32 to index
      %swap3A_245 = tpu.vector_load %arg5[%swap3A_244] {strides = array<i32>} : memref<62624xi32, #tpu.memory_space<vmem>>, vector<16xi32>,
      tpu.vector_store %arg5[%swap3A_244], %gather3A_239 {strides = array<i32>} : memref<62624xi32, #tpu.memory_space<vmem>>, vector<16xi32>,
      %scan3A_246 = arith.constant 3 : i32
      %scan3A_247 = arith.addi %scan3A_190, %scan3A_246 : i32
      %mul3A_248 = arith.constant 16 : i32
      %mul3A_249 = arith.muli %scan3A_247, %mul3A_248 : i32
      %add3A_250 = arith.constant 16384 : i32
      %add3A_251 = arith.addi %add3A_250, %mul3A_249 : i32
      %get3A_252 = arith.index_cast %add3A_251 : i32 to index
      %get3A_253 = tpu.vector_load %arg5[%get3A_252] {strides = array<i32>} : memref<62624xi32, #tpu.memory_space<vmem>>, vector<16xi32>,
      %shift_left3A_254 = arith.constant 4 : i32
      %shift_left3A_255 = vector.broadcast %shift_left3A_254 : i32 to vector<16xi32>
      %shift_left3A_256 = arith.shli %get3A_253, %shift_left3A_255 : vector<16xi32>
      %add3A_257 = arith.addi %shift_left3A_256, %sub3A_35 : vector<16xi32>
      %gather3A_258 = tpu.vector_load_idx %arg6[%add3A_257] : memref<16384xi32, #tpu.memory_space<vmem>>[vector<16xi32>], vector<16xi32>,
      %mul3A_259 = arith.constant 16 : i32
      %mul3A_260 = arith.muli %scan3A_247, %mul3A_259 : i32
      %add3A_261 = arith.constant 16384 : i32
      %add3A_262 = arith.addi %add3A_261, %mul3A_260 : i32
      %swap3A_263 = arith.index_cast %add3A_262 : i32 to index
      %swap3A_264 = tpu.vector_load %arg5[%swap3A_263] {strides = array<i32>} : memref<62624xi32, #tpu.memory_space<vmem>>, vector<16xi32>,
      tpu.vector_store %arg5[%swap3A_263], %gather3A_258 {strides = array<i32>} : memref<62624xi32, #tpu.memory_space<vmem>>, vector<16xi32>,
      %scan3A_265 = arith.constant 4 : i32
      %scan3A_266 = arith.addi %scan3A_190, %scan3A_265 : i32
      %mul3A_267 = arith.constant 16 : i32
      %mul3A_268 = arith.muli %scan3A_266, %mul3A_267 : i32
      %add3A_269 = arith.constant 16384 : i32
      %add3A_270 = arith.addi %add3A_269, %mul3A_268 : i32
      %get3A_271 = arith.index_cast %add3A_270 : i32 to index
      %get3A_272 = tpu.vector_load %arg5[%get3A_271] {strides = array<i32>} : memref<62624xi32, #tpu.memory_space<vmem>>, vector<16xi32>,
      %shift_left3A_273 = arith.constant 4 : i32
      %shift_left3A_274 = vector.broadcast %shift_left3A_273 : i32 to vector<16xi32>
      %shift_left3A_275 = arith.shli %get3A_272, %shift_left3A_274 : vector<16xi32>
      %add3A_276 = arith.addi %shift_left3A_275, %sub3A_35 : vector<16xi32>
      %gather3A_277 = tpu.vector_load_idx %arg6[%add3A_276] : memref<16384xi32, #tpu.memory_space<vmem>>[vector<16xi32>], vector<16xi32>,
      %mul3A_278 = arith.constant 16 : i32
      %mul3A_279 = arith.muli %scan3A_266, %mul3A_278 : i32
      %add3A_280 = arith.constant 16384 : i32
      %add3A_281 = arith.addi %add3A_280, %mul3A_279 : i32
      %swap3A_282 = arith.index_cast %add3A_281 : i32 to index
      %swap3A_283 = tpu.vector_load %arg5[%swap3A_282] {strides = array<i32>} : memref<62624xi32, #tpu.memory_space<vmem>>, vector<16xi32>,
      tpu.vector_store %arg5[%swap3A_282], %gather3A_277 {strides = array<i32>} : memref<62624xi32, #tpu.memory_space<vmem>>, vector<16xi32>,
      %scan3A_284 = arith.constant 5 : i32
      %scan3A_285 = arith.addi %scan3A_190, %scan3A_284 : i32
      %mul3A_286 = arith.constant 16 : i32
      %mul3A_287 = arith.muli %scan3A_285, %mul3A_286 : i32
      %add3A_288 = arith.constant 16384 : i32
      %add3A_289 = arith.addi %add3A_288, %mul3A_287 : i32
      %get3A_290 = arith.index_cast %add3A_289 : i32 to index
      %get3A_291 = tpu.vector_load %arg5[%get3A_290] {strides = array<i32>} : memref<62624xi32, #tpu.memory_space<vmem>>, vector<16xi32>,
      %shift_left3A_292 = arith.constant 4 : i32
      %shift_left3A_293 = vector.broadcast %shift_left3A_292 : i32 to vector<16xi32>
      %shift_left3A_294 = arith.shli %get3A_291, %shift_left3A_293 : vector<16xi32>
      %add3A_295 = arith.addi %shift_left3A_294, %sub3A_35 : vector<16xi32>
      %gather3A_296 = tpu.vector_load_idx %arg6[%add3A_295] : memref<16384xi32, #tpu.memory_space<vmem>>[vector<16xi32>], vector<16xi32>,
      %mul3A_297 = arith.constant 16 : i32
      %mul3A_298 = arith.muli %scan3A_285, %mul3A_297 : i32
      %add3A_299 = arith.constant 16384 : i32
      %add3A_300 = arith.addi %add3A_299, %mul3A_298 : i32
      %swap3A_301 = arith.index_cast %add3A_300 : i32 to index
      %swap3A_302 = tpu.vector_load %arg5[%swap3A_301] {strides = array<i32>} : memref<62624xi32, #tpu.memory_space<vmem>>, vector<16xi32>,
      tpu.vector_store %arg5[%swap3A_301], %gather3A_296 {strides = array<i32>} : memref<62624xi32, #tpu.memory_space<vmem>>, vector<16xi32>,
      %scan3A_303 = arith.constant 6 : i32
      %scan3A_304 = arith.addi %scan3A_190, %scan3A_303 : i32
      %mul3A_305 = arith.constant 16 : i32
      %mul3A_306 = arith.muli %scan3A_304, %mul3A_305 : i32
      %add3A_307 = arith.constant 16384 : i32
      %add3A_308 = arith.addi %add3A_307, %mul3A_306 : i32
      %get3A_309 = arith.index_cast %add3A_308 : i32 to index
      %get3A_310 = tpu.vector_load %arg5[%get3A_309] {strides = array<i32>} : memref<62624xi32, #tpu.memory_space<vmem>>, vector<16xi32>,
      %shift_left3A_311 = arith.constant 4 : i32
      %shift_left3A_312 = vector.broadcast %shift_left3A_311 : i32 to vector<16xi32>
      %shift_left3A_313 = arith.shli %get3A_310, %shift_left3A_312 : vector<16xi32>
      %add3A_314 = arith.addi %shift_left3A_313, %sub3A_35 : vector<16xi32>
      %gather3A_315 = tpu.vector_load_idx %arg6[%add3A_314] : memref<16384xi32, #tpu.memory_space<vmem>>[vector<16xi32>], vector<16xi32>,
      %mul3A_316 = arith.constant 16 : i32
      %mul3A_317 = arith.muli %scan3A_304, %mul3A_316 : i32
      %add3A_318 = arith.constant 16384 : i32
      %add3A_319 = arith.addi %add3A_318, %mul3A_317 : i32
      %swap3A_320 = arith.index_cast %add3A_319 : i32 to index
      %swap3A_321 = tpu.vector_load %arg5[%swap3A_320] {strides = array<i32>} : memref<62624xi32, #tpu.memory_space<vmem>>, vector<16xi32>,
      tpu.vector_store %arg5[%swap3A_320], %gather3A_315 {strides = array<i32>} : memref<62624xi32, #tpu.memory_space<vmem>>, vector<16xi32>,
      %scan3A_322 = arith.constant 7 : i32
      %scan3A_323 = arith.addi %scan3A_190, %scan3A_322 : i32
      %mul3A_324 = arith.constant 16 : i32
      %mul3A_325 = arith.muli %scan3A_323, %mul3A_324 : i32
      %add3A_326 = arith.constant 16384 : i32
      %add3A_327 = arith.addi %add3A_326, %mul3A_325 : i32
      %get3A_328 = arith.index_cast %add3A_327 : i32 to index
      %get3A_329 = tpu.vector_load %arg5[%get3A_328] {strides = array<i32>} : memref<62624xi32, #tpu.memory_space<vmem>>, vector<16xi32>,
      %shift_left3A_330 = arith.constant 4 : i32
      %shift_left3A_331 = vector.broadcast %shift_left3A_330 : i32 to vector<16xi32>
      %shift_left3A_332 = arith.shli %get3A_329, %shift_left3A_331 : vector<16xi32>
      %add3A_333 = arith.addi %shift_left3A_332, %sub3A_35 : vector<16xi32>
      %gather3A_334 = tpu.vector_load_idx %arg6[%add3A_333] : memref<16384xi32, #tpu.memory_space<vmem>>[vector<16xi32>], vector<16xi32>,
      %mul3A_335 = arith.constant 16 : i32
      %mul3A_336 = arith.muli %scan3A_323, %mul3A_335 : i32
      %add3A_337 = arith.constant 16384 : i32
      %add3A_338 = arith.addi %add3A_337, %mul3A_336 : i32
      %swap3A_339 = arith.index_cast %add3A_338 : i32 to index
      %swap3A_340 = tpu.vector_load %arg5[%swap3A_339] {strides = array<i32>} : memref<62624xi32, #tpu.memory_space<vmem>>, vector<16xi32>,
      tpu.vector_store %arg5[%swap3A_339], %gather3A_334 {strides = array<i32>} : memref<62624xi32, #tpu.memory_space<vmem>>, vector<16xi32>,
    }
    %scan3A_69 = arith.constant 1024 : i32
    %add3A_70 = arith.constant 16384 : i32
    %add3A_71 = arith.addi %mul3A_2, %add3A_70 : i32
    %dma_start3A_72 = arith.constant 16384 : i32
    %dma_start3A_73 = tpu.memref_slice %arg5[%dma_start3A_72] : memref<62624xi32, #tpu.memory_space<vmem>> -> memref<16384xi32, #tpu.memory_space<vmem>>
    %dma_start3A_74 = tpu.memref_slice %arg4[%add3A_71] : memref<2000000xi32, #tpu.memory_space<hbm>> -> memref<16384xi32, #tpu.memory_space<hbm>>
    %dma_start3A_75 = tpu.memref_slice %arg4[%add3A_71] : memref<2000000xi32, #tpu.memory_space<hbm>> -> memref<16384xi32, #tpu.memory_space<hbm>>
    %dma_start3A_76 = arith.constant 16384 : i32
    %dma_start3A_77 = tpu.memref_slice %arg5[%dma_start3A_76] : memref<62624xi32, #tpu.memory_space<vmem>> -> memref<16384xi32, #tpu.memory_space<vmem>>
    tpu.enqueue_dma source(%dma_start3A_77 : memref<16384xi32, #tpu.memory_space<vmem>>) target(%dma_start3A_75 : memref<16384xi32, #tpu.memory_space<hbm>>) target_semaphore(%arg12 : memref<!tpu.dma_semaphore, #tpu.memory_space<semaphore_mem>>)
    %add3A_78 = arith.constant 32768 : i32
    %add3A_79 = arith.addi %mul3A_2, %add3A_78 : i32
    %dma_wait3A_80 = arith.constant 32768 : i32
    %dma_wait3A_81 = tpu.memref_slice %arg5[%dma_wait3A_80] : memref<62624xi32, #tpu.memory_space<vmem>> -> memref<16384xi32, #tpu.memory_space<vmem>>
    %dma_wait3A_82 = tpu.memref_slice %arg2[%add3A_79] : memref<2000000xi32, #tpu.memory_space<hbm>> -> memref<16384xi32, #tpu.memory_space<hbm>>
    %dma_wait3A_83 = arith.constant 32768 : i32
    %dma_wait3A_84 = tpu.memref_slice %arg5[%dma_wait3A_83] : memref<62624xi32, #tpu.memory_space<vmem>> -> memref<16384xi32, #tpu.memory_space<vmem>>
    %dma_wait3A_85 = tpu.memref_slice %arg2[%add3A_79] : memref<2000000xi32, #tpu.memory_space<hbm>> -> memref<16384xi32, #tpu.memory_space<hbm>>
    tpu.wait_dma2 semaphore(%arg9 : memref<!tpu.dma_semaphore, #tpu.memory_space<semaphore_mem>>) src(%dma_wait3A_85 : memref<16384xi32, #tpu.memory_space<hbm>>) dst(%dma_wait3A_84 : memref<16384xi32, #tpu.memory_space<vmem>>)
    %scan3A_86 = arith.constant 0 : i32
    %scan3A_87 = arith.constant 0 : i32
    %scan3A_88 = arith.constant 1024 : i32
    %scan3A_89 = arith.addi %scan3A_87, %scan3A_88 : i32
    %scan3A_90 = arith.constant 8 : i32
    scf.for %scan3A_190 = %scan3A_87 to %scan3A_89 step %scan3A_90  : i32 {
      %mul3A_191 = arith.constant 16 : i32
      %mul3A_192 = arith.muli %scan3A_190, %mul3A_191 : i32
      %add3A_193 = arith.constant 32768 : i32
      %add3A_194 = arith.addi %add3A_193, %mul3A_192 : i32
      %get3A_195 = arith.index_cast %add3A_194 : i32 to index
      %get3A_196 = tpu.vector_load %arg5[%get3A_195] {strides = array<i32>} : memref<62624xi32, #tpu.memory_space<vmem>>, vector<16xi32>,
      %shift_left3A_197 = arith.constant 4 : i32
      %shift_left3A_198 = vector.broadcast %shift_left3A_197 : i32 to vector<16xi32>
      %shift_left3A_199 = arith.shli %get3A_196, %shift_left3A_198 : vector<16xi32>
      %add3A_200 = arith.addi %shift_left3A_199, %sub3A_35 : vector<16xi32>
      %gather3A_201 = tpu.vector_load_idx %arg6[%add3A_200] : memref<16384xi32, #tpu.memory_space<vmem>>[vector<16xi32>], vector<16xi32>,
      %mul3A_202 = arith.constant 16 : i32
      %mul3A_203 = arith.muli %scan3A_190, %mul3A_202 : i32
      %add3A_204 = arith.constant 32768 : i32
      %add3A_205 = arith.addi %add3A_204, %mul3A_203 : i32
      %swap3A_206 = arith.index_cast %add3A_205 : i32 to index
      %swap3A_207 = tpu.vector_load %arg5[%swap3A_206] {strides = array<i32>} : memref<62624xi32, #tpu.memory_space<vmem>>, vector<16xi32>,
      tpu.vector_store %arg5[%swap3A_206], %gather3A_201 {strides = array<i32>} : memref<62624xi32, #tpu.memory_space<vmem>>, vector<16xi32>,
      %scan3A_208 = arith.constant 1 : i32
      %scan3A_209 = arith.addi %scan3A_190, %scan3A_208 : i32
      %mul3A_210 = arith.constant 16 : i32
      %mul3A_211 = arith.muli %scan3A_209, %mul3A_210 : i32
      %add3A_212 = arith.constant 32768 : i32
      %add3A_213 = arith.addi %add3A_212, %mul3A_211 : i32
      %get3A_214 = arith.index_cast %add3A_213 : i32 to index
      %get3A_215 = tpu.vector_load %arg5[%get3A_214] {strides = array<i32>} : memref<62624xi32, #tpu.memory_space<vmem>>, vector<16xi32>,
      %shift_left3A_216 = arith.constant 4 : i32
      %shift_left3A_217 = vector.broadcast %shift_left3A_216 : i32 to vector<16xi32>
      %shift_left3A_218 = arith.shli %get3A_215, %shift_left3A_217 : vector<16xi32>
      %add3A_219 = arith.addi %shift_left3A_218, %sub3A_35 : vector<16xi32>
      %gather3A_220 = tpu.vector_load_idx %arg6[%add3A_219] : memref<16384xi32, #tpu.memory_space<vmem>>[vector<16xi32>], vector<16xi32>,
      %mul3A_221 = arith.constant 16 : i32
      %mul3A_222 = arith.muli %scan3A_209, %mul3A_221 : i32
      %add3A_223 = arith.constant 32768 : i32
      %add3A_224 = arith.addi %add3A_223, %mul3A_222 : i32
      %swap3A_225 = arith.index_cast %add3A_224 : i32 to index
      %swap3A_226 = tpu.vector_load %arg5[%swap3A_225] {strides = array<i32>} : memref<62624xi32, #tpu.memory_space<vmem>>, vector<16xi32>,
      tpu.vector_store %arg5[%swap3A_225], %gather3A_220 {strides = array<i32>} : memref<62624xi32, #tpu.memory_space<vmem>>, vector<16xi32>,
      %scan3A_227 = arith.constant 2 : i32
      %scan3A_228 = arith.addi %scan3A_190, %scan3A_227 : i32
      %mul3A_229 = arith.constant 16 : i32
      %mul3A_230 = arith.muli %scan3A_228, %mul3A_229 : i32
      %add3A_231 = arith.constant 32768 : i32
      %add3A_232 = arith.addi %add3A_231, %mul3A_230 : i32
      %get3A_233 = arith.index_cast %add3A_232 : i32 to index
      %get3A_234 = tpu.vector_load %arg5[%get3A_233] {strides = array<i32>} : memref<62624xi32, #tpu.memory_space<vmem>>, vector<16xi32>,
      %shift_left3A_235 = arith.constant 4 : i32
      %shift_left3A_236 = vector.broadcast %shift_left3A_235 : i32 to vector<16xi32>
      %shift_left3A_237 = arith.shli %get3A_234, %shift_left3A_236 : vector<16xi32>
      %add3A_238 = arith.addi %shift_left3A_237, %sub3A_35 : vector<16xi32>
      %gather3A_239 = tpu.vector_load_idx %arg6[%add3A_238] : memref<16384xi32, #tpu.memory_space<vmem>>[vector<16xi32>], vector<16xi32>,
      %mul3A_240 = arith.constant 16 : i32
      %mul3A_241 = arith.muli %scan3A_228, %mul3A_240 : i32
      %add3A_242 = arith.constant 32768 : i32
      %add3A_243 = arith.addi %add3A_242, %mul3A_241 : i32
      %swap3A_244 = arith.index_cast %add3A_243 : i32 to index
      %swap3A_245 = tpu.vector_load %arg5[%swap3A_244] {strides = array<i32>} : memref<62624xi32, #tpu.memory_space<vmem>>, vector<16xi32>,
      tpu.vector_store %arg5[%swap3A_244], %gather3A_239 {strides = array<i32>} : memref<62624xi32, #tpu.memory_space<vmem>>, vector<16xi32>,
      %scan3A_246 = arith.constant 3 : i32
      %scan3A_247 = arith.addi %scan3A_190, %scan3A_246 : i32
      %mul3A_248 = arith.constant 16 : i32
      %mul3A_249 = arith.muli %scan3A_247, %mul3A_248 : i32
      %add3A_250 = arith.constant 32768 : i32
      %add3A_251 = arith.addi %add3A_250, %mul3A_249 : i32
      %get3A_252 = arith.index_cast %add3A_251 : i32 to index
      %get3A_253 = tpu.vector_load %arg5[%get3A_252] {strides = array<i32>} : memref<62624xi32, #tpu.memory_space<vmem>>, vector<16xi32>,
      %shift_left3A_254 = arith.constant 4 : i32
      %shift_left3A_255 = vector.broadcast %shift_left3A_254 : i32 to vector<16xi32>
      %shift_left3A_256 = arith.shli %get3A_253, %shift_left3A_255 : vector<16xi32>
      %add3A_257 = arith.addi %shift_left3A_256, %sub3A_35 : vector<16xi32>
      %gather3A_258 = tpu.vector_load_idx %arg6[%add3A_257] : memref<16384xi32, #tpu.memory_space<vmem>>[vector<16xi32>], vector<16xi32>,
      %mul3A_259 = arith.constant 16 : i32
      %mul3A_260 = arith.muli %scan3A_247, %mul3A_259 : i32
      %add3A_261 = arith.constant 32768 : i32
      %add3A_262 = arith.addi %add3A_261, %mul3A_260 : i32
      %swap3A_263 = arith.index_cast %add3A_262 : i32 to index
      %swap3A_264 = tpu.vector_load %arg5[%swap3A_263] {strides = array<i32>} : memref<62624xi32, #tpu.memory_space<vmem>>, vector<16xi32>,
      tpu.vector_store %arg5[%swap3A_263], %gather3A_258 {strides = array<i32>} : memref<62624xi32, #tpu.memory_space<vmem>>, vector<16xi32>,
      %scan3A_265 = arith.constant 4 : i32
      %scan3A_266 = arith.addi %scan3A_190, %scan3A_265 : i32
      %mul3A_267 = arith.constant 16 : i32
      %mul3A_268 = arith.muli %scan3A_266, %mul3A_267 : i32
      %add3A_269 = arith.constant 32768 : i32
      %add3A_270 = arith.addi %add3A_269, %mul3A_268 : i32
      %get3A_271 = arith.index_cast %add3A_270 : i32 to index
      %get3A_272 = tpu.vector_load %arg5[%get3A_271] {strides = array<i32>} : memref<62624xi32, #tpu.memory_space<vmem>>, vector<16xi32>,
      %shift_left3A_273 = arith.constant 4 : i32
      %shift_left3A_274 = vector.broadcast %shift_left3A_273 : i32 to vector<16xi32>
      %shift_left3A_275 = arith.shli %get3A_272, %shift_left3A_274 : vector<16xi32>
      %add3A_276 = arith.addi %shift_left3A_275, %sub3A_35 : vector<16xi32>
      %gather3A_277 = tpu.vector_load_idx %arg6[%add3A_276] : memref<16384xi32, #tpu.memory_space<vmem>>[vector<16xi32>], vector<16xi32>,
      %mul3A_278 = arith.constant 16 : i32
      %mul3A_279 = arith.muli %scan3A_266, %mul3A_278 : i32
      %add3A_280 = arith.constant 32768 : i32
      %add3A_281 = arith.addi %add3A_280, %mul3A_279 : i32
      %swap3A_282 = arith.index_cast %add3A_281 : i32 to index
      %swap3A_283 = tpu.vector_load %arg5[%swap3A_282] {strides = array<i32>} : memref<62624xi32, #tpu.memory_space<vmem>>, vector<16xi32>,
      tpu.vector_store %arg5[%swap3A_282], %gather3A_277 {strides = array<i32>} : memref<62624xi32, #tpu.memory_space<vmem>>, vector<16xi32>,
      %scan3A_284 = arith.constant 5 : i32
      %scan3A_285 = arith.addi %scan3A_190, %scan3A_284 : i32
      %mul3A_286 = arith.constant 16 : i32
      %mul3A_287 = arith.muli %scan3A_285, %mul3A_286 : i32
      %add3A_288 = arith.constant 32768 : i32
      %add3A_289 = arith.addi %add3A_288, %mul3A_287 : i32
      %get3A_290 = arith.index_cast %add3A_289 : i32 to index
      %get3A_291 = tpu.vector_load %arg5[%get3A_290] {strides = array<i32>} : memref<62624xi32, #tpu.memory_space<vmem>>, vector<16xi32>,
      %shift_left3A_292 = arith.constant 4 : i32
      %shift_left3A_293 = vector.broadcast %shift_left3A_292 : i32 to vector<16xi32>
      %shift_left3A_294 = arith.shli %get3A_291, %shift_left3A_293 : vector<16xi32>
      %add3A_295 = arith.addi %shift_left3A_294, %sub3A_35 : vector<16xi32>
      %gather3A_296 = tpu.vector_load_idx %arg6[%add3A_295] : memref<16384xi32, #tpu.memory_space<vmem>>[vector<16xi32>], vector<16xi32>,
      %mul3A_297 = arith.constant 16 : i32
      %mul3A_298 = arith.muli %scan3A_285, %mul3A_297 : i32
      %add3A_299 = arith.constant 32768 : i32
      %add3A_300 = arith.addi %add3A_299, %mul3A_298 : i32
      %swap3A_301 = arith.index_cast %add3A_300 : i32 to index
      %swap3A_302 = tpu.vector_load %arg5[%swap3A_301] {strides = array<i32>} : memref<62624xi32, #tpu.memory_space<vmem>>, vector<16xi32>,
      tpu.vector_store %arg5[%swap3A_301], %gather3A_296 {strides = array<i32>} : memref<62624xi32, #tpu.memory_space<vmem>>, vector<16xi32>,
      %scan3A_303 = arith.constant 6 : i32
      %scan3A_304 = arith.addi %scan3A_190, %scan3A_303 : i32
      %mul3A_305 = arith.constant 16 : i32
      %mul3A_306 = arith.muli %scan3A_304, %mul3A_305 : i32
      %add3A_307 = arith.constant 32768 : i32
      %add3A_308 = arith.addi %add3A_307, %mul3A_306 : i32
      %get3A_309 = arith.index_cast %add3A_308 : i32 to index
      %get3A_310 = tpu.vector_load %arg5[%get3A_309] {strides = array<i32>} : memref<62624xi32, #tpu.memory_space<vmem>>, vector<16xi32>,
      %shift_left3A_311 = arith.constant 4 : i32
      %shift_left3A_312 = vector.broadcast %shift_left3A_311 : i32 to vector<16xi32>
      %shift_left3A_313 = arith.shli %get3A_310, %shift_left3A_312 : vector<16xi32>
      %add3A_314 = arith.addi %shift_left3A_313, %sub3A_35 : vector<16xi32>
      %gather3A_315 = tpu.vector_load_idx %arg6[%add3A_314] : memref<16384xi32, #tpu.memory_space<vmem>>[vector<16xi32>], vector<16xi32>,
      %mul3A_316 = arith.constant 16 : i32
      %mul3A_317 = arith.muli %scan3A_304, %mul3A_316 : i32
      %add3A_318 = arith.constant 32768 : i32
      %add3A_319 = arith.addi %add3A_318, %mul3A_317 : i32
      %swap3A_320 = arith.index_cast %add3A_319 : i32 to index
      %swap3A_321 = tpu.vector_load %arg5[%swap3A_320] {strides = array<i32>} : memref<62624xi32, #tpu.memory_space<vmem>>, vector<16xi32>,
      tpu.vector_store %arg5[%swap3A_320], %gather3A_315 {strides = array<i32>} : memref<62624xi32, #tpu.memory_space<vmem>>, vector<16xi32>,
      %scan3A_322 = arith.constant 7 : i32
      %scan3A_323 = arith.addi %scan3A_190, %scan3A_322 : i32
      %mul3A_324 = arith.constant 16 : i32
      %mul3A_325 = arith.muli %scan3A_323, %mul3A_324 : i32
      %add3A_326 = arith.constant 32768 : i32
      %add3A_327 = arith.addi %add3A_326, %mul3A_325 : i32
      %get3A_328 = arith.index_cast %add3A_327 : i32 to index
      %get3A_329 = tpu.vector_load %arg5[%get3A_328] {strides = array<i32>} : memref<62624xi32, #tpu.memory_space<vmem>>, vector<16xi32>,
      %shift_left3A_330 = arith.constant 4 : i32
      %shift_left3A_331 = vector.broadcast %shift_left3A_330 : i32 to vector<16xi32>
      %shift_left3A_332 = arith.shli %get3A_329, %shift_left3A_331 : vector<16xi32>
      %add3A_333 = arith.addi %shift_left3A_332, %sub3A_35 : vector<16xi32>
      %gather3A_334 = tpu.vector_load_idx %arg6[%add3A_333] : memref<16384xi32, #tpu.memory_space<vmem>>[vector<16xi32>], vector<16xi32>,
      %mul3A_335 = arith.constant 16 : i32
      %mul3A_336 = arith.muli %scan3A_323, %mul3A_335 : i32
      %add3A_337 = arith.constant 32768 : i32
      %add3A_338 = arith.addi %add3A_337, %mul3A_336 : i32
      %swap3A_339 = arith.index_cast %add3A_338 : i32 to index
      %swap3A_340 = tpu.vector_load %arg5[%swap3A_339] {strides = array<i32>} : memref<62624xi32, #tpu.memory_space<vmem>>, vector<16xi32>,
      tpu.vector_store %arg5[%swap3A_339], %gather3A_334 {strides = array<i32>} : memref<62624xi32, #tpu.memory_space<vmem>>, vector<16xi32>,
    }
    %scan3A_91 = arith.constant 1024 : i32
    %add3A_92 = arith.constant 32768 : i32
    %add3A_93 = arith.addi %mul3A_2, %add3A_92 : i32
    %dma_start3A_94 = arith.constant 32768 : i32
    %dma_start3A_95 = tpu.memref_slice %arg5[%dma_start3A_94] : memref<62624xi32, #tpu.memory_space<vmem>> -> memref<16384xi32, #tpu.memory_space<vmem>>
    %dma_start3A_96 = tpu.memref_slice %arg4[%add3A_93] : memref<2000000xi32, #tpu.memory_space<hbm>> -> memref<16384xi32, #tpu.memory_space<hbm>>
    %dma_start3A_97 = tpu.memref_slice %arg4[%add3A_93] : memref<2000000xi32, #tpu.memory_space<hbm>> -> memref<16384xi32, #tpu.memory_space<hbm>>
    %dma_start3A_98 = arith.constant 32768 : i32
    %dma_start3A_99 = tpu.memref_slice %arg5[%dma_start3A_98] : memref<62624xi32, #tpu.memory_space<vmem>> -> memref<16384xi32, #tpu.memory_space<vmem>>
    tpu.enqueue_dma source(%dma_start3A_99 : memref<16384xi32, #tpu.memory_space<vmem>>) target(%dma_start3A_97 : memref<16384xi32, #tpu.memory_space<hbm>>) target_semaphore(%arg13 : memref<!tpu.dma_semaphore, #tpu.memory_space<semaphore_mem>>)
    %add3A_100 = arith.constant 49152 : i32
    %add3A_101 = arith.addi %mul3A_2, %add3A_100 : i32
    %dma_wait3A_102 = arith.constant 49152 : i32
    %dma_wait3A_103 = tpu.memref_slice %arg5[%dma_wait3A_102] : memref<62624xi32, #tpu.memory_space<vmem>> -> memref<13472xi32, #tpu.memory_space<vmem>>
    %dma_wait3A_104 = tpu.memref_slice %arg2[%add3A_101] : memref<2000000xi32, #tpu.memory_space<hbm>> -> memref<13472xi32, #tpu.memory_space<hbm>>
    %dma_wait3A_105 = arith.constant 49152 : i32
    %dma_wait3A_106 = tpu.memref_slice %arg5[%dma_wait3A_105] : memref<62624xi32, #tpu.memory_space<vmem>> -> memref<13472xi32, #tpu.memory_space<vmem>>
    %dma_wait3A_107 = tpu.memref_slice %arg2[%add3A_101] : memref<2000000xi32, #tpu.memory_space<hbm>> -> memref<13472xi32, #tpu.memory_space<hbm>>
    tpu.wait_dma2 semaphore(%arg10 : memref<!tpu.dma_semaphore, #tpu.memory_space<semaphore_mem>>) src(%dma_wait3A_107 : memref<13472xi32, #tpu.memory_space<hbm>>) dst(%dma_wait3A_106 : memref<13472xi32, #tpu.memory_space<vmem>>)
    %scan3A_108 = arith.constant 0 : i32
    %scan3A_109 = arith.constant 0 : i32
    %scan3A_110 = arith.constant 840 : i32
    %scan3A_111 = arith.addi %scan3A_109, %scan3A_110 : i32
    %scan3A_112 = arith.constant 8 : i32
    scf.for %scan3A_190 = %scan3A_109 to %scan3A_111 step %scan3A_112  : i32 {
      %mul3A_191 = arith.constant 16 : i32
      %mul3A_192 = arith.muli %scan3A_190, %mul3A_191 : i32
      %add3A_193 = arith.constant 49152 : i32
      %add3A_194 = arith.addi %add3A_193, %mul3A_192 : i32
      %get3A_195 = arith.index_cast %add3A_194 : i32 to index
      %get3A_196 = tpu.vector_load %arg5[%get3A_195] {strides = array<i32>} : memref<62624xi32, #tpu.memory_space<vmem>>, vector<16xi32>,
      %shift_left3A_197 = arith.constant 4 : i32
      %shift_left3A_198 = vector.broadcast %shift_left3A_197 : i32 to vector<16xi32>
      %shift_left3A_199 = arith.shli %get3A_196, %shift_left3A_198 : vector<16xi32>
      %add3A_200 = arith.addi %shift_left3A_199, %sub3A_35 : vector<16xi32>
      %gather3A_201 = tpu.vector_load_idx %arg6[%add3A_200] : memref<16384xi32, #tpu.memory_space<vmem>>[vector<16xi32>], vector<16xi32>,
      %mul3A_202 = arith.constant 16 : i32
      %mul3A_203 = arith.muli %scan3A_190, %mul3A_202 : i32
      %add3A_204 = arith.constant 49152 : i32
      %add3A_205 = arith.addi %add3A_204, %mul3A_203 : i32
      %swap3A_206 = arith.index_cast %add3A_205 : i32 to index
      %swap3A_207 = tpu.vector_load %arg5[%swap3A_206] {strides = array<i32>} : memref<62624xi32, #tpu.memory_space<vmem>>, vector<16xi32>,
      tpu.vector_store %arg5[%swap3A_206], %gather3A_201 {strides = array<i32>} : memref<62624xi32, #tpu.memory_space<vmem>>, vector<16xi32>,
      %scan3A_208 = arith.constant 1 : i32
      %scan3A_209 = arith.addi %scan3A_190, %scan3A_208 : i32
      %mul3A_210 = arith.constant 16 : i32
      %mul3A_211 = arith.muli %scan3A_209, %mul3A_210 : i32
      %add3A_212 = arith.constant 49152 : i32
      %add3A_213 = arith.addi %add3A_212, %mul3A_211 : i32
      %get3A_214 = arith.index_cast %add3A_213 : i32 to index
      %get3A_215 = tpu.vector_load %arg5[%get3A_214] {strides = array<i32>} : memref<62624xi32, #tpu.memory_space<vmem>>, vector<16xi32>,
      %shift_left3A_216 = arith.constant 4 : i32
      %shift_left3A_217 = vector.broadcast %shift_left3A_216 : i32 to vector<16xi32>
      %shift_left3A_218 = arith.shli %get3A_215, %shift_left3A_217 : vector<16xi32>
      %add3A_219 = arith.addi %shift_left3A_218, %sub3A_35 : vector<16xi32>
      %gather3A_220 = tpu.vector_load_idx %arg6[%add3A_219] : memref<16384xi32, #tpu.memory_space<vmem>>[vector<16xi32>], vector<16xi32>,
      %mul3A_221 = arith.constant 16 : i32
      %mul3A_222 = arith.muli %scan3A_209, %mul3A_221 : i32
      %add3A_223 = arith.constant 49152 : i32
      %add3A_224 = arith.addi %add3A_223, %mul3A_222 : i32
      %swap3A_225 = arith.index_cast %add3A_224 : i32 to index
      %swap3A_226 = tpu.vector_load %arg5[%swap3A_225] {strides = array<i32>} : memref<62624xi32, #tpu.memory_space<vmem>>, vector<16xi32>,
      tpu.vector_store %arg5[%swap3A_225], %gather3A_220 {strides = array<i32>} : memref<62624xi32, #tpu.memory_space<vmem>>, vector<16xi32>,
      %scan3A_227 = arith.constant 2 : i32
      %scan3A_228 = arith.addi %scan3A_190, %scan3A_227 : i32
      %mul3A_229 = arith.constant 16 : i32
      %mul3A_230 = arith.muli %scan3A_228, %mul3A_229 : i32
      %add3A_231 = arith.constant 49152 : i32
      %add3A_232 = arith.addi %add3A_231, %mul3A_230 : i32
      %get3A_233 = arith.index_cast %add3A_232 : i32 to index
      %get3A_234 = tpu.vector_load %arg5[%get3A_233] {strides = array<i32>} : memref<62624xi32, #tpu.memory_space<vmem>>, vector<16xi32>,
      %shift_left3A_235 = arith.constant 4 : i32
      %shift_left3A_236 = vector.broadcast %shift_left3A_235 : i32 to vector<16xi32>
      %shift_left3A_237 = arith.shli %get3A_234, %shift_left3A_236 : vector<16xi32>
      %add3A_238 = arith.addi %shift_left3A_237, %sub3A_35 : vector<16xi32>
      %gather3A_239 = tpu.vector_load_idx %arg6[%add3A_238] : memref<16384xi32, #tpu.memory_space<vmem>>[vector<16xi32>], vector<16xi32>,
      %mul3A_240 = arith.constant 16 : i32
      %mul3A_241 = arith.muli %scan3A_228, %mul3A_240 : i32
      %add3A_242 = arith.constant 49152 : i32
      %add3A_243 = arith.addi %add3A_242, %mul3A_241 : i32
      %swap3A_244 = arith.index_cast %add3A_243 : i32 to index
      %swap3A_245 = tpu.vector_load %arg5[%swap3A_244] {strides = array<i32>} : memref<62624xi32, #tpu.memory_space<vmem>>, vector<16xi32>,
      tpu.vector_store %arg5[%swap3A_244], %gather3A_239 {strides = array<i32>} : memref<62624xi32, #tpu.memory_space<vmem>>, vector<16xi32>,
      %scan3A_246 = arith.constant 3 : i32
      %scan3A_247 = arith.addi %scan3A_190, %scan3A_246 : i32
      %mul3A_248 = arith.constant 16 : i32
      %mul3A_249 = arith.muli %scan3A_247, %mul3A_248 : i32
      %add3A_250 = arith.constant 49152 : i32
      %add3A_251 = arith.addi %add3A_250, %mul3A_249 : i32
      %get3A_252 = arith.index_cast %add3A_251 : i32 to index
      %get3A_253 = tpu.vector_load %arg5[%get3A_252] {strides = array<i32>} : memref<62624xi32, #tpu.memory_space<vmem>>, vector<16xi32>,
      %shift_left3A_254 = arith.constant 4 : i32
      %shift_left3A_255 = vector.broadcast %shift_left3A_254 : i32 to vector<16xi32>
      %shift_left3A_256 = arith.shli %get3A_253, %shift_left3A_255 : vector<16xi32>
      %add3A_257 = arith.addi %shift_left3A_256, %sub3A_35 : vector<16xi32>
      %gather3A_258 = tpu.vector_load_idx %arg6[%add3A_257] : memref<16384xi32, #tpu.memory_space<vmem>>[vector<16xi32>], vector<16xi32>,
      %mul3A_259 = arith.constant 16 : i32
      %mul3A_260 = arith.muli %scan3A_247, %mul3A_259 : i32
      %add3A_261 = arith.constant 49152 : i32
      %add3A_262 = arith.addi %add3A_261, %mul3A_260 : i32
      %swap3A_263 = arith.index_cast %add3A_262 : i32 to index
      %swap3A_264 = tpu.vector_load %arg5[%swap3A_263] {strides = array<i32>} : memref<62624xi32, #tpu.memory_space<vmem>>, vector<16xi32>,
      tpu.vector_store %arg5[%swap3A_263], %gather3A_258 {strides = array<i32>} : memref<62624xi32, #tpu.memory_space<vmem>>, vector<16xi32>,
      %scan3A_265 = arith.constant 4 : i32
      %scan3A_266 = arith.addi %scan3A_190, %scan3A_265 : i32
      %mul3A_267 = arith.constant 16 : i32
      %mul3A_268 = arith.muli %scan3A_266, %mul3A_267 : i32
      %add3A_269 = arith.constant 49152 : i32
      %add3A_270 = arith.addi %add3A_269, %mul3A_268 : i32
      %get3A_271 = arith.index_cast %add3A_270 : i32 to index
      %get3A_272 = tpu.vector_load %arg5[%get3A_271] {strides = array<i32>} : memref<62624xi32, #tpu.memory_space<vmem>>, vector<16xi32>,
      %shift_left3A_273 = arith.constant 4 : i32
      %shift_left3A_274 = vector.broadcast %shift_left3A_273 : i32 to vector<16xi32>
      %shift_left3A_275 = arith.shli %get3A_272, %shift_left3A_274 : vector<16xi32>
      %add3A_276 = arith.addi %shift_left3A_275, %sub3A_35 : vector<16xi32>
      %gather3A_277 = tpu.vector_load_idx %arg6[%add3A_276] : memref<16384xi32, #tpu.memory_space<vmem>>[vector<16xi32>], vector<16xi32>,
      %mul3A_278 = arith.constant 16 : i32
      %mul3A_279 = arith.muli %scan3A_266, %mul3A_278 : i32
      %add3A_280 = arith.constant 49152 : i32
      %add3A_281 = arith.addi %add3A_280, %mul3A_279 : i32
      %swap3A_282 = arith.index_cast %add3A_281 : i32 to index
      %swap3A_283 = tpu.vector_load %arg5[%swap3A_282] {strides = array<i32>} : memref<62624xi32, #tpu.memory_space<vmem>>, vector<16xi32>,
      tpu.vector_store %arg5[%swap3A_282], %gather3A_277 {strides = array<i32>} : memref<62624xi32, #tpu.memory_space<vmem>>, vector<16xi32>,
      %scan3A_284 = arith.constant 5 : i32
      %scan3A_285 = arith.addi %scan3A_190, %scan3A_284 : i32
      %mul3A_286 = arith.constant 16 : i32
      %mul3A_287 = arith.muli %scan3A_285, %mul3A_286 : i32
      %add3A_288 = arith.constant 49152 : i32
      %add3A_289 = arith.addi %add3A_288, %mul3A_287 : i32
      %get3A_290 = arith.index_cast %add3A_289 : i32 to index
      %get3A_291 = tpu.vector_load %arg5[%get3A_290] {strides = array<i32>} : memref<62624xi32, #tpu.memory_space<vmem>>, vector<16xi32>,
      %shift_left3A_292 = arith.constant 4 : i32
      %shift_left3A_293 = vector.broadcast %shift_left3A_292 : i32 to vector<16xi32>
      %shift_left3A_294 = arith.shli %get3A_291, %shift_left3A_293 : vector<16xi32>
      %add3A_295 = arith.addi %shift_left3A_294, %sub3A_35 : vector<16xi32>
      %gather3A_296 = tpu.vector_load_idx %arg6[%add3A_295] : memref<16384xi32, #tpu.memory_space<vmem>>[vector<16xi32>], vector<16xi32>,
      %mul3A_297 = arith.constant 16 : i32
      %mul3A_298 = arith.muli %scan3A_285, %mul3A_297 : i32
      %add3A_299 = arith.constant 49152 : i32
      %add3A_300 = arith.addi %add3A_299, %mul3A_298 : i32
      %swap3A_301 = arith.index_cast %add3A_300 : i32 to index
      %swap3A_302 = tpu.vector_load %arg5[%swap3A_301] {strides = array<i32>} : memref<62624xi32, #tpu.memory_space<vmem>>, vector<16xi32>,
      tpu.vector_store %arg5[%swap3A_301], %gather3A_296 {strides = array<i32>} : memref<62624xi32, #tpu.memory_space<vmem>>, vector<16xi32>,
      %scan3A_303 = arith.constant 6 : i32
      %scan3A_304 = arith.addi %scan3A_190, %scan3A_303 : i32
      %mul3A_305 = arith.constant 16 : i32
      %mul3A_306 = arith.muli %scan3A_304, %mul3A_305 : i32
      %add3A_307 = arith.constant 49152 : i32
      %add3A_308 = arith.addi %add3A_307, %mul3A_306 : i32
      %get3A_309 = arith.index_cast %add3A_308 : i32 to index
      %get3A_310 = tpu.vector_load %arg5[%get3A_309] {strides = array<i32>} : memref<62624xi32, #tpu.memory_space<vmem>>, vector<16xi32>,
      %shift_left3A_311 = arith.constant 4 : i32
      %shift_left3A_312 = vector.broadcast %shift_left3A_311 : i32 to vector<16xi32>
      %shift_left3A_313 = arith.shli %get3A_310, %shift_left3A_312 : vector<16xi32>
      %add3A_314 = arith.addi %shift_left3A_313, %sub3A_35 : vector<16xi32>
      %gather3A_315 = tpu.vector_load_idx %arg6[%add3A_314] : memref<16384xi32, #tpu.memory_space<vmem>>[vector<16xi32>], vector<16xi32>,
      %mul3A_316 = arith.constant 16 : i32
      %mul3A_317 = arith.muli %scan3A_304, %mul3A_316 : i32
      %add3A_318 = arith.constant 49152 : i32
      %add3A_319 = arith.addi %add3A_318, %mul3A_317 : i32
      %swap3A_320 = arith.index_cast %add3A_319 : i32 to index
      %swap3A_321 = tpu.vector_load %arg5[%swap3A_320] {strides = array<i32>} : memref<62624xi32, #tpu.memory_space<vmem>>, vector<16xi32>,
      tpu.vector_store %arg5[%swap3A_320], %gather3A_315 {strides = array<i32>} : memref<62624xi32, #tpu.memory_space<vmem>>, vector<16xi32>,
      %scan3A_322 = arith.constant 7 : i32
      %scan3A_323 = arith.addi %scan3A_190, %scan3A_322 : i32
      %mul3A_324 = arith.constant 16 : i32
      %mul3A_325 = arith.muli %scan3A_323, %mul3A_324 : i32
      %add3A_326 = arith.constant 49152 : i32
      %add3A_327 = arith.addi %add3A_326, %mul3A_325 : i32
      %get3A_328 = arith.index_cast %add3A_327 : i32 to index
      %get3A_329 = tpu.vector_load %arg5[%get3A_328] {strides = array<i32>} : memref<62624xi32, #tpu.memory_space<vmem>>, vector<16xi32>,
      %shift_left3A_330 = arith.constant 4 : i32
      %shift_left3A_331 = vector.broadcast %shift_left3A_330 : i32 to vector<16xi32>
      %shift_left3A_332 = arith.shli %get3A_329, %shift_left3A_331 : vector<16xi32>
      %add3A_333 = arith.addi %shift_left3A_332, %sub3A_35 : vector<16xi32>
      %gather3A_334 = tpu.vector_load_idx %arg6[%add3A_333] : memref<16384xi32, #tpu.memory_space<vmem>>[vector<16xi32>], vector<16xi32>,
      %mul3A_335 = arith.constant 16 : i32
      %mul3A_336 = arith.muli %scan3A_323, %mul3A_335 : i32
      %add3A_337 = arith.constant 49152 : i32
      %add3A_338 = arith.addi %add3A_337, %mul3A_336 : i32
      %swap3A_339 = arith.index_cast %add3A_338 : i32 to index
      %swap3A_340 = tpu.vector_load %arg5[%swap3A_339] {strides = array<i32>} : memref<62624xi32, #tpu.memory_space<vmem>>, vector<16xi32>,
      tpu.vector_store %arg5[%swap3A_339], %gather3A_334 {strides = array<i32>} : memref<62624xi32, #tpu.memory_space<vmem>>, vector<16xi32>,
    }
    %scan3A_113 = arith.constant 840 : i32
    %scan3A_114 = arith.addi %scan3A_109, %scan3A_113 : i32
    %mul3A_115 = arith.constant 16 : i32
    %mul3A_116 = arith.muli %scan3A_114, %mul3A_115 : i32
    %add3A_117 = arith.constant 49152 : i32
    %add3A_118 = arith.addi %add3A_117, %mul3A_116 : i32
    %get3A = arith.index_cast %add3A_118 : i32 to index
    %get3A_119 = tpu.vector_load %arg5[%get3A] {strides = array<i32>} : memref<62624xi32, #tpu.memory_space<vmem>>, vector<16xi32>,
    %shift_left3A = arith.constant 4 : i32
    %shift_left3A_120 = vector.broadcast %shift_left3A : i32 to vector<16xi32>
    %shift_left3A_121 = arith.shli %get3A_119, %shift_left3A_120 : vector<16xi32>
    %add3A_122 = arith.addi %shift_left3A_121, %sub3A_35 : vector<16xi32>
    %gather3A = tpu.vector_load_idx %arg6[%add3A_122] : memref<16384xi32, #tpu.memory_space<vmem>>[vector<16xi32>], vector<16xi32>,
    %mul3A_123 = arith.constant 16 : i32
    %mul3A_124 = arith.muli %scan3A_114, %mul3A_123 : i32
    %add3A_125 = arith.constant 49152 : i32
    %add3A_126 = arith.addi %add3A_125, %mul3A_124 : i32
    %swap3A = arith.index_cast %add3A_126 : i32 to index
    %swap3A_127 = tpu.vector_load %arg5[%swap3A] {strides = array<i32>} : memref<62624xi32, #tpu.memory_space<vmem>>, vector<16xi32>,
    tpu.vector_store %arg5[%swap3A], %gather3A {strides = array<i32>} : memref<62624xi32, #tpu.memory_space<vmem>>, vector<16xi32>,
    %scan3A_128 = arith.constant 841 : i32
    %scan3A_129 = arith.addi %scan3A_109, %scan3A_128 : i32
    %mul3A_130 = arith.constant 16 : i32
    %mul3A_131 = arith.muli %scan3A_129, %mul3A_130 : i32
    %add3A_132 = arith.constant 49152 : i32
    %add3A_133 = arith.addi %add3A_132, %mul3A_131 : i32
    %get3A_134 = arith.index_cast %add3A_133 : i32 to index
    %get3A_135 = tpu.vector_load %arg5[%get3A_134] {strides = array<i32>} : memref<62624xi32, #tpu.memory_space<vmem>>, vector<16xi32>,
    %shift_left3A_136 = arith.constant 4 : i32
    %shift_left3A_137 = vector.broadcast %shift_left3A_136 : i32 to vector<16xi32>
    %shift_left3A_138 = arith.shli %get3A_135, %shift_left3A_137 : vector<16xi32>
    %add3A_139 = arith.addi %shift_left3A_138, %sub3A_35 : vector<16xi32>
    %gather3A_140 = tpu.vector_load_idx %arg6[%add3A_139] : memref<16384xi32, #tpu.memory_space<vmem>>[vector<16xi32>], vector<16xi32>,
    %mul3A_141 = arith.constant 16 : i32
    %mul3A_142 = arith.muli %scan3A_129, %mul3A_141 : i32
    %add3A_143 = arith.constant 49152 : i32
    %add3A_144 = arith.addi %add3A_143, %mul3A_142 : i32
    %swap3A_145 = arith.index_cast %add3A_144 : i32 to index
    %swap3A_146 = tpu.vector_load %arg5[%swap3A_145] {strides = array<i32>} : memref<62624xi32, #tpu.memory_space<vmem>>, vector<16xi32>,
    tpu.vector_store %arg5[%swap3A_145], %gather3A_140 {strides = array<i32>} : memref<62624xi32, #tpu.memory_space<vmem>>, vector<16xi32>,
    %scan3A_147 = arith.constant 842 : i32
    %add3A_148 = arith.constant 49152 : i32
    %add3A_149 = arith.addi %mul3A_2, %add3A_148 : i32
    %dma_start3A_150 = arith.constant 49152 : i32
    %dma_start3A_151 = tpu.memref_slice %arg5[%dma_start3A_150] : memref<62624xi32, #tpu.memory_space<vmem>> -> memref<13344xi32, #tpu.memory_space<vmem>>
    %dma_start3A_152 = tpu.memref_slice %arg4[%add3A_149] : memref<2000000xi32, #tpu.memory_space<hbm>> -> memref<13344xi32, #tpu.memory_space<hbm>>
    %dma_start3A_153 = tpu.memref_slice %arg4[%add3A_149] : memref<2000000xi32, #tpu.memory_space<hbm>> -> memref<13344xi32, #tpu.memory_space<hbm>>
    %dma_start3A_154 = arith.constant 49152 : i32
    %dma_start3A_155 = tpu.memref_slice %arg5[%dma_start3A_154] : memref<62624xi32, #tpu.memory_space<vmem>> -> memref<13344xi32, #tpu.memory_space<vmem>>
    tpu.enqueue_dma source(%dma_start3A_155 : memref<13344xi32, #tpu.memory_space<vmem>>) target(%dma_start3A_153 : memref<13344xi32, #tpu.memory_space<hbm>>) target_semaphore(%arg14 : memref<!tpu.dma_semaphore, #tpu.memory_space<semaphore_mem>>)
    %eq3A = arith.constant 31 : i32
    %eq3A_156 = arith.cmpi eq, %add3A, %eq3A : i32
    %convert_element_type3A = arith.extui %eq3A_156 : i1 to i32
    %cond3A = arith.constant 0 : i32
    %cond3A_157 = arith.cmpi ne, %convert_element_type3A, %cond3A : i32
    scf.if %cond3A_157 {
      %add3A_190 = arith.constant 62496 : i32
      %add3A_191 = arith.addi %mul3A_2, %add3A_190 : i32
      %dma_start3A_192 = arith.constant 62496 : i32
      %dma_start3A_193 = tpu.memref_slice %arg5[%dma_start3A_192] : memref<62624xi32, #tpu.memory_space<vmem>> -> memref<128xi32, #tpu.memory_space<vmem>>
      %dma_start3A_194 = tpu.memref_slice %arg4[%add3A_191] : memref<2000000xi32, #tpu.memory_space<hbm>> -> memref<128xi32, #tpu.memory_space<hbm>>
      %dma_start3A_195 = tpu.memref_slice %arg4[%add3A_191] : memref<2000000xi32, #tpu.memory_space<hbm>> -> memref<128xi32, #tpu.memory_space<hbm>>
      %dma_start3A_196 = arith.constant 62496 : i32
      %dma_start3A_197 = tpu.memref_slice %arg5[%dma_start3A_196] : memref<62624xi32, #tpu.memory_space<vmem>> -> memref<128xi32, #tpu.memory_space<vmem>>
      tpu.enqueue_dma source(%dma_start3A_197 : memref<128xi32, #tpu.memory_space<vmem>>) target(%dma_start3A_195 : memref<128xi32, #tpu.memory_space<hbm>>) target_semaphore(%arg15 : memref<!tpu.dma_semaphore, #tpu.memory_space<semaphore_mem>>)
      %add3A_198 = arith.constant 62496 : i32
      %add3A_199 = arith.addi %mul3A_2, %add3A_198 : i32
      %dma_wait3A_200 = arith.constant 62496 : i32
      %dma_wait3A_201 = tpu.memref_slice %arg5[%dma_wait3A_200] : memref<62624xi32, #tpu.memory_space<vmem>> -> memref<128xi32, #tpu.memory_space<vmem>>
      %dma_wait3A_202 = tpu.memref_slice %arg4[%add3A_199] : memref<2000000xi32, #tpu.memory_space<hbm>> -> memref<128xi32, #tpu.memory_space<hbm>>
      %dma_wait3A_203 = tpu.memref_slice %arg4[%add3A_199] : memref<2000000xi32, #tpu.memory_space<hbm>> -> memref<128xi32, #tpu.memory_space<hbm>>
      %dma_wait3A_204 = arith.constant 62496 : i32
      %dma_wait3A_205 = tpu.memref_slice %arg5[%dma_wait3A_204] : memref<62624xi32, #tpu.memory_space<vmem>> -> memref<128xi32, #tpu.memory_space<vmem>>
      tpu.wait_dma2 semaphore(%arg15 : memref<!tpu.dma_semaphore, #tpu.memory_space<semaphore_mem>>) src(%dma_wait3A_205 : memref<128xi32, #tpu.memory_space<vmem>>) dst(%dma_wait3A_203 : memref<128xi32, #tpu.memory_space<hbm>>)
    } else {
    }
    %add3A_158 = arith.constant 0 : i32
    %add3A_159 = arith.addi %mul3A_2, %add3A_158 : i32
    %dma_wait3A_160 = arith.constant 0 : i32
    %dma_wait3A_161 = tpu.memref_slice %arg5[%dma_wait3A_160] : memref<62624xi32, #tpu.memory_space<vmem>> -> memref<16384xi32, #tpu.memory_space<vmem>>
    %dma_wait3A_162 = tpu.memref_slice %arg4[%add3A_159] : memref<2000000xi32, #tpu.memory_space<hbm>> -> memref<16384xi32, #tpu.memory_space<hbm>>
    %dma_wait3A_163 = tpu.memref_slice %arg4[%add3A_159] : memref<2000000xi32, #tpu.memory_space<hbm>> -> memref<16384xi32, #tpu.memory_space<hbm>>
    %dma_wait3A_164 = arith.constant 0 : i32
    %dma_wait3A_165 = tpu.memref_slice %arg5[%dma_wait3A_164] : memref<62624xi32, #tpu.memory_space<vmem>> -> memref<16384xi32, #tpu.memory_space<vmem>>
    tpu.wait_dma2 semaphore(%arg11 : memref<!tpu.dma_semaphore, #tpu.memory_space<semaphore_mem>>) src(%dma_wait3A_165 : memref<16384xi32, #tpu.memory_space<vmem>>) dst(%dma_wait3A_163 : memref<16384xi32, #tpu.memory_space<hbm>>)
    %add3A_166 = arith.constant 16384 : i32
    %add3A_167 = arith.addi %mul3A_2, %add3A_166 : i32
    %dma_wait3A_168 = arith.constant 16384 : i32
    %dma_wait3A_169 = tpu.memref_slice %arg5[%dma_wait3A_168] : memref<62624xi32, #tpu.memory_space<vmem>> -> memref<16384xi32, #tpu.memory_space<vmem>>
    %dma_wait3A_170 = tpu.memref_slice %arg4[%add3A_167] : memref<2000000xi32, #tpu.memory_space<hbm>> -> memref<16384xi32, #tpu.memory_space<hbm>>
    %dma_wait3A_171 = tpu.memref_slice %arg4[%add3A_167] : memref<2000000xi32, #tpu.memory_space<hbm>> -> memref<16384xi32, #tpu.memory_space<hbm>>
    %dma_wait3A_172 = arith.constant 16384 : i32
    %dma_wait3A_173 = tpu.memref_slice %arg5[%dma_wait3A_172] : memref<62624xi32, #tpu.memory_space<vmem>> -> memref<16384xi32, #tpu.memory_space<vmem>>
    tpu.wait_dma2 semaphore(%arg12 : memref<!tpu.dma_semaphore, #tpu.memory_space<semaphore_mem>>) src(%dma_wait3A_173 : memref<16384xi32, #tpu.memory_space<vmem>>) dst(%dma_wait3A_171 : memref<16384xi32, #tpu.memory_space<hbm>>)
    %add3A_174 = arith.constant 32768 : i32
    %add3A_175 = arith.addi %mul3A_2, %add3A_174 : i32
    %dma_wait3A_176 = arith.constant 32768 : i32
    %dma_wait3A_177 = tpu.memref_slice %arg5[%dma_wait3A_176] : memref<62624xi32, #tpu.memory_space<vmem>> -> memref<16384xi32, #tpu.memory_space<vmem>>
    %dma_wait3A_178 = tpu.memref_slice %arg4[%add3A_175] : memref<2000000xi32, #tpu.memory_space<hbm>> -> memref<16384xi32, #tpu.memory_space<hbm>>
    %dma_wait3A_179 = tpu.memref_slice %arg4[%add3A_175] : memref<2000000xi32, #tpu.memory_space<hbm>> -> memref<16384xi32, #tpu.memory_space<hbm>>
    %dma_wait3A_180 = arith.constant 32768 : i32
    %dma_wait3A_181 = tpu.memref_slice %arg5[%dma_wait3A_180] : memref<62624xi32, #tpu.memory_space<vmem>> -> memref<16384xi32, #tpu.memory_space<vmem>>
    tpu.wait_dma2 semaphore(%arg13 : memref<!tpu.dma_semaphore, #tpu.memory_space<semaphore_mem>>) src(%dma_wait3A_181 : memref<16384xi32, #tpu.memory_space<vmem>>) dst(%dma_wait3A_179 : memref<16384xi32, #tpu.memory_space<hbm>>)
    %add3A_182 = arith.constant 49152 : i32
    %add3A_183 = arith.addi %mul3A_2, %add3A_182 : i32
    %dma_wait3A_184 = arith.constant 49152 : i32
    %dma_wait3A_185 = tpu.memref_slice %arg5[%dma_wait3A_184] : memref<62624xi32, #tpu.memory_space<vmem>> -> memref<13344xi32, #tpu.memory_space<vmem>>
    %dma_wait3A_186 = tpu.memref_slice %arg4[%add3A_183] : memref<2000000xi32, #tpu.memory_space<hbm>> -> memref<13344xi32, #tpu.memory_space<hbm>>
    %dma_wait3A_187 = tpu.memref_slice %arg4[%add3A_183] : memref<2000000xi32, #tpu.memory_space<hbm>> -> memref<13344xi32, #tpu.memory_space<hbm>>
    %dma_wait3A_188 = arith.constant 49152 : i32
    %dma_wait3A_189 = tpu.memref_slice %arg5[%dma_wait3A_188] : memref<62624xi32, #tpu.memory_space<vmem>> -> memref<13344xi32, #tpu.memory_space<vmem>>
    tpu.wait_dma2 semaphore(%arg14 : memref<!tpu.dma_semaphore, #tpu.memory_space<semaphore_mem>>) src(%dma_wait3A_189 : memref<13344xi32, #tpu.memory_space<vmem>>) dst(%dma_wait3A_187 : memref<13344xi32, #tpu.memory_space<hbm>>)
    return
  }
}

module attributes {stable_mosaic.version = 14 : i64} {
  func.func @_rank_body(%arg0: memref<32x1024xi32, #tpu.memory_space<vmem>>, %arg1: memref<1x1024xf32, #tpu.memory_space<vmem>>, %arg2: memref<1024x1xf32, #tpu.memory_space<vmem>>, %arg3: memref<1024x16xi32, #tpu.memory_space<vmem>>) attributes {dimension_semantics = [], scalar_prefetch = 0 : i64, scratch_operands = 0 : i64, tpu.core_type = #tpu.core_type<tc>} {
    %get3A = arith.constant 0 : index
    %get3A_0 = arith.constant 0 : index
    %get3A_1 = vector.load %arg0[%get3A, %get3A_0] : memref<32x1024xi32, #tpu.memory_space<vmem>>, vector<32x1024xi32>
    %reduce_sum3A = arith.constant dense<0> : vector<1024xi32>
    %reduce_sum3A_2 = vector.multi_reduction <add>, %get3A_1, %reduce_sum3A [0] : vector<32x1024xi32> to vector<1024xi32>
    %broadcast_in_dim3A = vector.shape_cast %reduce_sum3A_2 : vector<1024xi32> to vector<1x1024xi32>
    %gt3A = arith.constant 0 : i32
    %gt3A_3 = vector.broadcast %gt3A : i32 to vector<1x1024xi32>
    %gt3A_4 = arith.cmpi sgt, %broadcast_in_dim3A, %gt3A_3 : vector<1x1024xi32>
    %convert_element_type3A = arith.extui %gt3A_4 : vector<1x1024xi1> to vector<1x1024xi32>
    %convert_element_type3A_5 = arith.sitofp %convert_element_type3A : vector<1x1024xi32> to vector<1x1024xf32>
    %iota3A = tpu.iota {dimensions = array<i32: 1>} : vector<1x1024xi32>
    %gt3A_6 = arith.constant 0.000000e+00 : f32
    %gt3A_7 = vector.broadcast %gt3A_6 : f32 to vector<1x1024xf32>
    %gt3A_8 = arith.cmpf ogt, %convert_element_type3A_5, %gt3A_7 : vector<1x1024xf32>
    %add3A = arith.constant 1 : i32
    %add3A_9 = vector.broadcast %add3A : i32 to vector<1x1024xi32>
    %add3A_10 = arith.addi %iota3A, %add3A_9 : vector<1x1024xi32>
    %jit3A = arith.constant 0 : i32
    %broadcast_in_dim3A_11 = vector.broadcast %jit3A : i32 to vector<1x1024xi32>
    %select_n3A = arith.select %gt3A_8, %add3A_10, %broadcast_in_dim3A_11 : vector<1x1024xi1>, vector<1x1024xi32>
    %reduce_max3A = vector.shape_cast %select_n3A : vector<1x1024xi32> to vector<1x1x1024xi32>
    %reduce_max3A_12 = arith.constant dense<-2147483648> : vector<1xi32>
    %reduce_max3A_13 = vector.multi_reduction <maxsi>, %reduce_max3A, %reduce_max3A_12 [1, 2] : vector<1x1x1024xi32> to vector<1xi32>
    %reduce_max3A_14 = vector.shape_cast %reduce_max3A_13 : vector<1xi32> to vector<1x1x1xi32>
    %reduce_max3A_15 = vector.extract %reduce_max3A_14[0, 0, 0] : i32 from vector<1x1x1xi32>
    %iota3A_16 = tpu.iota {dimensions = array<i32: 0>} : vector<1024x1024xi32>
    %iota3A_17 = tpu.iota {dimensions = array<i32: 1>} : vector<1024x1024xi32>
    %eq3A = arith.cmpi eq, %iota3A_16, %iota3A_17 : vector<1024x1024xi32>
    %convert_element_type3A_18 = arith.extui %eq3A : vector<1024x1024xi1> to vector<1024x1024xi32>
    %convert_element_type3A_19 = arith.sitofp %convert_element_type3A_18 : vector<1024x1024xi32> to vector<1024x1024xf32>
    %dot_general3A = arith.constant dense<0.000000e+00> : vector<1024x1xf32>
    %dot_general3A_20 = tpu.matmul %convert_element_type3A_19, %convert_element_type3A_5, %dot_general3A {dimension_numbers = #tpu.dot_dimension_numbers<[1], [1], [0], [0], [0, 0, 1, 0], [], []>, transpose_lhs_hint = false} : vector<1024x1024xf32>, vector<1x1024xf32>, vector<1024x1xf32> -> vector<1024x1xf32>
    %eq3A_21 = arith.constant 0.000000e+00 : f32
    %eq3A_22 = vector.broadcast %eq3A_21 : f32 to vector<1x1024xf32>
    %eq3A_23 = arith.cmpf oeq, %convert_element_type3A_5, %eq3A_22 : vector<1x1024xf32>
    %lt3A = vector.broadcast %reduce_max3A_15 : i32 to vector<1x1024xi32>
    %lt3A_24 = arith.cmpi slt, %iota3A, %lt3A : vector<1x1024xi32>
    %and3A = arith.andi %eq3A_23, %lt3A_24 : vector<1x1024xi1>
    %get3A_25 = arith.constant 0 : index
    %get3A_26 = arith.constant 0 : index
    %get3A_27 = vector.load %arg1[%get3A_25, %get3A_26] : memref<1x1024xf32, #tpu.memory_space<vmem>>, vector<1x1024xf32>
    %jit3A_28 = arith.constant 0x7F800000 : f32
    %broadcast_in_dim3A_29 = vector.broadcast %jit3A_28 : f32 to vector<1x1024xf32>
    %select_n3A_30 = arith.select %and3A, %broadcast_in_dim3A_29, %get3A_27 : vector<1x1024xi1>, vector<1x1024xf32>
    %iota3A_31 = tpu.iota {dimensions = array<i32: 0>} : vector<1024x1xi32>
    %eq3A_32 = arith.constant 0.000000e+00 : f32
    %eq3A_33 = vector.broadcast %eq3A_32 : f32 to vector<1024x1xf32>
    %eq3A_34 = arith.cmpf oeq, %dot_general3A_20, %eq3A_33 : vector<1024x1xf32>
    %lt3A_35 = vector.broadcast %reduce_max3A_15 : i32 to vector<1024x1xi32>
    %lt3A_36 = arith.cmpi slt, %iota3A_31, %lt3A_35 : vector<1024x1xi32>
    %and3A_37 = arith.andi %eq3A_34, %lt3A_36 : vector<1024x1xi1>
    %get3A_38 = arith.constant 0 : index
    %get3A_39 = arith.constant 0 : index
    %get3A_40 = vector.load %arg2[%get3A_38, %get3A_39] : memref<1024x1xf32, #tpu.memory_space<vmem>>, vector<1024x1xf32>
    %jit3A_41 = arith.constant 0x7F800000 : f32
    %broadcast_in_dim3A_42 = vector.broadcast %jit3A_41 : f32 to vector<1024x1xf32>
    %select_n3A_43 = arith.select %and3A_37, %broadcast_in_dim3A_42, %get3A_40 : vector<1024x1xi1>, vector<1024x1xf32>
    %lt3A_44 = vector.broadcast %select_n3A_30 : vector<1x1024xf32> to vector<1024x1024xf32>
    %lt3A_45 = vector.broadcast %select_n3A_43 : vector<1024x1xf32> to vector<1024x1024xf32>
    %lt3A_46 = arith.cmpf olt, %lt3A_44, %lt3A_45 : vector<1024x1024xf32>
    %eq3A_47 = vector.broadcast %select_n3A_30 : vector<1x1024xf32> to vector<1024x1024xf32>
    %eq3A_48 = vector.broadcast %select_n3A_43 : vector<1024x1xf32> to vector<1024x1024xf32>
    %eq3A_49 = arith.cmpf oeq, %eq3A_47, %eq3A_48 : vector<1024x1024xf32>
    %lt3A_50 = arith.cmpi slt, %iota3A_17, %iota3A_16 : vector<1024x1024xi32>
    %and3A_51 = arith.andi %eq3A_49, %lt3A_50 : vector<1024x1024xi1>
    %or3A = arith.ori %lt3A_46, %and3A_51 : vector<1024x1024xi1>
    %convert_element_type3A_52 = arith.extui %or3A : vector<1024x1024xi1> to vector<1024x1024xi32>
    %reduce_sum3A_53 = arith.constant dense<0> : vector<1024xi32>
    %reduce_sum3A_54 = vector.multi_reduction <add>, %convert_element_type3A_52, %reduce_sum3A_53 [1] : vector<1024x1024xi32> to vector<1024xi32>
    %broadcast_in_dim3A_55 = vector.shape_cast %reduce_sum3A_54 : vector<1024xi32> to vector<1024x1xi32>
    %add3A_56 = arith.constant 1 : i32
    %add3A_57 = vector.broadcast %add3A_56 : i32 to vector<1024x1xi32>
    %add3A_58 = arith.addi %broadcast_in_dim3A_55, %add3A_57 : vector<1024x1xi32>
    %broadcast_in_dim3A_59 = vector.shape_cast %add3A_58 : vector<1024x1xi32> to vector<1024x1xi32>
    %broadcast_in_dim3A_60 = vector.broadcast %broadcast_in_dim3A_59 : vector<1024x1xi32> to vector<1024x16xi32>
    %swap3A = arith.constant 0 : index
    %swap3A_61 = arith.constant 0 : index
    %swap3A_62 = vector.load %arg3[%swap3A, %swap3A_61] : memref<1024x16xi32, #tpu.memory_space<vmem>>, vector<1024x16xi32>
    tpu.vector_store %arg3[%swap3A, %swap3A_61], %broadcast_in_dim3A_60 {strides = array<i32>} : memref<1024x16xi32, #tpu.memory_space<vmem>>, vector<1024x16xi32>,
    return
  }
}

</mosaic_0001>

<sc_bundles>
// kernel: kernel.5.cloned.1.call-start
scs
__scs_entry_jumppad:
0x0: {  	(pc) =	sbr.rel $0x88, $3  }
0x1: {  	(tag) =	ssettag $0x0;
	lr =	simm.s32 $0x1  }
0x2: {  	[smem:$0x3F9F] =	sst lr;
	_ =	strace $0xD0000000  }
0x3: {  	_ = 	snop  }
0x4: {  	_ = 	snop  }
0x5: {  	_ = 	snop  }
0x6: {  	_ = 	snop  }
0x7: {  	_ = 	snop  }
__scs_overlays_trampoline_lowered:
0x8: {  	[smem:$0x3FAE] =	sst s0  }
0x9: {  	[smem:$0x3FAF] =	sst s1  }
0xa: {  	[smem:$0x3FB0] =	sst s2  }
0xb: {  	[smem:$0x3FB1] =	sst s3  }
0xc: {  	[smem:$0x3FB2] =	sst s4  }
0xd: {  	[smem:$0x3FB3] =	sst s5  }
0xe: {  	[smem:$0x3FB4] =	sst s6  }
0xf: {  	[smem:$0x3FB5] =	sst s7  }
0x10: {  	[smem:$0x3FB6] =	sst s8  }
0x11: {  	[smem:$0x3FB7] =	sst s9;
	s0 =	simm.s32 @!p0 $0x0  }
0x12: {  	s1 =	sld [smem:$0x3F9D];
	s0 =	simm.s32 @p0 $0x1  }
0x13: {  	[smem:$0x3FB8] =	sst s0;
	s0 =	simm.s32 @!p1 $0x0  }
0x14: {  	s2 =	sld [smem:$0x3F9C];
	s0 =	simm.s32 @p1 $0x1  }
0x15: {  	[smem:$0x3FB9] =	sst s0;
	s0 =	simm.s32 @!p2 $0x0  }
0x16: {  	s3 =	sld [smem:$0x3FDB];
	s0 =	simm.s32 @p2 $0x1  }
0x17: {  	s4 =	simm.s32 $0x1BF5;
	[smem:$0x3FBB] =	sst s0  }
0x18: {  	s0 =	sld [smem:$0x3F9E];
	_ =	swait.ge [sflag:s4], $0x0  }
0x19: {  	s7 =	sld [smem:$0x3F9F]  }
0x1a: {  	s8 =	sadd.s32 $0xFFFFE003, lr  }
0x1b: {  	s9 =	sadd.s32 $0xFFFFFEF7, lr;
	s5 =	simm.s32 $0xFFFFFFFF;
	p2 =	slt.u32 s8, $0xFFFFF086  }
0x1c: {  	p1 =	slt.u32 s9, $0xF7A;
	s5 =	simm.s32 @!p2 $0x0  }
0x1d: {  	s5 =	simm.s32 @p1 $0x1;
	p0 =	seq.s32 s7, s2  }
0x1e: {  	s7 =	smul.u32 @!p0 $0xF7A, s2;
	p2 =	seq.s32 @!p0 s5, $0x0  }
0x1f: {  	s9 =	smul.u32 $0xF7A, s1;
	s8 =	simm.s32 @!p0 $0x1BF5;
	p2 =	por !p2, p0  }
0x20: {  	[sflag:s8] =	ssyncset.s32 @!p0 $0xFFFFF086;
	s6 =	sadd.s32 @!p0 s3, s7;
	s7 =	simm.s32 @!p0 $0x108  }
0x21: {  	s3 =	sadd.s32 s3, s9;
	s6 =	sadd.s32 @!p0 $0x88, s6;
	s7 =	simm.s32 @p2 $0x1082  }
0x22: {  	[simem:s7], [sflag:s8] =	dma.local @!p0 [hbm:s6], $0xF7A  }
0x23: {  	s9 =	sor.u32 $0xD0000000, s2;
	s6 =	simm.s32 $0x108;
	_ =	swait.ge @!p0 [sflag:s8], $0x0  }
0x24: {  	s3 =	sadd.s32 $0x88, s3;
	s6 =	simm.s32 @!p1 $0x1082;
	[sflag:s4] =	ssyncset.s32 $0xFFFFF086  }
0x25: {  	[simem:s6], [sflag:s4] =	dma.local [hbm:s3], $0xF7A  }
0x26: {  	[smem:$0x3F9F] =	sst s1;
	(tag) =	ssettag s2;
	_ =	strace s9  }
0x27: {  	s1 =	sld [smem:$0x3FAF]  }
0x28: {  	s2 =	sld [smem:$0x3FB0]  }
0x29: {  	s4 =	sld [smem:$0x3FB2]  }
0x2a: {  	p0 =	seq.s32 s5, $0x0;
	s5 =	sld [smem:$0x3FB3]  }
0x2b: {  	s6 =	sld [smem:$0x3FB4]  }
0x2c: {  	s7 =	sld [smem:$0x3FB5]  }
0x2d: {  	s3 =	simm.s32 $0x108;
	s8 =	sld [smem:$0x3FB6]  }
0x2e: {  	s3 =	simm.s32 @!p0 $0x1082;
	s9 =	sld [smem:$0x3FB7]  }
0x2f: {  	lr =	sadd.s32 s0, s3;
	s0 =	sld [smem:$0x3FAE]  }
0x30: {  	s3 =	sld [smem:$0x3FB1]  }
0x31: {  	[smem:$0x3FBA] =	sst s10  }
0x32: {  	s10 =	sld [smem:$0x3FB8];
	_ =	sdelay $0x3  }
0x33: {  	p0 =	seq.s32 s10, $0x1;
	s10 =	sld [smem:$0x3FBA];
	_ =	sdelay $0x3  }
0x34: {  	[smem:$0x3FBA] =	sst s10  }
0x35: {  	s10 =	sld [smem:$0x3FB9];
	_ =	sdelay $0x3  }
0x36: {  	p1 =	seq.s32 s10, $0x1;
	s10 =	sld [smem:$0x3FBA];
	_ =	sdelay $0x3  }
0x37: {  	[smem:$0x3FBA] =	sst s10  }
0x38: {  	s10 =	sld [smem:$0x3FBB]  }
0x39: {  	_ = 	snop;
	(pc) =	sbr.ind lr, $3  }
0x3a: {  	_ = 	snop  }
0x3b: {  	_ = 	snop  }
0x3c: {  	p2 =	seq.s32 s10, $0x1;
	s10 =	sld [smem:$0x3FBA]  }
0x3d: {  	_ =	shalt  }
0x3e: {  	_ =	shalt  }
0x3f: {  	_ =	shalt  }
0x40: {  	_ =	shalt  }
0x41: {  	_ =	shalt  }
0x42: {  	_ =	shalt  }
0x43: {  	_ =	shalt  }
0x44: {  	_ =	shalt  }
0x45: {  	_ =	shalt  }
0x46: {  	_ =	shalt  }
0x47: {  	_ =	shalt  }
0x48: {  	_ =	shalt  }
0x49: {  	_ =	shalt  }
0x4a: {  	_ =	shalt  }
0x4b: {  	_ =	shalt  }
0x4c: {  	_ =	shalt  }
0x4d: {  	_ =	shalt  }
0x4e: {  	_ =	shalt  }
0x4f: {  	_ =	shalt  }
0x50: {  	_ =	shalt  }
0x51: {  	_ =	shalt  }
0x52: {  	_ =	shalt  }
0x53: {  	_ =	shalt  }
0x54: {  	_ =	shalt  }
0x55: {  	_ =	shalt  }
0x56: {  	_ =	shalt  }
0x57: {  	_ =	shalt  }
0x58: {  	_ =	shalt  }
0x59: {  	_ =	shalt  }
0x5a: {  	_ =	shalt  }
0x5b: {  	_ =	shalt  }
0x5c: {  	_ =	shalt  }
0x5d: {  	_ =	shalt  }
0x5e: {  	_ =	shalt  }
0x5f: {  	_ =	shalt  }
0x60: {  	_ =	shalt  }
0x61: {  	_ =	shalt  }
0x62: {  	_ =	shalt  }
0x63: {  	_ =	shalt  }
0x64: {  	_ =	shalt  }
0x65: {  	_ =	shalt  }
0x66: {  	_ =	shalt  }
0x67: {  	_ =	shalt  }
0x68: {  	_ =	shalt  }
0x69: {  	_ =	shalt  }
0x6a: {  	_ =	shalt  }
0x6b: {  	_ =	shalt  }
0x6c: {  	_ =	shalt  }
0x6d: {  	_ =	shalt  }
0x6e: {  	_ =	shalt  }
0x6f: {  	_ =	shalt  }
0x70: {  	_ =	shalt  }
0x71: {  	_ =	shalt  }
0x72: {  	_ =	shalt  }
0x73: {  	_ =	shalt  }
0x74: {  	_ =	shalt  }
0x75: {  	_ =	shalt  }
0x76: {  	_ =	shalt  }
0x77: {  	_ =	shalt  }
0x78: {  	_ =	shalt  }
0x79: {  	_ =	shalt  }
0x7a: {  	_ =	shalt  }
0x7b: {  	_ =	shalt  }
0x7c: {  	_ =	shalt  }
0x7d: {  	_ =	shalt  }
0x7e: {  	_ =	shalt  }
0x7f: {  	_ =	shalt  }
0x80: {  	_ =	shalt  }
0x81: {  	_ =	shalt  }
0x82: {  	_ =	shalt  }
0x83: {  	_ =	shalt  }
0x84: {  	_ =	shalt  }
0x85: {  	_ =	shalt  }
0x86: {  	_ =	shalt  }
0x87: {  	_ =	shalt  }
.Lfunc_end0:
.L_simem_size_0:
called_computation_lowered:
.L_overlay_start_0:
0x88: {  	s2 =	sld [smem:$0x3FD9]  }
0x89: {  	s3 =	sld [smem:$0x3FFE];
	_ =	sdelay $0x1  }
0x8a: {  	s1 =	srdreg.scid  }
0x8b: {  	s0 =	sand.u32 $0x1, s1  }
0x8c: {  	s18 =	sshll.u32 s0, $0xA;
	s2 =	sadd.s32 s3, s2  }
0x8d: {  	s2 =	sadd.s32 s2, s18  }
0x8e: {  	[smem:$0x3FC6] =	sst s2  }
0x8f: {  	_ = 	snop  }
0x90: {  	s2 =	sld [smem:$0x3FC9]  }
0x91: {  	s19 =	sld [smem:$0x3FD0];
	(tm) =	ssettm $0x1  }
0x92: {  	s4 =	sld [smem:$0x3FFB];
	_ =	sdelay $0x3  }
0x93: {  	_ =	strace s4  }
0x94: {  	s4 =	sld [smem:$0x3FFC];
	_ =	sdelay $0x3  }
0x95: {  	_ =	strace s4  }
0x96: {  	s4 =	sld [smem:$0x3FFD];
	_ =	sdelay $0x3  }
0x97: {  	_ =	strace s4  }
0x98: {  	_ =	strace $0x8FFFFFFF  }
0x99: {  	s20 =	sld [smem:$0x3FDB];
	_ =	sdelay $0x1  }
0x9a: {  	s5 =	simm.s32 $_scs_section_size  }
0x9b: {  	s6 =	simm.s32 $_size__tile_overlayer_lowered;
	s7 =	simm.s32 $_tile_overlayer_lowered  }
0x9c: {  	s23 =	simm.s32 $0x1BFF;
	s22 =	sshll.u32 s7, $0x1;
	s4 =	sadd.s32 s5, s20  }
0x9d: {  	s8 =	simm.s32 $0x0;
	s21 =	sshll.u32 s6, $0x1;
	s6 =	sadd.s32 s22, s4  }
0x9e: {  	[timem:s8], [sflag:s23] =	dma.local [hbm:s6], s21  }
0x9f: {  	_ =	swait.ge [sflag:s23], s21  }
0xa0: {  	s5 =	ssub.s32 $0x0, s21;
	[sflag:s23] =	ssyncset.done $0x0  }
0xa1: {  	[sflag:s23] =	ssyncadd.s32 s5;
	_ =	sdelay $0x1  }
0xa2: {  	s24 =	simm.s32 $0x1B8B  }
0xa3: {  	_ =	swait.ge [sflag:s24], $0x1  }
0xa4: {  	[sflag:s24] =	ssyncset.done $0x0  }
0xa5: {  	s25 =	simm.s32 $0x1B8E;
	[sflag:s24] =	ssyncadd.s32 $0xFFFFFFFF  }
0xa6: {  	s26 =	simm.s32 $execute0_lowered;
	[smem:$0x3FD2] =	sst s25  }
0xa7: {  	s5 =	sshll.u32 s26, $0x1;
	_ =	strace $0x80000046;
	[dreg:$0x1] =	wrdreg $0xFFFFFFFF  }
0xa8: {  	s28 =	simm.s32 $_size_execute0_lowered;
	s4 =	sadd.s32 s4, s5;
	[dreg:$0x0] =	wrdreg $0x0  }
0xa9: {  	s5 =	sshll.u32 s28, $0x1;
	[dreg:$0x2] =	wrdreg s4  }
0xaa: {  	[dreg:$0x3] =	wrdreg s5  }
0xab: {  	[dreg:$0x4] =	wrdreg $0xC0  }
0xac: {  	_ =	task [dreg:s8], $0x5FFFF  }
0xad: {  	[dreg:$0x1] =	wrdreg $0xFFFFFFFF  }
0xae: {  	[dreg:$0x0] =	wrdreg $0x60  }
0xaf: {  	[dreg:$0x2] =	wrdreg s2  }
0xb0: {  	[dreg:$0x3] =	wrdreg s19  }
0xb1: {  	[dreg:$0x4] =	wrdreg $0x9  }
0xb2: {  	_ =	task.clear_ibuf [dreg:s8], $0x5FFFF;
	_ =	strace $0x90000046  }
0xb3: {  	s29 =	simm.s32 $0x9;
	_ =	strace $0x80000048  }
0xb4: {  	_ =	swait.ge [sflag:s29], $0x1  }
0xb5: {  	[sflag:s29] =	ssyncadd.s32 $0xFFFFFFFF  }
0xb6: {  	_ =	strace $0x90000048  }
0xb7: {  	_ =	sfence  }
0xb8: {  	s30 =	sld [smem:$0x0];
	_ =	sdelay $0x2  }
0xb9: {  	s31 =	sshll.u32 s1, $0xD;
	s1 =	sshrl.u32 s1, $0x2  }
0xba: {  	s3 =	sand.u32 $0x4000, s31;
	s1 =	sadd.s32 s1, s30  }
0xbb: {  	s0 =	sor.u32 s3, s0;
	s1 =	sshll.u32 s1, $0x11  }
0xbc: {  	s0 =	sor.u32 s1, s0  }
0xbd: {  	s0 =	sadd.s32 $0x8F2B, s0  }
0xbe: {  	[sflag:s0] =	ssyncadd.remote.s32 $0x1  }
0xbf: {  	_ =	sfence.sel $0xFFFF  }
0xc0: {  	[dreg:$0x0] =	wrdreg $0xFFFFFFFF;
	(pc) =	sbr.abs _section_cstart, $3  }
0xc1: {  	[dreg:$0x1] =	wrdreg $0xFFFFFFFF  }
0xc2: {  	_ =	task.clear_ibuf [dreg:s8], $0x2FFFF;
	_ =	strace $0x9FFFFFFF  }
0xc3: {  	(tm) =	ssettm $0x7FFFFFFF  }
tec
execute0_lowered:
.L_overlay_start_1:
0x0: {  	(tag) =	ssettag $0x1  }
0x1: {  	s0 =	srdreg.scid  }
0x2: {  	s7 =	stileid.u32;
	s3 =	rddreg [dreg:$0x0]  }
0x3: {  	s9 =	rddreg [dreg:$0x1];
	s2 =	simm.s32 $0x0;
	s18 =	simm.s32 $0xC000  }
0x4: {  	s19 =	simm.s32 $0xE000;
	s20 =	simm.s32 $0x1;
	s21 =	simm.s32 $0xF500  }
0x5: {  	s22 =	simm.s32 $0xF900;
	s23 =	simm.s32 $0xFD00;
	s24 =	simm.s32 $0x10100  }
0x6: {  	s25 =	simm.s32 $0x2;
	s26 =	simm.s32 $0x3;
	s28 =	simm.s32 $0x4  }
0x7: {  	s29 =	simm.s32 $0x5;
	s30 =	simm.s32 $0x6;
	s31 =	simm.s32 $0x7  }
0x8: {  	s13 =	simm.s32 $0x400;
	s14 =	simm.s32 $0x9;
	s15 =	simm.s32 $0x0  }
0x9: {  	s0 =	sand.u32 $0x1, s0;
	s1 =	sshll.u32 s7, $0x1;
	[smem:$0x7FF] =	sst s2  }
0xa: {  	s8 =	sshll.u32 s7, $0x8;
	s1 =	sor.u32 s0, s1;
	s0 =	ssub.s32 $0x2, s0  }
0xb: {  	_ =	strace $0x80000047;
	s10 =	sand.u32 $0xC00, s8;
	s4 =	smul.u32 $0xF420, s1  }
0xc: {  	s5 =	sshrl.u32 s0, $0x1;
	s1 =	sshll.u32 s1, $0x4;
	s11 =	sadd.s32 s9, s10  }
0xd: {  	s0 =	ssub.s32 s0, s5;
	s1 =	sand.u32 $0x70, s1;
	s4 =	sshrl.u32 s4, $0x3  }
0xe: {  	s11 =	sadd.s32 s1, s11;
	s12 =	smax.u32 s0, $0x1;
	s3 =	sadd.s32 s3, s4  }
0xf: {  	s1 =	simm.s32 $0x8;
	s0 =	simm.s32 $0x80;
	s4 =	sadd.s32 $0x400, s3  }
0x10: {  	s5 =	sadd.s32 $0x800, s3;
	s6 =	sadd.s32 $0xC00, s3;
	s7 =	sadd.s32 $0x1000, s3  }
0x11: {  	v0 =	vimm.s32 $0x0;
	v1 =	vimm.s32 $0x1;
	s8 =	sadd.s32 $0x1400, s3;
	s9 =	sadd.s32 $0x1800, s3;
	s10 =	sadd.s32 $0x1C00, s3  }
.LBB2_1:
0x12: {  	[tilespmem:s2], [sflag:$0x1] =	stream.linear.gather [hbm4b:s3+s2], $0x2000, $0x38;
	[tilespmem:$0x10500] =	vst v63  }
0x13: {  	s16 =	simm.s32 $0x2000  }
0x14: {  	[tilespmem:s16], [sflag:$0x2] =	stream.linear.gather [hbm4b:s4+s2], $0x2000, $0x38;
	[tilespmem:$0x10500] =	vst v63  }
0x15: {  	s17 =	simm.s32 $0x4000  }
0x16: {  	[tilespmem:s17], [sflag:$0x3] =	stream.linear.gather [hbm4b:s5+s2], $0x2000, $0x38;
	[tilespmem:$0x10500] =	vst v63  }
0x17: {  	s17 =	simm.s32 $0x6000  }
0x18: {  	[tilespmem:s17], [sflag:$0x4] =	stream.linear.gather [hbm4b:s6+s2], $0x2000, $0x38;
	[tilespmem:$0x10500] =	vst v63  }
0x19: {  	s17 =	simm.s32 $0x8000  }
0x1a: {  	[tilespmem:s17], [sflag:$0x5] =	stream.linear.gather [hbm4b:s7+s2], $0x2000, $0x38;
	[tilespmem:$0x10500] =	vst v63  }
0x1b: {  	s17 =	simm.s32 $0xA000  }
0x1c: {  	[tilespmem:s17], [sflag:$0x6] =	stream.linear.gather [hbm4b:s8+s2], $0x2000, $0x38;
	[tilespmem:$0x10500] =	vst v63  }
0x1d: {  	_ = 	snop  }
0x1e: {  	[tilespmem:s18], [sflag:$0x7] =	stream.linear.gather [hbm4b:s9+s2], $0x2000, $0x38;
	[tilespmem:$0x10500] =	vst v63  }
0x1f: {  	_ = 	snop  }
0x20: {  	[tilespmem:s19], [sflag:$0x8] =	stream.linear.gather [hbm4b:s10+s2], $0x14A0, $0x38;
	[tilespmem:$0x10500] =	vst v63  }
0x21: {  	[tilespmem:$0xF500] =	vst v0  }
0x22: {  	[tilespmem:$0xF900] =	vst v0  }
0x23: {  	[tilespmem:$0xFD00] =	vst v0  }
0x24: {  	[tilespmem:$0x10100] =	vst v0  }
0x25: {  	[tilespmem:$0xF510] =	vst v0  }
0x26: {  	[tilespmem:$0xF910] =	vst v0  }
0x27: {  	[tilespmem:$0xFD10] =	vst v0  }
0x28: {  	[tilespmem:$0x10110] =	vst v0  }
0x29: {  	[tilespmem:$0xF520] =	vst v0  }
0x2a: {  	[tilespmem:$0xF920] =	vst v0  }
0x2b: {  	[tilespmem:$0xFD20] =	vst v0  }
0x2c: {  	[tilespmem:$0x10120] =	vst v0  }
0x2d: {  	[tilespmem:$0xF530] =	vst v0  }
0x2e: {  	[tilespmem:$0xF930] =	vst v0  }
0x2f: {  	[tilespmem:$0xFD30] =	vst v0  }
0x30: {  	[tilespmem:$0x10130] =	vst v0  }
0x31: {  	[tilespmem:$0xF540] =	vst v0  }
0x32: {  	[tilespmem:$0xF940] =	vst v0  }
0x33: {  	[tilespmem:$0xFD40] =	vst v0  }
0x34: {  	[tilespmem:$0x10140] =	vst v0  }
0x35: {  	[tilespmem:$0xF550] =	vst v0  }
0x36: {  	[tilespmem:$0xF950] =	vst v0  }
0x37: {  	[tilespmem:$0xFD50] =	vst v0  }
0x38: {  	[tilespmem:$0x10150] =	vst v0  }
0x39: {  	[tilespmem:$0xF560] =	vst v0  }
0x3a: {  	[tilespmem:$0xF960] =	vst v0  }
0x3b: {  	[tilespmem:$0xFD60] =	vst v0  }
0x3c: {  	[tilespmem:$0x10160] =	vst v0  }
0x3d: {  	[tilespmem:$0xF570] =	vst v0  }
0x3e: {  	[tilespmem:$0xF970] =	vst v0  }
0x3f: {  	[tilespmem:$0xFD70] =	vst v0  }
0x40: {  	[tilespmem:$0x10170] =	vst v0  }
0x41: {  	[tilespmem:$0xF580] =	vst v0  }
0x42: {  	[tilespmem:$0xF980] =	vst v0  }
0x43: {  	[tilespmem:$0xFD80] =	vst v0  }
0x44: {  	[tilespmem:$0x10180] =	vst v0  }
0x45: {  	[tilespmem:$0xF590] =	vst v0  }
0x46: {  	[tilespmem:$0xF990] =	vst v0  }
0x47: {  	[tilespmem:$0xFD90] =	vst v0  }
0x48: {  	[tilespmem:$0x10190] =	vst v0  }
0x49: {  	[tilespmem:$0xF5A0] =	vst v0  }
0x4a: {  	[tilespmem:$0xF9A0] =	vst v0  }
0x4b: {  	[tilespmem:$0xFDA0] =	vst v0  }
0x4c: {  	[tilespmem:$0x101A0] =	vst v0  }
0x4d: {  	[tilespmem:$0xF5B0] =	vst v0  }
0x4e: {  	[tilespmem:$0xF9B0] =	vst v0  }
0x4f: {  	[tilespmem:$0xFDB0] =	vst v0  }
0x50: {  	[tilespmem:$0x101B0] =	vst v0  }
0x51: {  	[tilespmem:$0xF5C0] =	vst v0  }
0x52: {  	[tilespmem:$0xF9C0] =	vst v0  }
0x53: {  	[tilespmem:$0xFDC0] =	vst v0  }
0x54: {  	[tilespmem:$0x101C0] =	vst v0  }
0x55: {  	[tilespmem:$0xF5D0] =	vst v0  }
0x56: {  	[tilespmem:$0xF9D0] =	vst v0  }
0x57: {  	[tilespmem:$0xFDD0] =	vst v0  }
0x58: {  	[tilespmem:$0x101D0] =	vst v0  }
0x59: {  	[tilespmem:$0xF5E0] =	vst v0  }
0x5a: {  	[tilespmem:$0xF9E0] =	vst v0  }
0x5b: {  	[tilespmem:$0xFDE0] =	vst v0  }
0x5c: {  	[tilespmem:$0x101E0] =	vst v0  }
0x5d: {  	[tilespmem:$0xF5F0] =	vst v0  }
0x5e: {  	[tilespmem:$0xF9F0] =	vst v0  }
0x5f: {  	[tilespmem:$0xFDF0] =	vst v0  }
0x60: {  	[tilespmem:$0x101F0] =	vst v0  }
0x61: {  	[tilespmem:$0xF600] =	vst v0  }
0x62: {  	[tilespmem:$0xFA00] =	vst v0  }
0x63: {  	[tilespmem:$0xFE00] =	vst v0  }
0x64: {  	[tilespmem:$0x10200] =	vst v0  }
0x65: {  	[tilespmem:$0xF610] =	vst v0  }
0x66: {  	[tilespmem:$0xFA10] =	vst v0  }
0x67: {  	[tilespmem:$0xFE10] =	vst v0  }
0x68: {  	[tilespmem:$0x10210] =	vst v0  }
0x69: {  	[tilespmem:$0xF620] =	vst v0  }
0x6a: {  	[tilespmem:$0xFA20] =	vst v0  }
0x6b: {  	[tilespmem:$0xFE20] =	vst v0  }
0x6c: {  	[tilespmem:$0x10220] =	vst v0  }
0x6d: {  	[tilespmem:$0xF630] =	vst v0  }
0x6e: {  	[tilespmem:$0xFA30] =	vst v0  }
0x6f: {  	[tilespmem:$0xFE30] =	vst v0  }
0x70: {  	[tilespmem:$0x10230] =	vst v0  }
0x71: {  	[tilespmem:$0xF640] =	vst v0  }
0x72: {  	[tilespmem:$0xFA40] =	vst v0  }
0x73: {  	[tilespmem:$0xFE40] =	vst v0  }
0x74: {  	[tilespmem:$0x10240] =	vst v0  }
0x75: {  	[tilespmem:$0xF650] =	vst v0  }
0x76: {  	[tilespmem:$0xFA50] =	vst v0  }
0x77: {  	[tilespmem:$0xFE50] =	vst v0  }
0x78: {  	[tilespmem:$0x10250] =	vst v0  }
0x79: {  	[tilespmem:$0xF660] =	vst v0  }
0x7a: {  	[tilespmem:$0xFA60] =	vst v0  }
0x7b: {  	[tilespmem:$0xFE60] =	vst v0  }
0x7c: {  	[tilespmem:$0x10260] =	vst v0  }
0x7d: {  	[tilespmem:$0xF670] =	vst v0  }
0x7e: {  	[tilespmem:$0xFA70] =	vst v0  }
0x7f: {  	[tilespmem:$0xFE70] =	vst v0  }
0x80: {  	[tilespmem:$0x10270] =	vst v0  }
0x81: {  	[tilespmem:$0xF680] =	vst v0  }
0x82: {  	[tilespmem:$0xFA80] =	vst v0  }
0x83: {  	[tilespmem:$0xFE80] =	vst v0  }
0x84: {  	[tilespmem:$0x10280] =	vst v0  }
0x85: {  	[tilespmem:$0xF690] =	vst v0  }
0x86: {  	[tilespmem:$0xFA90] =	vst v0  }
0x87: {  	[tilespmem:$0xFE90] =	vst v0  }
0x88: {  	[tilespmem:$0x10290] =	vst v0  }
0x89: {  	[tilespmem:$0xF6A0] =	vst v0  }
0x8a: {  	[tilespmem:$0xFAA0] =	vst v0  }
0x8b: {  	[tilespmem:$0xFEA0] =	vst v0  }
0x8c: {  	[tilespmem:$0x102A0] =	vst v0  }
0x8d: {  	[tilespmem:$0xF6B0] =	vst v0  }
0x8e: {  	[tilespmem:$0xFAB0] =	vst v0  }
0x8f: {  	[tilespmem:$0xFEB0] =	vst v0  }
0x90: {  	[tilespmem:$0x102B0] =	vst v0  }
0x91: {  	[tilespmem:$0xF6C0] =	vst v0  }
0x92: {  	[tilespmem:$0xFAC0] =	vst v0  }
0x93: {  	[tilespmem:$0xFEC0] =	vst v0  }
0x94: {  	[tilespmem:$0x102C0] =	vst v0  }
0x95: {  	[tilespmem:$0xF6D0] =	vst v0  }
0x96: {  	[tilespmem:$0xFAD0] =	vst v0  }
0x97: {  	[tilespmem:$0xFED0] =	vst v0  }
0x98: {  	[tilespmem:$0x102D0] =	vst v0  }
0x99: {  	[tilespmem:$0xF6E0] =	vst v0  }
0x9a: {  	[tilespmem:$0xFAE0] =	vst v0  }
0x9b: {  	[tilespmem:$0xFEE0] =	vst v0  }
0x9c: {  	[tilespmem:$0x102E0] =	vst v0  }
0x9d: {  	[tilespmem:$0xF6F0] =	vst v0  }
0x9e: {  	[tilespmem:$0xFAF0] =	vst v0  }
0x9f: {  	[tilespmem:$0xFEF0] =	vst v0  }
0xa0: {  	[tilespmem:$0x102F0] =	vst v0  }
0xa1: {  	[tilespmem:$0xF700] =	vst v0  }
0xa2: {  	[tilespmem:$0xFB00] =	vst v0  }
0xa3: {  	[tilespmem:$0xFF00] =	vst v0  }
0xa4: {  	[tilespmem:$0x10300] =	vst v0  }
0xa5: {  	[tilespmem:$0xF710] =	vst v0  }
0xa6: {  	[tilespmem:$0xFB10] =	vst v0  }
0xa7: {  	[tilespmem:$0xFF10] =	vst v0  }
0xa8: {  	[tilespmem:$0x10310] =	vst v0  }
0xa9: {  	[tilespmem:$0xF720] =	vst v0  }
0xaa: {  	[tilespmem:$0xFB20] =	vst v0  }
0xab: {  	[tilespmem:$0xFF20] =	vst v0  }
0xac: {  	[tilespmem:$0x10320] =	vst v0  }
0xad: {  	[tilespmem:$0xF730] =	vst v0  }
0xae: {  	[tilespmem:$0xFB30] =	vst v0  }
0xaf: {  	[tilespmem:$0xFF30] =	vst v0  }
0xb0: {  	[tilespmem:$0x10330] =	vst v0  }
0xb1: {  	[tilespmem:$0xF740] =	vst v0  }
0xb2: {  	[tilespmem:$0xFB40] =	vst v0  }
0xb3: {  	[tilespmem:$0xFF40] =	vst v0  }
0xb4: {  	[tilespmem:$0x10340] =	vst v0  }
0xb5: {  	[tilespmem:$0xF750] =	vst v0  }
0xb6: {  	[tilespmem:$0xFB50] =	vst v0  }
0xb7: {  	[tilespmem:$0xFF50] =	vst v0  }
0xb8: {  	[tilespmem:$0x10350] =	vst v0  }
0xb9: {  	[tilespmem:$0xF760] =	vst v0  }
0xba: {  	[tilespmem:$0xFB60] =	vst v0  }
0xbb: {  	[tilespmem:$0xFF60] =	vst v0  }
0xbc: {  	[tilespmem:$0x10360] =	vst v0  }
0xbd: {  	[tilespmem:$0xF770] =	vst v0  }
0xbe: {  	[tilespmem:$0xFB70] =	vst v0  }
0xbf: {  	[tilespmem:$0xFF70] =	vst v0  }
0xc0: {  	[tilespmem:$0x10370] =	vst v0  }
0xc1: {  	[tilespmem:$0xF780] =	vst v0  }
0xc2: {  	[tilespmem:$0xFB80] =	vst v0  }
0xc3: {  	[tilespmem:$0xFF80] =	vst v0  }
0xc4: {  	[tilespmem:$0x10380] =	vst v0  }
0xc5: {  	[tilespmem:$0xF790] =	vst v0  }
0xc6: {  	[tilespmem:$0xFB90] =	vst v0  }
0xc7: {  	[tilespmem:$0xFF90] =	vst v0  }
0xc8: {  	[tilespmem:$0x10390] =	vst v0  }
0xc9: {  	[tilespmem:$0xF7A0] =	vst v0  }
0xca: {  	[tilespmem:$0xFBA0] =	vst v0  }
0xcb: {  	[tilespmem:$0xFFA0] =	vst v0  }
0xcc: {  	[tilespmem:$0x103A0] =	vst v0  }
0xcd: {  	[tilespmem:$0xF7B0] =	vst v0  }
0xce: {  	[tilespmem:$0xFBB0] =	vst v0  }
0xcf: {  	[tilespmem:$0xFFB0] =	vst v0  }
0xd0: {  	[tilespmem:$0x103B0] =	vst v0  }
0xd1: {  	[tilespmem:$0xF7C0] =	vst v0  }
0xd2: {  	[tilespmem:$0xFBC0] =	vst v0  }
0xd3: {  	[tilespmem:$0xFFC0] =	vst v0  }
0xd4: {  	[tilespmem:$0x103C0] =	vst v0  }
0xd5: {  	[tilespmem:$0xF7D0] =	vst v0  }
0xd6: {  	[tilespmem:$0xFBD0] =	vst v0  }
0xd7: {  	[tilespmem:$0xFFD0] =	vst v0  }
0xd8: {  	[tilespmem:$0x103D0] =	vst v0  }
0xd9: {  	[tilespmem:$0xF7E0] =	vst v0  }
0xda: {  	[tilespmem:$0xFBE0] =	vst v0  }
0xdb: {  	[tilespmem:$0xFFE0] =	vst v0  }
0xdc: {  	[tilespmem:$0x103E0] =	vst v0  }
0xdd: {  	[tilespmem:$0xF7F0] =	vst v0  }
0xde: {  	[tilespmem:$0xFBF0] =	vst v0  }
0xdf: {  	[tilespmem:$0xFFF0] =	vst v0  }
0xe0: {  	[tilespmem:$0x103F0] =	vst v0  }
0xe1: {  	[tilespmem:$0xF800] =	vst v0  }
0xe2: {  	[tilespmem:$0xFC00] =	vst v0  }
0xe3: {  	[tilespmem:$0x10000] =	vst v0  }
0xe4: {  	[tilespmem:$0x10400] =	vst v0  }
0xe5: {  	[tilespmem:$0xF810] =	vst v0  }
0xe6: {  	[tilespmem:$0xFC10] =	vst v0  }
0xe7: {  	[tilespmem:$0x10010] =	vst v0  }
0xe8: {  	[tilespmem:$0x10410] =	vst v0  }
0xe9: {  	[tilespmem:$0xF820] =	vst v0  }
0xea: {  	[tilespmem:$0xFC20] =	vst v0  }
0xeb: {  	[tilespmem:$0x10020] =	vst v0  }
0xec: {  	[tilespmem:$0x10420] =	vst v0  }
0xed: {  	[tilespmem:$0xF830] =	vst v0  }
0xee: {  	[tilespmem:$0xFC30] =	vst v0  }
0xef: {  	[tilespmem:$0x10030] =	vst v0  }
0xf0: {  	[tilespmem:$0x10430] =	vst v0  }
0xf1: {  	[tilespmem:$0xF840] =	vst v0  }
0xf2: {  	[tilespmem:$0xFC40] =	vst v0  }
0xf3: {  	[tilespmem:$0x10040] =	vst v0  }
0xf4: {  	[tilespmem:$0x10440] =	vst v0  }
0xf5: {  	[tilespmem:$0xF850] =	vst v0  }
0xf6: {  	[tilespmem:$0xFC50] =	vst v0  }
0xf7: {  	[tilespmem:$0x10050] =	vst v0  }
0xf8: {  	[tilespmem:$0x10450] =	vst v0  }
0xf9: {  	[tilespmem:$0xF860] =	vst v0  }
0xfa: {  	[tilespmem:$0xFC60] =	vst v0  }
0xfb: {  	[tilespmem:$0x10060] =	vst v0  }
0xfc: {  	[tilespmem:$0x10460] =	vst v0  }
0xfd: {  	[tilespmem:$0xF870] =	vst v0  }
0xfe: {  	[tilespmem:$0xFC70] =	vst v0  }
0xff: {  	[tilespmem:$0x10070] =	vst v0  }
0x100: {  	[tilespmem:$0x10470] =	vst v0  }
0x101: {  	[tilespmem:$0xF880] =	vst v0  }
0x102: {  	[tilespmem:$0xFC80] =	vst v0  }
0x103: {  	[tilespmem:$0x10080] =	vst v0  }
0x104: {  	[tilespmem:$0x10480] =	vst v0  }
0x105: {  	[tilespmem:$0xF890] =	vst v0  }
0x106: {  	[tilespmem:$0xFC90] =	vst v0  }
0x107: {  	[tilespmem:$0x10090] =	vst v0  }
0x108: {  	[tilespmem:$0x10490] =	vst v0  }
0x109: {  	[tilespmem:$0xF8A0] =	vst v0  }
0x10a: {  	[tilespmem:$0xFCA0] =	vst v0  }
0x10b: {  	[tilespmem:$0x100A0] =	vst v0  }
0x10c: {  	[tilespmem:$0x104A0] =	vst v0  }
0x10d: {  	[tilespmem:$0xF8B0] =	vst v0  }
0x10e: {  	[tilespmem:$0xFCB0] =	vst v0  }
0x10f: {  	[tilespmem:$0x100B0] =	vst v0  }
0x110: {  	[tilespmem:$0x104B0] =	vst v0  }
0x111: {  	[tilespmem:$0xF8C0] =	vst v0  }
0x112: {  	[tilespmem:$0xFCC0] =	vst v0  }
0x113: {  	[tilespmem:$0x100C0] =	vst v0  }
0x114: {  	[tilespmem:$0x104C0] =	vst v0  }
0x115: {  	[tilespmem:$0xF8D0] =	vst v0  }
0x116: {  	[tilespmem:$0xFCD0] =	vst v0  }
0x117: {  	[tilespmem:$0x100D0] =	vst v0  }
0x118: {  	[tilespmem:$0x104D0] =	vst v0  }
0x119: {  	[tilespmem:$0xF8E0] =	vst v0  }
0x11a: {  	[tilespmem:$0xFCE0] =	vst v0  }
0x11b: {  	[tilespmem:$0x100E0] =	vst v0  }
0x11c: {  	[tilespmem:$0x104E0] =	vst v0  }
0x11d: {  	[tilespmem:$0xF8F0] =	vst v0  }
0x11e: {  	[tilespmem:$0xFCF0] =	vst v0  }
0x11f: {  	[tilespmem:$0x100F0] =	vst v0  }
0x120: {  	[tilespmem:$0x104F0] =	vst v0  }
0x121: {  	_ =	swait.ge [sflag:s20], $0x2000  }
0x122: {  	[sflag:s20] =	ssyncset.done $0x0  }
0x123: {  	s16 =	simm.s32 $0xFFFFFFFE;
	s17 =	simm.s32 $0x40;
	[sflag:s20] =	ssyncadd.s32 $0xFFFFE000  }
.LBB2_2:
0x124: {  	v2 =	vld [tilespmem:s17+$0xFFFFFFC0]  }
0x125: {  	v3 =	vld [tilespmem:s17+$0xFFFFFFD0]  }
0x126: {  	v4 =	vld [tilespmem:s17+$0xFFFFFFE0]  }
0x127: {  	v5 =	vld [tilespmem:s17+$0xFFFFFFF0];
	_ =	sdelay $0x1  }
0x128: {  	v2 =	vadd.s32 $0xFFFFFFFF, v2  }
0x129: {  	v3 =	vadd.s32 $0xFFFFFFFF, v3  }
0x12a: {  	v4 =	vadd.s32 $0xFFFFFFFF, v4  }
0x12b: {  	v5 =	vadd.s32 $0xFFFFFFFF, v5;
	_ =	sdelay $0x1  }
0x12c: {  	[tilespmem:v2+s21+$0x0] =	vst.idx.msk $0xffff, v1  }
0x12d: {  	[tilespmem:v3+s22+$0x0] =	vst.idx.msk $0xffff, v1  }
0x12e: {  	[tilespmem:v4+s23+$0x0] =	vst.idx.msk $0xffff, v1  }
0x12f: {  	[tilespmem:v5+s24+$0x0] =	vst.idx.msk $0xffff, v1  }
0x130: {  	v2 =	vld [tilespmem:s17+$0x0]  }
0x131: {  	v3 =	vld [tilespmem:s17+$0x10]  }
0x132: {  	v4 =	vld [tilespmem:s17+$0x20]  }
0x133: {  	v5 =	vld [tilespmem:s17+$0x30];
	_ =	sdelay $0x1  }
0x134: {  	v2 =	vadd.s32 $0xFFFFFFFF, v2  }
0x135: {  	v3 =	vadd.s32 $0xFFFFFFFF, v3  }
0x136: {  	s16 =	sadd.s32 $0x2, s16;
	v4 =	vadd.s32 $0xFFFFFFFF, v4  }
0x137: {  	p0 =	slt.u32 s16, $0x7E;
	v5 =	vadd.s32 $0xFFFFFFFF, v5  }
.Ltmp0:
0x138: {  	_ = 	snop;
	(pc) =	sbr.rel @p0 .LBB2_2-.Ltmp0, $4  }
0x139: {  	[tilespmem:v2+s21+$0x0] =	vst.idx.msk $0xffff, v1  }
0x13a: {  	[tilespmem:v3+s22+$0x0] =	vst.idx.msk $0xffff, v1  }
0x13b: {  	[tilespmem:v4+s23+$0x0] =	vst.idx.msk $0xffff, v1  }
0x13c: {  	s17 =	sadd.s32 $0x80, s17;
	[tilespmem:v5+s24+$0x0] =	vst.idx.msk $0xffff, v1  }
0x13d: {  	_ =	swait.ge [sflag:s25], $0x2000  }
0x13e: {  	[sflag:s25] =	ssyncset.done $0x0  }
0x13f: {  	s16 =	simm.s32 $0xFFFFFFFE;
	s17 =	simm.s32 $0x2070;
	[sflag:s25] =	ssyncadd.s32 $0xFFFFE000  }
.LBB2_4:
0x140: {  	v2 =	vld [tilespmem:s17+$0xFFFFFF90]  }
0x141: {  	v3 =	vld [tilespmem:s17+$0xFFFFFFA0]  }
0x142: {  	v4 =	vld [tilespmem:s17+$0xFFFFFFB0]  }
0x143: {  	v5 =	vld [tilespmem:s17+$0xFFFFFFC0];
	_ =	sdelay $0x1  }
0x144: {  	v2 =	vadd.s32 $0xFFFFFFFF, v2  }
0x145: {  	v3 =	vadd.s32 $0xFFFFFFFF, v3  }
0x146: {  	v4 =	vadd.s32 $0xFFFFFFFF, v4  }
0x147: {  	v5 =	vadd.s32 $0xFFFFFFFF, v5;
	_ =	sdelay $0x1  }
0x148: {  	[tilespmem:v2+s21+$0x0] =	vst.idx.msk $0xffff, v1  }
0x149: {  	[tilespmem:v3+s22+$0x0] =	vst.idx.msk $0xffff, v1  }
0x14a: {  	[tilespmem:v4+s23+$0x0] =	vst.idx.msk $0xffff, v1  }
0x14b: {  	[tilespmem:v5+s24+$0x0] =	vst.idx.msk $0xffff, v1  }
0x14c: {  	v2 =	vld [tilespmem:s17+$0xFFFFFFD0]  }
0x14d: {  	v3 =	vld [tilespmem:s17+$0xFFFFFFE0]  }
0x14e: {  	v4 =	vld [tilespmem:s17+$0xFFFFFFF0]  }
0x14f: {  	v5 =	vld [tilespmem:s17+$0x0];
	_ =	sdelay $0x1  }
0x150: {  	v2 =	vadd.s32 $0xFFFFFFFF, v2  }
0x151: {  	v3 =	vadd.s32 $0xFFFFFFFF, v3  }
0x152: {  	s16 =	sadd.s32 $0x2, s16;
	v4 =	vadd.s32 $0xFFFFFFFF, v4  }
0x153: {  	p0 =	slt.u32 s16, $0x7E;
	v5 =	vadd.s32 $0xFFFFFFFF, v5  }
.Ltmp1:
0x154: {  	_ = 	snop;
	(pc) =	sbr.rel @p0 .LBB2_4-.Ltmp1, $4  }
0x155: {  	[tilespmem:v2+s21+$0x0] =	vst.idx.msk $0xffff, v1  }
0x156: {  	[tilespmem:v3+s22+$0x0] =	vst.idx.msk $0xffff, v1  }
0x157: {  	[tilespmem:v4+s23+$0x0] =	vst.idx.msk $0xffff, v1  }
0x158: {  	s17 =	sadd.s32 $0x80, s17;
	[tilespmem:v5+s24+$0x0] =	vst.idx.msk $0xffff, v1  }
0x159: {  	_ =	swait.ge [sflag:s26], $0x2000  }
0x15a: {  	[sflag:s26] =	ssyncset.done $0x0  }
0x15b: {  	s16 =	simm.s32 $0xFFFFFFFE;
	s17 =	simm.s32 $0x4000;
	[sflag:s26] =	ssyncadd.s32 $0xFFFFE000  }
.LBB2_6:
0x15c: {  	v2 =	vld [tilespmem:s17+$0x0]  }
0x15d: {  	v3 =	vld [tilespmem:s17+$0x10]  }
0x15e: {  	v4 =	vld [tilespmem:s17+$0x20]  }
0x15f: {  	v5 =	vld [tilespmem:s17+$0x30];
	_ =	sdelay $0x1  }
0x160: {  	v2 =	vadd.s32 $0xFFFFFFFF, v2  }
0x161: {  	v3 =	vadd.s32 $0xFFFFFFFF, v3  }
0x162: {  	v4 =	vadd.s32 $0xFFFFFFFF, v4  }
0x163: {  	v5 =	vadd.s32 $0xFFFFFFFF, v5;
	_ =	sdelay $0x1  }
0x164: {  	[tilespmem:v2+s21+$0x0] =	vst.idx.msk $0xffff, v1  }
0x165: {  	[tilespmem:v3+s22+$0x0] =	vst.idx.msk $0xffff, v1  }
0x166: {  	[tilespmem:v4+s23+$0x0] =	vst.idx.msk $0xffff, v1  }
0x167: {  	[tilespmem:v5+s24+$0x0] =	vst.idx.msk $0xffff, v1  }
0x168: {  	v2 =	vld [tilespmem:s17+$0x40]  }
0x169: {  	v3 =	vld [tilespmem:s17+$0x50]  }
0x16a: {  	v4 =	vld [tilespmem:s17+$0x60]  }
0x16b: {  	v5 =	vld [tilespmem:s17+$0x70];
	_ =	sdelay $0x1  }
0x16c: {  	v2 =	vadd.s32 $0xFFFFFFFF, v2  }
0x16d: {  	v3 =	vadd.s32 $0xFFFFFFFF, v3  }
0x16e: {  	s16 =	sadd.s32 $0x2, s16;
	v4 =	vadd.s32 $0xFFFFFFFF, v4  }
0x16f: {  	p0 =	slt.u32 s16, $0x7E;
	v5 =	vadd.s32 $0xFFFFFFFF, v5  }
.Ltmp2:
0x170: {  	_ = 	snop;
	(pc) =	sbr.rel @p0 .LBB2_6-.Ltmp2, $4  }
0x171: {  	[tilespmem:v2+s21+$0x0] =	vst.idx.msk $0xffff, v1  }
0x172: {  	[tilespmem:v3+s22+$0x0] =	vst.idx.msk $0xffff, v1  }
0x173: {  	[tilespmem:v4+s23+$0x0] =	vst.idx.msk $0xffff, v1  }
0x174: {  	s17 =	sadd.s32 $0x80, s17;
	[tilespmem:v5+s24+$0x0] =	vst.idx.msk $0xffff, v1  }
0x175: {  	_ =	swait.ge [sflag:s28], $0x2000  }
0x176: {  	[sflag:s28] =	ssyncset.done $0x0  }
0x177: {  	s16 =	simm.s32 $0xFFFFFFFE;
	s17 =	simm.s32 $0x6000;
	[sflag:s28] =	ssyncadd.s32 $0xFFFFE000  }
.LBB2_8:
0x178: {  	v2 =	vld [tilespmem:s17+$0x0]  }
0x179: {  	v3 =	vld [tilespmem:s17+$0x10]  }
0x17a: {  	v4 =	vld [tilespmem:s17+$0x20]  }
0x17b: {  	v5 =	vld [tilespmem:s17+$0x30];
	_ =	sdelay $0x1  }
0x17c: {  	v2 =	vadd.s32 $0xFFFFFFFF, v2  }
0x17d: {  	v3 =	vadd.s32 $0xFFFFFFFF, v3  }
0x17e: {  	v4 =	vadd.s32 $0xFFFFFFFF, v4  }
0x17f: {  	v5 =	vadd.s32 $0xFFFFFFFF, v5;
	_ =	sdelay $0x1  }
0x180: {  	[tilespmem:v2+s21+$0x0] =	vst.idx.msk $0xffff, v1  }
0x181: {  	[tilespmem:v3+s22+$0x0] =	vst.idx.msk $0xffff, v1  }
0x182: {  	[tilespmem:v4+s23+$0x0] =	vst.idx.msk $0xffff, v1  }
0x183: {  	[tilespmem:v5+s24+$0x0] =	vst.idx.msk $0xffff, v1  }
0x184: {  	v2 =	vld [tilespmem:s17+$0x40]  }
0x185: {  	v3 =	vld [tilespmem:s17+$0x50]  }
0x186: {  	v4 =	vld [tilespmem:s17+$0x60]  }
0x187: {  	v5 =	vld [tilespmem:s17+$0x70];
	_ =	sdelay $0x1  }
0x188: {  	v2 =	vadd.s32 $0xFFFFFFFF, v2  }
0x189: {  	v3 =	vadd.s32 $0xFFFFFFFF, v3  }
0x18a: {  	s16 =	sadd.s32 $0x2, s16;
	v4 =	vadd.s32 $0xFFFFFFFF, v4  }
0x18b: {  	p0 =	slt.u32 s16, $0x7E;
	v5 =	vadd.s32 $0xFFFFFFFF, v5  }
.Ltmp3:
0x18c: {  	_ = 	snop;
	(pc) =	sbr.rel @p0 .LBB2_8-.Ltmp3, $4  }
0x18d: {  	[tilespmem:v2+s21+$0x0] =	vst.idx.msk $0xffff, v1  }
0x18e: {  	[tilespmem:v3+s22+$0x0] =	vst.idx.msk $0xffff, v1  }
0x18f: {  	[tilespmem:v4+s23+$0x0] =	vst.idx.msk $0xffff, v1  }
0x190: {  	s17 =	sadd.s32 $0x80, s17;
	[tilespmem:v5+s24+$0x0] =	vst.idx.msk $0xffff, v1  }
0x191: {  	_ =	swait.ge [sflag:s29], $0x2000  }
0x192: {  	[sflag:s29] =	ssyncset.done $0x0  }
0x193: {  	s16 =	simm.s32 $0xFFFFFFFE;
	s17 =	simm.s32 $0x8000;
	[sflag:s29] =	ssyncadd.s32 $0xFFFFE000  }
.LBB2_10:
0x194: {  	v2 =	vld [tilespmem:s17+$0x0]  }
0x195: {  	v3 =	vld [tilespmem:s17+$0x10]  }
0x196: {  	v4 =	vld [tilespmem:s17+$0x20]  }
0x197: {  	v5 =	vld [tilespmem:s17+$0x30];
	_ =	sdelay $0x1  }
0x198: {  	v2 =	vadd.s32 $0xFFFFFFFF, v2  }
0x199: {  	v3 =	vadd.s32 $0xFFFFFFFF, v3  }
0x19a: {  	v4 =	vadd.s32 $0xFFFFFFFF, v4  }
0x19b: {  	v5 =	vadd.s32 $0xFFFFFFFF, v5;
	_ =	sdelay $0x1  }
0x19c: {  	[tilespmem:v2+s21+$0x0] =	vst.idx.msk $0xffff, v1  }
0x19d: {  	[tilespmem:v3+s22+$0x0] =	vst.idx.msk $0xffff, v1  }
0x19e: {  	[tilespmem:v4+s23+$0x0] =	vst.idx.msk $0xffff, v1  }
0x19f: {  	[tilespmem:v5+s24+$0x0] =	vst.idx.msk $0xffff, v1  }
0x1a0: {  	v2 =	vld [tilespmem:s17+$0x40]  }
0x1a1: {  	v3 =	vld [tilespmem:s17+$0x50]  }
0x1a2: {  	v4 =	vld [tilespmem:s17+$0x60]  }
0x1a3: {  	v5 =	vld [tilespmem:s17+$0x70];
	_ =	sdelay $0x1  }
0x1a4: {  	v2 =	vadd.s32 $0xFFFFFFFF, v2  }
0x1a5: {  	v3 =	vadd.s32 $0xFFFFFFFF, v3  }
0x1a6: {  	s16 =	sadd.s32 $0x2, s16;
	v4 =	vadd.s32 $0xFFFFFFFF, v4  }
0x1a7: {  	p0 =	slt.u32 s16, $0x7E;
	v5 =	vadd.s32 $0xFFFFFFFF, v5  }
.Ltmp4:
0x1a8: {  	_ = 	snop;
	(pc) =	sbr.rel @p0 .LBB2_10-.Ltmp4, $4  }
0x1a9: {  	[tilespmem:v2+s21+$0x0] =	vst.idx.msk $0xffff, v1  }
0x1aa: {  	[tilespmem:v3+s22+$0x0] =	vst.idx.msk $0xffff, v1  }
0x1ab: {  	[tilespmem:v4+s23+$0x0] =	vst.idx.msk $0xffff, v1  }
0x1ac: {  	s17 =	sadd.s32 $0x80, s17;
	[tilespmem:v5+s24+$0x0] =	vst.idx.msk $0xffff, v1  }
0x1ad: {  	_ =	swait.ge [sflag:s30], $0x2000  }
0x1ae: {  	[sflag:s30] =	ssyncset.done $0x0  }
0x1af: {  	s16 =	simm.s32 $0xFFFFFFFE;
	s17 =	simm.s32 $0xA000;
	[sflag:s30] =	ssyncadd.s32 $0xFFFFE000  }
.LBB2_12:
0x1b0: {  	v2 =	vld [tilespmem:s17+$0x0]  }
0x1b1: {  	v3 =	vld [tilespmem:s17+$0x10]  }
0x1b2: {  	v4 =	vld [tilespmem:s17+$0x20]  }
0x1b3: {  	v5 =	vld [tilespmem:s17+$0x30];
	_ =	sdelay $0x1  }
0x1b4: {  	v2 =	vadd.s32 $0xFFFFFFFF, v2  }
0x1b5: {  	v3 =	vadd.s32 $0xFFFFFFFF, v3  }
0x1b6: {  	v4 =	vadd.s32 $0xFFFFFFFF, v4  }
0x1b7: {  	v5 =	vadd.s32 $0xFFFFFFFF, v5;
	_ =	sdelay $0x1  }
0x1b8: {  	[tilespmem:v2+s21+$0x0] =	vst.idx.msk $0xffff, v1  }
0x1b9: {  	[tilespmem:v3+s22+$0x0] =	vst.idx.msk $0xffff, v1  }
0x1ba: {  	[tilespmem:v4+s23+$0x0] =	vst.idx.msk $0xffff, v1  }
0x1bb: {  	[tilespmem:v5+s24+$0x0] =	vst.idx.msk $0xffff, v1  }
0x1bc: {  	v2 =	vld [tilespmem:s17+$0x40]  }
0x1bd: {  	v3 =	vld [tilespmem:s17+$0x50]  }
0x1be: {  	v4 =	vld [tilespmem:s17+$0x60]  }
0x1bf: {  	v5 =	vld [tilespmem:s17+$0x70];
	_ =	sdelay $0x1  }
0x1c0: {  	v2 =	vadd.s32 $0xFFFFFFFF, v2  }
0x1c1: {  	v3 =	vadd.s32 $0xFFFFFFFF, v3  }
0x1c2: {  	s16 =	sadd.s32 $0x2, s16;
	v4 =	vadd.s32 $0xFFFFFFFF, v4  }
0x1c3: {  	p0 =	slt.u32 s16, $0x7E;
	v5 =	vadd.s32 $0xFFFFFFFF, v5  }
.Ltmp5:
0x1c4: {  	_ = 	snop;
	(pc) =	sbr.rel @p0 .LBB2_12-.Ltmp5, $4  }
0x1c5: {  	[tilespmem:v2+s21+$0x0] =	vst.idx.msk $0xffff, v1  }
0x1c6: {  	[tilespmem:v3+s22+$0x0] =	vst.idx.msk $0xffff, v1  }
0x1c7: {  	[tilespmem:v4+s23+$0x0] =	vst.idx.msk $0xffff, v1  }
0x1c8: {  	s17 =	sadd.s32 $0x80, s17;
	[tilespmem:v5+s24+$0x0] =	vst.idx.msk $0xffff, v1  }
0x1c9: {  	_ =	swait.ge [sflag:s31], $0x2000  }
0x1ca: {  	[sflag:s31] =	ssyncset.done $0x0  }
0x1cb: {  	s16 =	simm.s32 $0xFFFFFFFE;
	s17 =	simm.s32 $0xC000;
	[sflag:s31] =	ssyncadd.s32 $0xFFFFE000  }
.LBB2_14:
0x1cc: {  	v2 =	vld [tilespmem:s17+$0x0]  }
0x1cd: {  	v3 =	vld [tilespmem:s17+$0x10]  }
0x1ce: {  	v4 =	vld [tilespmem:s17+$0x20]  }
0x1cf: {  	v5 =	vld [tilespmem:s17+$0x30];
	_ =	sdelay $0x1  }
0x1d0: {  	v2 =	vadd.s32 $0xFFFFFFFF, v2  }
0x1d1: {  	v3 =	vadd.s32 $0xFFFFFFFF, v3  }
0x1d2: {  	v4 =	vadd.s32 $0xFFFFFFFF, v4  }
0x1d3: {  	v5 =	vadd.s32 $0xFFFFFFFF, v5;
	_ =	sdelay $0x1  }
0x1d4: {  	[tilespmem:v2+s21+$0x0] =	vst.idx.msk $0xffff, v1  }
0x1d5: {  	[tilespmem:v3+s22+$0x0] =	vst.idx.msk $0xffff, v1  }
0x1d6: {  	[tilespmem:v4+s23+$0x0] =	vst.idx.msk $0xffff, v1  }
0x1d7: {  	[tilespmem:v5+s24+$0x0] =	vst.idx.msk $0xffff, v1  }
0x1d8: {  	v2 =	vld [tilespmem:s17+$0x40]  }
0x1d9: {  	v3 =	vld [tilespmem:s17+$0x50]  }
0x1da: {  	v4 =	vld [tilespmem:s17+$0x60]  }
0x1db: {  	v5 =	vld [tilespmem:s17+$0x70];
	_ =	sdelay $0x1  }
0x1dc: {  	v2 =	vadd.s32 $0xFFFFFFFF, v2  }
0x1dd: {  	v3 =	vadd.s32 $0xFFFFFFFF, v3  }
0x1de: {  	s16 =	sadd.s32 $0x2, s16;
	v4 =	vadd.s32 $0xFFFFFFFF, v4  }
0x1df: {  	p0 =	slt.u32 s16, $0x7E;
	v5 =	vadd.s32 $0xFFFFFFFF, v5  }
.Ltmp6:
0x1e0: {  	_ = 	snop;
	(pc) =	sbr.rel @p0 .LBB2_14-.Ltmp6, $4  }
0x1e1: {  	[tilespmem:v2+s21+$0x0] =	vst.idx.msk $0xffff, v1  }
0x1e2: {  	[tilespmem:v3+s22+$0x0] =	vst.idx.msk $0xffff, v1  }
0x1e3: {  	[tilespmem:v4+s23+$0x0] =	vst.idx.msk $0xffff, v1  }
0x1e4: {  	s17 =	sadd.s32 $0x80, s17;
	[tilespmem:v5+s24+$0x0] =	vst.idx.msk $0xffff, v1  }
0x1e5: {  	_ =	swait.ge [sflag:s1], $0x14A0  }
0x1e6: {  	[sflag:s1] =	ssyncset.done $0x0  }
0x1e7: {  	s16 =	simm.s32 $0xFFFFFFFE;
	s17 =	simm.s32 $0xE000;
	[sflag:s1] =	ssyncadd.s32 $0xFFFFEB60  }
.LBB2_16:
0x1e8: {  	v2 =	vld [tilespmem:s17+$0x0]  }
0x1e9: {  	v3 =	vld [tilespmem:s17+$0x10]  }
0x1ea: {  	v4 =	vld [tilespmem:s17+$0x20]  }
0x1eb: {  	v5 =	vld [tilespmem:s17+$0x30];
	_ =	sdelay $0x1  }
0x1ec: {  	v2 =	vadd.s32 $0xFFFFFFFF, v2  }
0x1ed: {  	v3 =	vadd.s32 $0xFFFFFFFF, v3  }
0x1ee: {  	v4 =	vadd.s32 $0xFFFFFFFF, v4  }
0x1ef: {  	v5 =	vadd.s32 $0xFFFFFFFF, v5;
	_ =	sdelay $0x1  }
0x1f0: {  	[tilespmem:v2+s21+$0x0] =	vst.idx.msk $0xffff, v1  }
0x1f1: {  	[tilespmem:v3+s22+$0x0] =	vst.idx.msk $0xffff, v1  }
0x1f2: {  	[tilespmem:v4+s23+$0x0] =	vst.idx.msk $0xffff, v1  }
0x1f3: {  	[tilespmem:v5+s24+$0x0] =	vst.idx.msk $0xffff, v1  }
0x1f4: {  	v2 =	vld [tilespmem:s17+$0x40]  }
0x1f5: {  	v3 =	vld [tilespmem:s17+$0x50]  }
0x1f6: {  	v4 =	vld [tilespmem:s17+$0x60]  }
0x1f7: {  	v5 =	vld [tilespmem:s17+$0x70];
	_ =	sdelay $0x1  }
0x1f8: {  	v2 =	vadd.s32 $0xFFFFFFFF, v2  }
0x1f9: {  	v3 =	vadd.s32 $0xFFFFFFFF, v3  }
0x1fa: {  	s16 =	sadd.s32 $0x2, s16;
	v4 =	vadd.s32 $0xFFFFFFFF, v4  }
0x1fb: {  	p0 =	slt.u32 s16, $0x50;
	v5 =	vadd.s32 $0xFFFFFFFF, v5  }
.Ltmp7:
0x1fc: {  	_ = 	snop;
	(pc) =	sbr.rel @p0 .LBB2_16-.Ltmp7, $4  }
0x1fd: {  	[tilespmem:v2+s21+$0x0] =	vst.idx.msk $0xffff, v1  }
0x1fe: {  	[tilespmem:v3+s22+$0x0] =	vst.idx.msk $0xffff, v1  }
0x1ff: {  	[tilespmem:v4+s23+$0x0] =	vst.idx.msk $0xffff, v1  }
0x200: {  	s17 =	sadd.s32 $0x80, s17;
	[tilespmem:v5+s24+$0x0] =	vst.idx.msk $0xffff, v1  }
0x201: {  	v2 =	vld [tilespmem:$0xF480]  }
0x202: {  	v3 =	vld [tilespmem:$0xF490];
	_ =	sdelay $0x3  }
0x203: {  	v2 =	vadd.s32 $0xFFFFFFFF, v2  }
0x204: {  	v3 =	vadd.s32 $0xFFFFFFFF, v3;
	_ =	sdelay $0x3  }
0x205: {  	[tilespmem:v2+s21+$0x0] =	vst.idx.msk $0xffff, v1  }
0x206: {  	[tilespmem:v3+s22+$0x0] =	vst.idx.msk $0xffff, v1  }
0x207: {  	v12 =	vld [tilespmem:$0xF500]  }
0x208: {  	v6 =	vld [tilespmem:$0xF900]  }
0x209: {  	v60 =	vld [tilespmem:$0xFE00]  }
0x20a: {  	v8 =	vld [tilespmem:$0xFD00]  }
0x20b: {  	v18 =	vld [tilespmem:$0x10100]  }
0x20c: {  	v7 =	vld [tilespmem:$0xF510]  }
0x20d: {  	v2 =	vld [tilespmem:$0xF910]  }
0x20e: {  	[tilespmem:$0x1F790] =	vst v60;
	v60 =	vld [tilespmem:$0x10200]  }
0x20f: {  	v9 =	vld [tilespmem:$0xFD10]  }
0x210: {  	v22 =	vld [tilespmem:$0x10110]  }
0x211: {  	v4 =	vld [tilespmem:$0xF520]  }
0x212: {  	v3 =	vld [tilespmem:$0xF920]  }
0x213: {  	[tilespmem:$0x1F7B0] =	vst v60;
	v60 =	vld [tilespmem:$0xF610]  }
0x214: {  	v14 =	vld [tilespmem:$0xFD20]  }
0x215: {  	v26 =	vld [tilespmem:$0x10120]  }
0x216: {  	v10 =	vld [tilespmem:$0xF530]  }
0x217: {  	v5 =	vld [tilespmem:$0xF930]  }
0x218: {  	[tilespmem:$0x1F7A0] =	vst v60;
	v60 =	vld [tilespmem:$0xFE10]  }
0x219: {  	v19 =	vld [tilespmem:$0xFD30]  }
0x21a: {  	v30 =	vld [tilespmem:$0x10130]  }
0x21b: {  	v15 =	vld [tilespmem:$0xF540]  }
0x21c: {  	v11 =	vld [tilespmem:$0xF940]  }
0x21d: {  	[tilespmem:$0x1F7C0] =	vst v60;
	v60 =	vld [tilespmem:$0x10210]  }
0x21e: {  	v23 =	vld [tilespmem:$0xFD40]  }
0x21f: {  	v34 =	vld [tilespmem:$0x10140]  }
0x220: {  	v16 =	vld [tilespmem:$0xF550]  }
0x221: {  	v13 =	vld [tilespmem:$0xF950]  }
0x222: {  	[tilespmem:$0x1F7F0] =	vst v60;
	v60 =	vld [tilespmem:$0xF620]  }
0x223: {  	v27 =	vld [tilespmem:$0xFD50]  }
0x224: {  	v38 =	vld [tilespmem:$0x10150]  }
0x225: {  	v20 =	vld [tilespmem:$0xF560]  }
0x226: {  	v17 =	vld [tilespmem:$0xF960]  }
0x227: {  	[tilespmem:$0x1F7D0] =	vst v60;
	v60 =	vld [tilespmem:$0xFA20]  }
0x228: {  	v31 =	vld [tilespmem:$0xFD60]  }
0x229: {  	v56 =	vld [tilespmem:$0x10160]  }
0x22a: {  	v24 =	vld [tilespmem:$0xF570]  }
0x22b: {  	v21 =	vld [tilespmem:$0xF970]  }
0x22c: {  	[tilespmem:$0x1F7E0] =	vst v60;
	v60 =	vld [tilespmem:$0xFE20]  }
0x22d: {  	v35 =	vld [tilespmem:$0xFD70]  }
0x22e: {  	v45 =	vld [tilespmem:$0x10170]  }
0x22f: {  	v28 =	vld [tilespmem:$0xF580]  }
0x230: {  	v25 =	vld [tilespmem:$0xF980]  }
0x231: {  	[tilespmem:$0x1F800] =	vst v60;
	v60 =	vld [tilespmem:$0x10220]  }
0x232: {  	v39 =	vld [tilespmem:$0xFD80]  }
0x233: {  	v50 =	vld [tilespmem:$0x10180]  }
0x234: {  	v32 =	vld [tilespmem:$0xF590]  }
0x235: {  	v29 =	vld [tilespmem:$0xF990]  }
0x236: {  	[tilespmem:$0x1F830] =	vst v60;
	v60 =	vld [tilespmem:$0xF630]  }
0x237: {  	v41 =	vld [tilespmem:$0xFD90]  }
0x238: {  	v51 =	vld [tilespmem:$0x10190]  }
0x239: {  	v36 =	vld [tilespmem:$0xF5A0]  }
0x23a: {  	v33 =	vld [tilespmem:$0xF9A0]  }
0x23b: {  	[tilespmem:$0x1F810] =	vst v60;
	v60 =	vld [tilespmem:$0xFA30]  }
0x23c: {  	v46 =	vld [tilespmem:$0xFDA0]  }
0x23d: {  	v55 =	vld [tilespmem:$0x101A0]  }
0x23e: {  	v42 =	vld [tilespmem:$0xF5B0]  }
0x23f: {  	v37 =	vld [tilespmem:$0xF9B0]  }
0x240: {  	[tilespmem:$0x1F820] =	vst v60;
	v60 =	vld [tilespmem:$0xFE30]  }
0x241: {  	v47 =	vld [tilespmem:$0xFDB0]  }
0x242: {  	v40 =	vld [tilespmem:$0x101B0]  }
0x243: {  	v43 =	vld [tilespmem:$0xF5C0]  }
0x244: {  	v52 =	vld [tilespmem:$0xFDC0]  }
0x245: {  	[tilespmem:$0x1F840] =	vst v60;
	v60 =	vld [tilespmem:$0x10230]  }
0x246: {  	v44 =	vld [tilespmem:$0x101C0]  }
0x247: {  	v48 =	vld [tilespmem:$0xF5D0]  }
0x248: {  	v57 =	vld [tilespmem:$0xFDD0]  }
0x249: {  	v49 =	vld [tilespmem:$0x101D0]  }
0x24a: {  	[tilespmem:$0x1F870] =	vst v60;
	v60 =	vld [tilespmem:$0xF640]  }
0x24b: {  	v53 =	vld [tilespmem:$0xF5E0]  }
0x24c: {  	v61 =	vld [tilespmem:$0xFDE0]  }
0x24d: {  	v54 =	vld [tilespmem:$0x101E0]  }
0x24e: {  	v58 =	vld [tilespmem:$0xF5F0]  }
0x24f: {  	[tilespmem:$0x1F850] =	vst v60;
	v60 =	vld [tilespmem:$0xFA40]  }
0x250: {  	v59 =	vld [tilespmem:$0xFDF0]  }
0x251: {  	v63 =	vld [tilespmem:$0x101F0]  }
0x252: {  	v62 =	vld [tilespmem:$0xF600];
	[tilespmem:$0x1F730] =	vst v40  }
0x253: {  	v40 =	vld [tilespmem:$0xF9C0];
	[tilespmem:$0x1F740] =	vst v44  }
0x254: {  	[tilespmem:$0x1F860] =	vst v60;
	v60 =	vld [tilespmem:$0xFE40]  }
0x255: {  	v44 =	vld [tilespmem:$0xF9D0];
	[tilespmem:$0x1F750] =	vst v49  }
0x256: {  	v49 =	vld [tilespmem:$0xF9E0];
	[tilespmem:$0x1F760] =	vst v54  }
0x257: {  	v54 =	vld [tilespmem:$0xF9F0];
	[tilespmem:$0x1F770] =	vst v59  }
0x258: {  	[tilespmem:$0x1F780] =	vst v63;
	v59 =	vld [tilespmem:$0xFA00]  }
0x259: {  	v63 =	vld [tilespmem:$0xFA10];
	[tilespmem:$0x1F880] =	vst v60  }
0x25a: {  	v60 =	vld [tilespmem:$0x10240];
	_ =	sdelay $0x4  }
0x25b: {  	[tilespmem:$0x1F8B0] =	vst v60;
	v60 =	vld [tilespmem:$0xF650];
	_ =	sdelay $0x4  }
0x25c: {  	[tilespmem:$0x1F890] =	vst v60;
	v60 =	vld [tilespmem:$0xFA50];
	_ =	sdelay $0x4  }
0x25d: {  	[tilespmem:$0x1F8A0] =	vst v60;
	v60 =	vld [tilespmem:$0xFE50];
	_ =	sdelay $0x4  }
0x25e: {  	[tilespmem:$0x1F8C0] =	vst v60;
	v60 =	vld [tilespmem:$0x10250];
	_ =	sdelay $0x4  }
0x25f: {  	[tilespmem:$0x1F8F0] =	vst v60;
	v60 =	vld [tilespmem:$0xF660];
	_ =	sdelay $0x4  }
0x260: {  	[tilespmem:$0x1F8D0] =	vst v60;
	v60 =	vld [tilespmem:$0xFA60];
	_ =	sdelay $0x4  }
0x261: {  	[tilespmem:$0x1F8E0] =	vst v60;
	v60 =	vld [tilespmem:$0xFE60];
	_ =	sdelay $0x4  }
0x262: {  	[tilespmem:$0x1F900] =	vst v60;
	v60 =	vld [tilespmem:$0x10260];
	_ =	sdelay $0x4  }
0x263: {  	[tilespmem:$0x1F930] =	vst v60;
	v60 =	vld [tilespmem:$0xF670];
	_ =	sdelay $0x4  }
0x264: {  	[tilespmem:$0x1F910] =	vst v60;
	v60 =	vld [tilespmem:$0xFA70];
	_ =	sdelay $0x4  }
0x265: {  	[tilespmem:$0x1F920] =	vst v60;
	v60 =	vld [tilespmem:$0xFE70];
	_ =	sdelay $0x4  }
0x266: {  	[tilespmem:$0x1F940] =	vst v60;
	v60 =	vld [tilespmem:$0x10270];
	_ =	sdelay $0x4  }
0x267: {  	[tilespmem:$0x1F970] =	vst v60;
	v60 =	vld [tilespmem:$0xF680];
	_ =	sdelay $0x4  }
0x268: {  	[tilespmem:$0x1F950] =	vst v60;
	v60 =	vld [tilespmem:$0xFA80];
	_ =	sdelay $0x4  }
0x269: {  	[tilespmem:$0x1F960] =	vst v60;
	v60 =	vld [tilespmem:$0xFE80];
	_ =	sdelay $0x4  }
0x26a: {  	[tilespmem:$0x1F980] =	vst v60;
	v60 =	vld [tilespmem:$0x10280];
	_ =	sdelay $0x4  }
0x26b: {  	[tilespmem:$0x1F9B0] =	vst v60;
	v60 =	vld [tilespmem:$0xF690];
	_ =	sdelay $0x4  }
0x26c: {  	[tilespmem:$0x1F990] =	vst v60;
	v60 =	vld [tilespmem:$0xFA90];
	_ =	sdelay $0x4  }
0x26d: {  	[tilespmem:$0x1F9A0] =	vst v60;
	v60 =	vld [tilespmem:$0xFE90];
	_ =	sdelay $0x4  }
0x26e: {  	[tilespmem:$0x1F9C0] =	vst v60;
	v60 =	vld [tilespmem:$0x10290];
	_ =	sdelay $0x4  }
0x26f: {  	[tilespmem:$0x1F9F0] =	vst v60;
	v60 =	vld [tilespmem:$0xF6A0];
	_ =	sdelay $0x4  }
0x270: {  	[tilespmem:$0x1F9D0] =	vst v60;
	v60 =	vld [tilespmem:$0xFAA0];
	_ =	sdelay $0x4  }
0x271: {  	[tilespmem:$0x1F9E0] =	vst v60;
	v60 =	vld [tilespmem:$0xFEA0];
	_ =	sdelay $0x4  }
0x272: {  	[tilespmem:$0x1FA00] =	vst v60;
	v60 =	vld [tilespmem:$0x102A0];
	_ =	sdelay $0x4  }
0x273: {  	[tilespmem:$0x1FA30] =	vst v60;
	v60 =	vld [tilespmem:$0xF6B0];
	_ =	sdelay $0x4  }
0x274: {  	[tilespmem:$0x1FA10] =	vst v60;
	v60 =	vld [tilespmem:$0xFAB0];
	_ =	sdelay $0x4  }
0x275: {  	[tilespmem:$0x1FA20] =	vst v60;
	v60 =	vld [tilespmem:$0xFEB0];
	_ =	sdelay $0x4  }
0x276: {  	[tilespmem:$0x1FA40] =	vst v60;
	v60 =	vld [tilespmem:$0x102B0];
	_ =	sdelay $0x4  }
0x277: {  	[tilespmem:$0x1FA70] =	vst v60;
	v60 =	vld [tilespmem:$0xF6C0];
	_ =	sdelay $0x4  }
0x278: {  	[tilespmem:$0x1FA50] =	vst v60;
	v60 =	vld [tilespmem:$0xFAC0];
	_ =	sdelay $0x4  }
0x279: {  	[tilespmem:$0x1FA60] =	vst v60;
	v60 =	vld [tilespmem:$0xFEC0];
	_ =	sdelay $0x4  }
0x27a: {  	[tilespmem:$0x1FA80] =	vst v60;
	v60 =	vld [tilespmem:$0x102C0];
	_ =	sdelay $0x4  }
0x27b: {  	[tilespmem:$0x1FAB0] =	vst v60;
	v60 =	vld [tilespmem:$0xF6D0];
	_ =	sdelay $0x4  }
0x27c: {  	[tilespmem:$0x1FA90] =	vst v60;
	v60 =	vld [tilespmem:$0xFAD0];
	_ =	sdelay $0x4  }
0x27d: {  	[tilespmem:$0x1FAA0] =	vst v60;
	v60 =	vld [tilespmem:$0xFED0];
	_ =	sdelay $0x4  }
0x27e: {  	[tilespmem:$0x1FAC0] =	vst v60;
	v60 =	vld [tilespmem:$0x102D0];
	_ =	sdelay $0x4  }
0x27f: {  	[tilespmem:$0x1FAF0] =	vst v60;
	v60 =	vld [tilespmem:$0xF6E0];
	_ =	sdelay $0x4  }
0x280: {  	[tilespmem:$0x1FAD0] =	vst v60;
	v60 =	vld [tilespmem:$0xFAE0];
	_ =	sdelay $0x4  }
0x281: {  	[tilespmem:$0x1FAE0] =	vst v60;
	v60 =	vld [tilespmem:$0xFEE0];
	_ =	sdelay $0x4  }
0x282: {  	[tilespmem:$0x1FB00] =	vst v60;
	v60 =	vld [tilespmem:$0x102E0];
	_ =	sdelay $0x4  }
0x283: {  	[tilespmem:$0x1FB30] =	vst v60;
	v60 =	vld [tilespmem:$0xF6F0];
	_ =	sdelay $0x4  }
0x284: {  	[tilespmem:$0x1FB10] =	vst v60;
	v60 =	vld [tilespmem:$0xFAF0];
	_ =	sdelay $0x4  }
0x285: {  	[tilespmem:$0x1FB20] =	vst v60;
	v60 =	vld [tilespmem:$0xFEF0];
	_ =	sdelay $0x4  }
0x286: {  	[tilespmem:$0x1FB40] =	vst v60;
	v60 =	vld [tilespmem:$0x102F0];
	_ =	sdelay $0x4  }
0x287: {  	[tilespmem:$0x1FB70] =	vst v60;
	v60 =	vld [tilespmem:$0xF700];
	_ =	sdelay $0x4  }
0x288: {  	[tilespmem:$0x1FB50] =	vst v60;
	v60 =	vld [tilespmem:$0xFB00];
	_ =	sdelay $0x4  }
0x289: {  	[tilespmem:$0x1FB60] =	vst v60;
	v60 =	vld [tilespmem:$0xFF00];
	_ =	sdelay $0x4  }
0x28a: {  	[tilespmem:$0x1FB80] =	vst v60;
	v60 =	vld [tilespmem:$0x10300];
	_ =	sdelay $0x4  }
0x28b: {  	[tilespmem:$0x1FBB0] =	vst v60;
	v60 =	vld [tilespmem:$0xF710];
	_ =	sdelay $0x4  }
0x28c: {  	[tilespmem:$0x1FB90] =	vst v60;
	v60 =	vld [tilespmem:$0xFB10];
	_ =	sdelay $0x4  }
0x28d: {  	[tilespmem:$0x1FBA0] =	vst v60;
	v60 =	vld [tilespmem:$0xFF10];
	_ =	sdelay $0x4  }
0x28e: {  	[tilespmem:$0x1FBC0] =	vst v60;
	v60 =	vld [tilespmem:$0x10310];
	_ =	sdelay $0x4  }
0x28f: {  	[tilespmem:$0x1FBF0] =	vst v60;
	v60 =	vld [tilespmem:$0xF720];
	_ =	sdelay $0x4  }
0x290: {  	[tilespmem:$0x1FBD0] =	vst v60;
	v60 =	vld [tilespmem:$0xFB20];
	_ =	sdelay $0x4  }
0x291: {  	[tilespmem:$0x1FBE0] =	vst v60;
	v60 =	vld [tilespmem:$0xFF20];
	_ =	sdelay $0x4  }
0x292: {  	[tilespmem:$0x1FC00] =	vst v60;
	v60 =	vld [tilespmem:$0x10320];
	_ =	sdelay $0x4  }
0x293: {  	[tilespmem:$0x1FC30] =	vst v60;
	v60 =	vld [tilespmem:$0xF730];
	_ =	sdelay $0x4  }
0x294: {  	[tilespmem:$0x1FC10] =	vst v60;
	v60 =	vld [tilespmem:$0xFB30];
	_ =	sdelay $0x4  }
0x295: {  	[tilespmem:$0x1FC20] =	vst v60;
	v60 =	vld [tilespmem:$0xFF30];
	_ =	sdelay $0x4  }
0x296: {  	[tilespmem:$0x1FC40] =	vst v60;
	v60 =	vld [tilespmem:$0x10330];
	_ =	sdelay $0x4  }
0x297: {  	[tilespmem:$0x1FC70] =	vst v60;
	v60 =	vld [tilespmem:$0xF740];
	_ =	sdelay $0x4  }
0x298: {  	[tilespmem:$0x1FC50] =	vst v60;
	v60 =	vld [tilespmem:$0xFB40];
	_ =	sdelay $0x4  }
0x299: {  	[tilespmem:$0x1FC60] =	vst v60;
	v60 =	vld [tilespmem:$0xFF40];
	_ =	sdelay $0x4  }
0x29a: {  	[tilespmem:$0x1FC80] =	vst v60;
	v60 =	vld [tilespmem:$0x10340];
	_ =	sdelay $0x4  }
0x29b: {  	[tilespmem:$0x1FCB0] =	vst v60;
	v60 =	vld [tilespmem:$0xF750];
	_ =	sdelay $0x4  }
0x29c: {  	[tilespmem:$0x1FC90] =	vst v60;
	v60 =	vld [tilespmem:$0xFB50];
	_ =	sdelay $0x3  }
0x29d: {  	v6 =	vadd.s32 v12, v6;
	v12 =	vld [tilespmem:$0xF810]  }
0x29e: {  	v2 =	vadd.s32 v7, v2;
	[tilespmem:$0x1FCA0] =	vst v60;
	v60 =	vld [tilespmem:$0xFF50]  }
0x29f: {  	v3 =	vadd.s32 v4, v3;
	v10 =	vadd.s32 v10, v5;
	v2 =	vadd.s32 v9, v2;
	v9 =	vld [tilespmem:$0xFC10]  }
0x2a0: {  	v3 =	vadd.s32 v14, v3;
	v14 =	vadd.s32 v15, v11;
	v2 =	vadd.s32 v22, v2;
	v15 =	vld [tilespmem:$0x10410]  }
0x2a1: {  	[tilespmem:$0xF510] =	vst v2;
	v2 =	vadd.s32 v26, v3;
	v3 =	vadd.s32 v19, v10;
	v19 =	vld [tilespmem:$0xF820]  }
0x2a2: {  	v22 =	vld [tilespmem:$0xFC20]  }
0x2a3: {  	[tilespmem:$0x1FCC0] =	vst v60;
	v60 =	vld [tilespmem:$0x10350]  }
0x2a4: {  	v5 =	vld [tilespmem:$0xF830]  }
0x2a5: {  	v26 =	vadd.s32 v32, v29;
	v32 =	vld [tilespmem:$0x1F740]  }
0x2a6: {  	v25 =	vadd.s32 v28, v25;
	v28 =	vadd.s32 v42, v37;
	v37 =	vld [tilespmem:$0x1F770]  }
0x2a7: {  	v29 =	vadd.s32 v43, v40;
	v40 =	vld [tilespmem:$0x1F790]  }
0x2a8: {  	[tilespmem:$0x1FCF0] =	vst v60;
	v60 =	vld [tilespmem:$0xF760]  }
0x2a9: {  	v43 =	vld [tilespmem:$0x1F7B0]  }
0x2aa: {  	v7 =	vadd.s32 v47, v28;
	v47 =	vld [tilespmem:$0x1F7F0]  }
0x2ab: {  	[tilespmem:$0xF520] =	vst v2;
	v2 =	vadd.s32 v30, v3;
	v3 =	vadd.s32 v23, v14;
	v23 =	vadd.s32 v24, v21;
	v24 =	vld [tilespmem:$0x10020]  }
0x2ac: {  	v30 =	vld [tilespmem:$0x1F730]  }
0x2ad: {  	[tilespmem:$0x1FCD0] =	vst v60;
	v60 =	vld [tilespmem:$0xFB60]  }
0x2ae: {  	v4 =	vadd.s32 v41, v26;
	v41 =	vld [tilespmem:$0x1F7A0]  }
0x2af: {  	v6 =	vadd.s32 v8, v6;
	v8 =	vadd.s32 v52, v29;
	v52 =	vld [tilespmem:$0x1F840]  }
0x2b0: {  	v6 =	vadd.s32 v18, v6;
	v18 =	vadd.s32 v16, v13;
	[tilespmem:$0xF530] =	vst v2;
	v2 =	vadd.s32 v34, v3;
	v34 =	vld [tilespmem:$0x1F750]  }
0x2b1: {  	v3 =	vadd.s32 v27, v18;
	v27 =	vadd.s32 v36, v33;
	v36 =	vld [tilespmem:$0x1F760]  }
0x2b2: {  	[tilespmem:$0x1FCE0] =	vst v60;
	v60 =	vld [tilespmem:$0xFF60]  }
0x2b3: {  	v33 =	vadd.s32 v53, v49;
	v49 =	vld [tilespmem:$0x1F810]  }
0x2b4: {  	v4 =	vadd.s32 v51, v4;
	v51 =	vld [tilespmem:$0x1F830]  }
0x2b5: {  	v53 =	vld [tilespmem:$0x1F850]  }
0x2b6: {  	[tilespmem:$0xF590] =	vst v4;
	v4 =	vld [tilespmem:$0x10430]  }
0x2b7: {  	v20 =	vadd.s32 v20, v17;
	[tilespmem:$0x1FD00] =	vst v60;
	v60 =	vld [tilespmem:$0x10360]  }
0x2b8: {  	[tilespmem:$0xF540] =	vst v2;
	v2 =	vadd.s32 v38, v3;
	v3 =	vadd.s32 v31, v20;
	v31 =	vadd.s32 v48, v44;
	v44 =	vld [tilespmem:$0x1F7C0]  }
0x2b9: {  	[tilespmem:$0xF500] =	vst v6;
	v6 =	vadd.s32 v46, v27;
	v46 =	vld [tilespmem:$0x1F7E0]  }
0x2ba: {  	v48 =	vld [tilespmem:$0x1F800]  }
0x2bb: {  	[tilespmem:$0xF550] =	vst v2;
	v2 =	vadd.s32 v56, v3;
	v56 =	vld [tilespmem:$0x10420]  }
0x2bc: {  	[tilespmem:$0x1FD30] =	vst v60;
	v60 =	vld [tilespmem:$0xF770]  }
0x2bd: {  	v3 =	vadd.s32 v35, v23;
	v35 =	vadd.s32 v58, v54;
	v54 =	vld [tilespmem:$0x1F860]  }
0x2be: {  	v6 =	vadd.s32 v55, v6;
	v55 =	vld [tilespmem:$0x1F870]  }
0x2bf: {  	[tilespmem:$0x1FF90] =	vst v12;
	v12 =	vld [tilespmem:$0x10010]  }
0x2c0: {  	[tilespmem:$0xF5A0] =	vst v6;
	v6 =	vld [tilespmem:$0xF840]  }
0x2c1: {  	[tilespmem:$0x1FD10] =	vst v60;
	v60 =	vld [tilespmem:$0xFB70]  }
0x2c2: {  	[tilespmem:$0xF560] =	vst v2;
	v2 =	vadd.s32 v45, v3;
	v3 =	vadd.s32 v39, v25;
	v39 =	vld [tilespmem:$0x1F780]  }
0x2c3: {  	v45 =	vld [tilespmem:$0x1F7D0]  }
0x2c4: {  	[tilespmem:$0x1FFA0] =	vst v9;
	v9 =	vadd.s32 v57, v31;
	v57 =	vld [tilespmem:$0x1F880]  }
0x2c5: {  	[tilespmem:$0xF570] =	vst v2;
	v2 =	vadd.s32 v50, v3;
	v3 =	vld [tilespmem:$0xFC30]  }
0x2c6: {  	v8 =	vadd.s32 v32, v8;
	[tilespmem:$0x1FD20] =	vst v60;
	v60 =	vld [tilespmem:$0xFF70]  }
0x2c7: {  	[tilespmem:$0xF5C0] =	vst v8;
	v8 =	vld [tilespmem:$0x10040]  }
0x2c8: {  	v50 =	vld [tilespmem:$0x1F820]  }
0x2c9: {  	v10 =	vadd.s32 v61, v33;
	v61 =	vld [tilespmem:$0x1F8B0]  }
0x2ca: {  	[tilespmem:$0xF580] =	vst v2;
	v2 =	vld [tilespmem:$0x10030]  }
0x2cb: {  	v7 =	vadd.s32 v30, v7;
	[tilespmem:$0x1FD40] =	vst v60;
	v60 =	vld [tilespmem:$0x10370]  }
0x2cc: {  	v42 =	vadd.s32 v41, v63;
	[tilespmem:$0xF5B0] =	vst v7;
	v7 =	vld [tilespmem:$0xFC40];
	v9 =	vadd.s32 v34, v9  }
0x2cd: {  	v10 =	vadd.s32 v36, v10;
	[tilespmem:$0xF5D0] =	vst v9;
	v9 =	vld [tilespmem:$0x10440];
	v13 =	vadd.s32 v44, v42  }
0x2ce: {  	[tilespmem:$0xF5E0] =	vst v10;
	v10 =	vld [tilespmem:$0xF850];
	v13 =	vadd.s32 v47, v13  }
0x2cf: {  	v11 =	vadd.s32 v37, v35;
	[tilespmem:$0xF610] =	vst v13;
	v13 =	vld [tilespmem:$0x10450]  }
0x2d0: {  	v11 =	vadd.s32 v39, v11;
	[tilespmem:$0x1FD70] =	vst v60;
	v60 =	vld [tilespmem:$0xF780]  }
0x2d1: {  	v38 =	vadd.s32 v62, v59;
	[tilespmem:$0xF5F0] =	vst v11;
	v11 =	vld [tilespmem:$0xFC50]  }
0x2d2: {  	[tilespmem:$0x1FFB0] =	vst v12;
	v12 =	vadd.s32 v40, v38;
	v58 =	vld [tilespmem:$0x1F890]  }
0x2d3: {  	[tilespmem:$0x1FFE0] =	vst v15;
	v16 =	vadd.s32 v53, v54;
	v12 =	vadd.s32 v43, v12;
	v3 =	vadd.s32 v5, v3;
	v5 =	vld [tilespmem:$0x100D0]  }
0x2d4: {  	v14 =	vadd.s32 v45, v46;
	v16 =	vadd.s32 v57, v16;
	[tilespmem:$0xF600] =	vst v12;
	v12 =	vld [tilespmem:$0x10050]  }
0x2d5: {  	v14 =	vadd.s32 v48, v14;
	v15 =	vadd.s32 v49, v50;
	v16 =	vadd.s32 v61, v16;
	[tilespmem:$0x1FD50] =	vst v60;
	v60 =	vld [tilespmem:$0xFB80]  }
0x2d6: {  	v14 =	vadd.s32 v51, v14;
	v15 =	vadd.s32 v52, v15;
	[tilespmem:$0xF640] =	vst v16;
	v16 =	vld [tilespmem:$0x10060]  }
0x2d7: {  	[tilespmem:$0xF620] =	vst v14;
	v15 =	vadd.s32 v55, v15;
	v14 =	vld [tilespmem:$0xF860]  }
0x2d8: {  	[tilespmem:$0xF630] =	vst v15;
	v15 =	vld [tilespmem:$0xFC60]  }
0x2d9: {  	v59 =	vld [tilespmem:$0x1F8A0]  }
0x2da: {  	[tilespmem:$0x1FD60] =	vst v60;
	v60 =	vld [tilespmem:$0xFF80]  }
0x2db: {  	v62 =	vld [tilespmem:$0x1F8C0]  }
0x2dc: {  	[tilespmem:$0x1FFD0] =	vst v22;
	v22 =	vld [tilespmem:$0x1F8F0]  }
0x2dd: {  	v63 =	vld [tilespmem:$0x1F8D0]  }
0x2de: {  	v21 =	vld [tilespmem:$0x1F8E0]  }
0x2df: {  	[tilespmem:$0x1FD80] =	vst v60;
	v60 =	vld [tilespmem:$0x10380]  }
0x2e0: {  	v23 =	vld [tilespmem:$0x1F900]  }
0x2e1: {  	v26 =	vld [tilespmem:$0x1F930]  }
0x2e2: {  	[tilespmem:$0x1FFF0] =	vst v24;
	v24 =	vld [tilespmem:$0x1F910]  }
0x2e3: {  	v25 =	vld [tilespmem:$0x1F920]  }
0x2e4: {  	v17 =	vadd.s32 v58, v59;
	[tilespmem:$0x1FDB0] =	vst v60;
	v60 =	vld [tilespmem:$0xF790]  }
0x2e5: {  	v17 =	vadd.s32 v62, v17;
	v18 =	vadd.s32 v63, v21;
	v27 =	vld [tilespmem:$0x1F940]  }
0x2e6: {  	[tilespmem:$0x1FFC0] =	vst v19;
	v17 =	vadd.s32 v22, v17;
	v18 =	vadd.s32 v23, v18;
	v30 =	vld [tilespmem:$0x1F970]  }
0x2e7: {  	[tilespmem:$0xF650] =	vst v17;
	v17 =	vld [tilespmem:$0x10460];
	v18 =	vadd.s32 v26, v18  }
0x2e8: {  	[tilespmem:$0xF660] =	vst v18;
	v18 =	vld [tilespmem:$0xF870]  }
0x2e9: {  	v19 =	vadd.s32 v24, v25;
	[tilespmem:$0x1FD90] =	vst v60;
	v60 =	vld [tilespmem:$0xFB90]  }
0x2ea: {  	v19 =	vadd.s32 v27, v19;
	v27 =	vld [tilespmem:$0x10080]  }
0x2eb: {  	v28 =	vld [tilespmem:$0x1F950];
	v19 =	vadd.s32 v30, v19  }
0x2ec: {  	[tilespmem:$0xF670] =	vst v19;
	v19 =	vld [tilespmem:$0xFC70]  }
0x2ed: {  	v29 =	vld [tilespmem:$0x1F960]  }
0x2ee: {  	[tilespmem:$0x1FDA0] =	vst v60;
	v60 =	vld [tilespmem:$0xFF90]  }
0x2ef: {  	v31 =	vld [tilespmem:$0x1F980]  }
0x2f0: {  	v34 =	vld [tilespmem:$0x1F9B0]  }
0x2f1: {  	v32 =	vld [tilespmem:$0x1F990]  }
0x2f2: {  	v33 =	vld [tilespmem:$0x1F9A0]  }
0x2f3: {  	[tilespmem:$0x1FDC0] =	vst v60;
	v60 =	vld [tilespmem:$0x10390]  }
0x2f4: {  	v35 =	vld [tilespmem:$0x1F9C0]  }
0x2f5: {  	v38 =	vld [tilespmem:$0x1F9F0]  }
0x2f6: {  	v20 =	vadd.s32 v28, v29;
	v28 =	vld [tilespmem:$0x10480]  }
0x2f7: {  	v29 =	vld [tilespmem:$0xF890];
	v20 =	vadd.s32 v31, v20  }
0x2f8: {  	v20 =	vadd.s32 v34, v20;
	v21 =	vadd.s32 v32, v33;
	[tilespmem:$0x1FDF0] =	vst v60;
	v60 =	vld [tilespmem:$0xF7A0]  }
0x2f9: {  	[tilespmem:$0xF680] =	vst v20;
	v20 =	vld [tilespmem:$0x10070];
	v21 =	vadd.s32 v35, v21  }
0x2fa: {  	v36 =	vld [tilespmem:$0x1F9D0];
	v21 =	vadd.s32 v38, v21  }
0x2fb: {  	[tilespmem:$0xF690] =	vst v21;
	v21 =	vld [tilespmem:$0x10470]  }
0x2fc: {  	v37 =	vld [tilespmem:$0x1F9E0]  }
0x2fd: {  	[tilespmem:$0x1FDD0] =	vst v60;
	v60 =	vld [tilespmem:$0xFBA0]  }
0x2fe: {  	v39 =	vld [tilespmem:$0x1FA00]  }
0x2ff: {  	v42 =	vld [tilespmem:$0x1FA30]  }
0x300: {  	v40 =	vld [tilespmem:$0x1FA10]  }
0x301: {  	v41 =	vld [tilespmem:$0x1FA20]  }
0x302: {  	[tilespmem:$0x1FDE0] =	vst v60;
	v60 =	vld [tilespmem:$0xFFA0]  }
0x303: {  	v43 =	vld [tilespmem:$0x1FA40]  }
0x304: {  	v46 =	vld [tilespmem:$0x1FA70]  }
0x305: {  	v44 =	vld [tilespmem:$0x1FA50]  }
0x306: {  	v45 =	vld [tilespmem:$0x1FA60]  }
0x307: {  	[tilespmem:$0x1FE00] =	vst v60;
	v60 =	vld [tilespmem:$0x103A0]  }
0x308: {  	v47 =	vld [tilespmem:$0x1FA80]  }
0x309: {  	v50 =	vld [tilespmem:$0x1FAB0]  }
0x30a: {  	v48 =	vld [tilespmem:$0x1FA90]  }
0x30b: {  	v49 =	vld [tilespmem:$0x1FAA0]  }
0x30c: {  	[tilespmem:$0x1FE30] =	vst v60;
	v60 =	vld [tilespmem:$0xF7B0]  }
0x30d: {  	v51 =	vld [tilespmem:$0x1FAC0]  }
0x30e: {  	v54 =	vld [tilespmem:$0x1FAF0]  }
0x30f: {  	v52 =	vld [tilespmem:$0x1FAD0]  }
0x310: {  	v53 =	vld [tilespmem:$0x1FAE0]  }
0x311: {  	[tilespmem:$0x1FE10] =	vst v60;
	v60 =	vld [tilespmem:$0xFBB0]  }
0x312: {  	v55 =	vld [tilespmem:$0x1FB00]  }
0x313: {  	v59 =	vld [tilespmem:$0x1FB30]  }
0x314: {  	v57 =	vld [tilespmem:$0x1FB10]  }
0x315: {  	v22 =	vadd.s32 v36, v37;
	v58 =	vld [tilespmem:$0x1FB20]  }
0x316: {  	v22 =	vadd.s32 v39, v22;
	v23 =	vadd.s32 v40, v41;
	[tilespmem:$0x1FE20] =	vst v60;
	v60 =	vld [tilespmem:$0xFFB0]  }
0x317: {  	v22 =	vadd.s32 v42, v22;
	v23 =	vadd.s32 v43, v23;
	v24 =	vadd.s32 v44, v45;
	v61 =	vld [tilespmem:$0x1FB40]  }
0x318: {  	[tilespmem:$0xF6A0] =	vst v22;
	v23 =	vadd.s32 v46, v23;
	v24 =	vadd.s32 v47, v24;
	v30 =	vld [tilespmem:$0x1FB70]  }
0x319: {  	v22 =	vld [tilespmem:$0xF880];
	[tilespmem:$0xF6B0] =	vst v23;
	v24 =	vadd.s32 v50, v24;
	v25 =	vadd.s32 v48, v49  }
0x31a: {  	v23 =	vld [tilespmem:$0xFC80];
	[tilespmem:$0xF6C0] =	vst v24;
	v25 =	vadd.s32 v51, v25;
	v26 =	vadd.s32 v52, v53  }
0x31b: {  	v24 =	vadd.s32 v54, v25;
	v25 =	vadd.s32 v55, v26;
	v26 =	vadd.s32 v57, v58;
	[tilespmem:$0x1FE40] =	vst v60;
	v60 =	vld [tilespmem:$0x103B0]  }
0x31c: {  	[tilespmem:$0xF6D0] =	vst v24;
	v24 =	vadd.s32 v59, v25;
	v25 =	vadd.s32 v61, v26;
	v62 =	vld [tilespmem:$0x1FB50]  }
0x31d: {  	[tilespmem:$0xF6E0] =	vst v24;
	v24 =	vadd.s32 v30, v25;
	v30 =	vld [tilespmem:$0xFC90]  }
0x31e: {  	v63 =	vld [tilespmem:$0x1FB60]  }
0x31f: {  	v31 =	vld [tilespmem:$0x1FB80]  }
0x320: {  	[tilespmem:$0x1FE70] =	vst v60;
	v60 =	vld [tilespmem:$0xF7C0]  }
0x321: {  	v34 =	vld [tilespmem:$0x1FBB0]  }
0x322: {  	v32 =	vld [tilespmem:$0x1FB90]  }
0x323: {  	v26 =	vadd.s32 v62, v63;
	v33 =	vld [tilespmem:$0x1FBA0]  }
0x324: {  	v25 =	vadd.s32 v31, v26;
	v31 =	vld [tilespmem:$0x10090]  }
0x325: {  	[tilespmem:$0x1FE50] =	vst v60;
	v60 =	vld [tilespmem:$0xFBC0]  }
0x326: {  	[tilespmem:$0xF6F0] =	vst v24;
	v24 =	vadd.s32 v34, v25;
	v34 =	vld [tilespmem:$0xFCA0]  }
0x327: {  	v35 =	vld [tilespmem:$0x1FBC0]  }
0x328: {  	v26 =	vadd.s32 v32, v33;
	v32 =	vld [tilespmem:$0x10490]  }
0x329: {  	v33 =	vld [tilespmem:$0xF8A0]  }
0x32a: {  	[tilespmem:$0x1FE60] =	vst v60;
	v60 =	vld [tilespmem:$0xFFC0]  }
0x32b: {  	v38 =	vld [tilespmem:$0x1FBF0]  }
0x32c: {  	v25 =	vadd.s32 v35, v26;
	v35 =	vld [tilespmem:$0x100A0]  }
0x32d: {  	v36 =	vld [tilespmem:$0x1FBD0]  }
0x32e: {  	v37 =	vld [tilespmem:$0x1FBE0]  }
0x32f: {  	[tilespmem:$0x1FE80] =	vst v60;
	v60 =	vld [tilespmem:$0x103C0]  }
0x330: {  	v39 =	vld [tilespmem:$0x1FC00]  }
0x331: {  	v42 =	vld [tilespmem:$0x1FC30]  }
0x332: {  	v40 =	vld [tilespmem:$0x1FC10]  }
0x333: {  	v41 =	vld [tilespmem:$0x1FC20]  }
0x334: {  	[tilespmem:$0x1FEB0] =	vst v60;
	v60 =	vld [tilespmem:$0xF7D0]  }
0x335: {  	v43 =	vld [tilespmem:$0x1FC40]  }
0x336: {  	v46 =	vld [tilespmem:$0x1FC70]  }
0x337: {  	v44 =	vld [tilespmem:$0x1FC50]  }
0x338: {  	v45 =	vld [tilespmem:$0x1FC60]  }
0x339: {  	[tilespmem:$0x1FE90] =	vst v60;
	v60 =	vld [tilespmem:$0xFBD0]  }
0x33a: {  	v47 =	vld [tilespmem:$0x1FC80]  }
0x33b: {  	v50 =	vld [tilespmem:$0x1FCB0]  }
0x33c: {  	v48 =	vld [tilespmem:$0x1FC90]  }
0x33d: {  	v49 =	vld [tilespmem:$0x1FCA0]  }
0x33e: {  	[tilespmem:$0x1FEA0] =	vst v60;
	v60 =	vld [tilespmem:$0xFFD0]  }
0x33f: {  	v51 =	vld [tilespmem:$0x1FCC0]  }
0x340: {  	v54 =	vld [tilespmem:$0x1FCF0]  }
0x341: {  	v52 =	vld [tilespmem:$0x1FCD0]  }
0x342: {  	v53 =	vld [tilespmem:$0x1FCE0]  }
0x343: {  	[tilespmem:$0x1FEC0] =	vst v60;
	v60 =	vld [tilespmem:$0x103D0]  }
0x344: {  	v55 =	vld [tilespmem:$0x1FD00]  }
0x345: {  	v59 =	vld [tilespmem:$0x1FD30]  }
0x346: {  	v57 =	vld [tilespmem:$0x1FD10]  }
0x347: {  	[tilespmem:$0xF700] =	vst v24;
	v26 =	vadd.s32 v36, v37;
	v58 =	vld [tilespmem:$0x1FD20]  }
0x348: {  	v24 =	vadd.s32 v38, v25;
	v25 =	vadd.s32 v39, v26;
	v26 =	vadd.s32 v40, v41;
	[tilespmem:$0x1FEF0] =	vst v60;
	v60 =	vld [tilespmem:$0xF7E0]  }
0x349: {  	[tilespmem:$0xF710] =	vst v24;
	v24 =	vadd.s32 v42, v25;
	v25 =	vadd.s32 v43, v26;
	v26 =	vadd.s32 v44, v45;
	v61 =	vld [tilespmem:$0x1FD40]  }
0x34a: {  	[tilespmem:$0xF720] =	vst v24;
	v24 =	vadd.s32 v46, v25;
	v25 =	vadd.s32 v47, v26;
	v38 =	vld [tilespmem:$0x1FD70]  }
0x34b: {  	v36 =	vld [tilespmem:$0x104A0];
	[tilespmem:$0xF730] =	vst v24;
	v24 =	vadd.s32 v50, v25;
	v26 =	vadd.s32 v48, v49  }
0x34c: {  	v37 =	vld [tilespmem:$0xF8B0];
	[tilespmem:$0xF740] =	vst v24;
	v25 =	vadd.s32 v51, v26;
	v26 =	vadd.s32 v52, v53  }
0x34d: {  	v24 =	vadd.s32 v54, v25;
	v25 =	vadd.s32 v55, v26;
	v26 =	vadd.s32 v57, v58;
	[tilespmem:$0x1FED0] =	vst v60;
	v60 =	vld [tilespmem:$0xFBE0]  }
0x34e: {  	[tilespmem:$0xF750] =	vst v24;
	v24 =	vadd.s32 v59, v25;
	v25 =	vadd.s32 v61, v26;
	v62 =	vld [tilespmem:$0x1FD50]  }
0x34f: {  	[tilespmem:$0xF760] =	vst v24;
	v24 =	vadd.s32 v38, v25;
	v38 =	vld [tilespmem:$0xFCB0]  }
0x350: {  	v63 =	vld [tilespmem:$0x1FD60]  }
0x351: {  	v39 =	vld [tilespmem:$0x1FD80]  }
0x352: {  	[tilespmem:$0x1FEE0] =	vst v60;
	v60 =	vld [tilespmem:$0xFFE0]  }
0x353: {  	v42 =	vld [tilespmem:$0x1FDB0]  }
0x354: {  	v40 =	vld [tilespmem:$0x1FD90]  }
0x355: {  	v26 =	vadd.s32 v62, v63;
	v41 =	vld [tilespmem:$0x1FDA0]  }
0x356: {  	v25 =	vadd.s32 v39, v26;
	v39 =	vld [tilespmem:$0x100B0]  }
0x357: {  	[tilespmem:$0x1FF00] =	vst v60;
	v60 =	vld [tilespmem:$0x103E0]  }
0x358: {  	[tilespmem:$0xF770] =	vst v24;
	v24 =	vadd.s32 v42, v25;
	v42 =	vld [tilespmem:$0xFCC0]  }
0x359: {  	v43 =	vld [tilespmem:$0x1FDC0]  }
0x35a: {  	v26 =	vadd.s32 v40, v41;
	v40 =	vld [tilespmem:$0x104B0]  }
0x35b: {  	v46 =	vld [tilespmem:$0x1FDF0]  }
0x35c: {  	[tilespmem:$0x1FF30] =	vst v60;
	v60 =	vld [tilespmem:$0xF7F0]  }
0x35d: {  	v44 =	vld [tilespmem:$0x1FDD0]  }
0x35e: {  	v45 =	vld [tilespmem:$0x1FDE0]  }
0x35f: {  	v47 =	vld [tilespmem:$0x1FE00]  }
0x360: {  	v50 =	vld [tilespmem:$0x1FE30]  }
0x361: {  	[tilespmem:$0x1FF10] =	vst v60;
	v60 =	vld [tilespmem:$0xFBF0]  }
0x362: {  	v48 =	vld [tilespmem:$0x1FE10]  }
0x363: {  	v49 =	vld [tilespmem:$0x1FE20]  }
0x364: {  	v51 =	vld [tilespmem:$0x1FE40]  }
0x365: {  	v54 =	vld [tilespmem:$0x1FE70]  }
0x366: {  	[tilespmem:$0x1FF20] =	vst v60;
	v60 =	vld [tilespmem:$0xFFF0]  }
0x367: {  	v25 =	vadd.s32 v43, v26;
	v26 =	vadd.s32 v44, v45;
	v52 =	vld [tilespmem:$0x1FE50]  }
0x368: {  	[tilespmem:$0xF780] =	vst v24;
	v24 =	vadd.s32 v46, v25;
	v25 =	vadd.s32 v47, v26;
	v26 =	vadd.s32 v48, v49;
	v53 =	vld [tilespmem:$0x1FE60]  }
0x369: {  	v41 =	vld [tilespmem:$0xF8C0];
	[tilespmem:$0xF790] =	vst v24;
	v24 =	vadd.s32 v50, v25;
	v25 =	vadd.s32 v51, v26  }
0x36a: {  	[tilespmem:$0xF7A0] =	vst v24;
	v24 =	vadd.s32 v54, v25;
	v54 =	vld [tilespmem:$0x1FFA0]  }
0x36b: {  	[tilespmem:$0x1FF40] =	vst v60;
	v60 =	vld [tilespmem:$0x103F0]  }
0x36c: {  	v55 =	vld [tilespmem:$0x1FE80]  }
0x36d: {  	v26 =	vadd.s32 v52, v53;
	v53 =	vld [tilespmem:$0x1FF90]  }
0x36e: {  	v59 =	vld [tilespmem:$0x1FEB0]  }
0x36f: {  	v57 =	vld [tilespmem:$0x1FE90]  }
0x370: {  	[tilespmem:$0x1FF70] =	vst v60;
	v60 =	vld [tilespmem:$0xF800]  }
0x371: {  	v58 =	vld [tilespmem:$0x1FEA0]  }
0x372: {  	v61 =	vld [tilespmem:$0x1FEC0]  }
0x373: {  	v43 =	vld [tilespmem:$0x1FEF0]  }
0x374: {  	v62 =	vld [tilespmem:$0x1FED0]  }
0x375: {  	[tilespmem:$0x1FF50] =	vst v60;
	v60 =	vld [tilespmem:$0xFC00]  }
0x376: {  	v63 =	vld [tilespmem:$0x1FEE0]  }
0x377: {  	v44 =	vld [tilespmem:$0x1FF00]  }
0x378: {  	v47 =	vld [tilespmem:$0x1FF30]  }
0x379: {  	v45 =	vld [tilespmem:$0x1FF10]  }
0x37a: {  	[tilespmem:$0x1FF60] =	vst v60;
	v60 =	vld [tilespmem:$0x10000]  }
0x37b: {  	v46 =	vld [tilespmem:$0x1FF20]  }
0x37c: {  	v48 =	vld [tilespmem:$0x1FF40]  }
0x37d: {  	v51 =	vld [tilespmem:$0x1FF70]  }
0x37e: {  	v49 =	vld [tilespmem:$0x1FF50]  }
0x37f: {  	v50 =	vld [tilespmem:$0x1FF60];
	[tilespmem:$0x1FF80] =	vst v60  }
0x380: {  	v52 =	vld [tilespmem:$0x1FF80]  }
0x381: {  	v25 =	vadd.s32 v55, v26;
	v26 =	vadd.s32 v57, v58;
	v60 =	vld [tilespmem:$0x10400]  }
0x382: {  	[tilespmem:$0xF7B0] =	vst v24;
	v24 =	vadd.s32 v59, v25;
	v59 =	vld [tilespmem:$0x1FFD0];
	v25 =	vadd.s32 v61, v26;
	v26 =	vadd.s32 v62, v63  }
0x383: {  	[tilespmem:$0xF7C0] =	vst v24;
	v57 =	vld [tilespmem:$0x1FFB0];
	v24 =	vadd.s32 v43, v25;
	v25 =	vadd.s32 v44, v26;
	v26 =	vadd.s32 v45, v46  }
0x384: {  	v58 =	vld [tilespmem:$0x1FFC0];
	[tilespmem:$0xF7D0] =	vst v24;
	v24 =	vadd.s32 v47, v25;
	v25 =	vadd.s32 v48, v26;
	v26 =	vadd.s32 v49, v50  }
0x385: {  	v61 =	vld [tilespmem:$0x1FFF0];
	[tilespmem:$0xF7E0] =	vst v24;
	v24 =	vadd.s32 v51, v25;
	v25 =	vadd.s32 v52, v26  }
0x386: {  	v55 =	vadd.s32 v60, v25;
	v60 =	vld [tilespmem:$0x1FFE0]  }
0x387: {  	v2 =	vadd.s32 v2, v3;
	v3 =	vadd.s32 v6, v7;
	v43 =	vld [tilespmem:$0x100C0]  }
0x388: {  	v2 =	vadd.s32 v4, v2;
	v3 =	vadd.s32 v8, v3;
	v63 =	vld [tilespmem:$0x104D0]  }
0x389: {  	[tilespmem:$0xF830] =	vst v2;
	v2 =	vadd.s32 v9, v3;
	v44 =	vld [tilespmem:$0x104C0];
	v26 =	vadd.s32 v53, v54  }
0x38a: {  	[tilespmem:$0xF840] =	vst v2;
	v45 =	vld [tilespmem:$0xF8D0];
	v25 =	vadd.s32 v57, v26;
	v26 =	vadd.s32 v58, v59  }
0x38b: {  	v46 =	vld [tilespmem:$0xFCD0];
	[tilespmem:$0xF7F0] =	vst v24;
	v24 =	vadd.s32 v60, v25;
	v25 =	vadd.s32 v61, v26  }
0x38c: {  	v48 =	vld [tilespmem:$0xFCE0];
	[tilespmem:$0xF800] =	vst v55;
	v62 =	vadd.s32 v56, v25;
	v25 =	vadd.s32 v10, v11  }
0x38d: {  	v47 =	vadd.s32 v14, v15;
	v50 =	vld [tilespmem:$0x100E0];
	[tilespmem:$0xF810] =	vst v24;
	v3 =	vadd.s32 v12, v25  }
0x38e: {  	v49 =	vadd.s32 v18, v19;
	v52 =	vld [tilespmem:$0x104E0];
	[tilespmem:$0xF820] =	vst v62;
	v2 =	vadd.s32 v13, v3;
	v3 =	vadd.s32 v16, v47  }
0x38f: {  	v51 =	vadd.s32 v22, v23;
	v54 =	vld [tilespmem:$0xF8F0];
	[tilespmem:$0xF850] =	vst v2;
	v2 =	vadd.s32 v17, v3;
	v3 =	vadd.s32 v20, v49  }
0x390: {  	v53 =	vadd.s32 v29, v30;
	v26 =	vld [tilespmem:$0xF8E0];
	[tilespmem:$0xF860] =	vst v2;
	v2 =	vadd.s32 v21, v3;
	v3 =	vadd.s32 v27, v51  }
0x391: {  	v55 =	vadd.s32 v33, v34;
	v56 =	vld [tilespmem:$0xFCF0];
	[tilespmem:$0xF870] =	vst v2;
	v2 =	vadd.s32 v28, v3;
	v3 =	vadd.s32 v31, v53  }
0x392: {  	v57 =	vadd.s32 v37, v38;
	v58 =	vld [tilespmem:$0x100F0];
	[tilespmem:$0xF880] =	vst v2;
	v2 =	vadd.s32 v32, v3;
	v3 =	vadd.s32 v35, v55  }
0x393: {  	v59 =	vadd.s32 v41, v42;
	v60 =	vld [tilespmem:$0x104F0];
	[tilespmem:$0xF890] =	vst v2;
	v2 =	vadd.s32 v36, v3;
	v3 =	vadd.s32 v39, v57  }
0x394: {  	v61 =	vadd.s32 v45, v46;
	[tilespmem:$0xF8A0] =	vst v2;
	v2 =	vadd.s32 v40, v3;
	v3 =	vadd.s32 v43, v59  }
0x395: {  	v62 =	vadd.s32 v26, v48;
	[tilespmem:$0xF8B0] =	vst v2;
	v2 =	vadd.s32 v44, v3;
	v3 =	vadd.s32 v5, v61  }
0x396: {  	[tilespmem:$0xF8C0] =	vst v2;
	v2 =	vadd.s32 v63, v3;
	v3 =	vadd.s32 v50, v62;
	v63 =	vadd.s32 v54, v56  }
0x397: {  	s15 =	sadd.s32 $0x1, s15;
	[tilespmem:$0xF8D0] =	vst v2;
	v2 =	vadd.s32 v52, v3;
	v3 =	vadd.s32 v58, v63  }
0x398: {  	p0 =	sne.s32 s15, s12;
	[tilespmem:$0xF8E0] =	vst v2;
	v2 =	vadd.s32 v60, v3  }
.Ltmp8:
0x399: {  	[tilespmem:$0xF8F0] =	vst v2;
	(pc) =	sbr.rel @p0 .LBB2_1-.Ltmp8, $4  }
0x39a: {  	[hbm4b:s11+s0] =	stream.strided.scatter [tilespmem:s21], [sflag:$0x9], $0x400, s13, s0, $0x38;
	[tilespmem:$0x10500] =	vst v63  }
0x39b: {  	_ =	swait.ge [sflag:s14], $0x400  }
0x39c: {  	[sflag:s14] =	ssyncset.done $0x0  }
0x39d: {  	[sflag:s14] =	ssyncadd.s32 $0xFFFFFC00  }
0x39e: {  	_ =	sfence.sel $0x180000  }
0x39f: {  	[bflag:$0x0] =	sbarrier.arrive $0xFFFF  }
0x3a0: {  	_ =	strace $0x90000047  }
0x3a1: {  	s0 =	stileid.u32;
	[bflag:$0x2] =	sbarrier.arrive $0xFFFF  }
0x3a2: {  	p0 =	sne.s32 s0, $0x0;
	s0 =	rddreg [dreg:$0x2]  }
0x3a3: {  	s0 =	sadd.s32 @!p0 $0x100000, s0  }
0x3a4: {  	[sflag:s0] =	ssyncadd.tile.s32 @!p0 $0x1;
	_ =	shalt  }
.Lfunc_end2:
_tile_overlayer_lowered:
.L_overlay_start_2:
0x3a5: {  	(tag) =	ssettag $0x2  }
0x3a6: {  	s0 =	rddreg [dreg:$0x0];
	s2 =	stileid.u32  }
0x3a7: {  	s1 =	rddreg [dreg:$0x1];
	p0 =	sne.s32 s2, $0x0  }
0x3a8: {  	s3 =	rddreg [dreg:$0x2];
	[bflag:$0x3] =	sbarrier.arrive $0xFFFF;
	s2 =	simm.s32 @!p0 $0x1C09  }
0x3a9: {  	[timem:s3], [sflag:s2] =	dma.local @!p0 [hbm:s0], s1  }
0x3aa: {  	s0 =	simm.s32 @!p0 $0x9  }
0x3ab: {  	_ =	swait.ge @!p0 [sflag:s0], s1  }
0x3ac: {  	s1 =	ssub.s32 @!p0 $0x0, s1;
	[sflag:s0] =	ssyncset.done @!p0 $0x0  }
0x3ad: {  	[sflag:s0] =	ssyncadd.s32 @!p0 s1  }
0x3ae: {  	[bflag:$0x3] =	sbarrier.arrive $0xFFFF  }
0x3af: {  	_ =	shalt  }

// kernel: kernel.8.cloned.1.call-start
scs
__scs_entry_jumppad:
0x0: {  	(pc) =	sbr.rel $0x88, $3  }
0x1: {  	(tag) =	ssettag $0x0;
	lr =	simm.s32 $0x1  }
0x2: {  	[smem:$0x3F9F] =	sst lr;
	_ =	strace $0xD0000000  }
0x3: {  	_ = 	snop  }
0x4: {  	_ = 	snop  }
0x5: {  	_ = 	snop  }
0x6: {  	_ = 	snop  }
0x7: {  	_ = 	snop  }
__scs_overlays_trampoline_lowered:
0x8: {  	[smem:$0x3FAE] =	sst s0  }
0x9: {  	[smem:$0x3FAF] =	sst s1  }
0xa: {  	[smem:$0x3FB0] =	sst s2  }
0xb: {  	[smem:$0x3FB1] =	sst s3  }
0xc: {  	[smem:$0x3FB2] =	sst s4  }
0xd: {  	[smem:$0x3FB3] =	sst s5  }
0xe: {  	[smem:$0x3FB4] =	sst s6  }
0xf: {  	[smem:$0x3FB5] =	sst s7  }
0x10: {  	[smem:$0x3FB6] =	sst s8  }
0x11: {  	[smem:$0x3FB7] =	sst s9;
	s0 =	simm.s32 @!p0 $0x0  }
0x12: {  	s1 =	sld [smem:$0x3F9D];
	s0 =	simm.s32 @p0 $0x1  }
0x13: {  	[smem:$0x3FB8] =	sst s0;
	s0 =	simm.s32 @!p1 $0x0  }
0x14: {  	s2 =	sld [smem:$0x3F9C];
	s0 =	simm.s32 @p1 $0x1  }
0x15: {  	[smem:$0x3FB9] =	sst s0;
	s0 =	simm.s32 @!p2 $0x0  }
0x16: {  	s3 =	sld [smem:$0x3FDB];
	s0 =	simm.s32 @p2 $0x1  }
0x17: {  	s4 =	simm.s32 $0x1BF5;
	[smem:$0x3FBB] =	sst s0  }
0x18: {  	s0 =	sld [smem:$0x3F9E];
	_ =	swait.ge [sflag:s4], $0x0  }
0x19: {  	s7 =	sld [smem:$0x3F9F]  }
0x1a: {  	s8 =	sadd.s32 $0xFFFFE003, lr  }
0x1b: {  	s9 =	sadd.s32 $0xFFFFFEF7, lr;
	s5 =	simm.s32 $0xFFFFFFFF;
	p2 =	slt.u32 s8, $0xFFFFF086  }
0x1c: {  	p1 =	slt.u32 s9, $0xF7A;
	s5 =	simm.s32 @!p2 $0x0  }
0x1d: {  	s5 =	simm.s32 @p1 $0x1;
	p0 =	seq.s32 s7, s2  }
0x1e: {  	s7 =	smul.u32 @!p0 $0xF7A, s2;
	p2 =	seq.s32 @!p0 s5, $0x0  }
0x1f: {  	s9 =	smul.u32 $0xF7A, s1;
	s8 =	simm.s32 @!p0 $0x1BF5;
	p2 =	por !p2, p0  }
0x20: {  	[sflag:s8] =	ssyncset.s32 @!p0 $0xFFFFF086;
	s6 =	sadd.s32 @!p0 s3, s7;
	s7 =	simm.s32 @!p0 $0x108  }
0x21: {  	s3 =	sadd.s32 s3, s9;
	s6 =	sadd.s32 @!p0 $0x88, s6;
	s7 =	simm.s32 @p2 $0x1082  }
0x22: {  	[simem:s7], [sflag:s8] =	dma.local @!p0 [hbm:s6], $0xF7A  }
0x23: {  	s9 =	sor.u32 $0xD0000000, s2;
	s6 =	simm.s32 $0x108;
	_ =	swait.ge @!p0 [sflag:s8], $0x0  }
0x24: {  	s3 =	sadd.s32 $0x88, s3;
	s6 =	simm.s32 @!p1 $0x1082;
	[sflag:s4] =	ssyncset.s32 $0xFFFFF086  }
0x25: {  	[simem:s6], [sflag:s4] =	dma.local [hbm:s3], $0xF7A  }
0x26: {  	[smem:$0x3F9F] =	sst s1;
	(tag) =	ssettag s2;
	_ =	strace s9  }
0x27: {  	s1 =	sld [smem:$0x3FAF]  }
0x28: {  	s2 =	sld [smem:$0x3FB0]  }
0x29: {  	s4 =	sld [smem:$0x3FB2]  }
0x2a: {  	p0 =	seq.s32 s5, $0x0;
	s5 =	sld [smem:$0x3FB3]  }
0x2b: {  	s6 =	sld [smem:$0x3FB4]  }
0x2c: {  	s7 =	sld [smem:$0x3FB5]  }
0x2d: {  	s3 =	simm.s32 $0x108;
	s8 =	sld [smem:$0x3FB6]  }
0x2e: {  	s3 =	simm.s32 @!p0 $0x1082;
	s9 =	sld [smem:$0x3FB7]  }
0x2f: {  	lr =	sadd.s32 s0, s3;
	s0 =	sld [smem:$0x3FAE]  }
0x30: {  	s3 =	sld [smem:$0x3FB1]  }
0x31: {  	[smem:$0x3FBA] =	sst s10  }
0x32: {  	s10 =	sld [smem:$0x3FB8];
	_ =	sdelay $0x3  }
0x33: {  	p0 =	seq.s32 s10, $0x1;
	s10 =	sld [smem:$0x3FBA];
	_ =	sdelay $0x3  }
0x34: {  	[smem:$0x3FBA] =	sst s10  }
0x35: {  	s10 =	sld [smem:$0x3FB9];
	_ =	sdelay $0x3  }
0x36: {  	p1 =	seq.s32 s10, $0x1;
	s10 =	sld [smem:$0x3FBA];
	_ =	sdelay $0x3  }
0x37: {  	[smem:$0x3FBA] =	sst s10  }
0x38: {  	s10 =	sld [smem:$0x3FBB]  }
0x39: {  	_ = 	snop;
	(pc) =	sbr.ind lr, $3  }
0x3a: {  	_ = 	snop  }
0x3b: {  	_ = 	snop  }
0x3c: {  	p2 =	seq.s32 s10, $0x1;
	s10 =	sld [smem:$0x3FBA]  }
0x3d: {  	_ =	shalt  }
0x3e: {  	_ =	shalt  }
0x3f: {  	_ =	shalt  }
0x40: {  	_ =	shalt  }
0x41: {  	_ =	shalt  }
0x42: {  	_ =	shalt  }
0x43: {  	_ =	shalt  }
0x44: {  	_ =	shalt  }
0x45: {  	_ =	shalt  }
0x46: {  	_ =	shalt  }
0x47: {  	_ =	shalt  }
0x48: {  	_ =	shalt  }
0x49: {  	_ =	shalt  }
0x4a: {  	_ =	shalt  }
0x4b: {  	_ =	shalt  }
0x4c: {  	_ =	shalt  }
0x4d: {  	_ =	shalt  }
0x4e: {  	_ =	shalt  }
0x4f: {  	_ =	shalt  }
0x50: {  	_ =	shalt  }
0x51: {  	_ =	shalt  }
0x52: {  	_ =	shalt  }
0x53: {  	_ =	shalt  }
0x54: {  	_ =	shalt  }
0x55: {  	_ =	shalt  }
0x56: {  	_ =	shalt  }
0x57: {  	_ =	shalt  }
0x58: {  	_ =	shalt  }
0x59: {  	_ =	shalt  }
0x5a: {  	_ =	shalt  }
0x5b: {  	_ =	shalt  }
0x5c: {  	_ =	shalt  }
0x5d: {  	_ =	shalt  }
0x5e: {  	_ =	shalt  }
0x5f: {  	_ =	shalt  }
0x60: {  	_ =	shalt  }
0x61: {  	_ =	shalt  }
0x62: {  	_ =	shalt  }
0x63: {  	_ =	shalt  }
0x64: {  	_ =	shalt  }
0x65: {  	_ =	shalt  }
0x66: {  	_ =	shalt  }
0x67: {  	_ =	shalt  }
0x68: {  	_ =	shalt  }
0x69: {  	_ =	shalt  }
0x6a: {  	_ =	shalt  }
0x6b: {  	_ =	shalt  }
0x6c: {  	_ =	shalt  }
0x6d: {  	_ =	shalt  }
0x6e: {  	_ =	shalt  }
0x6f: {  	_ =	shalt  }
0x70: {  	_ =	shalt  }
0x71: {  	_ =	shalt  }
0x72: {  	_ =	shalt  }
0x73: {  	_ =	shalt  }
0x74: {  	_ =	shalt  }
0x75: {  	_ =	shalt  }
0x76: {  	_ =	shalt  }
0x77: {  	_ =	shalt  }
0x78: {  	_ =	shalt  }
0x79: {  	_ =	shalt  }
0x7a: {  	_ =	shalt  }
0x7b: {  	_ =	shalt  }
0x7c: {  	_ =	shalt  }
0x7d: {  	_ =	shalt  }
0x7e: {  	_ =	shalt  }
0x7f: {  	_ =	shalt  }
0x80: {  	_ =	shalt  }
0x81: {  	_ =	shalt  }
0x82: {  	_ =	shalt  }
0x83: {  	_ =	shalt  }
0x84: {  	_ =	shalt  }
0x85: {  	_ =	shalt  }
0x86: {  	_ =	shalt  }
0x87: {  	_ =	shalt  }
.Lfunc_end0:
.L_simem_size_0:
called_computation.1_lowered:
.L_overlay_start_0:
0x88: {  	s2 =	sld [smem:$0x3FD9]  }
0x89: {  	s3 =	sld [smem:$0x3FFE];
	_ =	sdelay $0x1  }
0x8a: {  	s1 =	srdreg.scid  }
0x8b: {  	s0 =	sand.u32 $0x1, s1  }
0x8c: {  	s17 =	sshll.u32 s0, $0xA;
	s2 =	sadd.s32 s3, s2  }
0x8d: {  	s2 =	sadd.s32 s2, s17  }
0x8e: {  	[smem:$0x3FC6] =	sst s2  }
0x8f: {  	_ = 	snop  }
0x90: {  	s2 =	sld [smem:$0x3FC9]  }
0x91: {  	s18 =	sld [smem:$0x3FD0];
	(tm) =	ssettm $0x1  }
0x92: {  	s4 =	sld [smem:$0x3FFB];
	_ =	sdelay $0x3  }
0x93: {  	_ =	strace s4  }
0x94: {  	s4 =	sld [smem:$0x3FFC];
	_ =	sdelay $0x3  }
0x95: {  	_ =	strace s4  }
0x96: {  	s4 =	sld [smem:$0x3FFD];
	_ =	sdelay $0x3  }
0x97: {  	_ =	strace s4  }
0x98: {  	_ =	strace $0x8FFFFFFF  }
0x99: {  	s19 =	sld [smem:$0x3FDB];
	_ =	sdelay $0x1  }
0x9a: {  	s5 =	simm.s32 $_scs_section_size  }
0x9b: {  	s6 =	simm.s32 $_size__tile_overlayer_lowered;
	s7 =	simm.s32 $_tile_overlayer_lowered  }
0x9c: {  	s22 =	simm.s32 $0x1BFF;
	s21 =	sshll.u32 s7, $0x1;
	s4 =	sadd.s32 s5, s19  }
0x9d: {  	s8 =	simm.s32 $0x0;
	s20 =	sshll.u32 s6, $0x1;
	s6 =	sadd.s32 s21, s4  }
0x9e: {  	[timem:s8], [sflag:s22] =	dma.local [hbm:s6], s20  }
0x9f: {  	_ =	swait.ge [sflag:s22], s20  }
0xa0: {  	s5 =	ssub.s32 $0x0, s20;
	[sflag:s22] =	ssyncset.done $0x0  }
0xa1: {  	[sflag:s22] =	ssyncadd.s32 s5;
	_ =	sdelay $0x1  }
0xa2: {  	s23 =	simm.s32 $0x1B8B  }
0xa3: {  	_ =	swait.ge [sflag:s23], $0x1  }
0xa4: {  	[sflag:s23] =	ssyncset.done $0x0  }
0xa5: {  	s25 =	simm.s32 $0x1B8E;
	s24 =	sld [smem:$0x3FFE];
	[sflag:s23] =	ssyncadd.s32 $0xFFFFFFFF  }
0xa6: {  	s26 =	simm.s32 $execute0_lowered;
	[smem:$0x3FD2] =	sst s25  }
0xa7: {  	s6 =	sshll.u32 s26, $0x1;
	_ =	strace $0x80000049;
	[dreg:$0x1] =	wrdreg $0xFFFFFFFF  }
0xa8: {  	s28 =	simm.s32 $_size_execute0_lowered;
	s4 =	sadd.s32 s4, s6;
	[dreg:$0x0] =	wrdreg $0x0  }
0xa9: {  	s6 =	sshll.u32 s28, $0x1;
	[dreg:$0x2] =	wrdreg s4  }
0xaa: {  	[dreg:$0x3] =	wrdreg s6  }
0xab: {  	[dreg:$0x4] =	wrdreg $0xC0  }
0xac: {  	_ =	task [dreg:s8], $0x5FFFF  }
0xad: {  	[dreg:$0x1] =	wrdreg $0xFFFFFFFF  }
0xae: {  	[dreg:$0x0] =	wrdreg $0x60  }
0xaf: {  	[dreg:$0x2] =	wrdreg s2  }
0xb0: {  	[dreg:$0x3] =	wrdreg s24  }
0xb1: {  	[dreg:$0x4] =	wrdreg s18  }
0xb2: {  	[dreg:$0x5] =	wrdreg $0x9  }
0xb3: {  	_ =	task.clear_ibuf [dreg:s8], $0x6FFFF;
	_ =	strace $0x90000049  }
0xb4: {  	s29 =	simm.s32 $0x9;
	_ =	strace $0x8000004B  }
0xb5: {  	_ =	swait.ge [sflag:s29], $0x1  }
0xb6: {  	[sflag:s29] =	ssyncadd.s32 $0xFFFFFFFF  }
0xb7: {  	_ =	strace $0x9000004B  }
0xb8: {  	_ =	sfence  }
0xb9: {  	s30 =	sld [smem:$0x0];
	_ =	sdelay $0x2  }
0xba: {  	s31 =	sshll.u32 s1, $0xD;
	s1 =	sshrl.u32 s1, $0x2  }
0xbb: {  	s3 =	sand.u32 $0x4000, s31;
	s1 =	sadd.s32 s1, s30  }
0xbc: {  	s0 =	sor.u32 s3, s0;
	s1 =	sshll.u32 s1, $0x11  }
0xbd: {  	s0 =	sor.u32 s1, s0  }
0xbe: {  	s0 =	sadd.s32 $0x8F2B, s0  }
0xbf: {  	[sflag:s0] =	ssyncadd.remote.s32 $0x1  }
0xc0: {  	_ =	sfence.sel $0xFFFF  }
0xc1: {  	[dreg:$0x0] =	wrdreg $0xFFFFFFFF;
	(pc) =	sbr.abs _section_cstart, $3  }
0xc2: {  	[dreg:$0x1] =	wrdreg $0xFFFFFFFF  }
0xc3: {  	_ =	task.clear_ibuf [dreg:s8], $0x2FFFF;
	_ =	strace $0x9FFFFFFF  }
0xc4: {  	(tm) =	ssettm $0x7FFFFFFF  }
0xc5: {  	_ =	shalt  }
tec
execute0_lowered:
.L_overlay_start_1:
0x0: {  	(tag) =	ssettag $0x1  }
0x1: {  	s7 =	rddreg [dreg:$0x0];
	s1 =	srdreg.scid  }
0x2: {  	s0 =	stileid.u32;
	s3 =	rddreg [dreg:$0x1]  }
0x3: {  	s12 =	rddreg [dreg:$0x2];
	s2 =	simm.s32 $0x0;
	s14 =	simm.s32 $0x4000  }
0x4: {  	s15 =	simm.s32 $0x8000;
	s16 =	simm.s32 $0xC000;
	s17 =	simm.s32 $0xF500  }
0x5: {  	s18 =	simm.s32 $0xA;
	s19 =	simm.s32 $0x1;
	s20 =	simm.s32 $0x2  }
0x6: {  	s21 =	simm.s32 $0x3;
	s22 =	simm.s32 $0x4;
	s24 =	simm.s32 $0x6  }
0x7: {  	s25 =	simm.s32 $0x7;
	s26 =	simm.s32 $0x8;
	s28 =	simm.s32 $0x0  }
0x8: {  	s4 =	sand.u32 $0x1, s1;
	s31 =	sshll.u32 s0, $0x1;
	s1 =	rddreg [dreg:$0x3]  }
0x9: {  	[smem:$0x7FF] =	sst s2;
	s23 =	sor.u32 s4, s31;
	s4 =	ssub.s32 $0x2, s4  }
0xa: {  	s3 =	sadd.s32 $0xC00, s3;
	s5 =	smul.u32 $0xF420, s23;
	s6 =	sshrl.u32 s4, $0x1  }
0xb: {  	_ =	strace $0x8000004A;
	p0 =	sne.s32 s23, $0x1F;
	s13 =	ssub.s32 s4, s6  }
0xc: {  	s23 =	simm.s32 $0x5;
	s8 =	sshrl.u32 s5, $0x3;
	s13 =	smax.u32 s13, $0x1  }
0xd: {  	s4 =	sadd.s32 s7, s8;
	s9 =	sadd.s32 $0x800, s8;
	s10 =	sadd.s32 $0x1000, s8  }
0xe: {  	s11 =	sadd.s32 $0x1800, s8;
	s8 =	sadd.s32 s12, s8;
	s5 =	sadd.s32 s7, s9  }
0xf: {  	v0 =	vlaneseq.u32;
	s6 =	sadd.s32 s7, s10;
	s7 =	sadd.s32 s7, s11;
	s9 =	sadd.s32 s12, s9  }
0x10: {  	v0 =	vor.u32 $0xFFFFFFF0, v0;
	s10 =	sadd.s32 s12, s10;
	s11 =	sadd.s32 s12, s11;
	s12 =	sadd.s32 $0x3D080, s12  }
.LBB2_1:
0x11: {  	[tilespmem:s2], [sflag:$0x1] =	stream.linear.gather [hbm4b:s4+s2], $0x4000, $0x38;
	[tilespmem:$0x13500] =	vst v63  }
0x12: {  	_ = 	snop  }
0x13: {  	[tilespmem:s14], [sflag:$0x2] =	stream.linear.gather [hbm4b:s5+s2], $0x4000, $0x38;
	[tilespmem:$0x13500] =	vst v63  }
0x14: {  	_ = 	snop  }
0x15: {  	[tilespmem:s15], [sflag:$0x3] =	stream.linear.gather [hbm4b:s6+s2], $0x4000, $0x38;
	[tilespmem:$0x13500] =	vst v63  }
0x16: {  	_ = 	snop  }
0x17: {  	[tilespmem:s16], [sflag:$0x4] =	stream.linear.gather [hbm4b:s7+s2], $0x34A0, $0x38;
	[tilespmem:$0x13500] =	vst v63  }
0x18: {  	_ = 	snop  }
0x19: {  	[tilespmem:s17], [sflag:$0xA] =	stream.linear.gather [hbm4b:s3+s2], $0x4000, $0x38;
	[tilespmem:$0x13500] =	vst v63  }
0x1a: {  	_ =	swait.ge [sflag:s18], $0x4000  }
0x1b: {  	[sflag:s18] =	ssyncset.done $0x0  }
0x1c: {  	[sflag:s18] =	ssyncadd.s32 $0xFFFFC000  }
0x1d: {  	_ =	swait.ge [sflag:s19], $0x4000  }
0x1e: {  	[sflag:s19] =	ssyncset.done $0x0  }
0x1f: {  	s29 =	simm.s32 $0x40;
	[sflag:s19] =	ssyncadd.s32 $0xFFFFC000  }
0x20: {  	v1 =	vld [tilespmem:s29+$0xFFFFFFC0];
	_ =	sdelay $0x4  }
0x21: {  	v1 =	vshll.u32 v1, $0x4  }
0x22: {  	v2 =	vld [tilespmem:s29+$0xFFFFFFD0];
	v1 =	vadd.s32 v0, v1;
	_ =	sdelay $0x4  }
0x23: {  	v2 =	vshll.u32 v2, $0x4;
	v1 =	vld.idx.msk [tilespmem:v1+s17+$0x0], $0xffff  }
0x24: {  	v3 =	vld [tilespmem:s29+$0xFFFFFFE0];
	v2 =	vadd.s32 v0, v2;
	_ =	sdelay $0x3  }
0x25: {  	[tilespmem:s29+$0xFFFFFFC0] =	vst v1  }
0x26: {  	v1 =	vld.idx.msk [tilespmem:v2+s17+$0x0], $0xffff;
	v2 =	vshll.u32 v3, $0x4  }
0x27: {  	v3 =	vld [tilespmem:s29+$0xFFFFFFF0];
	v2 =	vadd.s32 v0, v2;
	_ =	sdelay $0x3  }
0x28: {  	[tilespmem:s29+$0xFFFFFFD0] =	vst v1  }
0x29: {  	v1 =	vld.idx.msk [tilespmem:v2+s17+$0x0], $0xffff;
	v2 =	vshll.u32 v3, $0x4  }
0x2a: {  	v3 =	vld [tilespmem:s29+$0x0];
	v2 =	vadd.s32 v0, v2;
	_ =	sdelay $0x3  }
0x2b: {  	[tilespmem:s29+$0xFFFFFFE0] =	vst v1  }
0x2c: {  	v1 =	vld.idx.msk [tilespmem:v2+s17+$0x0], $0xffff;
	v2 =	vshll.u32 v3, $0x4  }
0x2d: {  	v3 =	vld [tilespmem:s29+$0x10];
	v2 =	vadd.s32 v0, v2;
	_ =	sdelay $0x3  }
0x2e: {  	[tilespmem:s29+$0xFFFFFFF0] =	vst v1  }
0x2f: {  	v1 =	vld.idx.msk [tilespmem:v2+s17+$0x0], $0xffff;
	v2 =	vshll.u32 v3, $0x4  }
0x30: {  	v3 =	vld [tilespmem:s29+$0x20];
	v2 =	vadd.s32 v0, v2;
	_ =	sdelay $0x3  }
0x31: {  	[tilespmem:s29+$0x0] =	vst v1  }
0x32: {  	v1 =	vld.idx.msk [tilespmem:v2+s17+$0x0], $0xffff;
	v2 =	vshll.u32 v3, $0x4  }
0x33: {  	v3 =	vld [tilespmem:s29+$0x30];
	v2 =	vadd.s32 v0, v2;
	_ =	sdelay $0x3  }
0x34: {  	[tilespmem:s29+$0x10] =	vst v1  }
0x35: {  	v3 =	vshll.u32 v3, $0x4;
	v1 =	vld.idx.msk [tilespmem:v2+s17+$0x0], $0xffff  }
0x36: {  	s30 =	simm.s32 $0x0;
	s31 =	simm.s32 $0xC0;
	v2 =	vadd.s32 v0, v3  }
.LBB2_2:
0x37: {  	v3 =	vld [tilespmem:s31+$0xFFFFFFC0];
	s30 =	sadd.s32 $0x8, s30  }
0x38: {  	p1 =	slt.u32 s30, $0x3F8;
	_ =	sdelay $0x1  }
0x39: {  	[tilespmem:s29+$0x20] =	vst v1  }
0x3a: {  	v1 =	vld.idx.msk [tilespmem:v2+s17+$0x0], $0xffff  }
0x3b: {  	v2 =	vshll.u32 v3, $0x4  }
0x3c: {  	v2 =	vadd.s32 v0, v2  }
0x3d: {  	v3 =	vld [tilespmem:s31+$0xFFFFFFD0];
	_ =	sdelay $0x2  }
0x3e: {  	[tilespmem:s29+$0x30] =	vst v1;
	s29 =	smov.u32 s31  }
0x3f: {  	v1 =	vld.idx.msk [tilespmem:v2+s17+$0x0], $0xffff  }
0x40: {  	v2 =	vshll.u32 v3, $0x4  }
0x41: {  	v2 =	vadd.s32 v0, v2  }
0x42: {  	v3 =	vld [tilespmem:s31+$0xFFFFFFE0];
	_ =	sdelay $0x2  }
0x43: {  	[tilespmem:s31+$0xFFFFFFC0] =	vst v1  }
0x44: {  	v1 =	vld.idx.msk [tilespmem:v2+s17+$0x0], $0xffff  }
0x45: {  	v2 =	vshll.u32 v3, $0x4  }
0x46: {  	v2 =	vadd.s32 v0, v2  }
0x47: {  	v3 =	vld [tilespmem:s31+$0xFFFFFFF0];
	_ =	sdelay $0x2  }
0x48: {  	[tilespmem:s31+$0xFFFFFFD0] =	vst v1  }
0x49: {  	v1 =	vld.idx.msk [tilespmem:v2+s17+$0x0], $0xffff  }
0x4a: {  	v2 =	vshll.u32 v3, $0x4  }
0x4b: {  	v2 =	vadd.s32 v0, v2  }
0x4c: {  	v3 =	vld [tilespmem:s31+$0x0];
	_ =	sdelay $0x2  }
0x4d: {  	[tilespmem:s31+$0xFFFFFFE0] =	vst v1  }
0x4e: {  	v1 =	vld.idx.msk [tilespmem:v2+s17+$0x0], $0xffff  }
0x4f: {  	v2 =	vshll.u32 v3, $0x4  }
0x50: {  	v2 =	vadd.s32 v0, v2  }
0x51: {  	v3 =	vld [tilespmem:s31+$0x10];
	_ =	sdelay $0x2  }
0x52: {  	[tilespmem:s31+$0xFFFFFFF0] =	vst v1  }
0x53: {  	v1 =	vld.idx.msk [tilespmem:v2+s17+$0x0], $0xffff  }
0x54: {  	v2 =	vshll.u32 v3, $0x4  }
0x55: {  	v2 =	vadd.s32 v0, v2  }
0x56: {  	v3 =	vld [tilespmem:s31+$0x20];
	_ =	sdelay $0x2  }
0x57: {  	[tilespmem:s31+$0x0] =	vst v1  }
0x58: {  	v1 =	vld.idx.msk [tilespmem:v2+s17+$0x0], $0xffff  }
0x59: {  	v2 =	vshll.u32 v3, $0x4  }
0x5a: {  	v2 =	vadd.s32 v0, v2  }
0x5b: {  	v3 =	vld [tilespmem:s31+$0x30];
	_ =	sdelay $0x1  }
.Ltmp0:
0x5c: {  	(pc) =	sbr.rel @p1 .LBB2_2-.Ltmp0, $4  }
0x5d: {  	[tilespmem:s31+$0x10] =	vst v1  }
0x5e: {  	v1 =	vld.idx.msk [tilespmem:v2+s17+$0x0], $0xffff  }
0x5f: {  	v2 =	vshll.u32 v3, $0x4  }
0x60: {  	s31 =	sadd.s32 $0x80, s31;
	v2 =	vadd.s32 v0, v2  }
0x61: {  	_ =	sdelay $0x2  }
0x62: {  	[tilespmem:s29+$0x20] =	vst v1  }
0x63: {  	v1 =	vld.idx.msk [tilespmem:v2+s17+$0x0], $0xffff;
	_ =	sdelay $0x4  }
0x64: {  	[tilespmem:s29+$0x30] =	vst v1  }
0x65: {  	[hbm4b:s8+s2] =	stream.linear.scatter [tilespmem:s2], [sflag:$0x5], $0x4000, $0x38;
	[tilespmem:$0x13500] =	vst v63  }
0x66: {  	_ =	swait.ge [sflag:s20], $0x4000  }
0x67: {  	[sflag:s20] =	ssyncset.done $0x0  }
0x68: {  	s29 =	simm.s32 $0x4070;
	[sflag:s20] =	ssyncadd.s32 $0xFFFFC000  }
0x69: {  	v1 =	vld [tilespmem:s29+$0xFFFFFF90];
	_ =	sdelay $0x4  }
0x6a: {  	v1 =	vshll.u32 v1, $0x4  }
0x6b: {  	v2 =	vld [tilespmem:s29+$0xFFFFFFA0];
	v1 =	vadd.s32 v0, v1;
	_ =	sdelay $0x4  }
0x6c: {  	v2 =	vshll.u32 v2, $0x4;
	v1 =	vld.idx.msk [tilespmem:v1+s17+$0x0], $0xffff  }
0x6d: {  	v3 =	vld [tilespmem:s29+$0xFFFFFFB0];
	v2 =	vadd.s32 v0, v2;
	_ =	sdelay $0x3  }
0x6e: {  	[tilespmem:s29+$0xFFFFFF90] =	vst v1  }
0x6f: {  	v1 =	vld.idx.msk [tilespmem:v2+s17+$0x0], $0xffff;
	v2 =	vshll.u32 v3, $0x4  }
0x70: {  	v3 =	vld [tilespmem:s29+$0xFFFFFFC0];
	v2 =	vadd.s32 v0, v2;
	_ =	sdelay $0x3  }
0x71: {  	[tilespmem:s29+$0xFFFFFFA0] =	vst v1  }
0x72: {  	v1 =	vld.idx.msk [tilespmem:v2+s17+$0x0], $0xffff;
	v2 =	vshll.u32 v3, $0x4  }
0x73: {  	v3 =	vld [tilespmem:s29+$0xFFFFFFD0];
	v2 =	vadd.s32 v0, v2;
	_ =	sdelay $0x3  }
0x74: {  	[tilespmem:s29+$0xFFFFFFB0] =	vst v1  }
0x75: {  	v1 =	vld.idx.msk [tilespmem:v2+s17+$0x0], $0xffff;
	v2 =	vshll.u32 v3, $0x4  }
0x76: {  	v3 =	vld [tilespmem:s29+$0xFFFFFFE0];
	v2 =	vadd.s32 v0, v2;
	_ =	sdelay $0x3  }
0x77: {  	[tilespmem:s29+$0xFFFFFFC0] =	vst v1  }
0x78: {  	v1 =	vld.idx.msk [tilespmem:v2+s17+$0x0], $0xffff;
	v2 =	vshll.u32 v3, $0x4  }
0x79: {  	v3 =	vld [tilespmem:s29+$0xFFFFFFF0];
	v2 =	vadd.s32 v0, v2;
	_ =	sdelay $0x3  }
0x7a: {  	[tilespmem:s29+$0xFFFFFFD0] =	vst v1  }
0x7b: {  	v1 =	vld.idx.msk [tilespmem:v2+s17+$0x0], $0xffff;
	v2 =	vshll.u32 v3, $0x4  }
0x7c: {  	v3 =	vld [tilespmem:s29+$0x0];
	v2 =	vadd.s32 v0, v2;
	_ =	sdelay $0x3  }
0x7d: {  	[tilespmem:s29+$0xFFFFFFE0] =	vst v1  }
0x7e: {  	v3 =	vshll.u32 v3, $0x4;
	v1 =	vld.idx.msk [tilespmem:v2+s17+$0x0], $0xffff  }
0x7f: {  	s30 =	simm.s32 $0x0;
	s31 =	simm.s32 $0x40F0;
	v2 =	vadd.s32 v0, v3  }
.LBB2_4:
0x80: {  	v3 =	vld [tilespmem:s31+$0xFFFFFF90];
	s30 =	sadd.s32 $0x8, s30  }
0x81: {  	p1 =	slt.u32 s30, $0x3F8;
	_ =	sdelay $0x1  }
0x82: {  	[tilespmem:s29+$0xFFFFFFF0] =	vst v1  }
0x83: {  	v1 =	vld.idx.msk [tilespmem:v2+s17+$0x0], $0xffff  }
0x84: {  	v2 =	vshll.u32 v3, $0x4  }
0x85: {  	v2 =	vadd.s32 v0, v2  }
0x86: {  	v3 =	vld [tilespmem:s31+$0xFFFFFFA0];
	_ =	sdelay $0x2  }
0x87: {  	[tilespmem:s29+$0x0] =	vst v1;
	s29 =	smov.u32 s31  }
0x88: {  	v1 =	vld.idx.msk [tilespmem:v2+s17+$0x0], $0xffff  }
0x89: {  	v2 =	vshll.u32 v3, $0x4  }
0x8a: {  	v2 =	vadd.s32 v0, v2  }
0x8b: {  	v3 =	vld [tilespmem:s31+$0xFFFFFFB0];
	_ =	sdelay $0x2  }
0x8c: {  	[tilespmem:s31+$0xFFFFFF90] =	vst v1  }
0x8d: {  	v1 =	vld.idx.msk [tilespmem:v2+s17+$0x0], $0xffff  }
0x8e: {  	v2 =	vshll.u32 v3, $0x4  }
0x8f: {  	v2 =	vadd.s32 v0, v2  }
0x90: {  	v3 =	vld [tilespmem:s31+$0xFFFFFFC0];
	_ =	sdelay $0x2  }
0x91: {  	[tilespmem:s31+$0xFFFFFFA0] =	vst v1  }
0x92: {  	v1 =	vld.idx.msk [tilespmem:v2+s17+$0x0], $0xffff  }
0x93: {  	v2 =	vshll.u32 v3, $0x4  }
0x94: {  	v2 =	vadd.s32 v0, v2  }
0x95: {  	v3 =	vld [tilespmem:s31+$0xFFFFFFD0];
	_ =	sdelay $0x2  }
0x96: {  	[tilespmem:s31+$0xFFFFFFB0] =	vst v1  }
0x97: {  	v1 =	vld.idx.msk [tilespmem:v2+s17+$0x0], $0xffff  }
0x98: {  	v2 =	vshll.u32 v3, $0x4  }
0x99: {  	v2 =	vadd.s32 v0, v2  }
0x9a: {  	v3 =	vld [tilespmem:s31+$0xFFFFFFE0];
	_ =	sdelay $0x2  }
0x9b: {  	[tilespmem:s31+$0xFFFFFFC0] =	vst v1  }
0x9c: {  	v1 =	vld.idx.msk [tilespmem:v2+s17+$0x0], $0xffff  }
0x9d: {  	v2 =	vshll.u32 v3, $0x4  }
0x9e: {  	v2 =	vadd.s32 v0, v2  }
0x9f: {  	v3 =	vld [tilespmem:s31+$0xFFFFFFF0];
	_ =	sdelay $0x2  }
0xa0: {  	[tilespmem:s31+$0xFFFFFFD0] =	vst v1  }
0xa1: {  	v1 =	vld.idx.msk [tilespmem:v2+s17+$0x0], $0xffff  }
0xa2: {  	v2 =	vshll.u32 v3, $0x4  }
0xa3: {  	v2 =	vadd.s32 v0, v2  }
0xa4: {  	v3 =	vld [tilespmem:s31+$0x0];
	_ =	sdelay $0x1  }
.Ltmp1:
0xa5: {  	(pc) =	sbr.rel @p1 .LBB2_4-.Ltmp1, $4  }
0xa6: {  	[tilespmem:s31+$0xFFFFFFE0] =	vst v1  }
0xa7: {  	v1 =	vld.idx.msk [tilespmem:v2+s17+$0x0], $0xffff  }
0xa8: {  	v2 =	vshll.u32 v3, $0x4  }
0xa9: {  	s31 =	sadd.s32 $0x80, s31;
	v2 =	vadd.s32 v0, v2  }
0xaa: {  	_ =	sdelay $0x2  }
0xab: {  	[tilespmem:s29+$0xFFFFFFF0] =	vst v1  }
0xac: {  	v1 =	vld.idx.msk [tilespmem:v2+s17+$0x0], $0xffff;
	_ =	sdelay $0x4  }
0xad: {  	[tilespmem:s29+$0x0] =	vst v1  }
0xae: {  	[hbm4b:s9+s2] =	stream.linear.scatter [tilespmem:s14], [sflag:$0x6], $0x4000, $0x38;
	[tilespmem:$0x13500] =	vst v63  }
0xaf: {  	_ =	swait.ge [sflag:s21], $0x4000  }
0xb0: {  	[sflag:s21] =	ssyncset.done $0x0  }
0xb1: {  	s29 =	simm.s32 $0x8070;
	[sflag:s21] =	ssyncadd.s32 $0xFFFFC000  }
0xb2: {  	v1 =	vld [tilespmem:s29+$0xFFFFFF90];
	_ =	sdelay $0x4  }
0xb3: {  	v1 =	vshll.u32 v1, $0x4  }
0xb4: {  	v2 =	vld [tilespmem:s29+$0xFFFFFFA0];
	v1 =	vadd.s32 v0, v1;
	_ =	sdelay $0x4  }
0xb5: {  	v2 =	vshll.u32 v2, $0x4;
	v1 =	vld.idx.msk [tilespmem:v1+s17+$0x0], $0xffff  }
0xb6: {  	v3 =	vld [tilespmem:s29+$0xFFFFFFB0];
	v2 =	vadd.s32 v0, v2;
	_ =	sdelay $0x3  }
0xb7: {  	[tilespmem:s29+$0xFFFFFF90] =	vst v1  }
0xb8: {  	v1 =	vld.idx.msk [tilespmem:v2+s17+$0x0], $0xffff;
	v2 =	vshll.u32 v3, $0x4  }
0xb9: {  	v3 =	vld [tilespmem:s29+$0xFFFFFFC0];
	v2 =	vadd.s32 v0, v2;
	_ =	sdelay $0x3  }
0xba: {  	[tilespmem:s29+$0xFFFFFFA0] =	vst v1  }
0xbb: {  	v1 =	vld.idx.msk [tilespmem:v2+s17+$0x0], $0xffff;
	v2 =	vshll.u32 v3, $0x4  }
0xbc: {  	v3 =	vld [tilespmem:s29+$0xFFFFFFD0];
	v2 =	vadd.s32 v0, v2;
	_ =	sdelay $0x3  }
0xbd: {  	[tilespmem:s29+$0xFFFFFFB0] =	vst v1  }
0xbe: {  	v1 =	vld.idx.msk [tilespmem:v2+s17+$0x0], $0xffff;
	v2 =	vshll.u32 v3, $0x4  }
0xbf: {  	v3 =	vld [tilespmem:s29+$0xFFFFFFE0];
	v2 =	vadd.s32 v0, v2;
	_ =	sdelay $0x3  }
0xc0: {  	[tilespmem:s29+$0xFFFFFFC0] =	vst v1  }
0xc1: {  	v1 =	vld.idx.msk [tilespmem:v2+s17+$0x0], $0xffff;
	v2 =	vshll.u32 v3, $0x4  }
0xc2: {  	v3 =	vld [tilespmem:s29+$0xFFFFFFF0];
	v2 =	vadd.s32 v0, v2;
	_ =	sdelay $0x3  }
0xc3: {  	[tilespmem:s29+$0xFFFFFFD0] =	vst v1  }
0xc4: {  	v1 =	vld.idx.msk [tilespmem:v2+s17+$0x0], $0xffff;
	v2 =	vshll.u32 v3, $0x4  }
0xc5: {  	v3 =	vld [tilespmem:s29+$0x0];
	v2 =	vadd.s32 v0, v2;
	_ =	sdelay $0x3  }
0xc6: {  	[tilespmem:s29+$0xFFFFFFE0] =	vst v1  }
0xc7: {  	v3 =	vshll.u32 v3, $0x4;
	v1 =	vld.idx.msk [tilespmem:v2+s17+$0x0], $0xffff  }
0xc8: {  	s30 =	simm.s32 $0x0;
	s31 =	simm.s32 $0x80F0;
	v2 =	vadd.s32 v0, v3  }
.LBB2_6:
0xc9: {  	v3 =	vld [tilespmem:s31+$0xFFFFFF90];
	s30 =	sadd.s32 $0x8, s30  }
0xca: {  	p1 =	slt.u32 s30, $0x3F8;
	_ =	sdelay $0x1  }
0xcb: {  	[tilespmem:s29+$0xFFFFFFF0] =	vst v1  }
0xcc: {  	v1 =	vld.idx.msk [tilespmem:v2+s17+$0x0], $0xffff  }
0xcd: {  	v2 =	vshll.u32 v3, $0x4  }
0xce: {  	v2 =	vadd.s32 v0, v2  }
0xcf: {  	v3 =	vld [tilespmem:s31+$0xFFFFFFA0];
	_ =	sdelay $0x2  }
0xd0: {  	[tilespmem:s29+$0x0] =	vst v1;
	s29 =	smov.u32 s31  }
0xd1: {  	v1 =	vld.idx.msk [tilespmem:v2+s17+$0x0], $0xffff  }
0xd2: {  	v2 =	vshll.u32 v3, $0x4  }
0xd3: {  	v2 =	vadd.s32 v0, v2  }
0xd4: {  	v3 =	vld [tilespmem:s31+$0xFFFFFFB0];
	_ =	sdelay $0x2  }
0xd5: {  	[tilespmem:s31+$0xFFFFFF90] =	vst v1  }
0xd6: {  	v1 =	vld.idx.msk [tilespmem:v2+s17+$0x0], $0xffff  }
0xd7: {  	v2 =	vshll.u32 v3, $0x4  }
0xd8: {  	v2 =	vadd.s32 v0, v2  }
0xd9: {  	v3 =	vld [tilespmem:s31+$0xFFFFFFC0];
	_ =	sdelay $0x2  }
0xda: {  	[tilespmem:s31+$0xFFFFFFA0] =	vst v1  }
0xdb: {  	v1 =	vld.idx.msk [tilespmem:v2+s17+$0x0], $0xffff  }
0xdc: {  	v2 =	vshll.u32 v3, $0x4  }
0xdd: {  	v2 =	vadd.s32 v0, v2  }
0xde: {  	v3 =	vld [tilespmem:s31+$0xFFFFFFD0];
	_ =	sdelay $0x2  }
0xdf: {  	[tilespmem:s31+$0xFFFFFFB0] =	vst v1  }
0xe0: {  	v1 =	vld.idx.msk [tilespmem:v2+s17+$0x0], $0xffff  }
0xe1: {  	v2 =	vshll.u32 v3, $0x4  }
0xe2: {  	v2 =	vadd.s32 v0, v2  }
0xe3: {  	v3 =	vld [tilespmem:s31+$0xFFFFFFE0];
	_ =	sdelay $0x2  }
0xe4: {  	[tilespmem:s31+$0xFFFFFFC0] =	vst v1  }
0xe5: {  	v1 =	vld.idx.msk [tilespmem:v2+s17+$0x0], $0xffff  }
0xe6: {  	v2 =	vshll.u32 v3, $0x4  }
0xe7: {  	v2 =	vadd.s32 v0, v2  }
0xe8: {  	v3 =	vld [tilespmem:s31+$0xFFFFFFF0];
	_ =	sdelay $0x2  }
0xe9: {  	[tilespmem:s31+$0xFFFFFFD0] =	vst v1  }
0xea: {  	v1 =	vld.idx.msk [tilespmem:v2+s17+$0x0], $0xffff  }
0xeb: {  	v2 =	vshll.u32 v3, $0x4  }
0xec: {  	v2 =	vadd.s32 v0, v2  }
0xed: {  	v3 =	vld [tilespmem:s31+$0x0];
	_ =	sdelay $0x1  }
.Ltmp2:
0xee: {  	(pc) =	sbr.rel @p1 .LBB2_6-.Ltmp2, $4  }
0xef: {  	[tilespmem:s31+$0xFFFFFFE0] =	vst v1  }
0xf0: {  	v1 =	vld.idx.msk [tilespmem:v2+s17+$0x0], $0xffff  }
0xf1: {  	v2 =	vshll.u32 v3, $0x4  }
0xf2: {  	s31 =	sadd.s32 $0x80, s31;
	v2 =	vadd.s32 v0, v2  }
0xf3: {  	_ =	sdelay $0x2  }
0xf4: {  	[tilespmem:s29+$0xFFFFFFF0] =	vst v1  }
0xf5: {  	v1 =	vld.idx.msk [tilespmem:v2+s17+$0x0], $0xffff;
	_ =	sdelay $0x4  }
0xf6: {  	[tilespmem:s29+$0x0] =	vst v1  }
0xf7: {  	[hbm4b:s10+s2] =	stream.linear.scatter [tilespmem:s15], [sflag:$0x7], $0x4000, $0x38;
	[tilespmem:$0x13500] =	vst v63  }
0xf8: {  	_ =	swait.ge [sflag:s22], $0x34A0  }
0xf9: {  	[sflag:s22] =	ssyncset.done $0x0  }
0xfa: {  	s29 =	simm.s32 $0xC070;
	[sflag:s22] =	ssyncadd.s32 $0xFFFFCB60  }
0xfb: {  	v1 =	vld [tilespmem:s29+$0xFFFFFF90];
	_ =	sdelay $0x4  }
0xfc: {  	v1 =	vshll.u32 v1, $0x4  }
0xfd: {  	v2 =	vld [tilespmem:s29+$0xFFFFFFA0];
	v1 =	vadd.s32 v0, v1;
	_ =	sdelay $0x4  }
0xfe: {  	v2 =	vshll.u32 v2, $0x4;
	v1 =	vld.idx.msk [tilespmem:v1+s17+$0x0], $0xffff  }
0xff: {  	v3 =	vld [tilespmem:s29+$0xFFFFFFB0];
	v2 =	vadd.s32 v0, v2;
	_ =	sdelay $0x3  }
0x100: {  	[tilespmem:s29+$0xFFFFFF90] =	vst v1  }
0x101: {  	v1 =	vld.idx.msk [tilespmem:v2+s17+$0x0], $0xffff;
	v2 =	vshll.u32 v3, $0x4  }
0x102: {  	v3 =	vld [tilespmem:s29+$0xFFFFFFC0];
	v2 =	vadd.s32 v0, v2;
	_ =	sdelay $0x3  }
0x103: {  	[tilespmem:s29+$0xFFFFFFA0] =	vst v1  }
0x104: {  	v1 =	vld.idx.msk [tilespmem:v2+s17+$0x0], $0xffff;
	v2 =	vshll.u32 v3, $0x4  }
0x105: {  	v3 =	vld [tilespmem:s29+$0xFFFFFFD0];
	v2 =	vadd.s32 v0, v2;
	_ =	sdelay $0x3  }
0x106: {  	[tilespmem:s29+$0xFFFFFFB0] =	vst v1  }
0x107: {  	v1 =	vld.idx.msk [tilespmem:v2+s17+$0x0], $0xffff;
	v2 =	vshll.u32 v3, $0x4  }
0x108: {  	v3 =	vld [tilespmem:s29+$0xFFFFFFE0];
	v2 =	vadd.s32 v0, v2;
	_ =	sdelay $0x3  }
0x109: {  	[tilespmem:s29+$0xFFFFFFC0] =	vst v1  }
0x10a: {  	v1 =	vld.idx.msk [tilespmem:v2+s17+$0x0], $0xffff;
	v2 =	vshll.u32 v3, $0x4  }
0x10b: {  	v3 =	vld [tilespmem:s29+$0xFFFFFFF0];
	v2 =	vadd.s32 v0, v2;
	_ =	sdelay $0x3  }
0x10c: {  	[tilespmem:s29+$0xFFFFFFD0] =	vst v1  }
0x10d: {  	v1 =	vld.idx.msk [tilespmem:v2+s17+$0x0], $0xffff;
	v2 =	vshll.u32 v3, $0x4  }
0x10e: {  	v3 =	vld [tilespmem:s29+$0x0];
	v2 =	vadd.s32 v0, v2;
	_ =	sdelay $0x3  }
0x10f: {  	[tilespmem:s29+$0xFFFFFFE0] =	vst v1  }
0x110: {  	v3 =	vshll.u32 v3, $0x4;
	v1 =	vld.idx.msk [tilespmem:v2+s17+$0x0], $0xffff  }
0x111: {  	s30 =	simm.s32 $0x0;
	s31 =	simm.s32 $0xC0F0;
	v2 =	vadd.s32 v0, v3  }
.LBB2_8:
0x112: {  	v3 =	vld [tilespmem:s31+$0xFFFFFF90];
	s30 =	sadd.s32 $0x8, s30  }
0x113: {  	p1 =	slt.u32 s30, $0x340;
	_ =	sdelay $0x1  }
0x114: {  	[tilespmem:s29+$0xFFFFFFF0] =	vst v1  }
0x115: {  	v1 =	vld.idx.msk [tilespmem:v2+s17+$0x0], $0xffff  }
0x116: {  	v2 =	vshll.u32 v3, $0x4  }
0x117: {  	v2 =	vadd.s32 v0, v2  }
0x118: {  	v3 =	vld [tilespmem:s31+$0xFFFFFFA0];
	_ =	sdelay $0x2  }
0x119: {  	[tilespmem:s29+$0x0] =	vst v1;
	s29 =	smov.u32 s31  }
0x11a: {  	v1 =	vld.idx.msk [tilespmem:v2+s17+$0x0], $0xffff  }
0x11b: {  	v2 =	vshll.u32 v3, $0x4  }
0x11c: {  	v2 =	vadd.s32 v0, v2  }
0x11d: {  	v3 =	vld [tilespmem:s31+$0xFFFFFFB0];
	_ =	sdelay $0x2  }
0x11e: {  	[tilespmem:s31+$0xFFFFFF90] =	vst v1  }
0x11f: {  	v1 =	vld.idx.msk [tilespmem:v2+s17+$0x0], $0xffff  }
0x120: {  	v2 =	vshll.u32 v3, $0x4  }
0x121: {  	v2 =	vadd.s32 v0, v2  }
0x122: {  	v3 =	vld [tilespmem:s31+$0xFFFFFFC0];
	_ =	sdelay $0x2  }
0x123: {  	[tilespmem:s31+$0xFFFFFFA0] =	vst v1  }
0x124: {  	v1 =	vld.idx.msk [tilespmem:v2+s17+$0x0], $0xffff  }
0x125: {  	v2 =	vshll.u32 v3, $0x4  }
0x126: {  	v2 =	vadd.s32 v0, v2  }
0x127: {  	v3 =	vld [tilespmem:s31+$0xFFFFFFD0];
	_ =	sdelay $0x2  }
0x128: {  	[tilespmem:s31+$0xFFFFFFB0] =	vst v1  }
0x129: {  	v1 =	vld.idx.msk [tilespmem:v2+s17+$0x0], $0xffff  }
0x12a: {  	v2 =	vshll.u32 v3, $0x4  }
0x12b: {  	v2 =	vadd.s32 v0, v2  }
0x12c: {  	v3 =	vld [tilespmem:s31+$0xFFFFFFE0];
	_ =	sdelay $0x2  }
0x12d: {  	[tilespmem:s31+$0xFFFFFFC0] =	vst v1  }
0x12e: {  	v1 =	vld.idx.msk [tilespmem:v2+s17+$0x0], $0xffff  }
0x12f: {  	v2 =	vshll.u32 v3, $0x4  }
0x130: {  	v2 =	vadd.s32 v0, v2  }
0x131: {  	v3 =	vld [tilespmem:s31+$0xFFFFFFF0];
	_ =	sdelay $0x2  }
0x132: {  	[tilespmem:s31+$0xFFFFFFD0] =	vst v1  }
0x133: {  	v1 =	vld.idx.msk [tilespmem:v2+s17+$0x0], $0xffff  }
0x134: {  	v2 =	vshll.u32 v3, $0x4  }
0x135: {  	v2 =	vadd.s32 v0, v2  }
0x136: {  	v3 =	vld [tilespmem:s31+$0x0];
	_ =	sdelay $0x1  }
.Ltmp3:
0x137: {  	(pc) =	sbr.rel @p1 .LBB2_8-.Ltmp3, $4  }
0x138: {  	[tilespmem:s31+$0xFFFFFFE0] =	vst v1  }
0x139: {  	v1 =	vld.idx.msk [tilespmem:v2+s17+$0x0], $0xffff  }
0x13a: {  	v2 =	vshll.u32 v3, $0x4  }
0x13b: {  	s31 =	sadd.s32 $0x80, s31;
	v2 =	vadd.s32 v0, v2  }
0x13c: {  	_ =	sdelay $0x2  }
0x13d: {  	[tilespmem:s29+$0xFFFFFFF0] =	vst v1  }
0x13e: {  	v1 =	vld.idx.msk [tilespmem:v2+s17+$0x0], $0xffff;
	_ =	sdelay $0x4  }
0x13f: {  	[tilespmem:s29+$0x0] =	vst v1  }
0x140: {  	v1 =	vld [tilespmem:$0xF480];
	_ =	sdelay $0x4  }
0x141: {  	v1 =	vshll.u32 v1, $0x4  }
0x142: {  	v2 =	vld [tilespmem:$0xF490];
	v1 =	vadd.s32 v0, v1;
	_ =	sdelay $0x4  }
0x143: {  	v2 =	vshll.u32 v2, $0x4;
	v1 =	vld.idx.msk [tilespmem:v1+s17+$0x0], $0xffff  }
0x144: {  	v2 =	vadd.s32 v0, v2;
	_ =	sdelay $0x3  }
0x145: {  	[tilespmem:$0xF480] =	vst v1  }
0x146: {  	v1 =	vld.idx.msk [tilespmem:v2+s17+$0x0], $0xffff;
	_ =	sdelay $0x4  }
0x147: {  	[tilespmem:$0xF490] =	vst v1  }
0x148: {  	[hbm4b:s11+s2] =	stream.linear.scatter [tilespmem:s16], [sflag:$0x8], $0x3420, $0x38;
	[tilespmem:$0x13500] =	vst v63  }
0x149: {  	s30 =	simm.s32 @!p0 $0xF420;
	s29 =	simm.s32 @!p0 $0x0  }
0x14a: {  	[hbm4b:s12+s29] =	stream.linear.scatter @!p0 [tilespmem:s30], [sflag:$0x9], $0x80, $0x38;
	[tilespmem:$0x13500] =	vst v63  }
0x14b: {  	s29 =	simm.s32 @!p0 $0x9  }
0x14c: {  	_ =	swait.ge @!p0 [sflag:s29], $0x80  }
0x14d: {  	[sflag:s29] =	ssyncset.done @!p0 $0x0  }
0x14e: {  	[sflag:s29] =	ssyncadd.s32 @!p0 $0xFFFFFF80  }
0x14f: {  	_ =	swait.ge [sflag:s23], $0x4000  }
0x150: {  	[sflag:s23] =	ssyncset.done $0x0  }
0x151: {  	[sflag:s23] =	ssyncadd.s32 $0xFFFFC000  }
0x152: {  	_ =	swait.ge [sflag:s24], $0x4000  }
0x153: {  	[sflag:s24] =	ssyncset.done $0x0  }
0x154: {  	s28 =	sadd.s32 $0x1, s28;
	[sflag:s24] =	ssyncadd.s32 $0xFFFFC000  }
0x155: {  	p1 =	sne.s32 s28, s13;
	_ =	swait.ge [sflag:s25], $0x4000  }
.Ltmp4:
0x156: {  	[sflag:s25] =	ssyncset.done $0x0;
	(pc) =	sbr.rel @p1 .LBB2_1-.Ltmp4, $4  }
0x157: {  	[sflag:s25] =	ssyncadd.s32 $0xFFFFC000  }
0x158: {  	_ =	swait.ge [sflag:s26], $0x3420  }
0x159: {  	[sflag:s26] =	ssyncset.done $0x0  }
0x15a: {  	[sflag:s26] =	ssyncadd.s32 $0xFFFFCBE0  }
0x15b: {  	_ =	sfence.sel $0x180000  }
0x15c: {  	[bflag:$0x0] =	sbarrier.arrive $0xFFFF  }
0x15d: {  	p0 =	sne.s32 s0, $0x0;
	_ =	strace $0x9000004A  }
0x15e: {  	s0 =	sadd.s32 @!p0 $0x100000, s1;
	[bflag:$0x2] =	sbarrier.arrive $0xFFFF  }
0x15f: {  	[sflag:s0] =	ssyncadd.tile.s32 @!p0 $0x1;
	_ =	shalt  }
.Lfunc_end2:
_tile_overlayer_lowered:
.L_overlay_start_2:
0x160: {  	(tag) =	ssettag $0x2  }
0x161: {  	s0 =	rddreg [dreg:$0x0];
	s2 =	stileid.u32  }
0x162: {  	s1 =	rddreg [dreg:$0x1];
	p0 =	sne.s32 s2, $0x0  }
0x163: {  	s3 =	rddreg [dreg:$0x2];
	[bflag:$0x3] =	sbarrier.arrive $0xFFFF;
	s2 =	simm.s32 @!p0 $0x1C0A  }
0x164: {  	[timem:s3], [sflag:s2] =	dma.local @!p0 [hbm:s0], s1  }
0x165: {  	s0 =	simm.s32 @!p0 $0xA  }
0x166: {  	_ =	swait.ge @!p0 [sflag:s0], s1  }
0x167: {  	s1 =	ssub.s32 @!p0 $0x0, s1;
	[sflag:s0] =	ssyncset.done @!p0 $0x0  }
0x168: {  	[sflag:s0] =	ssyncadd.s32 @!p0 s1  }
0x169: {  	[bflag:$0x3] =	sbarrier.arrive $0xFFFF  }
0x16a: {  	_ =	shalt  }

</sc_bundles>
